<compile_context>
chip_gen: v7x
topology: tpu7x:2x2x1
jax: 0.10.2.dev20260603
libtpu: 0.0.44.dev20260713+nightly
codegen_flags: <defaults>
</compile_context>

<pallas_src>
import functools

import jax
import jax.numpy as jnp
from jax import lax
from jax.experimental import pallas as pl
from jax.experimental.pallas import tpu as pltpu
from jax.experimental.pallas import tpu_sc as plsc

_LAMBDA = 0.2
_E = 160000
_D = 256
_NW = 32
_K = 120
_NCHUNK0 = 45
_NCHUNK1 = 39
_EPW0 = _NCHUNK0 * _K
_EPW1 = _NCHUNK1 * _K
_EPS = _EPW0 + _EPW1
_E_PAD = 16 * _EPS


def _rsqrt(p):
    i = lax.bitcast_convert_type(p, jnp.int32)
    i = jnp.int32(0x5F3759DF) - (i >> 1)
    y = lax.bitcast_convert_type(i, jnp.float32)
    y = y * (1.5 - 0.5 * p * y * y)
    y = y * (1.5 - 0.5 * p * y * y)
    y = y * (1.5 - 0.5 * p * y * y)
    return y


def _build():
    mesh = plsc.VectorSubcoreMesh(core_axis_name="c", subcore_axis_name="s")

    row_scratch = []
    for _ in range(3):
        row_scratch += [
            pltpu.VMEM((_K,), jnp.int32),
            pltpu.VMEM((_K,), jnp.int32),
            pltpu.VMEM((_K, _D // 2), jnp.float32),
            pltpu.VMEM((_K, _D // 2), jnp.float32),
            pltpu.SemaphoreType.DMA,
        ]

    @functools.partial(
        pl.kernel,
        out_type=jax.ShapeDtypeStruct((_NW, 32), jnp.float32),
        mesh=mesh,
        compiler_params=pltpu.CompilerParams(needs_layout_passes=False),
        scratch_types=row_scratch + [pltpu.VMEM((32,), jnp.float32)],
    )
    def k(table, sidx_hbm, tidx_hbm, out, *scratch):
        bufs = tuple(tuple(scratch[5 * b:5 * b + 5]) for b in range(3))
        outbuf = scratch[15]
        cid = lax.axis_index("c")
        sid = lax.axis_index("s")
        wid = sid * 2 + cid
        base_w = sid * _EPS + cid * _EPW0
        nchunk = jnp.where(cid == 0, _NCHUNK0, _NCHUNK1)
        ngroup = jnp.where(cid == 0, _NCHUNK0 // 3, _NCHUNK1 // 3)

        def fire(jb, b):
            sidx, tidx, srows, trows, sem = bufs[b]
            base = base_w + jb * _K
            pltpu.sync_copy(sidx_hbm.at[pl.ds(base, _K)], sidx)
            pltpu.sync_copy(tidx_hbm.at[pl.ds(base, _K)], tidx)
            pltpu.async_copy(table.at[sidx], srows, sem)
            pltpu.async_copy(table.at[tidx], trows, sem)

        def drain(b):
            sidx, tidx, srows, trows, sem = bufs[b]
            pltpu.make_async_copy(table.at[sidx], srows, sem).wait()
            pltpu.make_async_copy(table.at[tidx], trows, sem).wait()

        def compute(jb, b, acc):
            _, _, srows, trows, _ = bufs[b]
            base = base_w + jb * _K

            def edge_body(i, carry):
                a_cos, a_sq = carry
                d = ns = nt = None
                for c in range(8):
                    sa, sb = plsc.unpack(
                        plsc.bitcast(srows[i, pl.ds(c * 16, 16)], jnp.bfloat16),
                        format=plsc.PackFormat.INTERLEAVED,
                        preferred_element_type=jnp.float32)
                    ta, tb = plsc.unpack(
                        plsc.bitcast(trows[i, pl.ds(c * 16, 16)], jnp.bfloat16),
                        format=plsc.PackFormat.INTERLEAVED,
                        preferred_element_type=jnp.float32)
                    if d is None:
                        d = sa * ta + sb * tb
                        ns = sa * sa + sb * sb
                        nt = ta * ta + tb * tb
                    else:
                        d = d + sa * ta + sb * tb
                        ns = ns + sa * sa + sb * sb
                        nt = nt + ta * ta + tb * tb
                dsc = jnp.sum(d)
                nssc = jnp.sum(ns)
                ntsc = jnp.sum(nt)
                p = jnp.maximum(nssc, 1e-16) * jnp.maximum(ntsc, 1e-16)
                cos = dsc * _rsqrt(p)
                valid = (base + i) < _E
                a_cos = a_cos + jnp.where(valid, 1.0 - cos, 0.0)
                a_sq = a_sq + jnp.where(valid, nssc + ntsc - 2.0 * dsc, 0.0)
                return (a_cos, a_sq)

            return plsc.parallel_loop(0, _K, 1, unroll=4, carry=acc)(edge_body)

        fire(0, 0)
        fire(1, 1)

        def group_body(j3, acc):
            for b in range(3):
                c = j3 * 3 + b
                drain(b)
                acc = compute(c, b, acc)

                @pl.when(c + 2 < nchunk)
                def _():
                    fire(c + 2, (b + 2) % 3)

            return acc

        acc_cos, acc_sq = lax.fori_loop(
            0, ngroup, group_body,
            (jnp.float32(0.0), jnp.float32(0.0)))
        lanes = lax.iota(jnp.int32, 16)
        first = lanes < 1
        outbuf[pl.ds(0, 16)] = jnp.where(
            first, acc_cos * (1.0 / _E), 0.0)
        outbuf[pl.ds(16, 16)] = jnp.where(
            first, acc_sq * (_LAMBDA / (_E * _D)), 0.0)
        pltpu.sync_copy(outbuf, out.at[wid])

    return k


_sc_kernel = _build()


def kernel(embedding, edge_index):
    ei = edge_index.astype(jnp.int32)
    pad = _E_PAD - _E
    src = jnp.concatenate([ei[0], jnp.zeros((pad,), jnp.int32)])
    tgt = jnp.concatenate([ei[1], jnp.zeros((pad,), jnp.int32)])
    lo = lax.bitcast_convert_type(
        embedding[:, :_D // 2].astype(jnp.bfloat16), jnp.uint16)
    hi = lax.bitcast_convert_type(
        embedding[:, _D // 2:].astype(jnp.bfloat16), jnp.uint16)
    table = lax.bitcast_convert_type(
        lo.astype(jnp.uint32) | (hi.astype(jnp.uint32) << 16), jnp.float32)
    parts = _sc_kernel(table, src, tgt)
    return jnp.sum(parts)

# --- scband reference (transcript-rebuilt; emitter-appended) ---
"""Pipeline reference for scband-neighborhood-similarity-loss-27504970563862 (READ-ONLY COPY).

The authoritative reference and input builder live on the scoring server;
editing this copy changes nothing except your own understanding.
"""

import jax, jax.numpy as jnp
import numpy as np

LAMBDA_REG = 0.2


def setup_inputs(seed: int = 0) -> dict:
    key = jax.random.key(seed)
    k1, k2 = jax.random.split(key)
    embedding = jax.random.normal(k1, (10000, 256), dtype=jnp.float32)
    edge_index = jax.random.randint(k2, (2, 160000), 0, 10000, dtype=jnp.int64)
    return {"embedding": embedding, "edge_index": edge_index}


def reference(embedding, edge_index):
    source_nodes = edge_index[0]
    target_nodes = edge_index[1]
    source_embeddings = jnp.take(embedding, source_nodes, axis=0)
    target_embeddings = jnp.take(embedding, target_nodes, axis=0)
    eps = 1e-8
    src_norm = jnp.maximum(jnp.linalg.norm(source_embeddings, axis=1), eps)
    tgt_norm = jnp.maximum(jnp.linalg.norm(target_embeddings, axis=1), eps)
    dot = jnp.sum(source_embeddings * target_embeddings, axis=1)
    cosine_sim = dot / (src_norm * tgt_norm)
    loss = jnp.mean(1.0 - cosine_sim)
    similarity_loss = jnp.mean((source_embeddings - target_embeddings) ** 2)
    loss = LAMBDA_REG * similarity_loss + loss
    return loss

if __name__ == "__main__":
    import jax
    _d = setup_inputs()
    print(jax.jit(kernel)(*tuple(_d.values())))

</pallas_src>

<mosaic_0001>
#map = affine_map<(d0, d1) -> (0, 0)>
#map1 = affine_map<(d0, d1) -> (0)>
module attributes {stable_mosaic.version = 14 : i64} {
  func.func @k(%arg0: i32, %arg1: i32, %arg2: memref<10000x128xf32, #tpu.memory_space<hbm>>, %arg3: memref<161280xi32, #tpu.memory_space<hbm>>, %arg4: memref<161280xi32, #tpu.memory_space<hbm>>, %arg5: memref<32x32xf32, #tpu.memory_space<hbm>>, %arg6: memref<120xi32, #tpu.memory_space<vmem>>, %arg7: memref<120xi32, #tpu.memory_space<vmem>>, %arg8: memref<120x128xf32, #tpu.memory_space<vmem>>, %arg9: memref<120x128xf32, #tpu.memory_space<vmem>>, %arg10: memref<!tpu.dma_semaphore, #tpu.memory_space<semaphore_mem>>, %arg11: memref<120xi32, #tpu.memory_space<vmem>>, %arg12: memref<120xi32, #tpu.memory_space<vmem>>, %arg13: memref<120x128xf32, #tpu.memory_space<vmem>>, %arg14: memref<120x128xf32, #tpu.memory_space<vmem>>, %arg15: memref<!tpu.dma_semaphore, #tpu.memory_space<semaphore_mem>>, %arg16: memref<120xi32, #tpu.memory_space<vmem>>, %arg17: memref<120xi32, #tpu.memory_space<vmem>>, %arg18: memref<120x128xf32, #tpu.memory_space<vmem>>, %arg19: memref<120x128xf32, #tpu.memory_space<vmem>>, %arg20: memref<!tpu.dma_semaphore, #tpu.memory_space<semaphore_mem>>, %arg21: memref<32xf32, #tpu.memory_space<vmem>>) attributes {dimension_semantics = [#tpu.dimension_semantics<core_parallel>, #tpu.dimension_semantics<subcore_parallel>], iteration_bounds = array<i64: 2, 16>, scalar_prefetch = 0 : i64, scratch_operands = 16 : i64, tpu.core_type = #tpu.core_type<sc_vector_subcore>, window_params = [{transform_indices = #map}, {transform_indices = #map1}, {transform_indices = #map1}, {transform_indices = #map}]} {
    %mul3A = arith.constant 2 : i32
    %mul3A_0 = arith.muli %arg1, %mul3A : i32
    %add3A = arith.addi %mul3A_0, %arg0 : i32
    %mul3A_1 = arith.constant 10080 : i32
    %mul3A_2 = arith.muli %arg1, %mul3A_1 : i32
    %mul3A_3 = arith.constant 5400 : i32
    %mul3A_4 = arith.muli %arg0, %mul3A_3 : i32
    %add3A_5 = arith.addi %mul3A_2, %mul3A_4 : i32
    %eq3A = arith.constant 0 : i32
    %eq3A_6 = arith.cmpi eq, %arg0, %eq3A : i32
    %jit3A = arith.constant 45 : i32
    %jit3A_7 = arith.constant 39 : i32
    %select_n3A = arith.select %eq3A_6, %jit3A, %jit3A_7 : i32
    %eq3A_8 = arith.constant 0 : i32
    %eq3A_9 = arith.cmpi eq, %arg0, %eq3A_8 : i32
    %jit3A_10 = arith.constant 15 : i32
    %jit3A_11 = arith.constant 13 : i32
    %select_n3A_12 = arith.select %eq3A_9, %jit3A_10, %jit3A_11 : i32
    %add3A_13 = arith.constant 0 : i32
    %add3A_14 = arith.addi %add3A_5, %add3A_13 : i32
    "tpu.region"() ({
      %run_scoped3A = tpu.sem_alloc : memref<!tpu.dma_semaphore, #tpu.memory_space<semaphore_mem>>
      %dma_start3A_56 = tpu.memref_slice %arg3[%add3A_14] : memref<161280xi32, #tpu.memory_space<hbm>> -> memref<120xi32, #tpu.memory_space<hbm>>
      %dma_start3A_57 = tpu.memref_slice %arg3[%add3A_14] : memref<161280xi32, #tpu.memory_space<hbm>> -> memref<120xi32, #tpu.memory_space<hbm>>
      tpu.enqueue_dma source(%dma_start3A_57 : memref<120xi32, #tpu.memory_space<hbm>>) target(%arg6 : memref<120xi32, #tpu.memory_space<vmem>>) target_semaphore(%run_scoped3A : memref<!tpu.dma_semaphore, #tpu.memory_space<semaphore_mem>>)
      %dma_wait3A = tpu.memref_slice %arg3[%add3A_14] : memref<161280xi32, #tpu.memory_space<hbm>> -> memref<120xi32, #tpu.memory_space<hbm>>
      %dma_wait3A_58 = tpu.memref_slice %arg3[%add3A_14] : memref<161280xi32, #tpu.memory_space<hbm>> -> memref<120xi32, #tpu.memory_space<hbm>>
      tpu.wait_dma2 semaphore(%run_scoped3A : memref<!tpu.dma_semaphore, #tpu.memory_space<semaphore_mem>>) src(%dma_wait3A_58 : memref<120xi32, #tpu.memory_space<hbm>>) dst(%arg6 : memref<120xi32, #tpu.memory_space<vmem>>)
      tpu.yield
    }) : () -> ()
    "tpu.region"() ({
      %run_scoped3A = tpu.sem_alloc : memref<!tpu.dma_semaphore, #tpu.memory_space<semaphore_mem>>
      %dma_start3A_56 = tpu.memref_slice %arg4[%add3A_14] : memref<161280xi32, #tpu.memory_space<hbm>> -> memref<120xi32, #tpu.memory_space<hbm>>
      %dma_start3A_57 = tpu.memref_slice %arg4[%add3A_14] : memref<161280xi32, #tpu.memory_space<hbm>> -> memref<120xi32, #tpu.memory_space<hbm>>
      tpu.enqueue_dma source(%dma_start3A_57 : memref<120xi32, #tpu.memory_space<hbm>>) target(%arg7 : memref<120xi32, #tpu.memory_space<vmem>>) target_semaphore(%run_scoped3A : memref<!tpu.dma_semaphore, #tpu.memory_space<semaphore_mem>>)
      %dma_wait3A = tpu.memref_slice %arg4[%add3A_14] : memref<161280xi32, #tpu.memory_space<hbm>> -> memref<120xi32, #tpu.memory_space<hbm>>
      %dma_wait3A_58 = tpu.memref_slice %arg4[%add3A_14] : memref<161280xi32, #tpu.memory_space<hbm>> -> memref<120xi32, #tpu.memory_space<hbm>>
      tpu.wait_dma2 semaphore(%run_scoped3A : memref<!tpu.dma_semaphore, #tpu.memory_space<semaphore_mem>>) src(%dma_wait3A_58 : memref<120xi32, #tpu.memory_space<hbm>>) dst(%arg7 : memref<120xi32, #tpu.memory_space<vmem>>)
      tpu.yield
    }) : () -> ()
    %dma_start3A = arith.constant 0 : i32
    %dma_start3A_15 = arith.constant 0 : i32
    %dma_start3A_16 = tpu.memref_slice %arg2[%dma_start3A, %dma_start3A_15] : memref<10000x128xf32, #tpu.memory_space<hbm>> -> memref<10000x128xf32, #tpu.memory_space<hbm>>
    tpu.enqueue_indirect_dma source(%dma_start3A_16 : memref<10000x128xf32, #tpu.memory_space<hbm>>) target(%arg8 : memref<120x128xf32, #tpu.memory_space<vmem>>) offsets(%arg6 : memref<120xi32, #tpu.memory_space<vmem>>) semaphore(%arg10 : memref<!tpu.dma_semaphore, #tpu.memory_space<semaphore_mem>>)
    %dma_start3A_17 = arith.constant 0 : i32
    %dma_start3A_18 = arith.constant 0 : i32
    %dma_start3A_19 = tpu.memref_slice %arg2[%dma_start3A_17, %dma_start3A_18] : memref<10000x128xf32, #tpu.memory_space<hbm>> -> memref<10000x128xf32, #tpu.memory_space<hbm>>
    tpu.enqueue_indirect_dma source(%dma_start3A_19 : memref<10000x128xf32, #tpu.memory_space<hbm>>) target(%arg9 : memref<120x128xf32, #tpu.memory_space<vmem>>) offsets(%arg7 : memref<120xi32, #tpu.memory_space<vmem>>) semaphore(%arg10 : memref<!tpu.dma_semaphore, #tpu.memory_space<semaphore_mem>>)
    %add3A_20 = arith.constant 120 : i32
    %add3A_21 = arith.addi %add3A_5, %add3A_20 : i32
    "tpu.region"() ({
      %run_scoped3A = tpu.sem_alloc : memref<!tpu.dma_semaphore, #tpu.memory_space<semaphore_mem>>
      %dma_start3A_56 = tpu.memref_slice %arg3[%add3A_21] : memref<161280xi32, #tpu.memory_space<hbm>> -> memref<120xi32, #tpu.memory_space<hbm>>
      %dma_start3A_57 = tpu.memref_slice %arg3[%add3A_21] : memref<161280xi32, #tpu.memory_space<hbm>> -> memref<120xi32, #tpu.memory_space<hbm>>
      tpu.enqueue_dma source(%dma_start3A_57 : memref<120xi32, #tpu.memory_space<hbm>>) target(%arg11 : memref<120xi32, #tpu.memory_space<vmem>>) target_semaphore(%run_scoped3A : memref<!tpu.dma_semaphore, #tpu.memory_space<semaphore_mem>>)
      %dma_wait3A = tpu.memref_slice %arg3[%add3A_21] : memref<161280xi32, #tpu.memory_space<hbm>> -> memref<120xi32, #tpu.memory_space<hbm>>
      %dma_wait3A_58 = tpu.memref_slice %arg3[%add3A_21] : memref<161280xi32, #tpu.memory_space<hbm>> -> memref<120xi32, #tpu.memory_space<hbm>>
      tpu.wait_dma2 semaphore(%run_scoped3A : memref<!tpu.dma_semaphore, #tpu.memory_space<semaphore_mem>>) src(%dma_wait3A_58 : memref<120xi32, #tpu.memory_space<hbm>>) dst(%arg11 : memref<120xi32, #tpu.memory_space<vmem>>)
      tpu.yield
    }) : () -> ()
    "tpu.region"() ({
      %run_scoped3A = tpu.sem_alloc : memref<!tpu.dma_semaphore, #tpu.memory_space<semaphore_mem>>
      %dma_start3A_56 = tpu.memref_slice %arg4[%add3A_21] : memref<161280xi32, #tpu.memory_space<hbm>> -> memref<120xi32, #tpu.memory_space<hbm>>
      %dma_start3A_57 = tpu.memref_slice %arg4[%add3A_21] : memref<161280xi32, #tpu.memory_space<hbm>> -> memref<120xi32, #tpu.memory_space<hbm>>
      tpu.enqueue_dma source(%dma_start3A_57 : memref<120xi32, #tpu.memory_space<hbm>>) target(%arg12 : memref<120xi32, #tpu.memory_space<vmem>>) target_semaphore(%run_scoped3A : memref<!tpu.dma_semaphore, #tpu.memory_space<semaphore_mem>>)
      %dma_wait3A = tpu.memref_slice %arg4[%add3A_21] : memref<161280xi32, #tpu.memory_space<hbm>> -> memref<120xi32, #tpu.memory_space<hbm>>
      %dma_wait3A_58 = tpu.memref_slice %arg4[%add3A_21] : memref<161280xi32, #tpu.memory_space<hbm>> -> memref<120xi32, #tpu.memory_space<hbm>>
      tpu.wait_dma2 semaphore(%run_scoped3A : memref<!tpu.dma_semaphore, #tpu.memory_space<semaphore_mem>>) src(%dma_wait3A_58 : memref<120xi32, #tpu.memory_space<hbm>>) dst(%arg12 : memref<120xi32, #tpu.memory_space<vmem>>)
      tpu.yield
    }) : () -> ()
    %dma_start3A_22 = arith.constant 0 : i32
    %dma_start3A_23 = arith.constant 0 : i32
    %dma_start3A_24 = tpu.memref_slice %arg2[%dma_start3A_22, %dma_start3A_23] : memref<10000x128xf32, #tpu.memory_space<hbm>> -> memref<10000x128xf32, #tpu.memory_space<hbm>>
    tpu.enqueue_indirect_dma source(%dma_start3A_24 : memref<10000x128xf32, #tpu.memory_space<hbm>>) target(%arg13 : memref<120x128xf32, #tpu.memory_space<vmem>>) offsets(%arg11 : memref<120xi32, #tpu.memory_space<vmem>>) semaphore(%arg15 : memref<!tpu.dma_semaphore, #tpu.memory_space<semaphore_mem>>)
    %dma_start3A_25 = arith.constant 0 : i32
    %dma_start3A_26 = arith.constant 0 : i32
    %dma_start3A_27 = tpu.memref_slice %arg2[%dma_start3A_25, %dma_start3A_26] : memref<10000x128xf32, #tpu.memory_space<hbm>> -> memref<10000x128xf32, #tpu.memory_space<hbm>>
    tpu.enqueue_indirect_dma source(%dma_start3A_27 : memref<10000x128xf32, #tpu.memory_space<hbm>>) target(%arg14 : memref<120x128xf32, #tpu.memory_space<vmem>>) offsets(%arg12 : memref<120xi32, #tpu.memory_space<vmem>>) semaphore(%arg15 : memref<!tpu.dma_semaphore, #tpu.memory_space<semaphore_mem>>)
    %while3A = arith.constant 0 : i32
    %while3A_28 = arith.constant 0.000000e+00 : f32
    %while3A_29 = arith.constant 0.000000e+00 : f32
    %while3A_30 = arith.subi %select_n3A_12, %while3A : i32
    %while3A_31 = arith.addi %while3A, %while3A_30 : i32
    %while3A_32 = arith.constant 1 : i32
    %while3A_33 = arith.divsi %while3A_30, %while3A_32 : i32
    %while3A_34 = arith.muli %while3A_33, %while3A_32 : i32
    %while3A_35 = arith.addi %while3A, %while3A_34 : i32
    %while3A_36 = arith.constant 1 : i32
    %while3A_37:2 = scf.for %while3A_56 = %while3A to %while3A_35 step %while3A_36 iter_args(%while3A_57 = %while3A_28, %while3A_58 = %while3A_29) -> (f32, f32)  : i32 {
      %mul3A_59 = arith.constant 3 : i32
      %mul3A_60 = arith.muli %while3A_56, %mul3A_59 : i32
      %add3A_61 = arith.constant 0 : i32
      %add3A_62 = arith.addi %mul3A_60, %add3A_61 : i32
      %dma_wait3A = arith.constant 0 : i32
      %dma_wait3A_63 = arith.constant 0 : i32
      %dma_wait3A_64 = tpu.memref_slice %arg2[%dma_wait3A, %dma_wait3A_63] : memref<10000x128xf32, #tpu.memory_space<hbm>> -> memref<10000x128xf32, #tpu.memory_space<hbm>>
      tpu.wait_indirect_dma semaphore(%arg10 : memref<!tpu.dma_semaphore, #tpu.memory_space<semaphore_mem>>) src(%dma_wait3A_64 : memref<10000x128xf32, #tpu.memory_space<hbm>>) dst(%arg8 : memref<120x128xf32, #tpu.memory_space<vmem>>)
      %dma_wait3A_65 = arith.constant 0 : i32
      %dma_wait3A_66 = arith.constant 0 : i32
      %dma_wait3A_67 = tpu.memref_slice %arg2[%dma_wait3A_65, %dma_wait3A_66] : memref<10000x128xf32, #tpu.memory_space<hbm>> -> memref<10000x128xf32, #tpu.memory_space<hbm>>
      tpu.wait_indirect_dma semaphore(%arg10 : memref<!tpu.dma_semaphore, #tpu.memory_space<semaphore_mem>>) src(%dma_wait3A_67 : memref<10000x128xf32, #tpu.memory_space<hbm>>) dst(%arg9 : memref<120x128xf32, #tpu.memory_space<vmem>>)
      %mul3A_68 = arith.constant 120 : i32
      %mul3A_69 = arith.muli %add3A_62, %mul3A_68 : i32
      %add3A_70 = arith.addi %add3A_5, %mul3A_69 : i32
      %parallel_loop3A = arith.constant 0 : i32
      %parallel_loop3A_71 = arith.constant 120 : i32
      %parallel_loop3A_72 = arith.constant 1 : i32
      %parallel_loop3A_73:2 = scf.for %parallel_loop3A_124 = %parallel_loop3A to %parallel_loop3A_71 step %parallel_loop3A_72 iter_args(%parallel_loop3A_125 = %while3A_57, %parallel_loop3A_126 = %while3A_58) -> (f32, f32)  : i32 {
        %parallel_loop3A_127 = arith.index_cast %parallel_loop3A_124 : i32 to index
        %parallel_loop3A_128 = arith.constant 0 : index
        %parallel_loop3A_129 = tpu.vector_load %arg8[%parallel_loop3A_127, %parallel_loop3A_128] {strides = array<i32>} : memref<120x128xf32, #tpu.memory_space<vmem>>, vector<16xf32>,
        %parallel_loop3A_130 = vector.bitcast %parallel_loop3A_129 : vector<16xf32> to vector<32xbf16>
        %parallel_loop3A_131 = tpu.unpack_subelements %parallel_loop3A_130, 0 {pack_format = #tpu.pack_format<interleaved>} : vector<32xbf16> -> vector<16xf32>
        %parallel_loop3A_132 = tpu.unpack_subelements %parallel_loop3A_130, 1 {pack_format = #tpu.pack_format<interleaved>} : vector<32xbf16> -> vector<16xf32>
        %parallel_loop3A_133 = arith.index_cast %parallel_loop3A_124 : i32 to index
        %parallel_loop3A_134 = arith.constant 0 : index
        %parallel_loop3A_135 = tpu.vector_load %arg9[%parallel_loop3A_133, %parallel_loop3A_134] {strides = array<i32>} : memref<120x128xf32, #tpu.memory_space<vmem>>, vector<16xf32>,
        %parallel_loop3A_136 = vector.bitcast %parallel_loop3A_135 : vector<16xf32> to vector<32xbf16>
        %parallel_loop3A_137 = tpu.unpack_subelements %parallel_loop3A_136, 0 {pack_format = #tpu.pack_format<interleaved>} : vector<32xbf16> -> vector<16xf32>
        %parallel_loop3A_138 = tpu.unpack_subelements %parallel_loop3A_136, 1 {pack_format = #tpu.pack_format<interleaved>} : vector<32xbf16> -> vector<16xf32>
        %parallel_loop3A_139 = arith.mulf %parallel_loop3A_131, %parallel_loop3A_137 : vector<16xf32>
        %parallel_loop3A_140 = arith.mulf %parallel_loop3A_132, %parallel_loop3A_138 : vector<16xf32>
        %parallel_loop3A_141 = arith.addf %parallel_loop3A_139, %parallel_loop3A_140 : vector<16xf32>
        %parallel_loop3A_142 = arith.mulf %parallel_loop3A_131, %parallel_loop3A_131 : vector<16xf32>
        %parallel_loop3A_143 = arith.mulf %parallel_loop3A_132, %parallel_loop3A_132 : vector<16xf32>
        %parallel_loop3A_144 = arith.addf %parallel_loop3A_142, %parallel_loop3A_143 : vector<16xf32>
        %parallel_loop3A_145 = arith.mulf %parallel_loop3A_137, %parallel_loop3A_137 : vector<16xf32>
        %parallel_loop3A_146 = arith.mulf %parallel_loop3A_138, %parallel_loop3A_138 : vector<16xf32>
        %parallel_loop3A_147 = arith.addf %parallel_loop3A_145, %parallel_loop3A_146 : vector<16xf32>
        %parallel_loop3A_148 = arith.index_cast %parallel_loop3A_124 : i32 to index
        %parallel_loop3A_149 = arith.constant 16 : index
        %parallel_loop3A_150 = tpu.vector_load %arg8[%parallel_loop3A_148, %parallel_loop3A_149] {strides = array<i32>} : memref<120x128xf32, #tpu.memory_space<vmem>>, vector<16xf32>,
        %parallel_loop3A_151 = vector.bitcast %parallel_loop3A_150 : vector<16xf32> to vector<32xbf16>
        %parallel_loop3A_152 = tpu.unpack_subelements %parallel_loop3A_151, 0 {pack_format = #tpu.pack_format<interleaved>} : vector<32xbf16> -> vector<16xf32>
        %parallel_loop3A_153 = tpu.unpack_subelements %parallel_loop3A_151, 1 {pack_format = #tpu.pack_format<interleaved>} : vector<32xbf16> -> vector<16xf32>
        %parallel_loop3A_154 = arith.index_cast %parallel_loop3A_124 : i32 to index
        %parallel_loop3A_155 = arith.constant 16 : index
        %parallel_loop3A_156 = tpu.vector_load %arg9[%parallel_loop3A_154, %parallel_loop3A_155] {strides = array<i32>} : memref<120x128xf32, #tpu.memory_space<vmem>>, vector<16xf32>,
        %parallel_loop3A_157 = vector.bitcast %parallel_loop3A_156 : vector<16xf32> to vector<32xbf16>
        %parallel_loop3A_158 = tpu.unpack_subelements %parallel_loop3A_157, 0 {pack_format = #tpu.pack_format<interleaved>} : vector<32xbf16> -> vector<16xf32>
        %parallel_loop3A_159 = tpu.unpack_subelements %parallel_loop3A_157, 1 {pack_format = #tpu.pack_format<interleaved>} : vector<32xbf16> -> vector<16xf32>
        %parallel_loop3A_160 = arith.mulf %parallel_loop3A_152, %parallel_loop3A_158 : vector<16xf32>
        %parallel_loop3A_161 = arith.addf %parallel_loop3A_141, %parallel_loop3A_160 : vector<16xf32>
        %parallel_loop3A_162 = arith.mulf %parallel_loop3A_153, %parallel_loop3A_159 : vector<16xf32>
        %parallel_loop3A_163 = arith.addf %parallel_loop3A_161, %parallel_loop3A_162 : vector<16xf32>
        %parallel_loop3A_164 = arith.mulf %parallel_loop3A_152, %parallel_loop3A_152 : vector<16xf32>
        %parallel_loop3A_165 = arith.addf %parallel_loop3A_144, %parallel_loop3A_164 : vector<16xf32>
        %parallel_loop3A_166 = arith.mulf %parallel_loop3A_153, %parallel_loop3A_153 : vector<16xf32>
        %parallel_loop3A_167 = arith.addf %parallel_loop3A_165, %parallel_loop3A_166 : vector<16xf32>
        %parallel_loop3A_168 = arith.mulf %parallel_loop3A_158, %parallel_loop3A_158 : vector<16xf32>
        %parallel_loop3A_169 = arith.addf %parallel_loop3A_147, %parallel_loop3A_168 : vector<16xf32>
        %parallel_loop3A_170 = arith.mulf %parallel_loop3A_159, %parallel_loop3A_159 : vector<16xf32>
        %parallel_loop3A_171 = arith.addf %parallel_loop3A_169, %parallel_loop3A_170 : vector<16xf32>
        %parallel_loop3A_172 = arith.index_cast %parallel_loop3A_124 : i32 to index
        %parallel_loop3A_173 = arith.constant 32 : index
        %parallel_loop3A_174 = tpu.vector_load %arg8[%parallel_loop3A_172, %parallel_loop3A_173] {strides = array<i32>} : memref<120x128xf32, #tpu.memory_space<vmem>>, vector<16xf32>,
        %parallel_loop3A_175 = vector.bitcast %parallel_loop3A_174 : vector<16xf32> to vector<32xbf16>
        %parallel_loop3A_176 = tpu.unpack_subelements %parallel_loop3A_175, 0 {pack_format = #tpu.pack_format<interleaved>} : vector<32xbf16> -> vector<16xf32>
        %parallel_loop3A_177 = tpu.unpack_subelements %parallel_loop3A_175, 1 {pack_format = #tpu.pack_format<interleaved>} : vector<32xbf16> -> vector<16xf32>
        %parallel_loop3A_178 = arith.index_cast %parallel_loop3A_124 : i32 to index
        %parallel_loop3A_179 = arith.constant 32 : index
        %parallel_loop3A_180 = tpu.vector_load %arg9[%parallel_loop3A_178, %parallel_loop3A_179] {strides = array<i32>} : memref<120x128xf32, #tpu.memory_space<vmem>>, vector<16xf32>,
        %parallel_loop3A_181 = vector.bitcast %parallel_loop3A_180 : vector<16xf32> to vector<32xbf16>
        %parallel_loop3A_182 = tpu.unpack_subelements %parallel_loop3A_181, 0 {pack_format = #tpu.pack_format<interleaved>} : vector<32xbf16> -> vector<16xf32>
        %parallel_loop3A_183 = tpu.unpack_subelements %parallel_loop3A_181, 1 {pack_format = #tpu.pack_format<interleaved>} : vector<32xbf16> -> vector<16xf32>
        %parallel_loop3A_184 = arith.mulf %parallel_loop3A_176, %parallel_loop3A_182 : vector<16xf32>
        %parallel_loop3A_185 = arith.addf %parallel_loop3A_163, %parallel_loop3A_184 : vector<16xf32>
        %parallel_loop3A_186 = arith.mulf %parallel_loop3A_177, %parallel_loop3A_183 : vector<16xf32>
        %parallel_loop3A_187 = arith.addf %parallel_loop3A_185, %parallel_loop3A_186 : vector<16xf32>
        %parallel_loop3A_188 = arith.mulf %parallel_loop3A_176, %parallel_loop3A_176 : vector<16xf32>
        %parallel_loop3A_189 = arith.addf %parallel_loop3A_167, %parallel_loop3A_188 : vector<16xf32>
        %parallel_loop3A_190 = arith.mulf %parallel_loop3A_177, %parallel_loop3A_177 : vector<16xf32>
        %parallel_loop3A_191 = arith.addf %parallel_loop3A_189, %parallel_loop3A_190 : vector<16xf32>
        %parallel_loop3A_192 = arith.mulf %parallel_loop3A_182, %parallel_loop3A_182 : vector<16xf32>
        %parallel_loop3A_193 = arith.addf %parallel_loop3A_171, %parallel_loop3A_192 : vector<16xf32>
        %parallel_loop3A_194 = arith.mulf %parallel_loop3A_183, %parallel_loop3A_183 : vector<16xf32>
        %parallel_loop3A_195 = arith.addf %parallel_loop3A_193, %parallel_loop3A_194 : vector<16xf32>
        %parallel_loop3A_196 = arith.index_cast %parallel_loop3A_124 : i32 to index
        %parallel_loop3A_197 = arith.constant 48 : index
        %parallel_loop3A_198 = tpu.vector_load %arg8[%parallel_loop3A_196, %parallel_loop3A_197] {strides = array<i32>} : memref<120x128xf32, #tpu.memory_space<vmem>>, vector<16xf32>,
        %parallel_loop3A_199 = vector.bitcast %parallel_loop3A_198 : vector<16xf32> to vector<32xbf16>
        %parallel_loop3A_200 = tpu.unpack_subelements %parallel_loop3A_199, 0 {pack_format = #tpu.pack_format<interleaved>} : vector<32xbf16> -> vector<16xf32>
        %parallel_loop3A_201 = tpu.unpack_subelements %parallel_loop3A_199, 1 {pack_format = #tpu.pack_format<interleaved>} : vector<32xbf16> -> vector<16xf32>
        %parallel_loop3A_202 = arith.index_cast %parallel_loop3A_124 : i32 to index
        %parallel_loop3A_203 = arith.constant 48 : index
        %parallel_loop3A_204 = tpu.vector_load %arg9[%parallel_loop3A_202, %parallel_loop3A_203] {strides = array<i32>} : memref<120x128xf32, #tpu.memory_space<vmem>>, vector<16xf32>,
        %parallel_loop3A_205 = vector.bitcast %parallel_loop3A_204 : vector<16xf32> to vector<32xbf16>
        %parallel_loop3A_206 = tpu.unpack_subelements %parallel_loop3A_205, 0 {pack_format = #tpu.pack_format<interleaved>} : vector<32xbf16> -> vector<16xf32>
        %parallel_loop3A_207 = tpu.unpack_subelements %parallel_loop3A_205, 1 {pack_format = #tpu.pack_format<interleaved>} : vector<32xbf16> -> vector<16xf32>
        %parallel_loop3A_208 = arith.mulf %parallel_loop3A_200, %parallel_loop3A_206 : vector<16xf32>
        %parallel_loop3A_209 = arith.addf %parallel_loop3A_187, %parallel_loop3A_208 : vector<16xf32>
        %parallel_loop3A_210 = arith.mulf %parallel_loop3A_201, %parallel_loop3A_207 : vector<16xf32>
        %parallel_loop3A_211 = arith.addf %parallel_loop3A_209, %parallel_loop3A_210 : vector<16xf32>
        %parallel_loop3A_212 = arith.mulf %parallel_loop3A_200, %parallel_loop3A_200 : vector<16xf32>
        %parallel_loop3A_213 = arith.addf %parallel_loop3A_191, %parallel_loop3A_212 : vector<16xf32>
        %parallel_loop3A_214 = arith.mulf %parallel_loop3A_201, %parallel_loop3A_201 : vector<16xf32>
        %parallel_loop3A_215 = arith.addf %parallel_loop3A_213, %parallel_loop3A_214 : vector<16xf32>
        %parallel_loop3A_216 = arith.mulf %parallel_loop3A_206, %parallel_loop3A_206 : vector<16xf32>
        %parallel_loop3A_217 = arith.addf %parallel_loop3A_195, %parallel_loop3A_216 : vector<16xf32>
        %parallel_loop3A_218 = arith.mulf %parallel_loop3A_207, %parallel_loop3A_207 : vector<16xf32>
        %parallel_loop3A_219 = arith.addf %parallel_loop3A_217, %parallel_loop3A_218 : vector<16xf32>
        %parallel_loop3A_220 = arith.index_cast %parallel_loop3A_124 : i32 to index
        %parallel_loop3A_221 = arith.constant 64 : index
        %parallel_loop3A_222 = tpu.vector_load %arg8[%parallel_loop3A_220, %parallel_loop3A_221] {strides = array<i32>} : memref<120x128xf32, #tpu.memory_space<vmem>>, vector<16xf32>,
        %parallel_loop3A_223 = vector.bitcast %parallel_loop3A_222 : vector<16xf32> to vector<32xbf16>
        %parallel_loop3A_224 = tpu.unpack_subelements %parallel_loop3A_223, 0 {pack_format = #tpu.pack_format<interleaved>} : vector<32xbf16> -> vector<16xf32>
        %parallel_loop3A_225 = tpu.unpack_subelements %parallel_loop3A_223, 1 {pack_format = #tpu.pack_format<interleaved>} : vector<32xbf16> -> vector<16xf32>
        %parallel_loop3A_226 = arith.index_cast %parallel_loop3A_124 : i32 to index
        %parallel_loop3A_227 = arith.constant 64 : index
        %parallel_loop3A_228 = tpu.vector_load %arg9[%parallel_loop3A_226, %parallel_loop3A_227] {strides = array<i32>} : memref<120x128xf32, #tpu.memory_space<vmem>>, vector<16xf32>,
        %parallel_loop3A_229 = vector.bitcast %parallel_loop3A_228 : vector<16xf32> to vector<32xbf16>
        %parallel_loop3A_230 = tpu.unpack_subelements %parallel_loop3A_229, 0 {pack_format = #tpu.pack_format<interleaved>} : vector<32xbf16> -> vector<16xf32>
        %parallel_loop3A_231 = tpu.unpack_subelements %parallel_loop3A_229, 1 {pack_format = #tpu.pack_format<interleaved>} : vector<32xbf16> -> vector<16xf32>
        %parallel_loop3A_232 = arith.mulf %parallel_loop3A_224, %parallel_loop3A_230 : vector<16xf32>
        %parallel_loop3A_233 = arith.addf %parallel_loop3A_211, %parallel_loop3A_232 : vector<16xf32>
        %parallel_loop3A_234 = arith.mulf %parallel_loop3A_225, %parallel_loop3A_231 : vector<16xf32>
        %parallel_loop3A_235 = arith.addf %parallel_loop3A_233, %parallel_loop3A_234 : vector<16xf32>
        %parallel_loop3A_236 = arith.mulf %parallel_loop3A_224, %parallel_loop3A_224 : vector<16xf32>
        %parallel_loop3A_237 = arith.addf %parallel_loop3A_215, %parallel_loop3A_236 : vector<16xf32>
        %parallel_loop3A_238 = arith.mulf %parallel_loop3A_225, %parallel_loop3A_225 : vector<16xf32>
        %parallel_loop3A_239 = arith.addf %parallel_loop3A_237, %parallel_loop3A_238 : vector<16xf32>
        %parallel_loop3A_240 = arith.mulf %parallel_loop3A_230, %parallel_loop3A_230 : vector<16xf32>
        %parallel_loop3A_241 = arith.addf %parallel_loop3A_219, %parallel_loop3A_240 : vector<16xf32>
        %parallel_loop3A_242 = arith.mulf %parallel_loop3A_231, %parallel_loop3A_231 : vector<16xf32>
        %parallel_loop3A_243 = arith.addf %parallel_loop3A_241, %parallel_loop3A_242 : vector<16xf32>
        %parallel_loop3A_244 = arith.index_cast %parallel_loop3A_124 : i32 to index
        %parallel_loop3A_245 = arith.constant 80 : index
        %parallel_loop3A_246 = tpu.vector_load %arg8[%parallel_loop3A_244, %parallel_loop3A_245] {strides = array<i32>} : memref<120x128xf32, #tpu.memory_space<vmem>>, vector<16xf32>,
        %parallel_loop3A_247 = vector.bitcast %parallel_loop3A_246 : vector<16xf32> to vector<32xbf16>
        %parallel_loop3A_248 = tpu.unpack_subelements %parallel_loop3A_247, 0 {pack_format = #tpu.pack_format<interleaved>} : vector<32xbf16> -> vector<16xf32>
        %parallel_loop3A_249 = tpu.unpack_subelements %parallel_loop3A_247, 1 {pack_format = #tpu.pack_format<interleaved>} : vector<32xbf16> -> vector<16xf32>
        %parallel_loop3A_250 = arith.index_cast %parallel_loop3A_124 : i32 to index
        %parallel_loop3A_251 = arith.constant 80 : index
        %parallel_loop3A_252 = tpu.vector_load %arg9[%parallel_loop3A_250, %parallel_loop3A_251] {strides = array<i32>} : memref<120x128xf32, #tpu.memory_space<vmem>>, vector<16xf32>,
        %parallel_loop3A_253 = vector.bitcast %parallel_loop3A_252 : vector<16xf32> to vector<32xbf16>
        %parallel_loop3A_254 = tpu.unpack_subelements %parallel_loop3A_253, 0 {pack_format = #tpu.pack_format<interleaved>} : vector<32xbf16> -> vector<16xf32>
        %parallel_loop3A_255 = tpu.unpack_subelements %parallel_loop3A_253, 1 {pack_format = #tpu.pack_format<interleaved>} : vector<32xbf16> -> vector<16xf32>
        %parallel_loop3A_256 = arith.mulf %parallel_loop3A_248, %parallel_loop3A_254 : vector<16xf32>
        %parallel_loop3A_257 = arith.addf %parallel_loop3A_235, %parallel_loop3A_256 : vector<16xf32>
        %parallel_loop3A_258 = arith.mulf %parallel_loop3A_249, %parallel_loop3A_255 : vector<16xf32>
        %parallel_loop3A_259 = arith.addf %parallel_loop3A_257, %parallel_loop3A_258 : vector<16xf32>
        %parallel_loop3A_260 = arith.mulf %parallel_loop3A_248, %parallel_loop3A_248 : vector<16xf32>
        %parallel_loop3A_261 = arith.addf %parallel_loop3A_239, %parallel_loop3A_260 : vector<16xf32>
        %parallel_loop3A_262 = arith.mulf %parallel_loop3A_249, %parallel_loop3A_249 : vector<16xf32>
        %parallel_loop3A_263 = arith.addf %parallel_loop3A_261, %parallel_loop3A_262 : vector<16xf32>
        %parallel_loop3A_264 = arith.mulf %parallel_loop3A_254, %parallel_loop3A_254 : vector<16xf32>
        %parallel_loop3A_265 = arith.addf %parallel_loop3A_243, %parallel_loop3A_264 : vector<16xf32>
        %parallel_loop3A_266 = arith.mulf %parallel_loop3A_255, %parallel_loop3A_255 : vector<16xf32>
        %parallel_loop3A_267 = arith.addf %parallel_loop3A_265, %parallel_loop3A_266 : vector<16xf32>
        %parallel_loop3A_268 = arith.index_cast %parallel_loop3A_124 : i32 to index
        %parallel_loop3A_269 = arith.constant 96 : index
        %parallel_loop3A_270 = tpu.vector_load %arg8[%parallel_loop3A_268, %parallel_loop3A_269] {strides = array<i32>} : memref<120x128xf32, #tpu.memory_space<vmem>>, vector<16xf32>,
        %parallel_loop3A_271 = vector.bitcast %parallel_loop3A_270 : vector<16xf32> to vector<32xbf16>
        %parallel_loop3A_272 = tpu.unpack_subelements %parallel_loop3A_271, 0 {pack_format = #tpu.pack_format<interleaved>} : vector<32xbf16> -> vector<16xf32>
        %parallel_loop3A_273 = tpu.unpack_subelements %parallel_loop3A_271, 1 {pack_format = #tpu.pack_format<interleaved>} : vector<32xbf16> -> vector<16xf32>
        %parallel_loop3A_274 = arith.index_cast %parallel_loop3A_124 : i32 to index
        %parallel_loop3A_275 = arith.constant 96 : index
        %parallel_loop3A_276 = tpu.vector_load %arg9[%parallel_loop3A_274, %parallel_loop3A_275] {strides = array<i32>} : memref<120x128xf32, #tpu.memory_space<vmem>>, vector<16xf32>,
        %parallel_loop3A_277 = vector.bitcast %parallel_loop3A_276 : vector<16xf32> to vector<32xbf16>
        %parallel_loop3A_278 = tpu.unpack_subelements %parallel_loop3A_277, 0 {pack_format = #tpu.pack_format<interleaved>} : vector<32xbf16> -> vector<16xf32>
        %parallel_loop3A_279 = tpu.unpack_subelements %parallel_loop3A_277, 1 {pack_format = #tpu.pack_format<interleaved>} : vector<32xbf16> -> vector<16xf32>
        %parallel_loop3A_280 = arith.mulf %parallel_loop3A_272, %parallel_loop3A_278 : vector<16xf32>
        %parallel_loop3A_281 = arith.addf %parallel_loop3A_259, %parallel_loop3A_280 : vector<16xf32>
        %parallel_loop3A_282 = arith.mulf %parallel_loop3A_273, %parallel_loop3A_279 : vector<16xf32>
        %parallel_loop3A_283 = arith.addf %parallel_loop3A_281, %parallel_loop3A_282 : vector<16xf32>
        %parallel_loop3A_284 = arith.mulf %parallel_loop3A_272, %parallel_loop3A_272 : vector<16xf32>
        %parallel_loop3A_285 = arith.addf %parallel_loop3A_263, %parallel_loop3A_284 : vector<16xf32>
        %parallel_loop3A_286 = arith.mulf %parallel_loop3A_273, %parallel_loop3A_273 : vector<16xf32>
        %parallel_loop3A_287 = arith.addf %parallel_loop3A_285, %parallel_loop3A_286 : vector<16xf32>
        %parallel_loop3A_288 = arith.mulf %parallel_loop3A_278, %parallel_loop3A_278 : vector<16xf32>
        %parallel_loop3A_289 = arith.addf %parallel_loop3A_267, %parallel_loop3A_288 : vector<16xf32>
        %parallel_loop3A_290 = arith.mulf %parallel_loop3A_279, %parallel_loop3A_279 : vector<16xf32>
        %parallel_loop3A_291 = arith.addf %parallel_loop3A_289, %parallel_loop3A_290 : vector<16xf32>
        %parallel_loop3A_292 = arith.index_cast %parallel_loop3A_124 : i32 to index
        %parallel_loop3A_293 = arith.constant 112 : index
        %parallel_loop3A_294 = tpu.vector_load %arg8[%parallel_loop3A_292, %parallel_loop3A_293] {strides = array<i32>} : memref<120x128xf32, #tpu.memory_space<vmem>>, vector<16xf32>,
        %parallel_loop3A_295 = vector.bitcast %parallel_loop3A_294 : vector<16xf32> to vector<32xbf16>
        %parallel_loop3A_296 = tpu.unpack_subelements %parallel_loop3A_295, 0 {pack_format = #tpu.pack_format<interleaved>} : vector<32xbf16> -> vector<16xf32>
        %parallel_loop3A_297 = tpu.unpack_subelements %parallel_loop3A_295, 1 {pack_format = #tpu.pack_format<interleaved>} : vector<32xbf16> -> vector<16xf32>
        %parallel_loop3A_298 = arith.index_cast %parallel_loop3A_124 : i32 to index
        %parallel_loop3A_299 = arith.constant 112 : index
        %parallel_loop3A_300 = tpu.vector_load %arg9[%parallel_loop3A_298, %parallel_loop3A_299] {strides = array<i32>} : memref<120x128xf32, #tpu.memory_space<vmem>>, vector<16xf32>,
        %parallel_loop3A_301 = vector.bitcast %parallel_loop3A_300 : vector<16xf32> to vector<32xbf16>
        %parallel_loop3A_302 = tpu.unpack_subelements %parallel_loop3A_301, 0 {pack_format = #tpu.pack_format<interleaved>} : vector<32xbf16> -> vector<16xf32>
        %parallel_loop3A_303 = tpu.unpack_subelements %parallel_loop3A_301, 1 {pack_format = #tpu.pack_format<interleaved>} : vector<32xbf16> -> vector<16xf32>
        %parallel_loop3A_304 = arith.mulf %parallel_loop3A_296, %parallel_loop3A_302 : vector<16xf32>
        %parallel_loop3A_305 = arith.addf %parallel_loop3A_283, %parallel_loop3A_304 : vector<16xf32>
        %parallel_loop3A_306 = arith.mulf %parallel_loop3A_297, %parallel_loop3A_303 : vector<16xf32>
        %parallel_loop3A_307 = arith.addf %parallel_loop3A_305, %parallel_loop3A_306 : vector<16xf32>
        %parallel_loop3A_308 = arith.mulf %parallel_loop3A_296, %parallel_loop3A_296 : vector<16xf32>
        %parallel_loop3A_309 = arith.addf %parallel_loop3A_287, %parallel_loop3A_308 : vector<16xf32>
        %parallel_loop3A_310 = arith.mulf %parallel_loop3A_297, %parallel_loop3A_297 : vector<16xf32>
        %parallel_loop3A_311 = arith.addf %parallel_loop3A_309, %parallel_loop3A_310 : vector<16xf32>
        %parallel_loop3A_312 = arith.mulf %parallel_loop3A_302, %parallel_loop3A_302 : vector<16xf32>
        %parallel_loop3A_313 = arith.addf %parallel_loop3A_291, %parallel_loop3A_312 : vector<16xf32>
        %parallel_loop3A_314 = arith.mulf %parallel_loop3A_303, %parallel_loop3A_303 : vector<16xf32>
        %parallel_loop3A_315 = arith.addf %parallel_loop3A_313, %parallel_loop3A_314 : vector<16xf32>
        %parallel_loop3A_316 = arith.constant true
        %parallel_loop3A_317 = vector.broadcast %parallel_loop3A_316 : i1 to vector<16xi1>
        %parallel_loop3A_318 = tpu.scan <sum>, %parallel_loop3A_307 masked %parallel_loop3A_317 : vector<16xf32>, vector<16xi1> -> vector<16xf32>
        %parallel_loop3A_319 = vector.extract %parallel_loop3A_318[15] : f32 from vector<16xf32>
        %parallel_loop3A_320 = arith.constant true
        %parallel_loop3A_321 = vector.broadcast %parallel_loop3A_320 : i1 to vector<16xi1>
        %parallel_loop3A_322 = tpu.scan <sum>, %parallel_loop3A_311 masked %parallel_loop3A_321 : vector<16xf32>, vector<16xi1> -> vector<16xf32>
        %parallel_loop3A_323 = vector.extract %parallel_loop3A_322[15] : f32 from vector<16xf32>
        %parallel_loop3A_324 = arith.constant true
        %parallel_loop3A_325 = vector.broadcast %parallel_loop3A_324 : i1 to vector<16xi1>
        %parallel_loop3A_326 = tpu.scan <sum>, %parallel_loop3A_315 masked %parallel_loop3A_325 : vector<16xf32>, vector<16xi1> -> vector<16xf32>
        %parallel_loop3A_327 = vector.extract %parallel_loop3A_326[15] : f32 from vector<16xf32>
        %parallel_loop3A_328 = arith.constant 1.000000e-16 : f32
        %parallel_loop3A_329 = arith.maximumf %parallel_loop3A_323, %parallel_loop3A_328 : f32
        %parallel_loop3A_330 = arith.constant 1.000000e-16 : f32
        %parallel_loop3A_331 = arith.maximumf %parallel_loop3A_327, %parallel_loop3A_330 : f32
        %parallel_loop3A_332 = arith.mulf %parallel_loop3A_329, %parallel_loop3A_331 : f32
        %parallel_loop3A_333 = arith.bitcast %parallel_loop3A_332 : f32 to i32
        %parallel_loop3A_334 = arith.constant 1 : i32
        %parallel_loop3A_335 = arith.shrsi %parallel_loop3A_333, %parallel_loop3A_334 : i32
        %parallel_loop3A_336 = arith.constant 1597463007 : i32
        %parallel_loop3A_337 = arith.subi %parallel_loop3A_336, %parallel_loop3A_335 : i32
        %parallel_loop3A_338 = arith.bitcast %parallel_loop3A_337 : i32 to f32
        %parallel_loop3A_339 = arith.constant 5.000000e-01 : f32
        %parallel_loop3A_340 = arith.mulf %parallel_loop3A_339, %parallel_loop3A_332 : f32
        %parallel_loop3A_341 = arith.mulf %parallel_loop3A_340, %parallel_loop3A_338 : f32
        %parallel_loop3A_342 = arith.mulf %parallel_loop3A_341, %parallel_loop3A_338 : f32
        %parallel_loop3A_343 = arith.constant 1.500000e+00 : f32
        %parallel_loop3A_344 = arith.subf %parallel_loop3A_343, %parallel_loop3A_342 : f32
        %parallel_loop3A_345 = arith.mulf %parallel_loop3A_338, %parallel_loop3A_344 : f32
        %parallel_loop3A_346 = arith.constant 5.000000e-01 : f32
        %parallel_loop3A_347 = arith.mulf %parallel_loop3A_346, %parallel_loop3A_332 : f32
        %parallel_loop3A_348 = arith.mulf %parallel_loop3A_347, %parallel_loop3A_345 : f32
        %parallel_loop3A_349 = arith.mulf %parallel_loop3A_348, %parallel_loop3A_345 : f32
        %parallel_loop3A_350 = arith.constant 1.500000e+00 : f32
        %parallel_loop3A_351 = arith.subf %parallel_loop3A_350, %parallel_loop3A_349 : f32
        %parallel_loop3A_352 = arith.mulf %parallel_loop3A_345, %parallel_loop3A_351 : f32
        %parallel_loop3A_353 = arith.constant 5.000000e-01 : f32
        %parallel_loop3A_354 = arith.mulf %parallel_loop3A_353, %parallel_loop3A_332 : f32
        %parallel_loop3A_355 = arith.mulf %parallel_loop3A_354, %parallel_loop3A_352 : f32
        %parallel_loop3A_356 = arith.mulf %parallel_loop3A_355, %parallel_loop3A_352 : f32
        %parallel_loop3A_357 = arith.constant 1.500000e+00 : f32
        %parallel_loop3A_358 = arith.subf %parallel_loop3A_357, %parallel_loop3A_356 : f32
        %parallel_loop3A_359 = arith.mulf %parallel_loop3A_352, %parallel_loop3A_358 : f32
        %parallel_loop3A_360 = arith.mulf %parallel_loop3A_319, %parallel_loop3A_359 : f32
        %parallel_loop3A_361 = arith.addi %add3A_70, %parallel_loop3A_124 : i32
        %parallel_loop3A_362 = arith.constant 160000 : i32
        %parallel_loop3A_363 = arith.cmpi slt, %parallel_loop3A_361, %parallel_loop3A_362 : i32
        %parallel_loop3A_364 = arith.constant 1.000000e+00 : f32
        %parallel_loop3A_365 = arith.subf %parallel_loop3A_364, %parallel_loop3A_360 : f32
        %parallel_loop3A_366 = arith.constant 0.000000e+00 : f32
        %parallel_loop3A_367 = arith.select %parallel_loop3A_363, %parallel_loop3A_365, %parallel_loop3A_366 : f32
        %parallel_loop3A_368 = arith.addf %parallel_loop3A_125, %parallel_loop3A_367 : f32
        %parallel_loop3A_369 = arith.addf %parallel_loop3A_323, %parallel_loop3A_327 : f32
        %parallel_loop3A_370 = arith.constant 2.000000e+00 : f32
        %parallel_loop3A_371 = arith.mulf %parallel_loop3A_370, %parallel_loop3A_319 : f32
        %parallel_loop3A_372 = arith.subf %parallel_loop3A_369, %parallel_loop3A_371 : f32
        %parallel_loop3A_373 = arith.constant 0.000000e+00 : f32
        %parallel_loop3A_374 = arith.select %parallel_loop3A_363, %parallel_loop3A_372, %parallel_loop3A_373 : f32
        %parallel_loop3A_375 = arith.addf %parallel_loop3A_126, %parallel_loop3A_374 : f32
        scf.yield %parallel_loop3A_368, %parallel_loop3A_375 : f32, f32
      } {sc.loop_unroll_factor = 4 : i64, sc.parallel_access}
      %add3A_74 = arith.constant 2 : i32
      %add3A_75 = arith.addi %add3A_62, %add3A_74 : i32
      %lt3A_76 = arith.cmpi slt, %add3A_75, %select_n3A : i32
      %convert_element_type3A = arith.extui %lt3A_76 : i1 to i32
      %cond3A = arith.constant 0 : i32
      %cond3A_77 = arith.cmpi ne, %convert_element_type3A, %cond3A : i32
      scf.if %cond3A_77 {
        %add3A_124 = arith.constant 2 : i32
        %add3A_125 = arith.addi %add3A_62, %add3A_124 : i32
        %mul3A_126 = arith.constant 120 : i32
        %mul3A_127 = arith.muli %add3A_125, %mul3A_126 : i32
        %add3A_128 = arith.addi %add3A_5, %mul3A_127 : i32
        "tpu.region"() ({
          %run_scoped3A = tpu.sem_alloc : memref<!tpu.dma_semaphore, #tpu.memory_space<semaphore_mem>>
          %dma_start3A_135 = tpu.memref_slice %arg3[%add3A_128] : memref<161280xi32, #tpu.memory_space<hbm>> -> memref<120xi32, #tpu.memory_space<hbm>>
          %dma_start3A_136 = tpu.memref_slice %arg3[%add3A_128] : memref<161280xi32, #tpu.memory_space<hbm>> -> memref<120xi32, #tpu.memory_space<hbm>>
          tpu.enqueue_dma source(%dma_start3A_136 : memref<120xi32, #tpu.memory_space<hbm>>) target(%arg16 : memref<120xi32, #tpu.memory_space<vmem>>) target_semaphore(%run_scoped3A : memref<!tpu.dma_semaphore, #tpu.memory_space<semaphore_mem>>)
          %dma_wait3A_137 = tpu.memref_slice %arg3[%add3A_128] : memref<161280xi32, #tpu.memory_space<hbm>> -> memref<120xi32, #tpu.memory_space<hbm>>
          %dma_wait3A_138 = tpu.memref_slice %arg3[%add3A_128] : memref<161280xi32, #tpu.memory_space<hbm>> -> memref<120xi32, #tpu.memory_space<hbm>>
          tpu.wait_dma2 semaphore(%run_scoped3A : memref<!tpu.dma_semaphore, #tpu.memory_space<semaphore_mem>>) src(%dma_wait3A_138 : memref<120xi32, #tpu.memory_space<hbm>>) dst(%arg16 : memref<120xi32, #tpu.memory_space<vmem>>)
          tpu.yield
        }) : () -> ()
        "tpu.region"() ({
          %run_scoped3A = tpu.sem_alloc : memref<!tpu.dma_semaphore, #tpu.memory_space<semaphore_mem>>
          %dma_start3A_135 = tpu.memref_slice %arg4[%add3A_128] : memref<161280xi32, #tpu.memory_space<hbm>> -> memref<120xi32, #tpu.memory_space<hbm>>
          %dma_start3A_136 = tpu.memref_slice %arg4[%add3A_128] : memref<161280xi32, #tpu.memory_space<hbm>> -> memref<120xi32, #tpu.memory_space<hbm>>
          tpu.enqueue_dma source(%dma_start3A_136 : memref<120xi32, #tpu.memory_space<hbm>>) target(%arg17 : memref<120xi32, #tpu.memory_space<vmem>>) target_semaphore(%run_scoped3A : memref<!tpu.dma_semaphore, #tpu.memory_space<semaphore_mem>>)
          %dma_wait3A_137 = tpu.memref_slice %arg4[%add3A_128] : memref<161280xi32, #tpu.memory_space<hbm>> -> memref<120xi32, #tpu.memory_space<hbm>>
          %dma_wait3A_138 = tpu.memref_slice %arg4[%add3A_128] : memref<161280xi32, #tpu.memory_space<hbm>> -> memref<120xi32, #tpu.memory_space<hbm>>
          tpu.wait_dma2 semaphore(%run_scoped3A : memref<!tpu.dma_semaphore, #tpu.memory_space<semaphore_mem>>) src(%dma_wait3A_138 : memref<120xi32, #tpu.memory_space<hbm>>) dst(%arg17 : memref<120xi32, #tpu.memory_space<vmem>>)
          tpu.yield
        }) : () -> ()
        %dma_start3A_129 = arith.constant 0 : i32
        %dma_start3A_130 = arith.constant 0 : i32
        %dma_start3A_131 = tpu.memref_slice %arg2[%dma_start3A_129, %dma_start3A_130] : memref<10000x128xf32, #tpu.memory_space<hbm>> -> memref<10000x128xf32, #tpu.memory_space<hbm>>
        tpu.enqueue_indirect_dma source(%dma_start3A_131 : memref<10000x128xf32, #tpu.memory_space<hbm>>) target(%arg18 : memref<120x128xf32, #tpu.memory_space<vmem>>) offsets(%arg16 : memref<120xi32, #tpu.memory_space<vmem>>) semaphore(%arg20 : memref<!tpu.dma_semaphore, #tpu.memory_space<semaphore_mem>>)
        %dma_start3A_132 = arith.constant 0 : i32
        %dma_start3A_133 = arith.constant 0 : i32
        %dma_start3A_134 = tpu.memref_slice %arg2[%dma_start3A_132, %dma_start3A_133] : memref<10000x128xf32, #tpu.memory_space<hbm>> -> memref<10000x128xf32, #tpu.memory_space<hbm>>
        tpu.enqueue_indirect_dma source(%dma_start3A_134 : memref<10000x128xf32, #tpu.memory_space<hbm>>) target(%arg19 : memref<120x128xf32, #tpu.memory_space<vmem>>) offsets(%arg17 : memref<120xi32, #tpu.memory_space<vmem>>) semaphore(%arg20 : memref<!tpu.dma_semaphore, #tpu.memory_space<semaphore_mem>>)
      } else {
      }
      %mul3A_78 = arith.constant 3 : i32
      %mul3A_79 = arith.muli %while3A_56, %mul3A_78 : i32
      %add3A_80 = arith.constant 1 : i32
      %add3A_81 = arith.addi %mul3A_79, %add3A_80 : i32
      %dma_wait3A_82 = arith.constant 0 : i32
      %dma_wait3A_83 = arith.constant 0 : i32
      %dma_wait3A_84 = tpu.memref_slice %arg2[%dma_wait3A_82, %dma_wait3A_83] : memref<10000x128xf32, #tpu.memory_space<hbm>> -> memref<10000x128xf32, #tpu.memory_space<hbm>>
      tpu.wait_indirect_dma semaphore(%arg15 : memref<!tpu.dma_semaphore, #tpu.memory_space<semaphore_mem>>) src(%dma_wait3A_84 : memref<10000x128xf32, #tpu.memory_space<hbm>>) dst(%arg13 : memref<120x128xf32, #tpu.memory_space<vmem>>)
      %dma_wait3A_85 = arith.constant 0 : i32
      %dma_wait3A_86 = arith.constant 0 : i32
      %dma_wait3A_87 = tpu.memref_slice %arg2[%dma_wait3A_85, %dma_wait3A_86] : memref<10000x128xf32, #tpu.memory_space<hbm>> -> memref<10000x128xf32, #tpu.memory_space<hbm>>
      tpu.wait_indirect_dma semaphore(%arg15 : memref<!tpu.dma_semaphore, #tpu.memory_space<semaphore_mem>>) src(%dma_wait3A_87 : memref<10000x128xf32, #tpu.memory_space<hbm>>) dst(%arg14 : memref<120x128xf32, #tpu.memory_space<vmem>>)
      %mul3A_88 = arith.constant 120 : i32
      %mul3A_89 = arith.muli %add3A_81, %mul3A_88 : i32
      %add3A_90 = arith.addi %add3A_5, %mul3A_89 : i32
      %parallel_loop3A_91 = arith.constant 0 : i32
      %parallel_loop3A_92 = arith.constant 120 : i32
      %parallel_loop3A_93 = arith.constant 1 : i32
      %parallel_loop3A_94:2 = scf.for %parallel_loop3A_124 = %parallel_loop3A_91 to %parallel_loop3A_92 step %parallel_loop3A_93 iter_args(%parallel_loop3A_125 = %parallel_loop3A_73#0, %parallel_loop3A_126 = %parallel_loop3A_73#1) -> (f32, f32)  : i32 {
        %parallel_loop3A_127 = arith.index_cast %parallel_loop3A_124 : i32 to index
        %parallel_loop3A_128 = arith.constant 0 : index
        %parallel_loop3A_129 = tpu.vector_load %arg13[%parallel_loop3A_127, %parallel_loop3A_128] {strides = array<i32>} : memref<120x128xf32, #tpu.memory_space<vmem>>, vector<16xf32>,
        %parallel_loop3A_130 = vector.bitcast %parallel_loop3A_129 : vector<16xf32> to vector<32xbf16>
        %parallel_loop3A_131 = tpu.unpack_subelements %parallel_loop3A_130, 0 {pack_format = #tpu.pack_format<interleaved>} : vector<32xbf16> -> vector<16xf32>
        %parallel_loop3A_132 = tpu.unpack_subelements %parallel_loop3A_130, 1 {pack_format = #tpu.pack_format<interleaved>} : vector<32xbf16> -> vector<16xf32>
        %parallel_loop3A_133 = arith.index_cast %parallel_loop3A_124 : i32 to index
        %parallel_loop3A_134 = arith.constant 0 : index
        %parallel_loop3A_135 = tpu.vector_load %arg14[%parallel_loop3A_133, %parallel_loop3A_134] {strides = array<i32>} : memref<120x128xf32, #tpu.memory_space<vmem>>, vector<16xf32>,
        %parallel_loop3A_136 = vector.bitcast %parallel_loop3A_135 : vector<16xf32> to vector<32xbf16>
        %parallel_loop3A_137 = tpu.unpack_subelements %parallel_loop3A_136, 0 {pack_format = #tpu.pack_format<interleaved>} : vector<32xbf16> -> vector<16xf32>
        %parallel_loop3A_138 = tpu.unpack_subelements %parallel_loop3A_136, 1 {pack_format = #tpu.pack_format<interleaved>} : vector<32xbf16> -> vector<16xf32>
        %parallel_loop3A_139 = arith.mulf %parallel_loop3A_131, %parallel_loop3A_137 : vector<16xf32>
        %parallel_loop3A_140 = arith.mulf %parallel_loop3A_132, %parallel_loop3A_138 : vector<16xf32>
        %parallel_loop3A_141 = arith.addf %parallel_loop3A_139, %parallel_loop3A_140 : vector<16xf32>
        %parallel_loop3A_142 = arith.mulf %parallel_loop3A_131, %parallel_loop3A_131 : vector<16xf32>
        %parallel_loop3A_143 = arith.mulf %parallel_loop3A_132, %parallel_loop3A_132 : vector<16xf32>
        %parallel_loop3A_144 = arith.addf %parallel_loop3A_142, %parallel_loop3A_143 : vector<16xf32>
        %parallel_loop3A_145 = arith.mulf %parallel_loop3A_137, %parallel_loop3A_137 : vector<16xf32>
        %parallel_loop3A_146 = arith.mulf %parallel_loop3A_138, %parallel_loop3A_138 : vector<16xf32>
        %parallel_loop3A_147 = arith.addf %parallel_loop3A_145, %parallel_loop3A_146 : vector<16xf32>
        %parallel_loop3A_148 = arith.index_cast %parallel_loop3A_124 : i32 to index
        %parallel_loop3A_149 = arith.constant 16 : index
        %parallel_loop3A_150 = tpu.vector_load %arg13[%parallel_loop3A_148, %parallel_loop3A_149] {strides = array<i32>} : memref<120x128xf32, #tpu.memory_space<vmem>>, vector<16xf32>,
        %parallel_loop3A_151 = vector.bitcast %parallel_loop3A_150 : vector<16xf32> to vector<32xbf16>
        %parallel_loop3A_152 = tpu.unpack_subelements %parallel_loop3A_151, 0 {pack_format = #tpu.pack_format<interleaved>} : vector<32xbf16> -> vector<16xf32>
        %parallel_loop3A_153 = tpu.unpack_subelements %parallel_loop3A_151, 1 {pack_format = #tpu.pack_format<interleaved>} : vector<32xbf16> -> vector<16xf32>
        %parallel_loop3A_154 = arith.index_cast %parallel_loop3A_124 : i32 to index
        %parallel_loop3A_155 = arith.constant 16 : index
        %parallel_loop3A_156 = tpu.vector_load %arg14[%parallel_loop3A_154, %parallel_loop3A_155] {strides = array<i32>} : memref<120x128xf32, #tpu.memory_space<vmem>>, vector<16xf32>,
        %parallel_loop3A_157 = vector.bitcast %parallel_loop3A_156 : vector<16xf32> to vector<32xbf16>
        %parallel_loop3A_158 = tpu.unpack_subelements %parallel_loop3A_157, 0 {pack_format = #tpu.pack_format<interleaved>} : vector<32xbf16> -> vector<16xf32>
        %parallel_loop3A_159 = tpu.unpack_subelements %parallel_loop3A_157, 1 {pack_format = #tpu.pack_format<interleaved>} : vector<32xbf16> -> vector<16xf32>
        %parallel_loop3A_160 = arith.mulf %parallel_loop3A_152, %parallel_loop3A_158 : vector<16xf32>
        %parallel_loop3A_161 = arith.addf %parallel_loop3A_141, %parallel_loop3A_160 : vector<16xf32>
        %parallel_loop3A_162 = arith.mulf %parallel_loop3A_153, %parallel_loop3A_159 : vector<16xf32>
        %parallel_loop3A_163 = arith.addf %parallel_loop3A_161, %parallel_loop3A_162 : vector<16xf32>
        %parallel_loop3A_164 = arith.mulf %parallel_loop3A_152, %parallel_loop3A_152 : vector<16xf32>
        %parallel_loop3A_165 = arith.addf %parallel_loop3A_144, %parallel_loop3A_164 : vector<16xf32>
        %parallel_loop3A_166 = arith.mulf %parallel_loop3A_153, %parallel_loop3A_153 : vector<16xf32>
        %parallel_loop3A_167 = arith.addf %parallel_loop3A_165, %parallel_loop3A_166 : vector<16xf32>
        %parallel_loop3A_168 = arith.mulf %parallel_loop3A_158, %parallel_loop3A_158 : vector<16xf32>
        %parallel_loop3A_169 = arith.addf %parallel_loop3A_147, %parallel_loop3A_168 : vector<16xf32>
        %parallel_loop3A_170 = arith.mulf %parallel_loop3A_159, %parallel_loop3A_159 : vector<16xf32>
        %parallel_loop3A_171 = arith.addf %parallel_loop3A_169, %parallel_loop3A_170 : vector<16xf32>
        %parallel_loop3A_172 = arith.index_cast %parallel_loop3A_124 : i32 to index
        %parallel_loop3A_173 = arith.constant 32 : index
        %parallel_loop3A_174 = tpu.vector_load %arg13[%parallel_loop3A_172, %parallel_loop3A_173] {strides = array<i32>} : memref<120x128xf32, #tpu.memory_space<vmem>>, vector<16xf32>,
        %parallel_loop3A_175 = vector.bitcast %parallel_loop3A_174 : vector<16xf32> to vector<32xbf16>
        %parallel_loop3A_176 = tpu.unpack_subelements %parallel_loop3A_175, 0 {pack_format = #tpu.pack_format<interleaved>} : vector<32xbf16> -> vector<16xf32>
        %parallel_loop3A_177 = tpu.unpack_subelements %parallel_loop3A_175, 1 {pack_format = #tpu.pack_format<interleaved>} : vector<32xbf16> -> vector<16xf32>
        %parallel_loop3A_178 = arith.index_cast %parallel_loop3A_124 : i32 to index
        %parallel_loop3A_179 = arith.constant 32 : index
        %parallel_loop3A_180 = tpu.vector_load %arg14[%parallel_loop3A_178, %parallel_loop3A_179] {strides = array<i32>} : memref<120x128xf32, #tpu.memory_space<vmem>>, vector<16xf32>,
        %parallel_loop3A_181 = vector.bitcast %parallel_loop3A_180 : vector<16xf32> to vector<32xbf16>
        %parallel_loop3A_182 = tpu.unpack_subelements %parallel_loop3A_181, 0 {pack_format = #tpu.pack_format<interleaved>} : vector<32xbf16> -> vector<16xf32>
        %parallel_loop3A_183 = tpu.unpack_subelements %parallel_loop3A_181, 1 {pack_format = #tpu.pack_format<interleaved>} : vector<32xbf16> -> vector<16xf32>
        %parallel_loop3A_184 = arith.mulf %parallel_loop3A_176, %parallel_loop3A_182 : vector<16xf32>
        %parallel_loop3A_185 = arith.addf %parallel_loop3A_163, %parallel_loop3A_184 : vector<16xf32>
        %parallel_loop3A_186 = arith.mulf %parallel_loop3A_177, %parallel_loop3A_183 : vector<16xf32>
        %parallel_loop3A_187 = arith.addf %parallel_loop3A_185, %parallel_loop3A_186 : vector<16xf32>
        %parallel_loop3A_188 = arith.mulf %parallel_loop3A_176, %parallel_loop3A_176 : vector<16xf32>
        %parallel_loop3A_189 = arith.addf %parallel_loop3A_167, %parallel_loop3A_188 : vector<16xf32>
        %parallel_loop3A_190 = arith.mulf %parallel_loop3A_177, %parallel_loop3A_177 : vector<16xf32>
        %parallel_loop3A_191 = arith.addf %parallel_loop3A_189, %parallel_loop3A_190 : vector<16xf32>
        %parallel_loop3A_192 = arith.mulf %parallel_loop3A_182, %parallel_loop3A_182 : vector<16xf32>
        %parallel_loop3A_193 = arith.addf %parallel_loop3A_171, %parallel_loop3A_192 : vector<16xf32>
        %parallel_loop3A_194 = arith.mulf %parallel_loop3A_183, %parallel_loop3A_183 : vector<16xf32>
        %parallel_loop3A_195 = arith.addf %parallel_loop3A_193, %parallel_loop3A_194 : vector<16xf32>
        %parallel_loop3A_196 = arith.index_cast %parallel_loop3A_124 : i32 to index
        %parallel_loop3A_197 = arith.constant 48 : index
        %parallel_loop3A_198 = tpu.vector_load %arg13[%parallel_loop3A_196, %parallel_loop3A_197] {strides = array<i32>} : memref<120x128xf32, #tpu.memory_space<vmem>>, vector<16xf32>,
        %parallel_loop3A_199 = vector.bitcast %parallel_loop3A_198 : vector<16xf32> to vector<32xbf16>
        %parallel_loop3A_200 = tpu.unpack_subelements %parallel_loop3A_199, 0 {pack_format = #tpu.pack_format<interleaved>} : vector<32xbf16> -> vector<16xf32>
        %parallel_loop3A_201 = tpu.unpack_subelements %parallel_loop3A_199, 1 {pack_format = #tpu.pack_format<interleaved>} : vector<32xbf16> -> vector<16xf32>
        %parallel_loop3A_202 = arith.index_cast %parallel_loop3A_124 : i32 to index
        %parallel_loop3A_203 = arith.constant 48 : index
        %parallel_loop3A_204 = tpu.vector_load %arg14[%parallel_loop3A_202, %parallel_loop3A_203] {strides = array<i32>} : memref<120x128xf32, #tpu.memory_space<vmem>>, vector<16xf32>,
        %parallel_loop3A_205 = vector.bitcast %parallel_loop3A_204 : vector<16xf32> to vector<32xbf16>
        %parallel_loop3A_206 = tpu.unpack_subelements %parallel_loop3A_205, 0 {pack_format = #tpu.pack_format<interleaved>} : vector<32xbf16> -> vector<16xf32>
        %parallel_loop3A_207 = tpu.unpack_subelements %parallel_loop3A_205, 1 {pack_format = #tpu.pack_format<interleaved>} : vector<32xbf16> -> vector<16xf32>
        %parallel_loop3A_208 = arith.mulf %parallel_loop3A_200, %parallel_loop3A_206 : vector<16xf32>
        %parallel_loop3A_209 = arith.addf %parallel_loop3A_187, %parallel_loop3A_208 : vector<16xf32>
        %parallel_loop3A_210 = arith.mulf %parallel_loop3A_201, %parallel_loop3A_207 : vector<16xf32>
        %parallel_loop3A_211 = arith.addf %parallel_loop3A_209, %parallel_loop3A_210 : vector<16xf32>
        %parallel_loop3A_212 = arith.mulf %parallel_loop3A_200, %parallel_loop3A_200 : vector<16xf32>
        %parallel_loop3A_213 = arith.addf %parallel_loop3A_191, %parallel_loop3A_212 : vector<16xf32>
        %parallel_loop3A_214 = arith.mulf %parallel_loop3A_201, %parallel_loop3A_201 : vector<16xf32>
        %parallel_loop3A_215 = arith.addf %parallel_loop3A_213, %parallel_loop3A_214 : vector<16xf32>
        %parallel_loop3A_216 = arith.mulf %parallel_loop3A_206, %parallel_loop3A_206 : vector<16xf32>
        %parallel_loop3A_217 = arith.addf %parallel_loop3A_195, %parallel_loop3A_216 : vector<16xf32>
        %parallel_loop3A_218 = arith.mulf %parallel_loop3A_207, %parallel_loop3A_207 : vector<16xf32>
        %parallel_loop3A_219 = arith.addf %parallel_loop3A_217, %parallel_loop3A_218 : vector<16xf32>
        %parallel_loop3A_220 = arith.index_cast %parallel_loop3A_124 : i32 to index
        %parallel_loop3A_221 = arith.constant 64 : index
        %parallel_loop3A_222 = tpu.vector_load %arg13[%parallel_loop3A_220, %parallel_loop3A_221] {strides = array<i32>} : memref<120x128xf32, #tpu.memory_space<vmem>>, vector<16xf32>,
        %parallel_loop3A_223 = vector.bitcast %parallel_loop3A_222 : vector<16xf32> to vector<32xbf16>
        %parallel_loop3A_224 = tpu.unpack_subelements %parallel_loop3A_223, 0 {pack_format = #tpu.pack_format<interleaved>} : vector<32xbf16> -> vector<16xf32>
        %parallel_loop3A_225 = tpu.unpack_subelements %parallel_loop3A_223, 1 {pack_format = #tpu.pack_format<interleaved>} : vector<32xbf16> -> vector<16xf32>
        %parallel_loop3A_226 = arith.index_cast %parallel_loop3A_124 : i32 to index
        %parallel_loop3A_227 = arith.constant 64 : index
        %parallel_loop3A_228 = tpu.vector_load %arg14[%parallel_loop3A_226, %parallel_loop3A_227] {strides = array<i32>} : memref<120x128xf32, #tpu.memory_space<vmem>>, vector<16xf32>,
        %parallel_loop3A_229 = vector.bitcast %parallel_loop3A_228 : vector<16xf32> to vector<32xbf16>
        %parallel_loop3A_230 = tpu.unpack_subelements %parallel_loop3A_229, 0 {pack_format = #tpu.pack_format<interleaved>} : vector<32xbf16> -> vector<16xf32>
        %parallel_loop3A_231 = tpu.unpack_subelements %parallel_loop3A_229, 1 {pack_format = #tpu.pack_format<interleaved>} : vector<32xbf16> -> vector<16xf32>
        %parallel_loop3A_232 = arith.mulf %parallel_loop3A_224, %parallel_loop3A_230 : vector<16xf32>
        %parallel_loop3A_233 = arith.addf %parallel_loop3A_211, %parallel_loop3A_232 : vector<16xf32>
        %parallel_loop3A_234 = arith.mulf %parallel_loop3A_225, %parallel_loop3A_231 : vector<16xf32>
        %parallel_loop3A_235 = arith.addf %parallel_loop3A_233, %parallel_loop3A_234 : vector<16xf32>
        %parallel_loop3A_236 = arith.mulf %parallel_loop3A_224, %parallel_loop3A_224 : vector<16xf32>
        %parallel_loop3A_237 = arith.addf %parallel_loop3A_215, %parallel_loop3A_236 : vector<16xf32>
        %parallel_loop3A_238 = arith.mulf %parallel_loop3A_225, %parallel_loop3A_225 : vector<16xf32>
        %parallel_loop3A_239 = arith.addf %parallel_loop3A_237, %parallel_loop3A_238 : vector<16xf32>
        %parallel_loop3A_240 = arith.mulf %parallel_loop3A_230, %parallel_loop3A_230 : vector<16xf32>
        %parallel_loop3A_241 = arith.addf %parallel_loop3A_219, %parallel_loop3A_240 : vector<16xf32>
        %parallel_loop3A_242 = arith.mulf %parallel_loop3A_231, %parallel_loop3A_231 : vector<16xf32>
        %parallel_loop3A_243 = arith.addf %parallel_loop3A_241, %parallel_loop3A_242 : vector<16xf32>
        %parallel_loop3A_244 = arith.index_cast %parallel_loop3A_124 : i32 to index
        %parallel_loop3A_245 = arith.constant 80 : index
        %parallel_loop3A_246 = tpu.vector_load %arg13[%parallel_loop3A_244, %parallel_loop3A_245] {strides = array<i32>} : memref<120x128xf32, #tpu.memory_space<vmem>>, vector<16xf32>,
        %parallel_loop3A_247 = vector.bitcast %parallel_loop3A_246 : vector<16xf32> to vector<32xbf16>
        %parallel_loop3A_248 = tpu.unpack_subelements %parallel_loop3A_247, 0 {pack_format = #tpu.pack_format<interleaved>} : vector<32xbf16> -> vector<16xf32>
        %parallel_loop3A_249 = tpu.unpack_subelements %parallel_loop3A_247, 1 {pack_format = #tpu.pack_format<interleaved>} : vector<32xbf16> -> vector<16xf32>
        %parallel_loop3A_250 = arith.index_cast %parallel_loop3A_124 : i32 to index
        %parallel_loop3A_251 = arith.constant 80 : index
        %parallel_loop3A_252 = tpu.vector_load %arg14[%parallel_loop3A_250, %parallel_loop3A_251] {strides = array<i32>} : memref<120x128xf32, #tpu.memory_space<vmem>>, vector<16xf32>,
        %parallel_loop3A_253 = vector.bitcast %parallel_loop3A_252 : vector<16xf32> to vector<32xbf16>
        %parallel_loop3A_254 = tpu.unpack_subelements %parallel_loop3A_253, 0 {pack_format = #tpu.pack_format<interleaved>} : vector<32xbf16> -> vector<16xf32>
        %parallel_loop3A_255 = tpu.unpack_subelements %parallel_loop3A_253, 1 {pack_format = #tpu.pack_format<interleaved>} : vector<32xbf16> -> vector<16xf32>
        %parallel_loop3A_256 = arith.mulf %parallel_loop3A_248, %parallel_loop3A_254 : vector<16xf32>
        %parallel_loop3A_257 = arith.addf %parallel_loop3A_235, %parallel_loop3A_256 : vector<16xf32>
        %parallel_loop3A_258 = arith.mulf %parallel_loop3A_249, %parallel_loop3A_255 : vector<16xf32>
        %parallel_loop3A_259 = arith.addf %parallel_loop3A_257, %parallel_loop3A_258 : vector<16xf32>
        %parallel_loop3A_260 = arith.mulf %parallel_loop3A_248, %parallel_loop3A_248 : vector<16xf32>
        %parallel_loop3A_261 = arith.addf %parallel_loop3A_239, %parallel_loop3A_260 : vector<16xf32>
        %parallel_loop3A_262 = arith.mulf %parallel_loop3A_249, %parallel_loop3A_249 : vector<16xf32>
        %parallel_loop3A_263 = arith.addf %parallel_loop3A_261, %parallel_loop3A_262 : vector<16xf32>
        %parallel_loop3A_264 = arith.mulf %parallel_loop3A_254, %parallel_loop3A_254 : vector<16xf32>
        %parallel_loop3A_265 = arith.addf %parallel_loop3A_243, %parallel_loop3A_264 : vector<16xf32>
        %parallel_loop3A_266 = arith.mulf %parallel_loop3A_255, %parallel_loop3A_255 : vector<16xf32>
        %parallel_loop3A_267 = arith.addf %parallel_loop3A_265, %parallel_loop3A_266 : vector<16xf32>
        %parallel_loop3A_268 = arith.index_cast %parallel_loop3A_124 : i32 to index
        %parallel_loop3A_269 = arith.constant 96 : index
        %parallel_loop3A_270 = tpu.vector_load %arg13[%parallel_loop3A_268, %parallel_loop3A_269] {strides = array<i32>} : memref<120x128xf32, #tpu.memory_space<vmem>>, vector<16xf32>,
        %parallel_loop3A_271 = vector.bitcast %parallel_loop3A_270 : vector<16xf32> to vector<32xbf16>
        %parallel_loop3A_272 = tpu.unpack_subelements %parallel_loop3A_271, 0 {pack_format = #tpu.pack_format<interleaved>} : vector<32xbf16> -> vector<16xf32>
        %parallel_loop3A_273 = tpu.unpack_subelements %parallel_loop3A_271, 1 {pack_format = #tpu.pack_format<interleaved>} : vector<32xbf16> -> vector<16xf32>
        %parallel_loop3A_274 = arith.index_cast %parallel_loop3A_124 : i32 to index
        %parallel_loop3A_275 = arith.constant 96 : index
        %parallel_loop3A_276 = tpu.vector_load %arg14[%parallel_loop3A_274, %parallel_loop3A_275] {strides = array<i32>} : memref<120x128xf32, #tpu.memory_space<vmem>>, vector<16xf32>,
        %parallel_loop3A_277 = vector.bitcast %parallel_loop3A_276 : vector<16xf32> to vector<32xbf16>
        %parallel_loop3A_278 = tpu.unpack_subelements %parallel_loop3A_277, 0 {pack_format = #tpu.pack_format<interleaved>} : vector<32xbf16> -> vector<16xf32>
        %parallel_loop3A_279 = tpu.unpack_subelements %parallel_loop3A_277, 1 {pack_format = #tpu.pack_format<interleaved>} : vector<32xbf16> -> vector<16xf32>
        %parallel_loop3A_280 = arith.mulf %parallel_loop3A_272, %parallel_loop3A_278 : vector<16xf32>
        %parallel_loop3A_281 = arith.addf %parallel_loop3A_259, %parallel_loop3A_280 : vector<16xf32>
        %parallel_loop3A_282 = arith.mulf %parallel_loop3A_273, %parallel_loop3A_279 : vector<16xf32>
        %parallel_loop3A_283 = arith.addf %parallel_loop3A_281, %parallel_loop3A_282 : vector<16xf32>
        %parallel_loop3A_284 = arith.mulf %parallel_loop3A_272, %parallel_loop3A_272 : vector<16xf32>
        %parallel_loop3A_285 = arith.addf %parallel_loop3A_263, %parallel_loop3A_284 : vector<16xf32>
        %parallel_loop3A_286 = arith.mulf %parallel_loop3A_273, %parallel_loop3A_273 : vector<16xf32>
        %parallel_loop3A_287 = arith.addf %parallel_loop3A_285, %parallel_loop3A_286 : vector<16xf32>
        %parallel_loop3A_288 = arith.mulf %parallel_loop3A_278, %parallel_loop3A_278 : vector<16xf32>
        %parallel_loop3A_289 = arith.addf %parallel_loop3A_267, %parallel_loop3A_288 : vector<16xf32>
        %parallel_loop3A_290 = arith.mulf %parallel_loop3A_279, %parallel_loop3A_279 : vector<16xf32>
        %parallel_loop3A_291 = arith.addf %parallel_loop3A_289, %parallel_loop3A_290 : vector<16xf32>
        %parallel_loop3A_292 = arith.index_cast %parallel_loop3A_124 : i32 to index
        %parallel_loop3A_293 = arith.constant 112 : index
        %parallel_loop3A_294 = tpu.vector_load %arg13[%parallel_loop3A_292, %parallel_loop3A_293] {strides = array<i32>} : memref<120x128xf32, #tpu.memory_space<vmem>>, vector<16xf32>,
        %parallel_loop3A_295 = vector.bitcast %parallel_loop3A_294 : vector<16xf32> to vector<32xbf16>
        %parallel_loop3A_296 = tpu.unpack_subelements %parallel_loop3A_295, 0 {pack_format = #tpu.pack_format<interleaved>} : vector<32xbf16> -> vector<16xf32>
        %parallel_loop3A_297 = tpu.unpack_subelements %parallel_loop3A_295, 1 {pack_format = #tpu.pack_format<interleaved>} : vector<32xbf16> -> vector<16xf32>
        %parallel_loop3A_298 = arith.index_cast %parallel_loop3A_124 : i32 to index
        %parallel_loop3A_299 = arith.constant 112 : index
        %parallel_loop3A_300 = tpu.vector_load %arg14[%parallel_loop3A_298, %parallel_loop3A_299] {strides = array<i32>} : memref<120x128xf32, #tpu.memory_space<vmem>>, vector<16xf32>,
        %parallel_loop3A_301 = vector.bitcast %parallel_loop3A_300 : vector<16xf32> to vector<32xbf16>
        %parallel_loop3A_302 = tpu.unpack_subelements %parallel_loop3A_301, 0 {pack_format = #tpu.pack_format<interleaved>} : vector<32xbf16> -> vector<16xf32>
        %parallel_loop3A_303 = tpu.unpack_subelements %parallel_loop3A_301, 1 {pack_format = #tpu.pack_format<interleaved>} : vector<32xbf16> -> vector<16xf32>
        %parallel_loop3A_304 = arith.mulf %parallel_loop3A_296, %parallel_loop3A_302 : vector<16xf32>
        %parallel_loop3A_305 = arith.addf %parallel_loop3A_283, %parallel_loop3A_304 : vector<16xf32>
        %parallel_loop3A_306 = arith.mulf %parallel_loop3A_297, %parallel_loop3A_303 : vector<16xf32>
        %parallel_loop3A_307 = arith.addf %parallel_loop3A_305, %parallel_loop3A_306 : vector<16xf32>
        %parallel_loop3A_308 = arith.mulf %parallel_loop3A_296, %parallel_loop3A_296 : vector<16xf32>
        %parallel_loop3A_309 = arith.addf %parallel_loop3A_287, %parallel_loop3A_308 : vector<16xf32>
        %parallel_loop3A_310 = arith.mulf %parallel_loop3A_297, %parallel_loop3A_297 : vector<16xf32>
        %parallel_loop3A_311 = arith.addf %parallel_loop3A_309, %parallel_loop3A_310 : vector<16xf32>
        %parallel_loop3A_312 = arith.mulf %parallel_loop3A_302, %parallel_loop3A_302 : vector<16xf32>
        %parallel_loop3A_313 = arith.addf %parallel_loop3A_291, %parallel_loop3A_312 : vector<16xf32>
        %parallel_loop3A_314 = arith.mulf %parallel_loop3A_303, %parallel_loop3A_303 : vector<16xf32>
        %parallel_loop3A_315 = arith.addf %parallel_loop3A_313, %parallel_loop3A_314 : vector<16xf32>
        %parallel_loop3A_316 = arith.constant true
        %parallel_loop3A_317 = vector.broadcast %parallel_loop3A_316 : i1 to vector<16xi1>
        %parallel_loop3A_318 = tpu.scan <sum>, %parallel_loop3A_307 masked %parallel_loop3A_317 : vector<16xf32>, vector<16xi1> -> vector<16xf32>
        %parallel_loop3A_319 = vector.extract %parallel_loop3A_318[15] : f32 from vector<16xf32>
        %parallel_loop3A_320 = arith.constant true
        %parallel_loop3A_321 = vector.broadcast %parallel_loop3A_320 : i1 to vector<16xi1>
        %parallel_loop3A_322 = tpu.scan <sum>, %parallel_loop3A_311 masked %parallel_loop3A_321 : vector<16xf32>, vector<16xi1> -> vector<16xf32>
        %parallel_loop3A_323 = vector.extract %parallel_loop3A_322[15] : f32 from vector<16xf32>
        %parallel_loop3A_324 = arith.constant true
        %parallel_loop3A_325 = vector.broadcast %parallel_loop3A_324 : i1 to vector<16xi1>
        %parallel_loop3A_326 = tpu.scan <sum>, %parallel_loop3A_315 masked %parallel_loop3A_325 : vector<16xf32>, vector<16xi1> -> vector<16xf32>
        %parallel_loop3A_327 = vector.extract %parallel_loop3A_326[15] : f32 from vector<16xf32>
        %parallel_loop3A_328 = arith.constant 1.000000e-16 : f32
        %parallel_loop3A_329 = arith.maximumf %parallel_loop3A_323, %parallel_loop3A_328 : f32
        %parallel_loop3A_330 = arith.constant 1.000000e-16 : f32
        %parallel_loop3A_331 = arith.maximumf %parallel_loop3A_327, %parallel_loop3A_330 : f32
        %parallel_loop3A_332 = arith.mulf %parallel_loop3A_329, %parallel_loop3A_331 : f32
        %parallel_loop3A_333 = arith.bitcast %parallel_loop3A_332 : f32 to i32
        %parallel_loop3A_334 = arith.constant 1 : i32
        %parallel_loop3A_335 = arith.shrsi %parallel_loop3A_333, %parallel_loop3A_334 : i32
        %parallel_loop3A_336 = arith.constant 1597463007 : i32
        %parallel_loop3A_337 = arith.subi %parallel_loop3A_336, %parallel_loop3A_335 : i32
        %parallel_loop3A_338 = arith.bitcast %parallel_loop3A_337 : i32 to f32
        %parallel_loop3A_339 = arith.constant 5.000000e-01 : f32
        %parallel_loop3A_340 = arith.mulf %parallel_loop3A_339, %parallel_loop3A_332 : f32
        %parallel_loop3A_341 = arith.mulf %parallel_loop3A_340, %parallel_loop3A_338 : f32
        %parallel_loop3A_342 = arith.mulf %parallel_loop3A_341, %parallel_loop3A_338 : f32
        %parallel_loop3A_343 = arith.constant 1.500000e+00 : f32
        %parallel_loop3A_344 = arith.subf %parallel_loop3A_343, %parallel_loop3A_342 : f32
        %parallel_loop3A_345 = arith.mulf %parallel_loop3A_338, %parallel_loop3A_344 : f32
        %parallel_loop3A_346 = arith.constant 5.000000e-01 : f32
        %parallel_loop3A_347 = arith.mulf %parallel_loop3A_346, %parallel_loop3A_332 : f32
        %parallel_loop3A_348 = arith.mulf %parallel_loop3A_347, %parallel_loop3A_345 : f32
        %parallel_loop3A_349 = arith.mulf %parallel_loop3A_348, %parallel_loop3A_345 : f32
        %parallel_loop3A_350 = arith.constant 1.500000e+00 : f32
        %parallel_loop3A_351 = arith.subf %parallel_loop3A_350, %parallel_loop3A_349 : f32
        %parallel_loop3A_352 = arith.mulf %parallel_loop3A_345, %parallel_loop3A_351 : f32
        %parallel_loop3A_353 = arith.constant 5.000000e-01 : f32
        %parallel_loop3A_354 = arith.mulf %parallel_loop3A_353, %parallel_loop3A_332 : f32
        %parallel_loop3A_355 = arith.mulf %parallel_loop3A_354, %parallel_loop3A_352 : f32
        %parallel_loop3A_356 = arith.mulf %parallel_loop3A_355, %parallel_loop3A_352 : f32
        %parallel_loop3A_357 = arith.constant 1.500000e+00 : f32
        %parallel_loop3A_358 = arith.subf %parallel_loop3A_357, %parallel_loop3A_356 : f32
        %parallel_loop3A_359 = arith.mulf %parallel_loop3A_352, %parallel_loop3A_358 : f32
        %parallel_loop3A_360 = arith.mulf %parallel_loop3A_319, %parallel_loop3A_359 : f32
        %parallel_loop3A_361 = arith.addi %add3A_90, %parallel_loop3A_124 : i32
        %parallel_loop3A_362 = arith.constant 160000 : i32
        %parallel_loop3A_363 = arith.cmpi slt, %parallel_loop3A_361, %parallel_loop3A_362 : i32
        %parallel_loop3A_364 = arith.constant 1.000000e+00 : f32
        %parallel_loop3A_365 = arith.subf %parallel_loop3A_364, %parallel_loop3A_360 : f32
        %parallel_loop3A_366 = arith.constant 0.000000e+00 : f32
        %parallel_loop3A_367 = arith.select %parallel_loop3A_363, %parallel_loop3A_365, %parallel_loop3A_366 : f32
        %parallel_loop3A_368 = arith.addf %parallel_loop3A_125, %parallel_loop3A_367 : f32
        %parallel_loop3A_369 = arith.addf %parallel_loop3A_323, %parallel_loop3A_327 : f32
        %parallel_loop3A_370 = arith.constant 2.000000e+00 : f32
        %parallel_loop3A_371 = arith.mulf %parallel_loop3A_370, %parallel_loop3A_319 : f32
        %parallel_loop3A_372 = arith.subf %parallel_loop3A_369, %parallel_loop3A_371 : f32
        %parallel_loop3A_373 = arith.constant 0.000000e+00 : f32
        %parallel_loop3A_374 = arith.select %parallel_loop3A_363, %parallel_loop3A_372, %parallel_loop3A_373 : f32
        %parallel_loop3A_375 = arith.addf %parallel_loop3A_126, %parallel_loop3A_374 : f32
        scf.yield %parallel_loop3A_368, %parallel_loop3A_375 : f32, f32
      } {sc.loop_unroll_factor = 4 : i64, sc.parallel_access}
      %add3A_95 = arith.constant 2 : i32
      %add3A_96 = arith.addi %add3A_81, %add3A_95 : i32
      %lt3A_97 = arith.cmpi slt, %add3A_96, %select_n3A : i32
      %convert_element_type3A_98 = arith.extui %lt3A_97 : i1 to i32
      %cond3A_99 = arith.constant 0 : i32
      %cond3A_100 = arith.cmpi ne, %convert_element_type3A_98, %cond3A_99 : i32
      scf.if %cond3A_100 {
        %add3A_124 = arith.constant 2 : i32
        %add3A_125 = arith.addi %add3A_81, %add3A_124 : i32
        %mul3A_126 = arith.constant 120 : i32
        %mul3A_127 = arith.muli %add3A_125, %mul3A_126 : i32
        %add3A_128 = arith.addi %add3A_5, %mul3A_127 : i32
        "tpu.region"() ({
          %run_scoped3A = tpu.sem_alloc : memref<!tpu.dma_semaphore, #tpu.memory_space<semaphore_mem>>
          %dma_start3A_135 = tpu.memref_slice %arg3[%add3A_128] : memref<161280xi32, #tpu.memory_space<hbm>> -> memref<120xi32, #tpu.memory_space<hbm>>
          %dma_start3A_136 = tpu.memref_slice %arg3[%add3A_128] : memref<161280xi32, #tpu.memory_space<hbm>> -> memref<120xi32, #tpu.memory_space<hbm>>
          tpu.enqueue_dma source(%dma_start3A_136 : memref<120xi32, #tpu.memory_space<hbm>>) target(%arg6 : memref<120xi32, #tpu.memory_space<vmem>>) target_semaphore(%run_scoped3A : memref<!tpu.dma_semaphore, #tpu.memory_space<semaphore_mem>>)
          %dma_wait3A_137 = tpu.memref_slice %arg3[%add3A_128] : memref<161280xi32, #tpu.memory_space<hbm>> -> memref<120xi32, #tpu.memory_space<hbm>>
          %dma_wait3A_138 = tpu.memref_slice %arg3[%add3A_128] : memref<161280xi32, #tpu.memory_space<hbm>> -> memref<120xi32, #tpu.memory_space<hbm>>
          tpu.wait_dma2 semaphore(%run_scoped3A : memref<!tpu.dma_semaphore, #tpu.memory_space<semaphore_mem>>) src(%dma_wait3A_138 : memref<120xi32, #tpu.memory_space<hbm>>) dst(%arg6 : memref<120xi32, #tpu.memory_space<vmem>>)
          tpu.yield
        }) : () -> ()
        "tpu.region"() ({
          %run_scoped3A = tpu.sem_alloc : memref<!tpu.dma_semaphore, #tpu.memory_space<semaphore_mem>>
          %dma_start3A_135 = tpu.memref_slice %arg4[%add3A_128] : memref<161280xi32, #tpu.memory_space<hbm>> -> memref<120xi32, #tpu.memory_space<hbm>>
          %dma_start3A_136 = tpu.memref_slice %arg4[%add3A_128] : memref<161280xi32, #tpu.memory_space<hbm>> -> memref<120xi32, #tpu.memory_space<hbm>>
          tpu.enqueue_dma source(%dma_start3A_136 : memref<120xi32, #tpu.memory_space<hbm>>) target(%arg7 : memref<120xi32, #tpu.memory_space<vmem>>) target_semaphore(%run_scoped3A : memref<!tpu.dma_semaphore, #tpu.memory_space<semaphore_mem>>)
          %dma_wait3A_137 = tpu.memref_slice %arg4[%add3A_128] : memref<161280xi32, #tpu.memory_space<hbm>> -> memref<120xi32, #tpu.memory_space<hbm>>
          %dma_wait3A_138 = tpu.memref_slice %arg4[%add3A_128] : memref<161280xi32, #tpu.memory_space<hbm>> -> memref<120xi32, #tpu.memory_space<hbm>>
          tpu.wait_dma2 semaphore(%run_scoped3A : memref<!tpu.dma_semaphore, #tpu.memory_space<semaphore_mem>>) src(%dma_wait3A_138 : memref<120xi32, #tpu.memory_space<hbm>>) dst(%arg7 : memref<120xi32, #tpu.memory_space<vmem>>)
          tpu.yield
        }) : () -> ()
        %dma_start3A_129 = arith.constant 0 : i32
        %dma_start3A_130 = arith.constant 0 : i32
        %dma_start3A_131 = tpu.memref_slice %arg2[%dma_start3A_129, %dma_start3A_130] : memref<10000x128xf32, #tpu.memory_space<hbm>> -> memref<10000x128xf32, #tpu.memory_space<hbm>>
        tpu.enqueue_indirect_dma source(%dma_start3A_131 : memref<10000x128xf32, #tpu.memory_space<hbm>>) target(%arg8 : memref<120x128xf32, #tpu.memory_space<vmem>>) offsets(%arg6 : memref<120xi32, #tpu.memory_space<vmem>>) semaphore(%arg10 : memref<!tpu.dma_semaphore, #tpu.memory_space<semaphore_mem>>)
        %dma_start3A_132 = arith.constant 0 : i32
        %dma_start3A_133 = arith.constant 0 : i32
        %dma_start3A_134 = tpu.memref_slice %arg2[%dma_start3A_132, %dma_start3A_133] : memref<10000x128xf32, #tpu.memory_space<hbm>> -> memref<10000x128xf32, #tpu.memory_space<hbm>>
        tpu.enqueue_indirect_dma source(%dma_start3A_134 : memref<10000x128xf32, #tpu.memory_space<hbm>>) target(%arg9 : memref<120x128xf32, #tpu.memory_space<vmem>>) offsets(%arg7 : memref<120xi32, #tpu.memory_space<vmem>>) semaphore(%arg10 : memref<!tpu.dma_semaphore, #tpu.memory_space<semaphore_mem>>)
      } else {
      }
      %mul3A_101 = arith.constant 3 : i32
      %mul3A_102 = arith.muli %while3A_56, %mul3A_101 : i32
      %add3A_103 = arith.constant 2 : i32
      %add3A_104 = arith.addi %mul3A_102, %add3A_103 : i32
      %dma_wait3A_105 = arith.constant 0 : i32
      %dma_wait3A_106 = arith.constant 0 : i32
      %dma_wait3A_107 = tpu.memref_slice %arg2[%dma_wait3A_105, %dma_wait3A_106] : memref<10000x128xf32, #tpu.memory_space<hbm>> -> memref<10000x128xf32, #tpu.memory_space<hbm>>
      tpu.wait_indirect_dma semaphore(%arg20 : memref<!tpu.dma_semaphore, #tpu.memory_space<semaphore_mem>>) src(%dma_wait3A_107 : memref<10000x128xf32, #tpu.memory_space<hbm>>) dst(%arg18 : memref<120x128xf32, #tpu.memory_space<vmem>>)
      %dma_wait3A_108 = arith.constant 0 : i32
      %dma_wait3A_109 = arith.constant 0 : i32
      %dma_wait3A_110 = tpu.memref_slice %arg2[%dma_wait3A_108, %dma_wait3A_109] : memref<10000x128xf32, #tpu.memory_space<hbm>> -> memref<10000x128xf32, #tpu.memory_space<hbm>>
      tpu.wait_indirect_dma semaphore(%arg20 : memref<!tpu.dma_semaphore, #tpu.memory_space<semaphore_mem>>) src(%dma_wait3A_110 : memref<10000x128xf32, #tpu.memory_space<hbm>>) dst(%arg19 : memref<120x128xf32, #tpu.memory_space<vmem>>)
      %mul3A_111 = arith.constant 120 : i32
      %mul3A_112 = arith.muli %add3A_104, %mul3A_111 : i32
      %add3A_113 = arith.addi %add3A_5, %mul3A_112 : i32
      %parallel_loop3A_114 = arith.constant 0 : i32
      %parallel_loop3A_115 = arith.constant 120 : i32
      %parallel_loop3A_116 = arith.constant 1 : i32
      %parallel_loop3A_117:2 = scf.for %parallel_loop3A_124 = %parallel_loop3A_114 to %parallel_loop3A_115 step %parallel_loop3A_116 iter_args(%parallel_loop3A_125 = %parallel_loop3A_94#0, %parallel_loop3A_126 = %parallel_loop3A_94#1) -> (f32, f32)  : i32 {
        %parallel_loop3A_127 = arith.index_cast %parallel_loop3A_124 : i32 to index
        %parallel_loop3A_128 = arith.constant 0 : index
        %parallel_loop3A_129 = tpu.vector_load %arg18[%parallel_loop3A_127, %parallel_loop3A_128] {strides = array<i32>} : memref<120x128xf32, #tpu.memory_space<vmem>>, vector<16xf32>,
        %parallel_loop3A_130 = vector.bitcast %parallel_loop3A_129 : vector<16xf32> to vector<32xbf16>
        %parallel_loop3A_131 = tpu.unpack_subelements %parallel_loop3A_130, 0 {pack_format = #tpu.pack_format<interleaved>} : vector<32xbf16> -> vector<16xf32>
        %parallel_loop3A_132 = tpu.unpack_subelements %parallel_loop3A_130, 1 {pack_format = #tpu.pack_format<interleaved>} : vector<32xbf16> -> vector<16xf32>
        %parallel_loop3A_133 = arith.index_cast %parallel_loop3A_124 : i32 to index
        %parallel_loop3A_134 = arith.constant 0 : index
        %parallel_loop3A_135 = tpu.vector_load %arg19[%parallel_loop3A_133, %parallel_loop3A_134] {strides = array<i32>} : memref<120x128xf32, #tpu.memory_space<vmem>>, vector<16xf32>,
        %parallel_loop3A_136 = vector.bitcast %parallel_loop3A_135 : vector<16xf32> to vector<32xbf16>
        %parallel_loop3A_137 = tpu.unpack_subelements %parallel_loop3A_136, 0 {pack_format = #tpu.pack_format<interleaved>} : vector<32xbf16> -> vector<16xf32>
        %parallel_loop3A_138 = tpu.unpack_subelements %parallel_loop3A_136, 1 {pack_format = #tpu.pack_format<interleaved>} : vector<32xbf16> -> vector<16xf32>
        %parallel_loop3A_139 = arith.mulf %parallel_loop3A_131, %parallel_loop3A_137 : vector<16xf32>
        %parallel_loop3A_140 = arith.mulf %parallel_loop3A_132, %parallel_loop3A_138 : vector<16xf32>
        %parallel_loop3A_141 = arith.addf %parallel_loop3A_139, %parallel_loop3A_140 : vector<16xf32>
        %parallel_loop3A_142 = arith.mulf %parallel_loop3A_131, %parallel_loop3A_131 : vector<16xf32>
        %parallel_loop3A_143 = arith.mulf %parallel_loop3A_132, %parallel_loop3A_132 : vector<16xf32>
        %parallel_loop3A_144 = arith.addf %parallel_loop3A_142, %parallel_loop3A_143 : vector<16xf32>
        %parallel_loop3A_145 = arith.mulf %parallel_loop3A_137, %parallel_loop3A_137 : vector<16xf32>
        %parallel_loop3A_146 = arith.mulf %parallel_loop3A_138, %parallel_loop3A_138 : vector<16xf32>
        %parallel_loop3A_147 = arith.addf %parallel_loop3A_145, %parallel_loop3A_146 : vector<16xf32>
        %parallel_loop3A_148 = arith.index_cast %parallel_loop3A_124 : i32 to index
        %parallel_loop3A_149 = arith.constant 16 : index
        %parallel_loop3A_150 = tpu.vector_load %arg18[%parallel_loop3A_148, %parallel_loop3A_149] {strides = array<i32>} : memref<120x128xf32, #tpu.memory_space<vmem>>, vector<16xf32>,
        %parallel_loop3A_151 = vector.bitcast %parallel_loop3A_150 : vector<16xf32> to vector<32xbf16>
        %parallel_loop3A_152 = tpu.unpack_subelements %parallel_loop3A_151, 0 {pack_format = #tpu.pack_format<interleaved>} : vector<32xbf16> -> vector<16xf32>
        %parallel_loop3A_153 = tpu.unpack_subelements %parallel_loop3A_151, 1 {pack_format = #tpu.pack_format<interleaved>} : vector<32xbf16> -> vector<16xf32>
        %parallel_loop3A_154 = arith.index_cast %parallel_loop3A_124 : i32 to index
        %parallel_loop3A_155 = arith.constant 16 : index
        %parallel_loop3A_156 = tpu.vector_load %arg19[%parallel_loop3A_154, %parallel_loop3A_155] {strides = array<i32>} : memref<120x128xf32, #tpu.memory_space<vmem>>, vector<16xf32>,
        %parallel_loop3A_157 = vector.bitcast %parallel_loop3A_156 : vector<16xf32> to vector<32xbf16>
        %parallel_loop3A_158 = tpu.unpack_subelements %parallel_loop3A_157, 0 {pack_format = #tpu.pack_format<interleaved>} : vector<32xbf16> -> vector<16xf32>
        %parallel_loop3A_159 = tpu.unpack_subelements %parallel_loop3A_157, 1 {pack_format = #tpu.pack_format<interleaved>} : vector<32xbf16> -> vector<16xf32>
        %parallel_loop3A_160 = arith.mulf %parallel_loop3A_152, %parallel_loop3A_158 : vector<16xf32>
        %parallel_loop3A_161 = arith.addf %parallel_loop3A_141, %parallel_loop3A_160 : vector<16xf32>
        %parallel_loop3A_162 = arith.mulf %parallel_loop3A_153, %parallel_loop3A_159 : vector<16xf32>
        %parallel_loop3A_163 = arith.addf %parallel_loop3A_161, %parallel_loop3A_162 : vector<16xf32>
        %parallel_loop3A_164 = arith.mulf %parallel_loop3A_152, %parallel_loop3A_152 : vector<16xf32>
        %parallel_loop3A_165 = arith.addf %parallel_loop3A_144, %parallel_loop3A_164 : vector<16xf32>
        %parallel_loop3A_166 = arith.mulf %parallel_loop3A_153, %parallel_loop3A_153 : vector<16xf32>
        %parallel_loop3A_167 = arith.addf %parallel_loop3A_165, %parallel_loop3A_166 : vector<16xf32>
        %parallel_loop3A_168 = arith.mulf %parallel_loop3A_158, %parallel_loop3A_158 : vector<16xf32>
        %parallel_loop3A_169 = arith.addf %parallel_loop3A_147, %parallel_loop3A_168 : vector<16xf32>
        %parallel_loop3A_170 = arith.mulf %parallel_loop3A_159, %parallel_loop3A_159 : vector<16xf32>
        %parallel_loop3A_171 = arith.addf %parallel_loop3A_169, %parallel_loop3A_170 : vector<16xf32>
        %parallel_loop3A_172 = arith.index_cast %parallel_loop3A_124 : i32 to index
        %parallel_loop3A_173 = arith.constant 32 : index
        %parallel_loop3A_174 = tpu.vector_load %arg18[%parallel_loop3A_172, %parallel_loop3A_173] {strides = array<i32>} : memref<120x128xf32, #tpu.memory_space<vmem>>, vector<16xf32>,
        %parallel_loop3A_175 = vector.bitcast %parallel_loop3A_174 : vector<16xf32> to vector<32xbf16>
        %parallel_loop3A_176 = tpu.unpack_subelements %parallel_loop3A_175, 0 {pack_format = #tpu.pack_format<interleaved>} : vector<32xbf16> -> vector<16xf32>
        %parallel_loop3A_177 = tpu.unpack_subelements %parallel_loop3A_175, 1 {pack_format = #tpu.pack_format<interleaved>} : vector<32xbf16> -> vector<16xf32>
        %parallel_loop3A_178 = arith.index_cast %parallel_loop3A_124 : i32 to index
        %parallel_loop3A_179 = arith.constant 32 : index
        %parallel_loop3A_180 = tpu.vector_load %arg19[%parallel_loop3A_178, %parallel_loop3A_179] {strides = array<i32>} : memref<120x128xf32, #tpu.memory_space<vmem>>, vector<16xf32>,
        %parallel_loop3A_181 = vector.bitcast %parallel_loop3A_180 : vector<16xf32> to vector<32xbf16>
        %parallel_loop3A_182 = tpu.unpack_subelements %parallel_loop3A_181, 0 {pack_format = #tpu.pack_format<interleaved>} : vector<32xbf16> -> vector<16xf32>
        %parallel_loop3A_183 = tpu.unpack_subelements %parallel_loop3A_181, 1 {pack_format = #tpu.pack_format<interleaved>} : vector<32xbf16> -> vector<16xf32>
        %parallel_loop3A_184 = arith.mulf %parallel_loop3A_176, %parallel_loop3A_182 : vector<16xf32>
        %parallel_loop3A_185 = arith.addf %parallel_loop3A_163, %parallel_loop3A_184 : vector<16xf32>
        %parallel_loop3A_186 = arith.mulf %parallel_loop3A_177, %parallel_loop3A_183 : vector<16xf32>
        %parallel_loop3A_187 = arith.addf %parallel_loop3A_185, %parallel_loop3A_186 : vector<16xf32>
        %parallel_loop3A_188 = arith.mulf %parallel_loop3A_176, %parallel_loop3A_176 : vector<16xf32>
        %parallel_loop3A_189 = arith.addf %parallel_loop3A_167, %parallel_loop3A_188 : vector<16xf32>
        %parallel_loop3A_190 = arith.mulf %parallel_loop3A_177, %parallel_loop3A_177 : vector<16xf32>
        %parallel_loop3A_191 = arith.addf %parallel_loop3A_189, %parallel_loop3A_190 : vector<16xf32>
        %parallel_loop3A_192 = arith.mulf %parallel_loop3A_182, %parallel_loop3A_182 : vector<16xf32>
        %parallel_loop3A_193 = arith.addf %parallel_loop3A_171, %parallel_loop3A_192 : vector<16xf32>
        %parallel_loop3A_194 = arith.mulf %parallel_loop3A_183, %parallel_loop3A_183 : vector<16xf32>
        %parallel_loop3A_195 = arith.addf %parallel_loop3A_193, %parallel_loop3A_194 : vector<16xf32>
        %parallel_loop3A_196 = arith.index_cast %parallel_loop3A_124 : i32 to index
        %parallel_loop3A_197 = arith.constant 48 : index
        %parallel_loop3A_198 = tpu.vector_load %arg18[%parallel_loop3A_196, %parallel_loop3A_197] {strides = array<i32>} : memref<120x128xf32, #tpu.memory_space<vmem>>, vector<16xf32>,
        %parallel_loop3A_199 = vector.bitcast %parallel_loop3A_198 : vector<16xf32> to vector<32xbf16>
        %parallel_loop3A_200 = tpu.unpack_subelements %parallel_loop3A_199, 0 {pack_format = #tpu.pack_format<interleaved>} : vector<32xbf16> -> vector<16xf32>
        %parallel_loop3A_201 = tpu.unpack_subelements %parallel_loop3A_199, 1 {pack_format = #tpu.pack_format<interleaved>} : vector<32xbf16> -> vector<16xf32>
        %parallel_loop3A_202 = arith.index_cast %parallel_loop3A_124 : i32 to index
        %parallel_loop3A_203 = arith.constant 48 : index
        %parallel_loop3A_204 = tpu.vector_load %arg19[%parallel_loop3A_202, %parallel_loop3A_203] {strides = array<i32>} : memref<120x128xf32, #tpu.memory_space<vmem>>, vector<16xf32>,
        %parallel_loop3A_205 = vector.bitcast %parallel_loop3A_204 : vector<16xf32> to vector<32xbf16>
        %parallel_loop3A_206 = tpu.unpack_subelements %parallel_loop3A_205, 0 {pack_format = #tpu.pack_format<interleaved>} : vector<32xbf16> -> vector<16xf32>
        %parallel_loop3A_207 = tpu.unpack_subelements %parallel_loop3A_205, 1 {pack_format = #tpu.pack_format<interleaved>} : vector<32xbf16> -> vector<16xf32>
        %parallel_loop3A_208 = arith.mulf %parallel_loop3A_200, %parallel_loop3A_206 : vector<16xf32>
        %parallel_loop3A_209 = arith.addf %parallel_loop3A_187, %parallel_loop3A_208 : vector<16xf32>
        %parallel_loop3A_210 = arith.mulf %parallel_loop3A_201, %parallel_loop3A_207 : vector<16xf32>
        %parallel_loop3A_211 = arith.addf %parallel_loop3A_209, %parallel_loop3A_210 : vector<16xf32>
        %parallel_loop3A_212 = arith.mulf %parallel_loop3A_200, %parallel_loop3A_200 : vector<16xf32>
        %parallel_loop3A_213 = arith.addf %parallel_loop3A_191, %parallel_loop3A_212 : vector<16xf32>
        %parallel_loop3A_214 = arith.mulf %parallel_loop3A_201, %parallel_loop3A_201 : vector<16xf32>
        %parallel_loop3A_215 = arith.addf %parallel_loop3A_213, %parallel_loop3A_214 : vector<16xf32>
        %parallel_loop3A_216 = arith.mulf %parallel_loop3A_206, %parallel_loop3A_206 : vector<16xf32>
        %parallel_loop3A_217 = arith.addf %parallel_loop3A_195, %parallel_loop3A_216 : vector<16xf32>
        %parallel_loop3A_218 = arith.mulf %parallel_loop3A_207, %parallel_loop3A_207 : vector<16xf32>
        %parallel_loop3A_219 = arith.addf %parallel_loop3A_217, %parallel_loop3A_218 : vector<16xf32>
        %parallel_loop3A_220 = arith.index_cast %parallel_loop3A_124 : i32 to index
        %parallel_loop3A_221 = arith.constant 64 : index
        %parallel_loop3A_222 = tpu.vector_load %arg18[%parallel_loop3A_220, %parallel_loop3A_221] {strides = array<i32>} : memref<120x128xf32, #tpu.memory_space<vmem>>, vector<16xf32>,
        %parallel_loop3A_223 = vector.bitcast %parallel_loop3A_222 : vector<16xf32> to vector<32xbf16>
        %parallel_loop3A_224 = tpu.unpack_subelements %parallel_loop3A_223, 0 {pack_format = #tpu.pack_format<interleaved>} : vector<32xbf16> -> vector<16xf32>
        %parallel_loop3A_225 = tpu.unpack_subelements %parallel_loop3A_223, 1 {pack_format = #tpu.pack_format<interleaved>} : vector<32xbf16> -> vector<16xf32>
        %parallel_loop3A_226 = arith.index_cast %parallel_loop3A_124 : i32 to index
        %parallel_loop3A_227 = arith.constant 64 : index
        %parallel_loop3A_228 = tpu.vector_load %arg19[%parallel_loop3A_226, %parallel_loop3A_227] {strides = array<i32>} : memref<120x128xf32, #tpu.memory_space<vmem>>, vector<16xf32>,
        %parallel_loop3A_229 = vector.bitcast %parallel_loop3A_228 : vector<16xf32> to vector<32xbf16>
        %parallel_loop3A_230 = tpu.unpack_subelements %parallel_loop3A_229, 0 {pack_format = #tpu.pack_format<interleaved>} : vector<32xbf16> -> vector<16xf32>
        %parallel_loop3A_231 = tpu.unpack_subelements %parallel_loop3A_229, 1 {pack_format = #tpu.pack_format<interleaved>} : vector<32xbf16> -> vector<16xf32>
        %parallel_loop3A_232 = arith.mulf %parallel_loop3A_224, %parallel_loop3A_230 : vector<16xf32>
        %parallel_loop3A_233 = arith.addf %parallel_loop3A_211, %parallel_loop3A_232 : vector<16xf32>
        %parallel_loop3A_234 = arith.mulf %parallel_loop3A_225, %parallel_loop3A_231 : vector<16xf32>
        %parallel_loop3A_235 = arith.addf %parallel_loop3A_233, %parallel_loop3A_234 : vector<16xf32>
        %parallel_loop3A_236 = arith.mulf %parallel_loop3A_224, %parallel_loop3A_224 : vector<16xf32>
        %parallel_loop3A_237 = arith.addf %parallel_loop3A_215, %parallel_loop3A_236 : vector<16xf32>
        %parallel_loop3A_238 = arith.mulf %parallel_loop3A_225, %parallel_loop3A_225 : vector<16xf32>
        %parallel_loop3A_239 = arith.addf %parallel_loop3A_237, %parallel_loop3A_238 : vector<16xf32>
        %parallel_loop3A_240 = arith.mulf %parallel_loop3A_230, %parallel_loop3A_230 : vector<16xf32>
        %parallel_loop3A_241 = arith.addf %parallel_loop3A_219, %parallel_loop3A_240 : vector<16xf32>
        %parallel_loop3A_242 = arith.mulf %parallel_loop3A_231, %parallel_loop3A_231 : vector<16xf32>
        %parallel_loop3A_243 = arith.addf %parallel_loop3A_241, %parallel_loop3A_242 : vector<16xf32>
        %parallel_loop3A_244 = arith.index_cast %parallel_loop3A_124 : i32 to index
        %parallel_loop3A_245 = arith.constant 80 : index
        %parallel_loop3A_246 = tpu.vector_load %arg18[%parallel_loop3A_244, %parallel_loop3A_245] {strides = array<i32>} : memref<120x128xf32, #tpu.memory_space<vmem>>, vector<16xf32>,
        %parallel_loop3A_247 = vector.bitcast %parallel_loop3A_246 : vector<16xf32> to vector<32xbf16>
        %parallel_loop3A_248 = tpu.unpack_subelements %parallel_loop3A_247, 0 {pack_format = #tpu.pack_format<interleaved>} : vector<32xbf16> -> vector<16xf32>
        %parallel_loop3A_249 = tpu.unpack_subelements %parallel_loop3A_247, 1 {pack_format = #tpu.pack_format<interleaved>} : vector<32xbf16> -> vector<16xf32>
        %parallel_loop3A_250 = arith.index_cast %parallel_loop3A_124 : i32 to index
        %parallel_loop3A_251 = arith.constant 80 : index
        %parallel_loop3A_252 = tpu.vector_load %arg19[%parallel_loop3A_250, %parallel_loop3A_251] {strides = array<i32>} : memref<120x128xf32, #tpu.memory_space<vmem>>, vector<16xf32>,
        %parallel_loop3A_253 = vector.bitcast %parallel_loop3A_252 : vector<16xf32> to vector<32xbf16>
        %parallel_loop3A_254 = tpu.unpack_subelements %parallel_loop3A_253, 0 {pack_format = #tpu.pack_format<interleaved>} : vector<32xbf16> -> vector<16xf32>
        %parallel_loop3A_255 = tpu.unpack_subelements %parallel_loop3A_253, 1 {pack_format = #tpu.pack_format<interleaved>} : vector<32xbf16> -> vector<16xf32>
        %parallel_loop3A_256 = arith.mulf %parallel_loop3A_248, %parallel_loop3A_254 : vector<16xf32>
        %parallel_loop3A_257 = arith.addf %parallel_loop3A_235, %parallel_loop3A_256 : vector<16xf32>
        %parallel_loop3A_258 = arith.mulf %parallel_loop3A_249, %parallel_loop3A_255 : vector<16xf32>
        %parallel_loop3A_259 = arith.addf %parallel_loop3A_257, %parallel_loop3A_258 : vector<16xf32>
        %parallel_loop3A_260 = arith.mulf %parallel_loop3A_248, %parallel_loop3A_248 : vector<16xf32>
        %parallel_loop3A_261 = arith.addf %parallel_loop3A_239, %parallel_loop3A_260 : vector<16xf32>
        %parallel_loop3A_262 = arith.mulf %parallel_loop3A_249, %parallel_loop3A_249 : vector<16xf32>
        %parallel_loop3A_263 = arith.addf %parallel_loop3A_261, %parallel_loop3A_262 : vector<16xf32>
        %parallel_loop3A_264 = arith.mulf %parallel_loop3A_254, %parallel_loop3A_254 : vector<16xf32>
        %parallel_loop3A_265 = arith.addf %parallel_loop3A_243, %parallel_loop3A_264 : vector<16xf32>
        %parallel_loop3A_266 = arith.mulf %parallel_loop3A_255, %parallel_loop3A_255 : vector<16xf32>
        %parallel_loop3A_267 = arith.addf %parallel_loop3A_265, %parallel_loop3A_266 : vector<16xf32>
        %parallel_loop3A_268 = arith.index_cast %parallel_loop3A_124 : i32 to index
        %parallel_loop3A_269 = arith.constant 96 : index
        %parallel_loop3A_270 = tpu.vector_load %arg18[%parallel_loop3A_268, %parallel_loop3A_269] {strides = array<i32>} : memref<120x128xf32, #tpu.memory_space<vmem>>, vector<16xf32>,
        %parallel_loop3A_271 = vector.bitcast %parallel_loop3A_270 : vector<16xf32> to vector<32xbf16>
        %parallel_loop3A_272 = tpu.unpack_subelements %parallel_loop3A_271, 0 {pack_format = #tpu.pack_format<interleaved>} : vector<32xbf16> -> vector<16xf32>
        %parallel_loop3A_273 = tpu.unpack_subelements %parallel_loop3A_271, 1 {pack_format = #tpu.pack_format<interleaved>} : vector<32xbf16> -> vector<16xf32>
        %parallel_loop3A_274 = arith.index_cast %parallel_loop3A_124 : i32 to index
        %parallel_loop3A_275 = arith.constant 96 : index
        %parallel_loop3A_276 = tpu.vector_load %arg19[%parallel_loop3A_274, %parallel_loop3A_275] {strides = array<i32>} : memref<120x128xf32, #tpu.memory_space<vmem>>, vector<16xf32>,
        %parallel_loop3A_277 = vector.bitcast %parallel_loop3A_276 : vector<16xf32> to vector<32xbf16>
        %parallel_loop3A_278 = tpu.unpack_subelements %parallel_loop3A_277, 0 {pack_format = #tpu.pack_format<interleaved>} : vector<32xbf16> -> vector<16xf32>
        %parallel_loop3A_279 = tpu.unpack_subelements %parallel_loop3A_277, 1 {pack_format = #tpu.pack_format<interleaved>} : vector<32xbf16> -> vector<16xf32>
        %parallel_loop3A_280 = arith.mulf %parallel_loop3A_272, %parallel_loop3A_278 : vector<16xf32>
        %parallel_loop3A_281 = arith.addf %parallel_loop3A_259, %parallel_loop3A_280 : vector<16xf32>
        %parallel_loop3A_282 = arith.mulf %parallel_loop3A_273, %parallel_loop3A_279 : vector<16xf32>
        %parallel_loop3A_283 = arith.addf %parallel_loop3A_281, %parallel_loop3A_282 : vector<16xf32>
        %parallel_loop3A_284 = arith.mulf %parallel_loop3A_272, %parallel_loop3A_272 : vector<16xf32>
        %parallel_loop3A_285 = arith.addf %parallel_loop3A_263, %parallel_loop3A_284 : vector<16xf32>
        %parallel_loop3A_286 = arith.mulf %parallel_loop3A_273, %parallel_loop3A_273 : vector<16xf32>
        %parallel_loop3A_287 = arith.addf %parallel_loop3A_285, %parallel_loop3A_286 : vector<16xf32>
        %parallel_loop3A_288 = arith.mulf %parallel_loop3A_278, %parallel_loop3A_278 : vector<16xf32>
        %parallel_loop3A_289 = arith.addf %parallel_loop3A_267, %parallel_loop3A_288 : vector<16xf32>
        %parallel_loop3A_290 = arith.mulf %parallel_loop3A_279, %parallel_loop3A_279 : vector<16xf32>
        %parallel_loop3A_291 = arith.addf %parallel_loop3A_289, %parallel_loop3A_290 : vector<16xf32>
        %parallel_loop3A_292 = arith.index_cast %parallel_loop3A_124 : i32 to index
        %parallel_loop3A_293 = arith.constant 112 : index
        %parallel_loop3A_294 = tpu.vector_load %arg18[%parallel_loop3A_292, %parallel_loop3A_293] {strides = array<i32>} : memref<120x128xf32, #tpu.memory_space<vmem>>, vector<16xf32>,
        %parallel_loop3A_295 = vector.bitcast %parallel_loop3A_294 : vector<16xf32> to vector<32xbf16>
        %parallel_loop3A_296 = tpu.unpack_subelements %parallel_loop3A_295, 0 {pack_format = #tpu.pack_format<interleaved>} : vector<32xbf16> -> vector<16xf32>
        %parallel_loop3A_297 = tpu.unpack_subelements %parallel_loop3A_295, 1 {pack_format = #tpu.pack_format<interleaved>} : vector<32xbf16> -> vector<16xf32>
        %parallel_loop3A_298 = arith.index_cast %parallel_loop3A_124 : i32 to index
        %parallel_loop3A_299 = arith.constant 112 : index
        %parallel_loop3A_300 = tpu.vector_load %arg19[%parallel_loop3A_298, %parallel_loop3A_299] {strides = array<i32>} : memref<120x128xf32, #tpu.memory_space<vmem>>, vector<16xf32>,
        %parallel_loop3A_301 = vector.bitcast %parallel_loop3A_300 : vector<16xf32> to vector<32xbf16>
        %parallel_loop3A_302 = tpu.unpack_subelements %parallel_loop3A_301, 0 {pack_format = #tpu.pack_format<interleaved>} : vector<32xbf16> -> vector<16xf32>
        %parallel_loop3A_303 = tpu.unpack_subelements %parallel_loop3A_301, 1 {pack_format = #tpu.pack_format<interleaved>} : vector<32xbf16> -> vector<16xf32>
        %parallel_loop3A_304 = arith.mulf %parallel_loop3A_296, %parallel_loop3A_302 : vector<16xf32>
        %parallel_loop3A_305 = arith.addf %parallel_loop3A_283, %parallel_loop3A_304 : vector<16xf32>
        %parallel_loop3A_306 = arith.mulf %parallel_loop3A_297, %parallel_loop3A_303 : vector<16xf32>
        %parallel_loop3A_307 = arith.addf %parallel_loop3A_305, %parallel_loop3A_306 : vector<16xf32>
        %parallel_loop3A_308 = arith.mulf %parallel_loop3A_296, %parallel_loop3A_296 : vector<16xf32>
        %parallel_loop3A_309 = arith.addf %parallel_loop3A_287, %parallel_loop3A_308 : vector<16xf32>
        %parallel_loop3A_310 = arith.mulf %parallel_loop3A_297, %parallel_loop3A_297 : vector<16xf32>
        %parallel_loop3A_311 = arith.addf %parallel_loop3A_309, %parallel_loop3A_310 : vector<16xf32>
        %parallel_loop3A_312 = arith.mulf %parallel_loop3A_302, %parallel_loop3A_302 : vector<16xf32>
        %parallel_loop3A_313 = arith.addf %parallel_loop3A_291, %parallel_loop3A_312 : vector<16xf32>
        %parallel_loop3A_314 = arith.mulf %parallel_loop3A_303, %parallel_loop3A_303 : vector<16xf32>
        %parallel_loop3A_315 = arith.addf %parallel_loop3A_313, %parallel_loop3A_314 : vector<16xf32>
        %parallel_loop3A_316 = arith.constant true
        %parallel_loop3A_317 = vector.broadcast %parallel_loop3A_316 : i1 to vector<16xi1>
        %parallel_loop3A_318 = tpu.scan <sum>, %parallel_loop3A_307 masked %parallel_loop3A_317 : vector<16xf32>, vector<16xi1> -> vector<16xf32>
        %parallel_loop3A_319 = vector.extract %parallel_loop3A_318[15] : f32 from vector<16xf32>
        %parallel_loop3A_320 = arith.constant true
        %parallel_loop3A_321 = vector.broadcast %parallel_loop3A_320 : i1 to vector<16xi1>
        %parallel_loop3A_322 = tpu.scan <sum>, %parallel_loop3A_311 masked %parallel_loop3A_321 : vector<16xf32>, vector<16xi1> -> vector<16xf32>
        %parallel_loop3A_323 = vector.extract %parallel_loop3A_322[15] : f32 from vector<16xf32>
        %parallel_loop3A_324 = arith.constant true
        %parallel_loop3A_325 = vector.broadcast %parallel_loop3A_324 : i1 to vector<16xi1>
        %parallel_loop3A_326 = tpu.scan <sum>, %parallel_loop3A_315 masked %parallel_loop3A_325 : vector<16xf32>, vector<16xi1> -> vector<16xf32>
        %parallel_loop3A_327 = vector.extract %parallel_loop3A_326[15] : f32 from vector<16xf32>
        %parallel_loop3A_328 = arith.constant 1.000000e-16 : f32
        %parallel_loop3A_329 = arith.maximumf %parallel_loop3A_323, %parallel_loop3A_328 : f32
        %parallel_loop3A_330 = arith.constant 1.000000e-16 : f32
        %parallel_loop3A_331 = arith.maximumf %parallel_loop3A_327, %parallel_loop3A_330 : f32
        %parallel_loop3A_332 = arith.mulf %parallel_loop3A_329, %parallel_loop3A_331 : f32
        %parallel_loop3A_333 = arith.bitcast %parallel_loop3A_332 : f32 to i32
        %parallel_loop3A_334 = arith.constant 1 : i32
        %parallel_loop3A_335 = arith.shrsi %parallel_loop3A_333, %parallel_loop3A_334 : i32
        %parallel_loop3A_336 = arith.constant 1597463007 : i32
        %parallel_loop3A_337 = arith.subi %parallel_loop3A_336, %parallel_loop3A_335 : i32
        %parallel_loop3A_338 = arith.bitcast %parallel_loop3A_337 : i32 to f32
        %parallel_loop3A_339 = arith.constant 5.000000e-01 : f32
        %parallel_loop3A_340 = arith.mulf %parallel_loop3A_339, %parallel_loop3A_332 : f32
        %parallel_loop3A_341 = arith.mulf %parallel_loop3A_340, %parallel_loop3A_338 : f32
        %parallel_loop3A_342 = arith.mulf %parallel_loop3A_341, %parallel_loop3A_338 : f32
        %parallel_loop3A_343 = arith.constant 1.500000e+00 : f32
        %parallel_loop3A_344 = arith.subf %parallel_loop3A_343, %parallel_loop3A_342 : f32
        %parallel_loop3A_345 = arith.mulf %parallel_loop3A_338, %parallel_loop3A_344 : f32
        %parallel_loop3A_346 = arith.constant 5.000000e-01 : f32
        %parallel_loop3A_347 = arith.mulf %parallel_loop3A_346, %parallel_loop3A_332 : f32
        %parallel_loop3A_348 = arith.mulf %parallel_loop3A_347, %parallel_loop3A_345 : f32
        %parallel_loop3A_349 = arith.mulf %parallel_loop3A_348, %parallel_loop3A_345 : f32
        %parallel_loop3A_350 = arith.constant 1.500000e+00 : f32
        %parallel_loop3A_351 = arith.subf %parallel_loop3A_350, %parallel_loop3A_349 : f32
        %parallel_loop3A_352 = arith.mulf %parallel_loop3A_345, %parallel_loop3A_351 : f32
        %parallel_loop3A_353 = arith.constant 5.000000e-01 : f32
        %parallel_loop3A_354 = arith.mulf %parallel_loop3A_353, %parallel_loop3A_332 : f32
        %parallel_loop3A_355 = arith.mulf %parallel_loop3A_354, %parallel_loop3A_352 : f32
        %parallel_loop3A_356 = arith.mulf %parallel_loop3A_355, %parallel_loop3A_352 : f32
        %parallel_loop3A_357 = arith.constant 1.500000e+00 : f32
        %parallel_loop3A_358 = arith.subf %parallel_loop3A_357, %parallel_loop3A_356 : f32
        %parallel_loop3A_359 = arith.mulf %parallel_loop3A_352, %parallel_loop3A_358 : f32
        %parallel_loop3A_360 = arith.mulf %parallel_loop3A_319, %parallel_loop3A_359 : f32
        %parallel_loop3A_361 = arith.addi %add3A_113, %parallel_loop3A_124 : i32
        %parallel_loop3A_362 = arith.constant 160000 : i32
        %parallel_loop3A_363 = arith.cmpi slt, %parallel_loop3A_361, %parallel_loop3A_362 : i32
        %parallel_loop3A_364 = arith.constant 1.000000e+00 : f32
        %parallel_loop3A_365 = arith.subf %parallel_loop3A_364, %parallel_loop3A_360 : f32
        %parallel_loop3A_366 = arith.constant 0.000000e+00 : f32
        %parallel_loop3A_367 = arith.select %parallel_loop3A_363, %parallel_loop3A_365, %parallel_loop3A_366 : f32
        %parallel_loop3A_368 = arith.addf %parallel_loop3A_125, %parallel_loop3A_367 : f32
        %parallel_loop3A_369 = arith.addf %parallel_loop3A_323, %parallel_loop3A_327 : f32
        %parallel_loop3A_370 = arith.constant 2.000000e+00 : f32
        %parallel_loop3A_371 = arith.mulf %parallel_loop3A_370, %parallel_loop3A_319 : f32
        %parallel_loop3A_372 = arith.subf %parallel_loop3A_369, %parallel_loop3A_371 : f32
        %parallel_loop3A_373 = arith.constant 0.000000e+00 : f32
        %parallel_loop3A_374 = arith.select %parallel_loop3A_363, %parallel_loop3A_372, %parallel_loop3A_373 : f32
        %parallel_loop3A_375 = arith.addf %parallel_loop3A_126, %parallel_loop3A_374 : f32
        scf.yield %parallel_loop3A_368, %parallel_loop3A_375 : f32, f32
      } {sc.loop_unroll_factor = 4 : i64, sc.parallel_access}
      %add3A_118 = arith.constant 2 : i32
      %add3A_119 = arith.addi %add3A_104, %add3A_118 : i32
      %lt3A_120 = arith.cmpi slt, %add3A_119, %select_n3A : i32
      %convert_element_type3A_121 = arith.extui %lt3A_120 : i1 to i32
      %cond3A_122 = arith.constant 0 : i32
      %cond3A_123 = arith.cmpi ne, %convert_element_type3A_121, %cond3A_122 : i32
      scf.if %cond3A_123 {
        %add3A_124 = arith.constant 2 : i32
        %add3A_125 = arith.addi %add3A_104, %add3A_124 : i32
        %mul3A_126 = arith.constant 120 : i32
        %mul3A_127 = arith.muli %add3A_125, %mul3A_126 : i32
        %add3A_128 = arith.addi %add3A_5, %mul3A_127 : i32
        "tpu.region"() ({
          %run_scoped3A = tpu.sem_alloc : memref<!tpu.dma_semaphore, #tpu.memory_space<semaphore_mem>>
          %dma_start3A_135 = tpu.memref_slice %arg3[%add3A_128] : memref<161280xi32, #tpu.memory_space<hbm>> -> memref<120xi32, #tpu.memory_space<hbm>>
          %dma_start3A_136 = tpu.memref_slice %arg3[%add3A_128] : memref<161280xi32, #tpu.memory_space<hbm>> -> memref<120xi32, #tpu.memory_space<hbm>>
          tpu.enqueue_dma source(%dma_start3A_136 : memref<120xi32, #tpu.memory_space<hbm>>) target(%arg11 : memref<120xi32, #tpu.memory_space<vmem>>) target_semaphore(%run_scoped3A : memref<!tpu.dma_semaphore, #tpu.memory_space<semaphore_mem>>)
          %dma_wait3A_137 = tpu.memref_slice %arg3[%add3A_128] : memref<161280xi32, #tpu.memory_space<hbm>> -> memref<120xi32, #tpu.memory_space<hbm>>
          %dma_wait3A_138 = tpu.memref_slice %arg3[%add3A_128] : memref<161280xi32, #tpu.memory_space<hbm>> -> memref<120xi32, #tpu.memory_space<hbm>>
          tpu.wait_dma2 semaphore(%run_scoped3A : memref<!tpu.dma_semaphore, #tpu.memory_space<semaphore_mem>>) src(%dma_wait3A_138 : memref<120xi32, #tpu.memory_space<hbm>>) dst(%arg11 : memref<120xi32, #tpu.memory_space<vmem>>)
          tpu.yield
        }) : () -> ()
        "tpu.region"() ({
          %run_scoped3A = tpu.sem_alloc : memref<!tpu.dma_semaphore, #tpu.memory_space<semaphore_mem>>
          %dma_start3A_135 = tpu.memref_slice %arg4[%add3A_128] : memref<161280xi32, #tpu.memory_space<hbm>> -> memref<120xi32, #tpu.memory_space<hbm>>
          %dma_start3A_136 = tpu.memref_slice %arg4[%add3A_128] : memref<161280xi32, #tpu.memory_space<hbm>> -> memref<120xi32, #tpu.memory_space<hbm>>
          tpu.enqueue_dma source(%dma_start3A_136 : memref<120xi32, #tpu.memory_space<hbm>>) target(%arg12 : memref<120xi32, #tpu.memory_space<vmem>>) target_semaphore(%run_scoped3A : memref<!tpu.dma_semaphore, #tpu.memory_space<semaphore_mem>>)
          %dma_wait3A_137 = tpu.memref_slice %arg4[%add3A_128] : memref<161280xi32, #tpu.memory_space<hbm>> -> memref<120xi32, #tpu.memory_space<hbm>>
          %dma_wait3A_138 = tpu.memref_slice %arg4[%add3A_128] : memref<161280xi32, #tpu.memory_space<hbm>> -> memref<120xi32, #tpu.memory_space<hbm>>
          tpu.wait_dma2 semaphore(%run_scoped3A : memref<!tpu.dma_semaphore, #tpu.memory_space<semaphore_mem>>) src(%dma_wait3A_138 : memref<120xi32, #tpu.memory_space<hbm>>) dst(%arg12 : memref<120xi32, #tpu.memory_space<vmem>>)
          tpu.yield
        }) : () -> ()
        %dma_start3A_129 = arith.constant 0 : i32
        %dma_start3A_130 = arith.constant 0 : i32
        %dma_start3A_131 = tpu.memref_slice %arg2[%dma_start3A_129, %dma_start3A_130] : memref<10000x128xf32, #tpu.memory_space<hbm>> -> memref<10000x128xf32, #tpu.memory_space<hbm>>
        tpu.enqueue_indirect_dma source(%dma_start3A_131 : memref<10000x128xf32, #tpu.memory_space<hbm>>) target(%arg13 : memref<120x128xf32, #tpu.memory_space<vmem>>) offsets(%arg11 : memref<120xi32, #tpu.memory_space<vmem>>) semaphore(%arg15 : memref<!tpu.dma_semaphore, #tpu.memory_space<semaphore_mem>>)
        %dma_start3A_132 = arith.constant 0 : i32
        %dma_start3A_133 = arith.constant 0 : i32
        %dma_start3A_134 = tpu.memref_slice %arg2[%dma_start3A_132, %dma_start3A_133] : memref<10000x128xf32, #tpu.memory_space<hbm>> -> memref<10000x128xf32, #tpu.memory_space<hbm>>
        tpu.enqueue_indirect_dma source(%dma_start3A_134 : memref<10000x128xf32, #tpu.memory_space<hbm>>) target(%arg14 : memref<120x128xf32, #tpu.memory_space<vmem>>) offsets(%arg12 : memref<120xi32, #tpu.memory_space<vmem>>) semaphore(%arg15 : memref<!tpu.dma_semaphore, #tpu.memory_space<semaphore_mem>>)
      } else {
      }
      scf.yield %parallel_loop3A_117#0, %parallel_loop3A_117#1 : f32, f32
    }
    %while3A_38 = arith.constant 1 : i32
    %while3A_39:2 = scf.for %while3A_56 = %while3A_35 to %while3A_31 step %while3A_38 iter_args(%while3A_57 = %while3A_37#0, %while3A_58 = %while3A_37#1) -> (f32, f32)  : i32 {
      %mul3A_59 = arith.constant 3 : i32
      %mul3A_60 = arith.muli %while3A_56, %mul3A_59 : i32
      %add3A_61 = arith.constant 0 : i32
      %add3A_62 = arith.addi %mul3A_60, %add3A_61 : i32
      %dma_wait3A = arith.constant 0 : i32
      %dma_wait3A_63 = arith.constant 0 : i32
      %dma_wait3A_64 = tpu.memref_slice %arg2[%dma_wait3A, %dma_wait3A_63] : memref<10000x128xf32, #tpu.memory_space<hbm>> -> memref<10000x128xf32, #tpu.memory_space<hbm>>
      tpu.wait_indirect_dma semaphore(%arg10 : memref<!tpu.dma_semaphore, #tpu.memory_space<semaphore_mem>>) src(%dma_wait3A_64 : memref<10000x128xf32, #tpu.memory_space<hbm>>) dst(%arg8 : memref<120x128xf32, #tpu.memory_space<vmem>>)
      %dma_wait3A_65 = arith.constant 0 : i32
      %dma_wait3A_66 = arith.constant 0 : i32
      %dma_wait3A_67 = tpu.memref_slice %arg2[%dma_wait3A_65, %dma_wait3A_66] : memref<10000x128xf32, #tpu.memory_space<hbm>> -> memref<10000x128xf32, #tpu.memory_space<hbm>>
      tpu.wait_indirect_dma semaphore(%arg10 : memref<!tpu.dma_semaphore, #tpu.memory_space<semaphore_mem>>) src(%dma_wait3A_67 : memref<10000x128xf32, #tpu.memory_space<hbm>>) dst(%arg9 : memref<120x128xf32, #tpu.memory_space<vmem>>)
      %mul3A_68 = arith.constant 120 : i32
      %mul3A_69 = arith.muli %add3A_62, %mul3A_68 : i32
      %add3A_70 = arith.addi %add3A_5, %mul3A_69 : i32
      %parallel_loop3A = arith.constant 0 : i32
      %parallel_loop3A_71 = arith.constant 120 : i32
      %parallel_loop3A_72 = arith.constant 1 : i32
      %parallel_loop3A_73:2 = scf.for %parallel_loop3A_124 = %parallel_loop3A to %parallel_loop3A_71 step %parallel_loop3A_72 iter_args(%parallel_loop3A_125 = %while3A_57, %parallel_loop3A_126 = %while3A_58) -> (f32, f32)  : i32 {
        %parallel_loop3A_127 = arith.index_cast %parallel_loop3A_124 : i32 to index
        %parallel_loop3A_128 = arith.constant 0 : index
        %parallel_loop3A_129 = tpu.vector_load %arg8[%parallel_loop3A_127, %parallel_loop3A_128] {strides = array<i32>} : memref<120x128xf32, #tpu.memory_space<vmem>>, vector<16xf32>,
        %parallel_loop3A_130 = vector.bitcast %parallel_loop3A_129 : vector<16xf32> to vector<32xbf16>
        %parallel_loop3A_131 = tpu.unpack_subelements %parallel_loop3A_130, 0 {pack_format = #tpu.pack_format<interleaved>} : vector<32xbf16> -> vector<16xf32>
        %parallel_loop3A_132 = tpu.unpack_subelements %parallel_loop3A_130, 1 {pack_format = #tpu.pack_format<interleaved>} : vector<32xbf16> -> vector<16xf32>
        %parallel_loop3A_133 = arith.index_cast %parallel_loop3A_124 : i32 to index
        %parallel_loop3A_134 = arith.constant 0 : index
        %parallel_loop3A_135 = tpu.vector_load %arg9[%parallel_loop3A_133, %parallel_loop3A_134] {strides = array<i32>} : memref<120x128xf32, #tpu.memory_space<vmem>>, vector<16xf32>,
        %parallel_loop3A_136 = vector.bitcast %parallel_loop3A_135 : vector<16xf32> to vector<32xbf16>
        %parallel_loop3A_137 = tpu.unpack_subelements %parallel_loop3A_136, 0 {pack_format = #tpu.pack_format<interleaved>} : vector<32xbf16> -> vector<16xf32>
        %parallel_loop3A_138 = tpu.unpack_subelements %parallel_loop3A_136, 1 {pack_format = #tpu.pack_format<interleaved>} : vector<32xbf16> -> vector<16xf32>
        %parallel_loop3A_139 = arith.mulf %parallel_loop3A_131, %parallel_loop3A_137 : vector<16xf32>
        %parallel_loop3A_140 = arith.mulf %parallel_loop3A_132, %parallel_loop3A_138 : vector<16xf32>
        %parallel_loop3A_141 = arith.addf %parallel_loop3A_139, %parallel_loop3A_140 : vector<16xf32>
        %parallel_loop3A_142 = arith.mulf %parallel_loop3A_131, %parallel_loop3A_131 : vector<16xf32>
        %parallel_loop3A_143 = arith.mulf %parallel_loop3A_132, %parallel_loop3A_132 : vector<16xf32>
        %parallel_loop3A_144 = arith.addf %parallel_loop3A_142, %parallel_loop3A_143 : vector<16xf32>
        %parallel_loop3A_145 = arith.mulf %parallel_loop3A_137, %parallel_loop3A_137 : vector<16xf32>
        %parallel_loop3A_146 = arith.mulf %parallel_loop3A_138, %parallel_loop3A_138 : vector<16xf32>
        %parallel_loop3A_147 = arith.addf %parallel_loop3A_145, %parallel_loop3A_146 : vector<16xf32>
        %parallel_loop3A_148 = arith.index_cast %parallel_loop3A_124 : i32 to index
        %parallel_loop3A_149 = arith.constant 16 : index
        %parallel_loop3A_150 = tpu.vector_load %arg8[%parallel_loop3A_148, %parallel_loop3A_149] {strides = array<i32>} : memref<120x128xf32, #tpu.memory_space<vmem>>, vector<16xf32>,
        %parallel_loop3A_151 = vector.bitcast %parallel_loop3A_150 : vector<16xf32> to vector<32xbf16>
        %parallel_loop3A_152 = tpu.unpack_subelements %parallel_loop3A_151, 0 {pack_format = #tpu.pack_format<interleaved>} : vector<32xbf16> -> vector<16xf32>
        %parallel_loop3A_153 = tpu.unpack_subelements %parallel_loop3A_151, 1 {pack_format = #tpu.pack_format<interleaved>} : vector<32xbf16> -> vector<16xf32>
        %parallel_loop3A_154 = arith.index_cast %parallel_loop3A_124 : i32 to index
        %parallel_loop3A_155 = arith.constant 16 : index
        %parallel_loop3A_156 = tpu.vector_load %arg9[%parallel_loop3A_154, %parallel_loop3A_155] {strides = array<i32>} : memref<120x128xf32, #tpu.memory_space<vmem>>, vector<16xf32>,
        %parallel_loop3A_157 = vector.bitcast %parallel_loop3A_156 : vector<16xf32> to vector<32xbf16>
        %parallel_loop3A_158 = tpu.unpack_subelements %parallel_loop3A_157, 0 {pack_format = #tpu.pack_format<interleaved>} : vector<32xbf16> -> vector<16xf32>
        %parallel_loop3A_159 = tpu.unpack_subelements %parallel_loop3A_157, 1 {pack_format = #tpu.pack_format<interleaved>} : vector<32xbf16> -> vector<16xf32>
        %parallel_loop3A_160 = arith.mulf %parallel_loop3A_152, %parallel_loop3A_158 : vector<16xf32>
        %parallel_loop3A_161 = arith.addf %parallel_loop3A_141, %parallel_loop3A_160 : vector<16xf32>
        %parallel_loop3A_162 = arith.mulf %parallel_loop3A_153, %parallel_loop3A_159 : vector<16xf32>
        %parallel_loop3A_163 = arith.addf %parallel_loop3A_161, %parallel_loop3A_162 : vector<16xf32>
        %parallel_loop3A_164 = arith.mulf %parallel_loop3A_152, %parallel_loop3A_152 : vector<16xf32>
        %parallel_loop3A_165 = arith.addf %parallel_loop3A_144, %parallel_loop3A_164 : vector<16xf32>
        %parallel_loop3A_166 = arith.mulf %parallel_loop3A_153, %parallel_loop3A_153 : vector<16xf32>
        %parallel_loop3A_167 = arith.addf %parallel_loop3A_165, %parallel_loop3A_166 : vector<16xf32>
        %parallel_loop3A_168 = arith.mulf %parallel_loop3A_158, %parallel_loop3A_158 : vector<16xf32>
        %parallel_loop3A_169 = arith.addf %parallel_loop3A_147, %parallel_loop3A_168 : vector<16xf32>
        %parallel_loop3A_170 = arith.mulf %parallel_loop3A_159, %parallel_loop3A_159 : vector<16xf32>
        %parallel_loop3A_171 = arith.addf %parallel_loop3A_169, %parallel_loop3A_170 : vector<16xf32>
        %parallel_loop3A_172 = arith.index_cast %parallel_loop3A_124 : i32 to index
        %parallel_loop3A_173 = arith.constant 32 : index
        %parallel_loop3A_174 = tpu.vector_load %arg8[%parallel_loop3A_172, %parallel_loop3A_173] {strides = array<i32>} : memref<120x128xf32, #tpu.memory_space<vmem>>, vector<16xf32>,
        %parallel_loop3A_175 = vector.bitcast %parallel_loop3A_174 : vector<16xf32> to vector<32xbf16>
        %parallel_loop3A_176 = tpu.unpack_subelements %parallel_loop3A_175, 0 {pack_format = #tpu.pack_format<interleaved>} : vector<32xbf16> -> vector<16xf32>
        %parallel_loop3A_177 = tpu.unpack_subelements %parallel_loop3A_175, 1 {pack_format = #tpu.pack_format<interleaved>} : vector<32xbf16> -> vector<16xf32>
        %parallel_loop3A_178 = arith.index_cast %parallel_loop3A_124 : i32 to index
        %parallel_loop3A_179 = arith.constant 32 : index
        %parallel_loop3A_180 = tpu.vector_load %arg9[%parallel_loop3A_178, %parallel_loop3A_179] {strides = array<i32>} : memref<120x128xf32, #tpu.memory_space<vmem>>, vector<16xf32>,
        %parallel_loop3A_181 = vector.bitcast %parallel_loop3A_180 : vector<16xf32> to vector<32xbf16>
        %parallel_loop3A_182 = tpu.unpack_subelements %parallel_loop3A_181, 0 {pack_format = #tpu.pack_format<interleaved>} : vector<32xbf16> -> vector<16xf32>
        %parallel_loop3A_183 = tpu.unpack_subelements %parallel_loop3A_181, 1 {pack_format = #tpu.pack_format<interleaved>} : vector<32xbf16> -> vector<16xf32>
        %parallel_loop3A_184 = arith.mulf %parallel_loop3A_176, %parallel_loop3A_182 : vector<16xf32>
        %parallel_loop3A_185 = arith.addf %parallel_loop3A_163, %parallel_loop3A_184 : vector<16xf32>
        %parallel_loop3A_186 = arith.mulf %parallel_loop3A_177, %parallel_loop3A_183 : vector<16xf32>
        %parallel_loop3A_187 = arith.addf %parallel_loop3A_185, %parallel_loop3A_186 : vector<16xf32>
        %parallel_loop3A_188 = arith.mulf %parallel_loop3A_176, %parallel_loop3A_176 : vector<16xf32>
        %parallel_loop3A_189 = arith.addf %parallel_loop3A_167, %parallel_loop3A_188 : vector<16xf32>
        %parallel_loop3A_190 = arith.mulf %parallel_loop3A_177, %parallel_loop3A_177 : vector<16xf32>
        %parallel_loop3A_191 = arith.addf %parallel_loop3A_189, %parallel_loop3A_190 : vector<16xf32>
        %parallel_loop3A_192 = arith.mulf %parallel_loop3A_182, %parallel_loop3A_182 : vector<16xf32>
        %parallel_loop3A_193 = arith.addf %parallel_loop3A_171, %parallel_loop3A_192 : vector<16xf32>
        %parallel_loop3A_194 = arith.mulf %parallel_loop3A_183, %parallel_loop3A_183 : vector<16xf32>
        %parallel_loop3A_195 = arith.addf %parallel_loop3A_193, %parallel_loop3A_194 : vector<16xf32>
        %parallel_loop3A_196 = arith.index_cast %parallel_loop3A_124 : i32 to index
        %parallel_loop3A_197 = arith.constant 48 : index
        %parallel_loop3A_198 = tpu.vector_load %arg8[%parallel_loop3A_196, %parallel_loop3A_197] {strides = array<i32>} : memref<120x128xf32, #tpu.memory_space<vmem>>, vector<16xf32>,
        %parallel_loop3A_199 = vector.bitcast %parallel_loop3A_198 : vector<16xf32> to vector<32xbf16>
        %parallel_loop3A_200 = tpu.unpack_subelements %parallel_loop3A_199, 0 {pack_format = #tpu.pack_format<interleaved>} : vector<32xbf16> -> vector<16xf32>
        %parallel_loop3A_201 = tpu.unpack_subelements %parallel_loop3A_199, 1 {pack_format = #tpu.pack_format<interleaved>} : vector<32xbf16> -> vector<16xf32>
        %parallel_loop3A_202 = arith.index_cast %parallel_loop3A_124 : i32 to index
        %parallel_loop3A_203 = arith.constant 48 : index
        %parallel_loop3A_204 = tpu.vector_load %arg9[%parallel_loop3A_202, %parallel_loop3A_203] {strides = array<i32>} : memref<120x128xf32, #tpu.memory_space<vmem>>, vector<16xf32>,
        %parallel_loop3A_205 = vector.bitcast %parallel_loop3A_204 : vector<16xf32> to vector<32xbf16>
        %parallel_loop3A_206 = tpu.unpack_subelements %parallel_loop3A_205, 0 {pack_format = #tpu.pack_format<interleaved>} : vector<32xbf16> -> vector<16xf32>
        %parallel_loop3A_207 = tpu.unpack_subelements %parallel_loop3A_205, 1 {pack_format = #tpu.pack_format<interleaved>} : vector<32xbf16> -> vector<16xf32>
        %parallel_loop3A_208 = arith.mulf %parallel_loop3A_200, %parallel_loop3A_206 : vector<16xf32>
        %parallel_loop3A_209 = arith.addf %parallel_loop3A_187, %parallel_loop3A_208 : vector<16xf32>
        %parallel_loop3A_210 = arith.mulf %parallel_loop3A_201, %parallel_loop3A_207 : vector<16xf32>
        %parallel_loop3A_211 = arith.addf %parallel_loop3A_209, %parallel_loop3A_210 : vector<16xf32>
        %parallel_loop3A_212 = arith.mulf %parallel_loop3A_200, %parallel_loop3A_200 : vector<16xf32>
        %parallel_loop3A_213 = arith.addf %parallel_loop3A_191, %parallel_loop3A_212 : vector<16xf32>
        %parallel_loop3A_214 = arith.mulf %parallel_loop3A_201, %parallel_loop3A_201 : vector<16xf32>
        %parallel_loop3A_215 = arith.addf %parallel_loop3A_213, %parallel_loop3A_214 : vector<16xf32>
        %parallel_loop3A_216 = arith.mulf %parallel_loop3A_206, %parallel_loop3A_206 : vector<16xf32>
        %parallel_loop3A_217 = arith.addf %parallel_loop3A_195, %parallel_loop3A_216 : vector<16xf32>
        %parallel_loop3A_218 = arith.mulf %parallel_loop3A_207, %parallel_loop3A_207 : vector<16xf32>
        %parallel_loop3A_219 = arith.addf %parallel_loop3A_217, %parallel_loop3A_218 : vector<16xf32>
        %parallel_loop3A_220 = arith.index_cast %parallel_loop3A_124 : i32 to index
        %parallel_loop3A_221 = arith.constant 64 : index
        %parallel_loop3A_222 = tpu.vector_load %arg8[%parallel_loop3A_220, %parallel_loop3A_221] {strides = array<i32>} : memref<120x128xf32, #tpu.memory_space<vmem>>, vector<16xf32>,
        %parallel_loop3A_223 = vector.bitcast %parallel_loop3A_222 : vector<16xf32> to vector<32xbf16>
        %parallel_loop3A_224 = tpu.unpack_subelements %parallel_loop3A_223, 0 {pack_format = #tpu.pack_format<interleaved>} : vector<32xbf16> -> vector<16xf32>
        %parallel_loop3A_225 = tpu.unpack_subelements %parallel_loop3A_223, 1 {pack_format = #tpu.pack_format<interleaved>} : vector<32xbf16> -> vector<16xf32>
        %parallel_loop3A_226 = arith.index_cast %parallel_loop3A_124 : i32 to index
        %parallel_loop3A_227 = arith.constant 64 : index
        %parallel_loop3A_228 = tpu.vector_load %arg9[%parallel_loop3A_226, %parallel_loop3A_227] {strides = array<i32>} : memref<120x128xf32, #tpu.memory_space<vmem>>, vector<16xf32>,
        %parallel_loop3A_229 = vector.bitcast %parallel_loop3A_228 : vector<16xf32> to vector<32xbf16>
        %parallel_loop3A_230 = tpu.unpack_subelements %parallel_loop3A_229, 0 {pack_format = #tpu.pack_format<interleaved>} : vector<32xbf16> -> vector<16xf32>
        %parallel_loop3A_231 = tpu.unpack_subelements %parallel_loop3A_229, 1 {pack_format = #tpu.pack_format<interleaved>} : vector<32xbf16> -> vector<16xf32>
        %parallel_loop3A_232 = arith.mulf %parallel_loop3A_224, %parallel_loop3A_230 : vector<16xf32>
        %parallel_loop3A_233 = arith.addf %parallel_loop3A_211, %parallel_loop3A_232 : vector<16xf32>
        %parallel_loop3A_234 = arith.mulf %parallel_loop3A_225, %parallel_loop3A_231 : vector<16xf32>
        %parallel_loop3A_235 = arith.addf %parallel_loop3A_233, %parallel_loop3A_234 : vector<16xf32>
        %parallel_loop3A_236 = arith.mulf %parallel_loop3A_224, %parallel_loop3A_224 : vector<16xf32>
        %parallel_loop3A_237 = arith.addf %parallel_loop3A_215, %parallel_loop3A_236 : vector<16xf32>
        %parallel_loop3A_238 = arith.mulf %parallel_loop3A_225, %parallel_loop3A_225 : vector<16xf32>
        %parallel_loop3A_239 = arith.addf %parallel_loop3A_237, %parallel_loop3A_238 : vector<16xf32>
        %parallel_loop3A_240 = arith.mulf %parallel_loop3A_230, %parallel_loop3A_230 : vector<16xf32>
        %parallel_loop3A_241 = arith.addf %parallel_loop3A_219, %parallel_loop3A_240 : vector<16xf32>
        %parallel_loop3A_242 = arith.mulf %parallel_loop3A_231, %parallel_loop3A_231 : vector<16xf32>
        %parallel_loop3A_243 = arith.addf %parallel_loop3A_241, %parallel_loop3A_242 : vector<16xf32>
        %parallel_loop3A_244 = arith.index_cast %parallel_loop3A_124 : i32 to index
        %parallel_loop3A_245 = arith.constant 80 : index
        %parallel_loop3A_246 = tpu.vector_load %arg8[%parallel_loop3A_244, %parallel_loop3A_245] {strides = array<i32>} : memref<120x128xf32, #tpu.memory_space<vmem>>, vector<16xf32>,
        %parallel_loop3A_247 = vector.bitcast %parallel_loop3A_246 : vector<16xf32> to vector<32xbf16>
        %parallel_loop3A_248 = tpu.unpack_subelements %parallel_loop3A_247, 0 {pack_format = #tpu.pack_format<interleaved>} : vector<32xbf16> -> vector<16xf32>
        %parallel_loop3A_249 = tpu.unpack_subelements %parallel_loop3A_247, 1 {pack_format = #tpu.pack_format<interleaved>} : vector<32xbf16> -> vector<16xf32>
        %parallel_loop3A_250 = arith.index_cast %parallel_loop3A_124 : i32 to index
        %parallel_loop3A_251 = arith.constant 80 : index
        %parallel_loop3A_252 = tpu.vector_load %arg9[%parallel_loop3A_250, %parallel_loop3A_251] {strides = array<i32>} : memref<120x128xf32, #tpu.memory_space<vmem>>, vector<16xf32>,
        %parallel_loop3A_253 = vector.bitcast %parallel_loop3A_252 : vector<16xf32> to vector<32xbf16>
        %parallel_loop3A_254 = tpu.unpack_subelements %parallel_loop3A_253, 0 {pack_format = #tpu.pack_format<interleaved>} : vector<32xbf16> -> vector<16xf32>
        %parallel_loop3A_255 = tpu.unpack_subelements %parallel_loop3A_253, 1 {pack_format = #tpu.pack_format<interleaved>} : vector<32xbf16> -> vector<16xf32>
        %parallel_loop3A_256 = arith.mulf %parallel_loop3A_248, %parallel_loop3A_254 : vector<16xf32>
        %parallel_loop3A_257 = arith.addf %parallel_loop3A_235, %parallel_loop3A_256 : vector<16xf32>
        %parallel_loop3A_258 = arith.mulf %parallel_loop3A_249, %parallel_loop3A_255 : vector<16xf32>
        %parallel_loop3A_259 = arith.addf %parallel_loop3A_257, %parallel_loop3A_258 : vector<16xf32>
        %parallel_loop3A_260 = arith.mulf %parallel_loop3A_248, %parallel_loop3A_248 : vector<16xf32>
        %parallel_loop3A_261 = arith.addf %parallel_loop3A_239, %parallel_loop3A_260 : vector<16xf32>
        %parallel_loop3A_262 = arith.mulf %parallel_loop3A_249, %parallel_loop3A_249 : vector<16xf32>
        %parallel_loop3A_263 = arith.addf %parallel_loop3A_261, %parallel_loop3A_262 : vector<16xf32>
        %parallel_loop3A_264 = arith.mulf %parallel_loop3A_254, %parallel_loop3A_254 : vector<16xf32>
        %parallel_loop3A_265 = arith.addf %parallel_loop3A_243, %parallel_loop3A_264 : vector<16xf32>
        %parallel_loop3A_266 = arith.mulf %parallel_loop3A_255, %parallel_loop3A_255 : vector<16xf32>
        %parallel_loop3A_267 = arith.addf %parallel_loop3A_265, %parallel_loop3A_266 : vector<16xf32>
        %parallel_loop3A_268 = arith.index_cast %parallel_loop3A_124 : i32 to index
        %parallel_loop3A_269 = arith.constant 96 : index
        %parallel_loop3A_270 = tpu.vector_load %arg8[%parallel_loop3A_268, %parallel_loop3A_269] {strides = array<i32>} : memref<120x128xf32, #tpu.memory_space<vmem>>, vector<16xf32>,
        %parallel_loop3A_271 = vector.bitcast %parallel_loop3A_270 : vector<16xf32> to vector<32xbf16>
        %parallel_loop3A_272 = tpu.unpack_subelements %parallel_loop3A_271, 0 {pack_format = #tpu.pack_format<interleaved>} : vector<32xbf16> -> vector<16xf32>
        %parallel_loop3A_273 = tpu.unpack_subelements %parallel_loop3A_271, 1 {pack_format = #tpu.pack_format<interleaved>} : vector<32xbf16> -> vector<16xf32>
        %parallel_loop3A_274 = arith.index_cast %parallel_loop3A_124 : i32 to index
        %parallel_loop3A_275 = arith.constant 96 : index
        %parallel_loop3A_276 = tpu.vector_load %arg9[%parallel_loop3A_274, %parallel_loop3A_275] {strides = array<i32>} : memref<120x128xf32, #tpu.memory_space<vmem>>, vector<16xf32>,
        %parallel_loop3A_277 = vector.bitcast %parallel_loop3A_276 : vector<16xf32> to vector<32xbf16>
        %parallel_loop3A_278 = tpu.unpack_subelements %parallel_loop3A_277, 0 {pack_format = #tpu.pack_format<interleaved>} : vector<32xbf16> -> vector<16xf32>
        %parallel_loop3A_279 = tpu.unpack_subelements %parallel_loop3A_277, 1 {pack_format = #tpu.pack_format<interleaved>} : vector<32xbf16> -> vector<16xf32>
        %parallel_loop3A_280 = arith.mulf %parallel_loop3A_272, %parallel_loop3A_278 : vector<16xf32>
        %parallel_loop3A_281 = arith.addf %parallel_loop3A_259, %parallel_loop3A_280 : vector<16xf32>
        %parallel_loop3A_282 = arith.mulf %parallel_loop3A_273, %parallel_loop3A_279 : vector<16xf32>
        %parallel_loop3A_283 = arith.addf %parallel_loop3A_281, %parallel_loop3A_282 : vector<16xf32>
        %parallel_loop3A_284 = arith.mulf %parallel_loop3A_272, %parallel_loop3A_272 : vector<16xf32>
        %parallel_loop3A_285 = arith.addf %parallel_loop3A_263, %parallel_loop3A_284 : vector<16xf32>
        %parallel_loop3A_286 = arith.mulf %parallel_loop3A_273, %parallel_loop3A_273 : vector<16xf32>
        %parallel_loop3A_287 = arith.addf %parallel_loop3A_285, %parallel_loop3A_286 : vector<16xf32>
        %parallel_loop3A_288 = arith.mulf %parallel_loop3A_278, %parallel_loop3A_278 : vector<16xf32>
        %parallel_loop3A_289 = arith.addf %parallel_loop3A_267, %parallel_loop3A_288 : vector<16xf32>
        %parallel_loop3A_290 = arith.mulf %parallel_loop3A_279, %parallel_loop3A_279 : vector<16xf32>
        %parallel_loop3A_291 = arith.addf %parallel_loop3A_289, %parallel_loop3A_290 : vector<16xf32>
        %parallel_loop3A_292 = arith.index_cast %parallel_loop3A_124 : i32 to index
        %parallel_loop3A_293 = arith.constant 112 : index
        %parallel_loop3A_294 = tpu.vector_load %arg8[%parallel_loop3A_292, %parallel_loop3A_293] {strides = array<i32>} : memref<120x128xf32, #tpu.memory_space<vmem>>, vector<16xf32>,
        %parallel_loop3A_295 = vector.bitcast %parallel_loop3A_294 : vector<16xf32> to vector<32xbf16>
        %parallel_loop3A_296 = tpu.unpack_subelements %parallel_loop3A_295, 0 {pack_format = #tpu.pack_format<interleaved>} : vector<32xbf16> -> vector<16xf32>
        %parallel_loop3A_297 = tpu.unpack_subelements %parallel_loop3A_295, 1 {pack_format = #tpu.pack_format<interleaved>} : vector<32xbf16> -> vector<16xf32>
        %parallel_loop3A_298 = arith.index_cast %parallel_loop3A_124 : i32 to index
        %parallel_loop3A_299 = arith.constant 112 : index
        %parallel_loop3A_300 = tpu.vector_load %arg9[%parallel_loop3A_298, %parallel_loop3A_299] {strides = array<i32>} : memref<120x128xf32, #tpu.memory_space<vmem>>, vector<16xf32>,
        %parallel_loop3A_301 = vector.bitcast %parallel_loop3A_300 : vector<16xf32> to vector<32xbf16>
        %parallel_loop3A_302 = tpu.unpack_subelements %parallel_loop3A_301, 0 {pack_format = #tpu.pack_format<interleaved>} : vector<32xbf16> -> vector<16xf32>
        %parallel_loop3A_303 = tpu.unpack_subelements %parallel_loop3A_301, 1 {pack_format = #tpu.pack_format<interleaved>} : vector<32xbf16> -> vector<16xf32>
        %parallel_loop3A_304 = arith.mulf %parallel_loop3A_296, %parallel_loop3A_302 : vector<16xf32>
        %parallel_loop3A_305 = arith.addf %parallel_loop3A_283, %parallel_loop3A_304 : vector<16xf32>
        %parallel_loop3A_306 = arith.mulf %parallel_loop3A_297, %parallel_loop3A_303 : vector<16xf32>
        %parallel_loop3A_307 = arith.addf %parallel_loop3A_305, %parallel_loop3A_306 : vector<16xf32>
        %parallel_loop3A_308 = arith.mulf %parallel_loop3A_296, %parallel_loop3A_296 : vector<16xf32>
        %parallel_loop3A_309 = arith.addf %parallel_loop3A_287, %parallel_loop3A_308 : vector<16xf32>
        %parallel_loop3A_310 = arith.mulf %parallel_loop3A_297, %parallel_loop3A_297 : vector<16xf32>
        %parallel_loop3A_311 = arith.addf %parallel_loop3A_309, %parallel_loop3A_310 : vector<16xf32>
        %parallel_loop3A_312 = arith.mulf %parallel_loop3A_302, %parallel_loop3A_302 : vector<16xf32>
        %parallel_loop3A_313 = arith.addf %parallel_loop3A_291, %parallel_loop3A_312 : vector<16xf32>
        %parallel_loop3A_314 = arith.mulf %parallel_loop3A_303, %parallel_loop3A_303 : vector<16xf32>
        %parallel_loop3A_315 = arith.addf %parallel_loop3A_313, %parallel_loop3A_314 : vector<16xf32>
        %parallel_loop3A_316 = arith.constant true
        %parallel_loop3A_317 = vector.broadcast %parallel_loop3A_316 : i1 to vector<16xi1>
        %parallel_loop3A_318 = tpu.scan <sum>, %parallel_loop3A_307 masked %parallel_loop3A_317 : vector<16xf32>, vector<16xi1> -> vector<16xf32>
        %parallel_loop3A_319 = vector.extract %parallel_loop3A_318[15] : f32 from vector<16xf32>
        %parallel_loop3A_320 = arith.constant true
        %parallel_loop3A_321 = vector.broadcast %parallel_loop3A_320 : i1 to vector<16xi1>
        %parallel_loop3A_322 = tpu.scan <sum>, %parallel_loop3A_311 masked %parallel_loop3A_321 : vector<16xf32>, vector<16xi1> -> vector<16xf32>
        %parallel_loop3A_323 = vector.extract %parallel_loop3A_322[15] : f32 from vector<16xf32>
        %parallel_loop3A_324 = arith.constant true
        %parallel_loop3A_325 = vector.broadcast %parallel_loop3A_324 : i1 to vector<16xi1>
        %parallel_loop3A_326 = tpu.scan <sum>, %parallel_loop3A_315 masked %parallel_loop3A_325 : vector<16xf32>, vector<16xi1> -> vector<16xf32>
        %parallel_loop3A_327 = vector.extract %parallel_loop3A_326[15] : f32 from vector<16xf32>
        %parallel_loop3A_328 = arith.constant 1.000000e-16 : f32
        %parallel_loop3A_329 = arith.maximumf %parallel_loop3A_323, %parallel_loop3A_328 : f32
        %parallel_loop3A_330 = arith.constant 1.000000e-16 : f32
        %parallel_loop3A_331 = arith.maximumf %parallel_loop3A_327, %parallel_loop3A_330 : f32
        %parallel_loop3A_332 = arith.mulf %parallel_loop3A_329, %parallel_loop3A_331 : f32
        %parallel_loop3A_333 = arith.bitcast %parallel_loop3A_332 : f32 to i32
        %parallel_loop3A_334 = arith.constant 1 : i32
        %parallel_loop3A_335 = arith.shrsi %parallel_loop3A_333, %parallel_loop3A_334 : i32
        %parallel_loop3A_336 = arith.constant 1597463007 : i32
        %parallel_loop3A_337 = arith.subi %parallel_loop3A_336, %parallel_loop3A_335 : i32
        %parallel_loop3A_338 = arith.bitcast %parallel_loop3A_337 : i32 to f32
        %parallel_loop3A_339 = arith.constant 5.000000e-01 : f32
        %parallel_loop3A_340 = arith.mulf %parallel_loop3A_339, %parallel_loop3A_332 : f32
        %parallel_loop3A_341 = arith.mulf %parallel_loop3A_340, %parallel_loop3A_338 : f32
        %parallel_loop3A_342 = arith.mulf %parallel_loop3A_341, %parallel_loop3A_338 : f32
        %parallel_loop3A_343 = arith.constant 1.500000e+00 : f32
        %parallel_loop3A_344 = arith.subf %parallel_loop3A_343, %parallel_loop3A_342 : f32
        %parallel_loop3A_345 = arith.mulf %parallel_loop3A_338, %parallel_loop3A_344 : f32
        %parallel_loop3A_346 = arith.constant 5.000000e-01 : f32
        %parallel_loop3A_347 = arith.mulf %parallel_loop3A_346, %parallel_loop3A_332 : f32
        %parallel_loop3A_348 = arith.mulf %parallel_loop3A_347, %parallel_loop3A_345 : f32
        %parallel_loop3A_349 = arith.mulf %parallel_loop3A_348, %parallel_loop3A_345 : f32
        %parallel_loop3A_350 = arith.constant 1.500000e+00 : f32
        %parallel_loop3A_351 = arith.subf %parallel_loop3A_350, %parallel_loop3A_349 : f32
        %parallel_loop3A_352 = arith.mulf %parallel_loop3A_345, %parallel_loop3A_351 : f32
        %parallel_loop3A_353 = arith.constant 5.000000e-01 : f32
        %parallel_loop3A_354 = arith.mulf %parallel_loop3A_353, %parallel_loop3A_332 : f32
        %parallel_loop3A_355 = arith.mulf %parallel_loop3A_354, %parallel_loop3A_352 : f32
        %parallel_loop3A_356 = arith.mulf %parallel_loop3A_355, %parallel_loop3A_352 : f32
        %parallel_loop3A_357 = arith.constant 1.500000e+00 : f32
        %parallel_loop3A_358 = arith.subf %parallel_loop3A_357, %parallel_loop3A_356 : f32
        %parallel_loop3A_359 = arith.mulf %parallel_loop3A_352, %parallel_loop3A_358 : f32
        %parallel_loop3A_360 = arith.mulf %parallel_loop3A_319, %parallel_loop3A_359 : f32
        %parallel_loop3A_361 = arith.addi %add3A_70, %parallel_loop3A_124 : i32
        %parallel_loop3A_362 = arith.constant 160000 : i32
        %parallel_loop3A_363 = arith.cmpi slt, %parallel_loop3A_361, %parallel_loop3A_362 : i32
        %parallel_loop3A_364 = arith.constant 1.000000e+00 : f32
        %parallel_loop3A_365 = arith.subf %parallel_loop3A_364, %parallel_loop3A_360 : f32
        %parallel_loop3A_366 = arith.constant 0.000000e+00 : f32
        %parallel_loop3A_367 = arith.select %parallel_loop3A_363, %parallel_loop3A_365, %parallel_loop3A_366 : f32
        %parallel_loop3A_368 = arith.addf %parallel_loop3A_125, %parallel_loop3A_367 : f32
        %parallel_loop3A_369 = arith.addf %parallel_loop3A_323, %parallel_loop3A_327 : f32
        %parallel_loop3A_370 = arith.constant 2.000000e+00 : f32
        %parallel_loop3A_371 = arith.mulf %parallel_loop3A_370, %parallel_loop3A_319 : f32
        %parallel_loop3A_372 = arith.subf %parallel_loop3A_369, %parallel_loop3A_371 : f32
        %parallel_loop3A_373 = arith.constant 0.000000e+00 : f32
        %parallel_loop3A_374 = arith.select %parallel_loop3A_363, %parallel_loop3A_372, %parallel_loop3A_373 : f32
        %parallel_loop3A_375 = arith.addf %parallel_loop3A_126, %parallel_loop3A_374 : f32
        scf.yield %parallel_loop3A_368, %parallel_loop3A_375 : f32, f32
      } {sc.loop_unroll_factor = 4 : i64, sc.parallel_access}
      %add3A_74 = arith.constant 2 : i32
      %add3A_75 = arith.addi %add3A_62, %add3A_74 : i32
      %lt3A_76 = arith.cmpi slt, %add3A_75, %select_n3A : i32
      %convert_element_type3A = arith.extui %lt3A_76 : i1 to i32
      %cond3A = arith.constant 0 : i32
      %cond3A_77 = arith.cmpi ne, %convert_element_type3A, %cond3A : i32
      scf.if %cond3A_77 {
        %add3A_124 = arith.constant 2 : i32
        %add3A_125 = arith.addi %add3A_62, %add3A_124 : i32
        %mul3A_126 = arith.constant 120 : i32
        %mul3A_127 = arith.muli %add3A_125, %mul3A_126 : i32
        %add3A_128 = arith.addi %add3A_5, %mul3A_127 : i32
        "tpu.region"() ({
          %run_scoped3A = tpu.sem_alloc : memref<!tpu.dma_semaphore, #tpu.memory_space<semaphore_mem>>
          %dma_start3A_135 = tpu.memref_slice %arg3[%add3A_128] : memref<161280xi32, #tpu.memory_space<hbm>> -> memref<120xi32, #tpu.memory_space<hbm>>
          %dma_start3A_136 = tpu.memref_slice %arg3[%add3A_128] : memref<161280xi32, #tpu.memory_space<hbm>> -> memref<120xi32, #tpu.memory_space<hbm>>
          tpu.enqueue_dma source(%dma_start3A_136 : memref<120xi32, #tpu.memory_space<hbm>>) target(%arg16 : memref<120xi32, #tpu.memory_space<vmem>>) target_semaphore(%run_scoped3A : memref<!tpu.dma_semaphore, #tpu.memory_space<semaphore_mem>>)
          %dma_wait3A_137 = tpu.memref_slice %arg3[%add3A_128] : memref<161280xi32, #tpu.memory_space<hbm>> -> memref<120xi32, #tpu.memory_space<hbm>>
          %dma_wait3A_138 = tpu.memref_slice %arg3[%add3A_128] : memref<161280xi32, #tpu.memory_space<hbm>> -> memref<120xi32, #tpu.memory_space<hbm>>
          tpu.wait_dma2 semaphore(%run_scoped3A : memref<!tpu.dma_semaphore, #tpu.memory_space<semaphore_mem>>) src(%dma_wait3A_138 : memref<120xi32, #tpu.memory_space<hbm>>) dst(%arg16 : memref<120xi32, #tpu.memory_space<vmem>>)
          tpu.yield
        }) : () -> ()
        "tpu.region"() ({
          %run_scoped3A = tpu.sem_alloc : memref<!tpu.dma_semaphore, #tpu.memory_space<semaphore_mem>>
          %dma_start3A_135 = tpu.memref_slice %arg4[%add3A_128] : memref<161280xi32, #tpu.memory_space<hbm>> -> memref<120xi32, #tpu.memory_space<hbm>>
          %dma_start3A_136 = tpu.memref_slice %arg4[%add3A_128] : memref<161280xi32, #tpu.memory_space<hbm>> -> memref<120xi32, #tpu.memory_space<hbm>>
          tpu.enqueue_dma source(%dma_start3A_136 : memref<120xi32, #tpu.memory_space<hbm>>) target(%arg17 : memref<120xi32, #tpu.memory_space<vmem>>) target_semaphore(%run_scoped3A : memref<!tpu.dma_semaphore, #tpu.memory_space<semaphore_mem>>)
          %dma_wait3A_137 = tpu.memref_slice %arg4[%add3A_128] : memref<161280xi32, #tpu.memory_space<hbm>> -> memref<120xi32, #tpu.memory_space<hbm>>
          %dma_wait3A_138 = tpu.memref_slice %arg4[%add3A_128] : memref<161280xi32, #tpu.memory_space<hbm>> -> memref<120xi32, #tpu.memory_space<hbm>>
          tpu.wait_dma2 semaphore(%run_scoped3A : memref<!tpu.dma_semaphore, #tpu.memory_space<semaphore_mem>>) src(%dma_wait3A_138 : memref<120xi32, #tpu.memory_space<hbm>>) dst(%arg17 : memref<120xi32, #tpu.memory_space<vmem>>)
          tpu.yield
        }) : () -> ()
        %dma_start3A_129 = arith.constant 0 : i32
        %dma_start3A_130 = arith.constant 0 : i32
        %dma_start3A_131 = tpu.memref_slice %arg2[%dma_start3A_129, %dma_start3A_130] : memref<10000x128xf32, #tpu.memory_space<hbm>> -> memref<10000x128xf32, #tpu.memory_space<hbm>>
        tpu.enqueue_indirect_dma source(%dma_start3A_131 : memref<10000x128xf32, #tpu.memory_space<hbm>>) target(%arg18 : memref<120x128xf32, #tpu.memory_space<vmem>>) offsets(%arg16 : memref<120xi32, #tpu.memory_space<vmem>>) semaphore(%arg20 : memref<!tpu.dma_semaphore, #tpu.memory_space<semaphore_mem>>)
        %dma_start3A_132 = arith.constant 0 : i32
        %dma_start3A_133 = arith.constant 0 : i32
        %dma_start3A_134 = tpu.memref_slice %arg2[%dma_start3A_132, %dma_start3A_133] : memref<10000x128xf32, #tpu.memory_space<hbm>> -> memref<10000x128xf32, #tpu.memory_space<hbm>>
        tpu.enqueue_indirect_dma source(%dma_start3A_134 : memref<10000x128xf32, #tpu.memory_space<hbm>>) target(%arg19 : memref<120x128xf32, #tpu.memory_space<vmem>>) offsets(%arg17 : memref<120xi32, #tpu.memory_space<vmem>>) semaphore(%arg20 : memref<!tpu.dma_semaphore, #tpu.memory_space<semaphore_mem>>)
      } else {
      }
      %mul3A_78 = arith.constant 3 : i32
      %mul3A_79 = arith.muli %while3A_56, %mul3A_78 : i32
      %add3A_80 = arith.constant 1 : i32
      %add3A_81 = arith.addi %mul3A_79, %add3A_80 : i32
      %dma_wait3A_82 = arith.constant 0 : i32
      %dma_wait3A_83 = arith.constant 0 : i32
      %dma_wait3A_84 = tpu.memref_slice %arg2[%dma_wait3A_82, %dma_wait3A_83] : memref<10000x128xf32, #tpu.memory_space<hbm>> -> memref<10000x128xf32, #tpu.memory_space<hbm>>
      tpu.wait_indirect_dma semaphore(%arg15 : memref<!tpu.dma_semaphore, #tpu.memory_space<semaphore_mem>>) src(%dma_wait3A_84 : memref<10000x128xf32, #tpu.memory_space<hbm>>) dst(%arg13 : memref<120x128xf32, #tpu.memory_space<vmem>>)
      %dma_wait3A_85 = arith.constant 0 : i32
      %dma_wait3A_86 = arith.constant 0 : i32
      %dma_wait3A_87 = tpu.memref_slice %arg2[%dma_wait3A_85, %dma_wait3A_86] : memref<10000x128xf32, #tpu.memory_space<hbm>> -> memref<10000x128xf32, #tpu.memory_space<hbm>>
      tpu.wait_indirect_dma semaphore(%arg15 : memref<!tpu.dma_semaphore, #tpu.memory_space<semaphore_mem>>) src(%dma_wait3A_87 : memref<10000x128xf32, #tpu.memory_space<hbm>>) dst(%arg14 : memref<120x128xf32, #tpu.memory_space<vmem>>)
      %mul3A_88 = arith.constant 120 : i32
      %mul3A_89 = arith.muli %add3A_81, %mul3A_88 : i32
      %add3A_90 = arith.addi %add3A_5, %mul3A_89 : i32
      %parallel_loop3A_91 = arith.constant 0 : i32
      %parallel_loop3A_92 = arith.constant 120 : i32
      %parallel_loop3A_93 = arith.constant 1 : i32
      %parallel_loop3A_94:2 = scf.for %parallel_loop3A_124 = %parallel_loop3A_91 to %parallel_loop3A_92 step %parallel_loop3A_93 iter_args(%parallel_loop3A_125 = %parallel_loop3A_73#0, %parallel_loop3A_126 = %parallel_loop3A_73#1) -> (f32, f32)  : i32 {
        %parallel_loop3A_127 = arith.index_cast %parallel_loop3A_124 : i32 to index
        %parallel_loop3A_128 = arith.constant 0 : index
        %parallel_loop3A_129 = tpu.vector_load %arg13[%parallel_loop3A_127, %parallel_loop3A_128] {strides = array<i32>} : memref<120x128xf32, #tpu.memory_space<vmem>>, vector<16xf32>,
        %parallel_loop3A_130 = vector.bitcast %parallel_loop3A_129 : vector<16xf32> to vector<32xbf16>
        %parallel_loop3A_131 = tpu.unpack_subelements %parallel_loop3A_130, 0 {pack_format = #tpu.pack_format<interleaved>} : vector<32xbf16> -> vector<16xf32>
        %parallel_loop3A_132 = tpu.unpack_subelements %parallel_loop3A_130, 1 {pack_format = #tpu.pack_format<interleaved>} : vector<32xbf16> -> vector<16xf32>
        %parallel_loop3A_133 = arith.index_cast %parallel_loop3A_124 : i32 to index
        %parallel_loop3A_134 = arith.constant 0 : index
        %parallel_loop3A_135 = tpu.vector_load %arg14[%parallel_loop3A_133, %parallel_loop3A_134] {strides = array<i32>} : memref<120x128xf32, #tpu.memory_space<vmem>>, vector<16xf32>,
        %parallel_loop3A_136 = vector.bitcast %parallel_loop3A_135 : vector<16xf32> to vector<32xbf16>
        %parallel_loop3A_137 = tpu.unpack_subelements %parallel_loop3A_136, 0 {pack_format = #tpu.pack_format<interleaved>} : vector<32xbf16> -> vector<16xf32>
        %parallel_loop3A_138 = tpu.unpack_subelements %parallel_loop3A_136, 1 {pack_format = #tpu.pack_format<interleaved>} : vector<32xbf16> -> vector<16xf32>
        %parallel_loop3A_139 = arith.mulf %parallel_loop3A_131, %parallel_loop3A_137 : vector<16xf32>
        %parallel_loop3A_140 = arith.mulf %parallel_loop3A_132, %parallel_loop3A_138 : vector<16xf32>
        %parallel_loop3A_141 = arith.addf %parallel_loop3A_139, %parallel_loop3A_140 : vector<16xf32>
        %parallel_loop3A_142 = arith.mulf %parallel_loop3A_131, %parallel_loop3A_131 : vector<16xf32>
        %parallel_loop3A_143 = arith.mulf %parallel_loop3A_132, %parallel_loop3A_132 : vector<16xf32>
        %parallel_loop3A_144 = arith.addf %parallel_loop3A_142, %parallel_loop3A_143 : vector<16xf32>
        %parallel_loop3A_145 = arith.mulf %parallel_loop3A_137, %parallel_loop3A_137 : vector<16xf32>
        %parallel_loop3A_146 = arith.mulf %parallel_loop3A_138, %parallel_loop3A_138 : vector<16xf32>
        %parallel_loop3A_147 = arith.addf %parallel_loop3A_145, %parallel_loop3A_146 : vector<16xf32>
        %parallel_loop3A_148 = arith.index_cast %parallel_loop3A_124 : i32 to index
        %parallel_loop3A_149 = arith.constant 16 : index
        %parallel_loop3A_150 = tpu.vector_load %arg13[%parallel_loop3A_148, %parallel_loop3A_149] {strides = array<i32>} : memref<120x128xf32, #tpu.memory_space<vmem>>, vector<16xf32>,
        %parallel_loop3A_151 = vector.bitcast %parallel_loop3A_150 : vector<16xf32> to vector<32xbf16>
        %parallel_loop3A_152 = tpu.unpack_subelements %parallel_loop3A_151, 0 {pack_format = #tpu.pack_format<interleaved>} : vector<32xbf16> -> vector<16xf32>
        %parallel_loop3A_153 = tpu.unpack_subelements %parallel_loop3A_151, 1 {pack_format = #tpu.pack_format<interleaved>} : vector<32xbf16> -> vector<16xf32>
        %parallel_loop3A_154 = arith.index_cast %parallel_loop3A_124 : i32 to index
        %parallel_loop3A_155 = arith.constant 16 : index
        %parallel_loop3A_156 = tpu.vector_load %arg14[%parallel_loop3A_154, %parallel_loop3A_155] {strides = array<i32>} : memref<120x128xf32, #tpu.memory_space<vmem>>, vector<16xf32>,
        %parallel_loop3A_157 = vector.bitcast %parallel_loop3A_156 : vector<16xf32> to vector<32xbf16>
        %parallel_loop3A_158 = tpu.unpack_subelements %parallel_loop3A_157, 0 {pack_format = #tpu.pack_format<interleaved>} : vector<32xbf16> -> vector<16xf32>
        %parallel_loop3A_159 = tpu.unpack_subelements %parallel_loop3A_157, 1 {pack_format = #tpu.pack_format<interleaved>} : vector<32xbf16> -> vector<16xf32>
        %parallel_loop3A_160 = arith.mulf %parallel_loop3A_152, %parallel_loop3A_158 : vector<16xf32>
        %parallel_loop3A_161 = arith.addf %parallel_loop3A_141, %parallel_loop3A_160 : vector<16xf32>
        %parallel_loop3A_162 = arith.mulf %parallel_loop3A_153, %parallel_loop3A_159 : vector<16xf32>
        %parallel_loop3A_163 = arith.addf %parallel_loop3A_161, %parallel_loop3A_162 : vector<16xf32>
        %parallel_loop3A_164 = arith.mulf %parallel_loop3A_152, %parallel_loop3A_152 : vector<16xf32>
        %parallel_loop3A_165 = arith.addf %parallel_loop3A_144, %parallel_loop3A_164 : vector<16xf32>
        %parallel_loop3A_166 = arith.mulf %parallel_loop3A_153, %parallel_loop3A_153 : vector<16xf32>
        %parallel_loop3A_167 = arith.addf %parallel_loop3A_165, %parallel_loop3A_166 : vector<16xf32>
        %parallel_loop3A_168 = arith.mulf %parallel_loop3A_158, %parallel_loop3A_158 : vector<16xf32>
        %parallel_loop3A_169 = arith.addf %parallel_loop3A_147, %parallel_loop3A_168 : vector<16xf32>
        %parallel_loop3A_170 = arith.mulf %parallel_loop3A_159, %parallel_loop3A_159 : vector<16xf32>
        %parallel_loop3A_171 = arith.addf %parallel_loop3A_169, %parallel_loop3A_170 : vector<16xf32>
        %parallel_loop3A_172 = arith.index_cast %parallel_loop3A_124 : i32 to index
        %parallel_loop3A_173 = arith.constant 32 : index
        %parallel_loop3A_174 = tpu.vector_load %arg13[%parallel_loop3A_172, %parallel_loop3A_173] {strides = array<i32>} : memref<120x128xf32, #tpu.memory_space<vmem>>, vector<16xf32>,
        %parallel_loop3A_175 = vector.bitcast %parallel_loop3A_174 : vector<16xf32> to vector<32xbf16>
        %parallel_loop3A_176 = tpu.unpack_subelements %parallel_loop3A_175, 0 {pack_format = #tpu.pack_format<interleaved>} : vector<32xbf16> -> vector<16xf32>
        %parallel_loop3A_177 = tpu.unpack_subelements %parallel_loop3A_175, 1 {pack_format = #tpu.pack_format<interleaved>} : vector<32xbf16> -> vector<16xf32>
        %parallel_loop3A_178 = arith.index_cast %parallel_loop3A_124 : i32 to index
        %parallel_loop3A_179 = arith.constant 32 : index
        %parallel_loop3A_180 = tpu.vector_load %arg14[%parallel_loop3A_178, %parallel_loop3A_179] {strides = array<i32>} : memref<120x128xf32, #tpu.memory_space<vmem>>, vector<16xf32>,
        %parallel_loop3A_181 = vector.bitcast %parallel_loop3A_180 : vector<16xf32> to vector<32xbf16>
        %parallel_loop3A_182 = tpu.unpack_subelements %parallel_loop3A_181, 0 {pack_format = #tpu.pack_format<interleaved>} : vector<32xbf16> -> vector<16xf32>
        %parallel_loop3A_183 = tpu.unpack_subelements %parallel_loop3A_181, 1 {pack_format = #tpu.pack_format<interleaved>} : vector<32xbf16> -> vector<16xf32>
        %parallel_loop3A_184 = arith.mulf %parallel_loop3A_176, %parallel_loop3A_182 : vector<16xf32>
        %parallel_loop3A_185 = arith.addf %parallel_loop3A_163, %parallel_loop3A_184 : vector<16xf32>
        %parallel_loop3A_186 = arith.mulf %parallel_loop3A_177, %parallel_loop3A_183 : vector<16xf32>
        %parallel_loop3A_187 = arith.addf %parallel_loop3A_185, %parallel_loop3A_186 : vector<16xf32>
        %parallel_loop3A_188 = arith.mulf %parallel_loop3A_176, %parallel_loop3A_176 : vector<16xf32>
        %parallel_loop3A_189 = arith.addf %parallel_loop3A_167, %parallel_loop3A_188 : vector<16xf32>
        %parallel_loop3A_190 = arith.mulf %parallel_loop3A_177, %parallel_loop3A_177 : vector<16xf32>
        %parallel_loop3A_191 = arith.addf %parallel_loop3A_189, %parallel_loop3A_190 : vector<16xf32>
        %parallel_loop3A_192 = arith.mulf %parallel_loop3A_182, %parallel_loop3A_182 : vector<16xf32>
        %parallel_loop3A_193 = arith.addf %parallel_loop3A_171, %parallel_loop3A_192 : vector<16xf32>
        %parallel_loop3A_194 = arith.mulf %parallel_loop3A_183, %parallel_loop3A_183 : vector<16xf32>
        %parallel_loop3A_195 = arith.addf %parallel_loop3A_193, %parallel_loop3A_194 : vector<16xf32>
        %parallel_loop3A_196 = arith.index_cast %parallel_loop3A_124 : i32 to index
        %parallel_loop3A_197 = arith.constant 48 : index
        %parallel_loop3A_198 = tpu.vector_load %arg13[%parallel_loop3A_196, %parallel_loop3A_197] {strides = array<i32>} : memref<120x128xf32, #tpu.memory_space<vmem>>, vector<16xf32>,
        %parallel_loop3A_199 = vector.bitcast %parallel_loop3A_198 : vector<16xf32> to vector<32xbf16>
        %parallel_loop3A_200 = tpu.unpack_subelements %parallel_loop3A_199, 0 {pack_format = #tpu.pack_format<interleaved>} : vector<32xbf16> -> vector<16xf32>
        %parallel_loop3A_201 = tpu.unpack_subelements %parallel_loop3A_199, 1 {pack_format = #tpu.pack_format<interleaved>} : vector<32xbf16> -> vector<16xf32>
        %parallel_loop3A_202 = arith.index_cast %parallel_loop3A_124 : i32 to index
        %parallel_loop3A_203 = arith.constant 48 : index
        %parallel_loop3A_204 = tpu.vector_load %arg14[%parallel_loop3A_202, %parallel_loop3A_203] {strides = array<i32>} : memref<120x128xf32, #tpu.memory_space<vmem>>, vector<16xf32>,
        %parallel_loop3A_205 = vector.bitcast %parallel_loop3A_204 : vector<16xf32> to vector<32xbf16>
        %parallel_loop3A_206 = tpu.unpack_subelements %parallel_loop3A_205, 0 {pack_format = #tpu.pack_format<interleaved>} : vector<32xbf16> -> vector<16xf32>
        %parallel_loop3A_207 = tpu.unpack_subelements %parallel_loop3A_205, 1 {pack_format = #tpu.pack_format<interleaved>} : vector<32xbf16> -> vector<16xf32>
        %parallel_loop3A_208 = arith.mulf %parallel_loop3A_200, %parallel_loop3A_206 : vector<16xf32>
        %parallel_loop3A_209 = arith.addf %parallel_loop3A_187, %parallel_loop3A_208 : vector<16xf32>
        %parallel_loop3A_210 = arith.mulf %parallel_loop3A_201, %parallel_loop3A_207 : vector<16xf32>
        %parallel_loop3A_211 = arith.addf %parallel_loop3A_209, %parallel_loop3A_210 : vector<16xf32>
        %parallel_loop3A_212 = arith.mulf %parallel_loop3A_200, %parallel_loop3A_200 : vector<16xf32>
        %parallel_loop3A_213 = arith.addf %parallel_loop3A_191, %parallel_loop3A_212 : vector<16xf32>
        %parallel_loop3A_214 = arith.mulf %parallel_loop3A_201, %parallel_loop3A_201 : vector<16xf32>
        %parallel_loop3A_215 = arith.addf %parallel_loop3A_213, %parallel_loop3A_214 : vector<16xf32>
        %parallel_loop3A_216 = arith.mulf %parallel_loop3A_206, %parallel_loop3A_206 : vector<16xf32>
        %parallel_loop3A_217 = arith.addf %parallel_loop3A_195, %parallel_loop3A_216 : vector<16xf32>
        %parallel_loop3A_218 = arith.mulf %parallel_loop3A_207, %parallel_loop3A_207 : vector<16xf32>
        %parallel_loop3A_219 = arith.addf %parallel_loop3A_217, %parallel_loop3A_218 : vector<16xf32>
        %parallel_loop3A_220 = arith.index_cast %parallel_loop3A_124 : i32 to index
        %parallel_loop3A_221 = arith.constant 64 : index
        %parallel_loop3A_222 = tpu.vector_load %arg13[%parallel_loop3A_220, %parallel_loop3A_221] {strides = array<i32>} : memref<120x128xf32, #tpu.memory_space<vmem>>, vector<16xf32>,
        %parallel_loop3A_223 = vector.bitcast %parallel_loop3A_222 : vector<16xf32> to vector<32xbf16>
        %parallel_loop3A_224 = tpu.unpack_subelements %parallel_loop3A_223, 0 {pack_format = #tpu.pack_format<interleaved>} : vector<32xbf16> -> vector<16xf32>
        %parallel_loop3A_225 = tpu.unpack_subelements %parallel_loop3A_223, 1 {pack_format = #tpu.pack_format<interleaved>} : vector<32xbf16> -> vector<16xf32>
        %parallel_loop3A_226 = arith.index_cast %parallel_loop3A_124 : i32 to index
        %parallel_loop3A_227 = arith.constant 64 : index
        %parallel_loop3A_228 = tpu.vector_load %arg14[%parallel_loop3A_226, %parallel_loop3A_227] {strides = array<i32>} : memref<120x128xf32, #tpu.memory_space<vmem>>, vector<16xf32>,
        %parallel_loop3A_229 = vector.bitcast %parallel_loop3A_228 : vector<16xf32> to vector<32xbf16>
        %parallel_loop3A_230 = tpu.unpack_subelements %parallel_loop3A_229, 0 {pack_format = #tpu.pack_format<interleaved>} : vector<32xbf16> -> vector<16xf32>
        %parallel_loop3A_231 = tpu.unpack_subelements %parallel_loop3A_229, 1 {pack_format = #tpu.pack_format<interleaved>} : vector<32xbf16> -> vector<16xf32>
        %parallel_loop3A_232 = arith.mulf %parallel_loop3A_224, %parallel_loop3A_230 : vector<16xf32>
        %parallel_loop3A_233 = arith.addf %parallel_loop3A_211, %parallel_loop3A_232 : vector<16xf32>
        %parallel_loop3A_234 = arith.mulf %parallel_loop3A_225, %parallel_loop3A_231 : vector<16xf32>
        %parallel_loop3A_235 = arith.addf %parallel_loop3A_233, %parallel_loop3A_234 : vector<16xf32>
        %parallel_loop3A_236 = arith.mulf %parallel_loop3A_224, %parallel_loop3A_224 : vector<16xf32>
        %parallel_loop3A_237 = arith.addf %parallel_loop3A_215, %parallel_loop3A_236 : vector<16xf32>
        %parallel_loop3A_238 = arith.mulf %parallel_loop3A_225, %parallel_loop3A_225 : vector<16xf32>
        %parallel_loop3A_239 = arith.addf %parallel_loop3A_237, %parallel_loop3A_238 : vector<16xf32>
        %parallel_loop3A_240 = arith.mulf %parallel_loop3A_230, %parallel_loop3A_230 : vector<16xf32>
        %parallel_loop3A_241 = arith.addf %parallel_loop3A_219, %parallel_loop3A_240 : vector<16xf32>
        %parallel_loop3A_242 = arith.mulf %parallel_loop3A_231, %parallel_loop3A_231 : vector<16xf32>
        %parallel_loop3A_243 = arith.addf %parallel_loop3A_241, %parallel_loop3A_242 : vector<16xf32>
        %parallel_loop3A_244 = arith.index_cast %parallel_loop3A_124 : i32 to index
        %parallel_loop3A_245 = arith.constant 80 : index
        %parallel_loop3A_246 = tpu.vector_load %arg13[%parallel_loop3A_244, %parallel_loop3A_245] {strides = array<i32>} : memref<120x128xf32, #tpu.memory_space<vmem>>, vector<16xf32>,
        %parallel_loop3A_247 = vector.bitcast %parallel_loop3A_246 : vector<16xf32> to vector<32xbf16>
        %parallel_loop3A_248 = tpu.unpack_subelements %parallel_loop3A_247, 0 {pack_format = #tpu.pack_format<interleaved>} : vector<32xbf16> -> vector<16xf32>
        %parallel_loop3A_249 = tpu.unpack_subelements %parallel_loop3A_247, 1 {pack_format = #tpu.pack_format<interleaved>} : vector<32xbf16> -> vector<16xf32>
        %parallel_loop3A_250 = arith.index_cast %parallel_loop3A_124 : i32 to index
        %parallel_loop3A_251 = arith.constant 80 : index
        %parallel_loop3A_252 = tpu.vector_load %arg14[%parallel_loop3A_250, %parallel_loop3A_251] {strides = array<i32>} : memref<120x128xf32, #tpu.memory_space<vmem>>, vector<16xf32>,
        %parallel_loop3A_253 = vector.bitcast %parallel_loop3A_252 : vector<16xf32> to vector<32xbf16>
        %parallel_loop3A_254 = tpu.unpack_subelements %parallel_loop3A_253, 0 {pack_format = #tpu.pack_format<interleaved>} : vector<32xbf16> -> vector<16xf32>
        %parallel_loop3A_255 = tpu.unpack_subelements %parallel_loop3A_253, 1 {pack_format = #tpu.pack_format<interleaved>} : vector<32xbf16> -> vector<16xf32>
        %parallel_loop3A_256 = arith.mulf %parallel_loop3A_248, %parallel_loop3A_254 : vector<16xf32>
        %parallel_loop3A_257 = arith.addf %parallel_loop3A_235, %parallel_loop3A_256 : vector<16xf32>
        %parallel_loop3A_258 = arith.mulf %parallel_loop3A_249, %parallel_loop3A_255 : vector<16xf32>
        %parallel_loop3A_259 = arith.addf %parallel_loop3A_257, %parallel_loop3A_258 : vector<16xf32>
        %parallel_loop3A_260 = arith.mulf %parallel_loop3A_248, %parallel_loop3A_248 : vector<16xf32>
        %parallel_loop3A_261 = arith.addf %parallel_loop3A_239, %parallel_loop3A_260 : vector<16xf32>
        %parallel_loop3A_262 = arith.mulf %parallel_loop3A_249, %parallel_loop3A_249 : vector<16xf32>
        %parallel_loop3A_263 = arith.addf %parallel_loop3A_261, %parallel_loop3A_262 : vector<16xf32>
        %parallel_loop3A_264 = arith.mulf %parallel_loop3A_254, %parallel_loop3A_254 : vector<16xf32>
        %parallel_loop3A_265 = arith.addf %parallel_loop3A_243, %parallel_loop3A_264 : vector<16xf32>
        %parallel_loop3A_266 = arith.mulf %parallel_loop3A_255, %parallel_loop3A_255 : vector<16xf32>
        %parallel_loop3A_267 = arith.addf %parallel_loop3A_265, %parallel_loop3A_266 : vector<16xf32>
        %parallel_loop3A_268 = arith.index_cast %parallel_loop3A_124 : i32 to index
        %parallel_loop3A_269 = arith.constant 96 : index
        %parallel_loop3A_270 = tpu.vector_load %arg13[%parallel_loop3A_268, %parallel_loop3A_269] {strides = array<i32>} : memref<120x128xf32, #tpu.memory_space<vmem>>, vector<16xf32>,
        %parallel_loop3A_271 = vector.bitcast %parallel_loop3A_270 : vector<16xf32> to vector<32xbf16>
        %parallel_loop3A_272 = tpu.unpack_subelements %parallel_loop3A_271, 0 {pack_format = #tpu.pack_format<interleaved>} : vector<32xbf16> -> vector<16xf32>
        %parallel_loop3A_273 = tpu.unpack_subelements %parallel_loop3A_271, 1 {pack_format = #tpu.pack_format<interleaved>} : vector<32xbf16> -> vector<16xf32>
        %parallel_loop3A_274 = arith.index_cast %parallel_loop3A_124 : i32 to index
        %parallel_loop3A_275 = arith.constant 96 : index
        %parallel_loop3A_276 = tpu.vector_load %arg14[%parallel_loop3A_274, %parallel_loop3A_275] {strides = array<i32>} : memref<120x128xf32, #tpu.memory_space<vmem>>, vector<16xf32>,
        %parallel_loop3A_277 = vector.bitcast %parallel_loop3A_276 : vector<16xf32> to vector<32xbf16>
        %parallel_loop3A_278 = tpu.unpack_subelements %parallel_loop3A_277, 0 {pack_format = #tpu.pack_format<interleaved>} : vector<32xbf16> -> vector<16xf32>
        %parallel_loop3A_279 = tpu.unpack_subelements %parallel_loop3A_277, 1 {pack_format = #tpu.pack_format<interleaved>} : vector<32xbf16> -> vector<16xf32>
        %parallel_loop3A_280 = arith.mulf %parallel_loop3A_272, %parallel_loop3A_278 : vector<16xf32>
        %parallel_loop3A_281 = arith.addf %parallel_loop3A_259, %parallel_loop3A_280 : vector<16xf32>
        %parallel_loop3A_282 = arith.mulf %parallel_loop3A_273, %parallel_loop3A_279 : vector<16xf32>
        %parallel_loop3A_283 = arith.addf %parallel_loop3A_281, %parallel_loop3A_282 : vector<16xf32>
        %parallel_loop3A_284 = arith.mulf %parallel_loop3A_272, %parallel_loop3A_272 : vector<16xf32>
        %parallel_loop3A_285 = arith.addf %parallel_loop3A_263, %parallel_loop3A_284 : vector<16xf32>
        %parallel_loop3A_286 = arith.mulf %parallel_loop3A_273, %parallel_loop3A_273 : vector<16xf32>
        %parallel_loop3A_287 = arith.addf %parallel_loop3A_285, %parallel_loop3A_286 : vector<16xf32>
        %parallel_loop3A_288 = arith.mulf %parallel_loop3A_278, %parallel_loop3A_278 : vector<16xf32>
        %parallel_loop3A_289 = arith.addf %parallel_loop3A_267, %parallel_loop3A_288 : vector<16xf32>
        %parallel_loop3A_290 = arith.mulf %parallel_loop3A_279, %parallel_loop3A_279 : vector<16xf32>
        %parallel_loop3A_291 = arith.addf %parallel_loop3A_289, %parallel_loop3A_290 : vector<16xf32>
        %parallel_loop3A_292 = arith.index_cast %parallel_loop3A_124 : i32 to index
        %parallel_loop3A_293 = arith.constant 112 : index
        %parallel_loop3A_294 = tpu.vector_load %arg13[%parallel_loop3A_292, %parallel_loop3A_293] {strides = array<i32>} : memref<120x128xf32, #tpu.memory_space<vmem>>, vector<16xf32>,
        %parallel_loop3A_295 = vector.bitcast %parallel_loop3A_294 : vector<16xf32> to vector<32xbf16>
        %parallel_loop3A_296 = tpu.unpack_subelements %parallel_loop3A_295, 0 {pack_format = #tpu.pack_format<interleaved>} : vector<32xbf16> -> vector<16xf32>
        %parallel_loop3A_297 = tpu.unpack_subelements %parallel_loop3A_295, 1 {pack_format = #tpu.pack_format<interleaved>} : vector<32xbf16> -> vector<16xf32>
        %parallel_loop3A_298 = arith.index_cast %parallel_loop3A_124 : i32 to index
        %parallel_loop3A_299 = arith.constant 112 : index
        %parallel_loop3A_300 = tpu.vector_load %arg14[%parallel_loop3A_298, %parallel_loop3A_299] {strides = array<i32>} : memref<120x128xf32, #tpu.memory_space<vmem>>, vector<16xf32>,
        %parallel_loop3A_301 = vector.bitcast %parallel_loop3A_300 : vector<16xf32> to vector<32xbf16>
        %parallel_loop3A_302 = tpu.unpack_subelements %parallel_loop3A_301, 0 {pack_format = #tpu.pack_format<interleaved>} : vector<32xbf16> -> vector<16xf32>
        %parallel_loop3A_303 = tpu.unpack_subelements %parallel_loop3A_301, 1 {pack_format = #tpu.pack_format<interleaved>} : vector<32xbf16> -> vector<16xf32>
        %parallel_loop3A_304 = arith.mulf %parallel_loop3A_296, %parallel_loop3A_302 : vector<16xf32>
        %parallel_loop3A_305 = arith.addf %parallel_loop3A_283, %parallel_loop3A_304 : vector<16xf32>
        %parallel_loop3A_306 = arith.mulf %parallel_loop3A_297, %parallel_loop3A_303 : vector<16xf32>
        %parallel_loop3A_307 = arith.addf %parallel_loop3A_305, %parallel_loop3A_306 : vector<16xf32>
        %parallel_loop3A_308 = arith.mulf %parallel_loop3A_296, %parallel_loop3A_296 : vector<16xf32>
        %parallel_loop3A_309 = arith.addf %parallel_loop3A_287, %parallel_loop3A_308 : vector<16xf32>
        %parallel_loop3A_310 = arith.mulf %parallel_loop3A_297, %parallel_loop3A_297 : vector<16xf32>
        %parallel_loop3A_311 = arith.addf %parallel_loop3A_309, %parallel_loop3A_310 : vector<16xf32>
        %parallel_loop3A_312 = arith.mulf %parallel_loop3A_302, %parallel_loop3A_302 : vector<16xf32>
        %parallel_loop3A_313 = arith.addf %parallel_loop3A_291, %parallel_loop3A_312 : vector<16xf32>
        %parallel_loop3A_314 = arith.mulf %parallel_loop3A_303, %parallel_loop3A_303 : vector<16xf32>
        %parallel_loop3A_315 = arith.addf %parallel_loop3A_313, %parallel_loop3A_314 : vector<16xf32>
        %parallel_loop3A_316 = arith.constant true
        %parallel_loop3A_317 = vector.broadcast %parallel_loop3A_316 : i1 to vector<16xi1>
        %parallel_loop3A_318 = tpu.scan <sum>, %parallel_loop3A_307 masked %parallel_loop3A_317 : vector<16xf32>, vector<16xi1> -> vector<16xf32>
        %parallel_loop3A_319 = vector.extract %parallel_loop3A_318[15] : f32 from vector<16xf32>
        %parallel_loop3A_320 = arith.constant true
        %parallel_loop3A_321 = vector.broadcast %parallel_loop3A_320 : i1 to vector<16xi1>
        %parallel_loop3A_322 = tpu.scan <sum>, %parallel_loop3A_311 masked %parallel_loop3A_321 : vector<16xf32>, vector<16xi1> -> vector<16xf32>
        %parallel_loop3A_323 = vector.extract %parallel_loop3A_322[15] : f32 from vector<16xf32>
        %parallel_loop3A_324 = arith.constant true
        %parallel_loop3A_325 = vector.broadcast %parallel_loop3A_324 : i1 to vector<16xi1>
        %parallel_loop3A_326 = tpu.scan <sum>, %parallel_loop3A_315 masked %parallel_loop3A_325 : vector<16xf32>, vector<16xi1> -> vector<16xf32>
        %parallel_loop3A_327 = vector.extract %parallel_loop3A_326[15] : f32 from vector<16xf32>
        %parallel_loop3A_328 = arith.constant 1.000000e-16 : f32
        %parallel_loop3A_329 = arith.maximumf %parallel_loop3A_323, %parallel_loop3A_328 : f32
        %parallel_loop3A_330 = arith.constant 1.000000e-16 : f32
        %parallel_loop3A_331 = arith.maximumf %parallel_loop3A_327, %parallel_loop3A_330 : f32
        %parallel_loop3A_332 = arith.mulf %parallel_loop3A_329, %parallel_loop3A_331 : f32
        %parallel_loop3A_333 = arith.bitcast %parallel_loop3A_332 : f32 to i32
        %parallel_loop3A_334 = arith.constant 1 : i32
        %parallel_loop3A_335 = arith.shrsi %parallel_loop3A_333, %parallel_loop3A_334 : i32
        %parallel_loop3A_336 = arith.constant 1597463007 : i32
        %parallel_loop3A_337 = arith.subi %parallel_loop3A_336, %parallel_loop3A_335 : i32
        %parallel_loop3A_338 = arith.bitcast %parallel_loop3A_337 : i32 to f32
        %parallel_loop3A_339 = arith.constant 5.000000e-01 : f32
        %parallel_loop3A_340 = arith.mulf %parallel_loop3A_339, %parallel_loop3A_332 : f32
        %parallel_loop3A_341 = arith.mulf %parallel_loop3A_340, %parallel_loop3A_338 : f32
        %parallel_loop3A_342 = arith.mulf %parallel_loop3A_341, %parallel_loop3A_338 : f32
        %parallel_loop3A_343 = arith.constant 1.500000e+00 : f32
        %parallel_loop3A_344 = arith.subf %parallel_loop3A_343, %parallel_loop3A_342 : f32
        %parallel_loop3A_345 = arith.mulf %parallel_loop3A_338, %parallel_loop3A_344 : f32
        %parallel_loop3A_346 = arith.constant 5.000000e-01 : f32
        %parallel_loop3A_347 = arith.mulf %parallel_loop3A_346, %parallel_loop3A_332 : f32
        %parallel_loop3A_348 = arith.mulf %parallel_loop3A_347, %parallel_loop3A_345 : f32
        %parallel_loop3A_349 = arith.mulf %parallel_loop3A_348, %parallel_loop3A_345 : f32
        %parallel_loop3A_350 = arith.constant 1.500000e+00 : f32
        %parallel_loop3A_351 = arith.subf %parallel_loop3A_350, %parallel_loop3A_349 : f32
        %parallel_loop3A_352 = arith.mulf %parallel_loop3A_345, %parallel_loop3A_351 : f32
        %parallel_loop3A_353 = arith.constant 5.000000e-01 : f32
        %parallel_loop3A_354 = arith.mulf %parallel_loop3A_353, %parallel_loop3A_332 : f32
        %parallel_loop3A_355 = arith.mulf %parallel_loop3A_354, %parallel_loop3A_352 : f32
        %parallel_loop3A_356 = arith.mulf %parallel_loop3A_355, %parallel_loop3A_352 : f32
        %parallel_loop3A_357 = arith.constant 1.500000e+00 : f32
        %parallel_loop3A_358 = arith.subf %parallel_loop3A_357, %parallel_loop3A_356 : f32
        %parallel_loop3A_359 = arith.mulf %parallel_loop3A_352, %parallel_loop3A_358 : f32
        %parallel_loop3A_360 = arith.mulf %parallel_loop3A_319, %parallel_loop3A_359 : f32
        %parallel_loop3A_361 = arith.addi %add3A_90, %parallel_loop3A_124 : i32
        %parallel_loop3A_362 = arith.constant 160000 : i32
        %parallel_loop3A_363 = arith.cmpi slt, %parallel_loop3A_361, %parallel_loop3A_362 : i32
        %parallel_loop3A_364 = arith.constant 1.000000e+00 : f32
        %parallel_loop3A_365 = arith.subf %parallel_loop3A_364, %parallel_loop3A_360 : f32
        %parallel_loop3A_366 = arith.constant 0.000000e+00 : f32
        %parallel_loop3A_367 = arith.select %parallel_loop3A_363, %parallel_loop3A_365, %parallel_loop3A_366 : f32
        %parallel_loop3A_368 = arith.addf %parallel_loop3A_125, %parallel_loop3A_367 : f32
        %parallel_loop3A_369 = arith.addf %parallel_loop3A_323, %parallel_loop3A_327 : f32
        %parallel_loop3A_370 = arith.constant 2.000000e+00 : f32
        %parallel_loop3A_371 = arith.mulf %parallel_loop3A_370, %parallel_loop3A_319 : f32
        %parallel_loop3A_372 = arith.subf %parallel_loop3A_369, %parallel_loop3A_371 : f32
        %parallel_loop3A_373 = arith.constant 0.000000e+00 : f32
        %parallel_loop3A_374 = arith.select %parallel_loop3A_363, %parallel_loop3A_372, %parallel_loop3A_373 : f32
        %parallel_loop3A_375 = arith.addf %parallel_loop3A_126, %parallel_loop3A_374 : f32
        scf.yield %parallel_loop3A_368, %parallel_loop3A_375 : f32, f32
      } {sc.loop_unroll_factor = 4 : i64, sc.parallel_access}
      %add3A_95 = arith.constant 2 : i32
      %add3A_96 = arith.addi %add3A_81, %add3A_95 : i32
      %lt3A_97 = arith.cmpi slt, %add3A_96, %select_n3A : i32
      %convert_element_type3A_98 = arith.extui %lt3A_97 : i1 to i32
      %cond3A_99 = arith.constant 0 : i32
      %cond3A_100 = arith.cmpi ne, %convert_element_type3A_98, %cond3A_99 : i32
      scf.if %cond3A_100 {
        %add3A_124 = arith.constant 2 : i32
        %add3A_125 = arith.addi %add3A_81, %add3A_124 : i32
        %mul3A_126 = arith.constant 120 : i32
        %mul3A_127 = arith.muli %add3A_125, %mul3A_126 : i32
        %add3A_128 = arith.addi %add3A_5, %mul3A_127 : i32
        "tpu.region"() ({
          %run_scoped3A = tpu.sem_alloc : memref<!tpu.dma_semaphore, #tpu.memory_space<semaphore_mem>>
          %dma_start3A_135 = tpu.memref_slice %arg3[%add3A_128] : memref<161280xi32, #tpu.memory_space<hbm>> -> memref<120xi32, #tpu.memory_space<hbm>>
          %dma_start3A_136 = tpu.memref_slice %arg3[%add3A_128] : memref<161280xi32, #tpu.memory_space<hbm>> -> memref<120xi32, #tpu.memory_space<hbm>>
          tpu.enqueue_dma source(%dma_start3A_136 : memref<120xi32, #tpu.memory_space<hbm>>) target(%arg6 : memref<120xi32, #tpu.memory_space<vmem>>) target_semaphore(%run_scoped3A : memref<!tpu.dma_semaphore, #tpu.memory_space<semaphore_mem>>)
          %dma_wait3A_137 = tpu.memref_slice %arg3[%add3A_128] : memref<161280xi32, #tpu.memory_space<hbm>> -> memref<120xi32, #tpu.memory_space<hbm>>
          %dma_wait3A_138 = tpu.memref_slice %arg3[%add3A_128] : memref<161280xi32, #tpu.memory_space<hbm>> -> memref<120xi32, #tpu.memory_space<hbm>>
          tpu.wait_dma2 semaphore(%run_scoped3A : memref<!tpu.dma_semaphore, #tpu.memory_space<semaphore_mem>>) src(%dma_wait3A_138 : memref<120xi32, #tpu.memory_space<hbm>>) dst(%arg6 : memref<120xi32, #tpu.memory_space<vmem>>)
          tpu.yield
        }) : () -> ()
        "tpu.region"() ({
          %run_scoped3A = tpu.sem_alloc : memref<!tpu.dma_semaphore, #tpu.memory_space<semaphore_mem>>
          %dma_start3A_135 = tpu.memref_slice %arg4[%add3A_128] : memref<161280xi32, #tpu.memory_space<hbm>> -> memref<120xi32, #tpu.memory_space<hbm>>
          %dma_start3A_136 = tpu.memref_slice %arg4[%add3A_128] : memref<161280xi32, #tpu.memory_space<hbm>> -> memref<120xi32, #tpu.memory_space<hbm>>
          tpu.enqueue_dma source(%dma_start3A_136 : memref<120xi32, #tpu.memory_space<hbm>>) target(%arg7 : memref<120xi32, #tpu.memory_space<vmem>>) target_semaphore(%run_scoped3A : memref<!tpu.dma_semaphore, #tpu.memory_space<semaphore_mem>>)
          %dma_wait3A_137 = tpu.memref_slice %arg4[%add3A_128] : memref<161280xi32, #tpu.memory_space<hbm>> -> memref<120xi32, #tpu.memory_space<hbm>>
          %dma_wait3A_138 = tpu.memref_slice %arg4[%add3A_128] : memref<161280xi32, #tpu.memory_space<hbm>> -> memref<120xi32, #tpu.memory_space<hbm>>
          tpu.wait_dma2 semaphore(%run_scoped3A : memref<!tpu.dma_semaphore, #tpu.memory_space<semaphore_mem>>) src(%dma_wait3A_138 : memref<120xi32, #tpu.memory_space<hbm>>) dst(%arg7 : memref<120xi32, #tpu.memory_space<vmem>>)
          tpu.yield
        }) : () -> ()
        %dma_start3A_129 = arith.constant 0 : i32
        %dma_start3A_130 = arith.constant 0 : i32
        %dma_start3A_131 = tpu.memref_slice %arg2[%dma_start3A_129, %dma_start3A_130] : memref<10000x128xf32, #tpu.memory_space<hbm>> -> memref<10000x128xf32, #tpu.memory_space<hbm>>
        tpu.enqueue_indirect_dma source(%dma_start3A_131 : memref<10000x128xf32, #tpu.memory_space<hbm>>) target(%arg8 : memref<120x128xf32, #tpu.memory_space<vmem>>) offsets(%arg6 : memref<120xi32, #tpu.memory_space<vmem>>) semaphore(%arg10 : memref<!tpu.dma_semaphore, #tpu.memory_space<semaphore_mem>>)
        %dma_start3A_132 = arith.constant 0 : i32
        %dma_start3A_133 = arith.constant 0 : i32
        %dma_start3A_134 = tpu.memref_slice %arg2[%dma_start3A_132, %dma_start3A_133] : memref<10000x128xf32, #tpu.memory_space<hbm>> -> memref<10000x128xf32, #tpu.memory_space<hbm>>
        tpu.enqueue_indirect_dma source(%dma_start3A_134 : memref<10000x128xf32, #tpu.memory_space<hbm>>) target(%arg9 : memref<120x128xf32, #tpu.memory_space<vmem>>) offsets(%arg7 : memref<120xi32, #tpu.memory_space<vmem>>) semaphore(%arg10 : memref<!tpu.dma_semaphore, #tpu.memory_space<semaphore_mem>>)
      } else {
      }
      %mul3A_101 = arith.constant 3 : i32
      %mul3A_102 = arith.muli %while3A_56, %mul3A_101 : i32
      %add3A_103 = arith.constant 2 : i32
      %add3A_104 = arith.addi %mul3A_102, %add3A_103 : i32
      %dma_wait3A_105 = arith.constant 0 : i32
      %dma_wait3A_106 = arith.constant 0 : i32
      %dma_wait3A_107 = tpu.memref_slice %arg2[%dma_wait3A_105, %dma_wait3A_106] : memref<10000x128xf32, #tpu.memory_space<hbm>> -> memref<10000x128xf32, #tpu.memory_space<hbm>>
      tpu.wait_indirect_dma semaphore(%arg20 : memref<!tpu.dma_semaphore, #tpu.memory_space<semaphore_mem>>) src(%dma_wait3A_107 : memref<10000x128xf32, #tpu.memory_space<hbm>>) dst(%arg18 : memref<120x128xf32, #tpu.memory_space<vmem>>)
      %dma_wait3A_108 = arith.constant 0 : i32
      %dma_wait3A_109 = arith.constant 0 : i32
      %dma_wait3A_110 = tpu.memref_slice %arg2[%dma_wait3A_108, %dma_wait3A_109] : memref<10000x128xf32, #tpu.memory_space<hbm>> -> memref<10000x128xf32, #tpu.memory_space<hbm>>
      tpu.wait_indirect_dma semaphore(%arg20 : memref<!tpu.dma_semaphore, #tpu.memory_space<semaphore_mem>>) src(%dma_wait3A_110 : memref<10000x128xf32, #tpu.memory_space<hbm>>) dst(%arg19 : memref<120x128xf32, #tpu.memory_space<vmem>>)
      %mul3A_111 = arith.constant 120 : i32
      %mul3A_112 = arith.muli %add3A_104, %mul3A_111 : i32
      %add3A_113 = arith.addi %add3A_5, %mul3A_112 : i32
      %parallel_loop3A_114 = arith.constant 0 : i32
      %parallel_loop3A_115 = arith.constant 120 : i32
      %parallel_loop3A_116 = arith.constant 1 : i32
      %parallel_loop3A_117:2 = scf.for %parallel_loop3A_124 = %parallel_loop3A_114 to %parallel_loop3A_115 step %parallel_loop3A_116 iter_args(%parallel_loop3A_125 = %parallel_loop3A_94#0, %parallel_loop3A_126 = %parallel_loop3A_94#1) -> (f32, f32)  : i32 {
        %parallel_loop3A_127 = arith.index_cast %parallel_loop3A_124 : i32 to index
        %parallel_loop3A_128 = arith.constant 0 : index
        %parallel_loop3A_129 = tpu.vector_load %arg18[%parallel_loop3A_127, %parallel_loop3A_128] {strides = array<i32>} : memref<120x128xf32, #tpu.memory_space<vmem>>, vector<16xf32>,
        %parallel_loop3A_130 = vector.bitcast %parallel_loop3A_129 : vector<16xf32> to vector<32xbf16>
        %parallel_loop3A_131 = tpu.unpack_subelements %parallel_loop3A_130, 0 {pack_format = #tpu.pack_format<interleaved>} : vector<32xbf16> -> vector<16xf32>
        %parallel_loop3A_132 = tpu.unpack_subelements %parallel_loop3A_130, 1 {pack_format = #tpu.pack_format<interleaved>} : vector<32xbf16> -> vector<16xf32>
        %parallel_loop3A_133 = arith.index_cast %parallel_loop3A_124 : i32 to index
        %parallel_loop3A_134 = arith.constant 0 : index
        %parallel_loop3A_135 = tpu.vector_load %arg19[%parallel_loop3A_133, %parallel_loop3A_134] {strides = array<i32>} : memref<120x128xf32, #tpu.memory_space<vmem>>, vector<16xf32>,
        %parallel_loop3A_136 = vector.bitcast %parallel_loop3A_135 : vector<16xf32> to vector<32xbf16>
        %parallel_loop3A_137 = tpu.unpack_subelements %parallel_loop3A_136, 0 {pack_format = #tpu.pack_format<interleaved>} : vector<32xbf16> -> vector<16xf32>
        %parallel_loop3A_138 = tpu.unpack_subelements %parallel_loop3A_136, 1 {pack_format = #tpu.pack_format<interleaved>} : vector<32xbf16> -> vector<16xf32>
        %parallel_loop3A_139 = arith.mulf %parallel_loop3A_131, %parallel_loop3A_137 : vector<16xf32>
        %parallel_loop3A_140 = arith.mulf %parallel_loop3A_132, %parallel_loop3A_138 : vector<16xf32>
        %parallel_loop3A_141 = arith.addf %parallel_loop3A_139, %parallel_loop3A_140 : vector<16xf32>
        %parallel_loop3A_142 = arith.mulf %parallel_loop3A_131, %parallel_loop3A_131 : vector<16xf32>
        %parallel_loop3A_143 = arith.mulf %parallel_loop3A_132, %parallel_loop3A_132 : vector<16xf32>
        %parallel_loop3A_144 = arith.addf %parallel_loop3A_142, %parallel_loop3A_143 : vector<16xf32>
        %parallel_loop3A_145 = arith.mulf %parallel_loop3A_137, %parallel_loop3A_137 : vector<16xf32>
        %parallel_loop3A_146 = arith.mulf %parallel_loop3A_138, %parallel_loop3A_138 : vector<16xf32>
        %parallel_loop3A_147 = arith.addf %parallel_loop3A_145, %parallel_loop3A_146 : vector<16xf32>
        %parallel_loop3A_148 = arith.index_cast %parallel_loop3A_124 : i32 to index
        %parallel_loop3A_149 = arith.constant 16 : index
        %parallel_loop3A_150 = tpu.vector_load %arg18[%parallel_loop3A_148, %parallel_loop3A_149] {strides = array<i32>} : memref<120x128xf32, #tpu.memory_space<vmem>>, vector<16xf32>,
        %parallel_loop3A_151 = vector.bitcast %parallel_loop3A_150 : vector<16xf32> to vector<32xbf16>
        %parallel_loop3A_152 = tpu.unpack_subelements %parallel_loop3A_151, 0 {pack_format = #tpu.pack_format<interleaved>} : vector<32xbf16> -> vector<16xf32>
        %parallel_loop3A_153 = tpu.unpack_subelements %parallel_loop3A_151, 1 {pack_format = #tpu.pack_format<interleaved>} : vector<32xbf16> -> vector<16xf32>
        %parallel_loop3A_154 = arith.index_cast %parallel_loop3A_124 : i32 to index
        %parallel_loop3A_155 = arith.constant 16 : index
        %parallel_loop3A_156 = tpu.vector_load %arg19[%parallel_loop3A_154, %parallel_loop3A_155] {strides = array<i32>} : memref<120x128xf32, #tpu.memory_space<vmem>>, vector<16xf32>,
        %parallel_loop3A_157 = vector.bitcast %parallel_loop3A_156 : vector<16xf32> to vector<32xbf16>
        %parallel_loop3A_158 = tpu.unpack_subelements %parallel_loop3A_157, 0 {pack_format = #tpu.pack_format<interleaved>} : vector<32xbf16> -> vector<16xf32>
        %parallel_loop3A_159 = tpu.unpack_subelements %parallel_loop3A_157, 1 {pack_format = #tpu.pack_format<interleaved>} : vector<32xbf16> -> vector<16xf32>
        %parallel_loop3A_160 = arith.mulf %parallel_loop3A_152, %parallel_loop3A_158 : vector<16xf32>
        %parallel_loop3A_161 = arith.addf %parallel_loop3A_141, %parallel_loop3A_160 : vector<16xf32>
        %parallel_loop3A_162 = arith.mulf %parallel_loop3A_153, %parallel_loop3A_159 : vector<16xf32>
        %parallel_loop3A_163 = arith.addf %parallel_loop3A_161, %parallel_loop3A_162 : vector<16xf32>
        %parallel_loop3A_164 = arith.mulf %parallel_loop3A_152, %parallel_loop3A_152 : vector<16xf32>
        %parallel_loop3A_165 = arith.addf %parallel_loop3A_144, %parallel_loop3A_164 : vector<16xf32>
        %parallel_loop3A_166 = arith.mulf %parallel_loop3A_153, %parallel_loop3A_153 : vector<16xf32>
        %parallel_loop3A_167 = arith.addf %parallel_loop3A_165, %parallel_loop3A_166 : vector<16xf32>
        %parallel_loop3A_168 = arith.mulf %parallel_loop3A_158, %parallel_loop3A_158 : vector<16xf32>
        %parallel_loop3A_169 = arith.addf %parallel_loop3A_147, %parallel_loop3A_168 : vector<16xf32>
        %parallel_loop3A_170 = arith.mulf %parallel_loop3A_159, %parallel_loop3A_159 : vector<16xf32>
        %parallel_loop3A_171 = arith.addf %parallel_loop3A_169, %parallel_loop3A_170 : vector<16xf32>
        %parallel_loop3A_172 = arith.index_cast %parallel_loop3A_124 : i32 to index
        %parallel_loop3A_173 = arith.constant 32 : index
        %parallel_loop3A_174 = tpu.vector_load %arg18[%parallel_loop3A_172, %parallel_loop3A_173] {strides = array<i32>} : memref<120x128xf32, #tpu.memory_space<vmem>>, vector<16xf32>,
        %parallel_loop3A_175 = vector.bitcast %parallel_loop3A_174 : vector<16xf32> to vector<32xbf16>
        %parallel_loop3A_176 = tpu.unpack_subelements %parallel_loop3A_175, 0 {pack_format = #tpu.pack_format<interleaved>} : vector<32xbf16> -> vector<16xf32>
        %parallel_loop3A_177 = tpu.unpack_subelements %parallel_loop3A_175, 1 {pack_format = #tpu.pack_format<interleaved>} : vector<32xbf16> -> vector<16xf32>
        %parallel_loop3A_178 = arith.index_cast %parallel_loop3A_124 : i32 to index
        %parallel_loop3A_179 = arith.constant 32 : index
        %parallel_loop3A_180 = tpu.vector_load %arg19[%parallel_loop3A_178, %parallel_loop3A_179] {strides = array<i32>} : memref<120x128xf32, #tpu.memory_space<vmem>>, vector<16xf32>,
        %parallel_loop3A_181 = vector.bitcast %parallel_loop3A_180 : vector<16xf32> to vector<32xbf16>
        %parallel_loop3A_182 = tpu.unpack_subelements %parallel_loop3A_181, 0 {pack_format = #tpu.pack_format<interleaved>} : vector<32xbf16> -> vector<16xf32>
        %parallel_loop3A_183 = tpu.unpack_subelements %parallel_loop3A_181, 1 {pack_format = #tpu.pack_format<interleaved>} : vector<32xbf16> -> vector<16xf32>
        %parallel_loop3A_184 = arith.mulf %parallel_loop3A_176, %parallel_loop3A_182 : vector<16xf32>
        %parallel_loop3A_185 = arith.addf %parallel_loop3A_163, %parallel_loop3A_184 : vector<16xf32>
        %parallel_loop3A_186 = arith.mulf %parallel_loop3A_177, %parallel_loop3A_183 : vector<16xf32>
        %parallel_loop3A_187 = arith.addf %parallel_loop3A_185, %parallel_loop3A_186 : vector<16xf32>
        %parallel_loop3A_188 = arith.mulf %parallel_loop3A_176, %parallel_loop3A_176 : vector<16xf32>
        %parallel_loop3A_189 = arith.addf %parallel_loop3A_167, %parallel_loop3A_188 : vector<16xf32>
        %parallel_loop3A_190 = arith.mulf %parallel_loop3A_177, %parallel_loop3A_177 : vector<16xf32>
        %parallel_loop3A_191 = arith.addf %parallel_loop3A_189, %parallel_loop3A_190 : vector<16xf32>
        %parallel_loop3A_192 = arith.mulf %parallel_loop3A_182, %parallel_loop3A_182 : vector<16xf32>
        %parallel_loop3A_193 = arith.addf %parallel_loop3A_171, %parallel_loop3A_192 : vector<16xf32>
        %parallel_loop3A_194 = arith.mulf %parallel_loop3A_183, %parallel_loop3A_183 : vector<16xf32>
        %parallel_loop3A_195 = arith.addf %parallel_loop3A_193, %parallel_loop3A_194 : vector<16xf32>
        %parallel_loop3A_196 = arith.index_cast %parallel_loop3A_124 : i32 to index
        %parallel_loop3A_197 = arith.constant 48 : index
        %parallel_loop3A_198 = tpu.vector_load %arg18[%parallel_loop3A_196, %parallel_loop3A_197] {strides = array<i32>} : memref<120x128xf32, #tpu.memory_space<vmem>>, vector<16xf32>,
        %parallel_loop3A_199 = vector.bitcast %parallel_loop3A_198 : vector<16xf32> to vector<32xbf16>
        %parallel_loop3A_200 = tpu.unpack_subelements %parallel_loop3A_199, 0 {pack_format = #tpu.pack_format<interleaved>} : vector<32xbf16> -> vector<16xf32>
        %parallel_loop3A_201 = tpu.unpack_subelements %parallel_loop3A_199, 1 {pack_format = #tpu.pack_format<interleaved>} : vector<32xbf16> -> vector<16xf32>
        %parallel_loop3A_202 = arith.index_cast %parallel_loop3A_124 : i32 to index
        %parallel_loop3A_203 = arith.constant 48 : index
        %parallel_loop3A_204 = tpu.vector_load %arg19[%parallel_loop3A_202, %parallel_loop3A_203] {strides = array<i32>} : memref<120x128xf32, #tpu.memory_space<vmem>>, vector<16xf32>,
        %parallel_loop3A_205 = vector.bitcast %parallel_loop3A_204 : vector<16xf32> to vector<32xbf16>
        %parallel_loop3A_206 = tpu.unpack_subelements %parallel_loop3A_205, 0 {pack_format = #tpu.pack_format<interleaved>} : vector<32xbf16> -> vector<16xf32>
        %parallel_loop3A_207 = tpu.unpack_subelements %parallel_loop3A_205, 1 {pack_format = #tpu.pack_format<interleaved>} : vector<32xbf16> -> vector<16xf32>
        %parallel_loop3A_208 = arith.mulf %parallel_loop3A_200, %parallel_loop3A_206 : vector<16xf32>
        %parallel_loop3A_209 = arith.addf %parallel_loop3A_187, %parallel_loop3A_208 : vector<16xf32>
        %parallel_loop3A_210 = arith.mulf %parallel_loop3A_201, %parallel_loop3A_207 : vector<16xf32>
        %parallel_loop3A_211 = arith.addf %parallel_loop3A_209, %parallel_loop3A_210 : vector<16xf32>
        %parallel_loop3A_212 = arith.mulf %parallel_loop3A_200, %parallel_loop3A_200 : vector<16xf32>
        %parallel_loop3A_213 = arith.addf %parallel_loop3A_191, %parallel_loop3A_212 : vector<16xf32>
        %parallel_loop3A_214 = arith.mulf %parallel_loop3A_201, %parallel_loop3A_201 : vector<16xf32>
        %parallel_loop3A_215 = arith.addf %parallel_loop3A_213, %parallel_loop3A_214 : vector<16xf32>
        %parallel_loop3A_216 = arith.mulf %parallel_loop3A_206, %parallel_loop3A_206 : vector<16xf32>
        %parallel_loop3A_217 = arith.addf %parallel_loop3A_195, %parallel_loop3A_216 : vector<16xf32>
        %parallel_loop3A_218 = arith.mulf %parallel_loop3A_207, %parallel_loop3A_207 : vector<16xf32>
        %parallel_loop3A_219 = arith.addf %parallel_loop3A_217, %parallel_loop3A_218 : vector<16xf32>
        %parallel_loop3A_220 = arith.index_cast %parallel_loop3A_124 : i32 to index
        %parallel_loop3A_221 = arith.constant 64 : index
        %parallel_loop3A_222 = tpu.vector_load %arg18[%parallel_loop3A_220, %parallel_loop3A_221] {strides = array<i32>} : memref<120x128xf32, #tpu.memory_space<vmem>>, vector<16xf32>,
        %parallel_loop3A_223 = vector.bitcast %parallel_loop3A_222 : vector<16xf32> to vector<32xbf16>
        %parallel_loop3A_224 = tpu.unpack_subelements %parallel_loop3A_223, 0 {pack_format = #tpu.pack_format<interleaved>} : vector<32xbf16> -> vector<16xf32>
        %parallel_loop3A_225 = tpu.unpack_subelements %parallel_loop3A_223, 1 {pack_format = #tpu.pack_format<interleaved>} : vector<32xbf16> -> vector<16xf32>
        %parallel_loop3A_226 = arith.index_cast %parallel_loop3A_124 : i32 to index
        %parallel_loop3A_227 = arith.constant 64 : index
        %parallel_loop3A_228 = tpu.vector_load %arg19[%parallel_loop3A_226, %parallel_loop3A_227] {strides = array<i32>} : memref<120x128xf32, #tpu.memory_space<vmem>>, vector<16xf32>,
        %parallel_loop3A_229 = vector.bitcast %parallel_loop3A_228 : vector<16xf32> to vector<32xbf16>
        %parallel_loop3A_230 = tpu.unpack_subelements %parallel_loop3A_229, 0 {pack_format = #tpu.pack_format<interleaved>} : vector<32xbf16> -> vector<16xf32>
        %parallel_loop3A_231 = tpu.unpack_subelements %parallel_loop3A_229, 1 {pack_format = #tpu.pack_format<interleaved>} : vector<32xbf16> -> vector<16xf32>
        %parallel_loop3A_232 = arith.mulf %parallel_loop3A_224, %parallel_loop3A_230 : vector<16xf32>
        %parallel_loop3A_233 = arith.addf %parallel_loop3A_211, %parallel_loop3A_232 : vector<16xf32>
        %parallel_loop3A_234 = arith.mulf %parallel_loop3A_225, %parallel_loop3A_231 : vector<16xf32>
        %parallel_loop3A_235 = arith.addf %parallel_loop3A_233, %parallel_loop3A_234 : vector<16xf32>
        %parallel_loop3A_236 = arith.mulf %parallel_loop3A_224, %parallel_loop3A_224 : vector<16xf32>
        %parallel_loop3A_237 = arith.addf %parallel_loop3A_215, %parallel_loop3A_236 : vector<16xf32>
        %parallel_loop3A_238 = arith.mulf %parallel_loop3A_225, %parallel_loop3A_225 : vector<16xf32>
        %parallel_loop3A_239 = arith.addf %parallel_loop3A_237, %parallel_loop3A_238 : vector<16xf32>
        %parallel_loop3A_240 = arith.mulf %parallel_loop3A_230, %parallel_loop3A_230 : vector<16xf32>
        %parallel_loop3A_241 = arith.addf %parallel_loop3A_219, %parallel_loop3A_240 : vector<16xf32>
        %parallel_loop3A_242 = arith.mulf %parallel_loop3A_231, %parallel_loop3A_231 : vector<16xf32>
        %parallel_loop3A_243 = arith.addf %parallel_loop3A_241, %parallel_loop3A_242 : vector<16xf32>
        %parallel_loop3A_244 = arith.index_cast %parallel_loop3A_124 : i32 to index
        %parallel_loop3A_245 = arith.constant 80 : index
        %parallel_loop3A_246 = tpu.vector_load %arg18[%parallel_loop3A_244, %parallel_loop3A_245] {strides = array<i32>} : memref<120x128xf32, #tpu.memory_space<vmem>>, vector<16xf32>,
        %parallel_loop3A_247 = vector.bitcast %parallel_loop3A_246 : vector<16xf32> to vector<32xbf16>
        %parallel_loop3A_248 = tpu.unpack_subelements %parallel_loop3A_247, 0 {pack_format = #tpu.pack_format<interleaved>} : vector<32xbf16> -> vector<16xf32>
        %parallel_loop3A_249 = tpu.unpack_subelements %parallel_loop3A_247, 1 {pack_format = #tpu.pack_format<interleaved>} : vector<32xbf16> -> vector<16xf32>
        %parallel_loop3A_250 = arith.index_cast %parallel_loop3A_124 : i32 to index
        %parallel_loop3A_251 = arith.constant 80 : index
        %parallel_loop3A_252 = tpu.vector_load %arg19[%parallel_loop3A_250, %parallel_loop3A_251] {strides = array<i32>} : memref<120x128xf32, #tpu.memory_space<vmem>>, vector<16xf32>,
        %parallel_loop3A_253 = vector.bitcast %parallel_loop3A_252 : vector<16xf32> to vector<32xbf16>
        %parallel_loop3A_254 = tpu.unpack_subelements %parallel_loop3A_253, 0 {pack_format = #tpu.pack_format<interleaved>} : vector<32xbf16> -> vector<16xf32>
        %parallel_loop3A_255 = tpu.unpack_subelements %parallel_loop3A_253, 1 {pack_format = #tpu.pack_format<interleaved>} : vector<32xbf16> -> vector<16xf32>
        %parallel_loop3A_256 = arith.mulf %parallel_loop3A_248, %parallel_loop3A_254 : vector<16xf32>
        %parallel_loop3A_257 = arith.addf %parallel_loop3A_235, %parallel_loop3A_256 : vector<16xf32>
        %parallel_loop3A_258 = arith.mulf %parallel_loop3A_249, %parallel_loop3A_255 : vector<16xf32>
        %parallel_loop3A_259 = arith.addf %parallel_loop3A_257, %parallel_loop3A_258 : vector<16xf32>
        %parallel_loop3A_260 = arith.mulf %parallel_loop3A_248, %parallel_loop3A_248 : vector<16xf32>
        %parallel_loop3A_261 = arith.addf %parallel_loop3A_239, %parallel_loop3A_260 : vector<16xf32>
        %parallel_loop3A_262 = arith.mulf %parallel_loop3A_249, %parallel_loop3A_249 : vector<16xf32>
        %parallel_loop3A_263 = arith.addf %parallel_loop3A_261, %parallel_loop3A_262 : vector<16xf32>
        %parallel_loop3A_264 = arith.mulf %parallel_loop3A_254, %parallel_loop3A_254 : vector<16xf32>
        %parallel_loop3A_265 = arith.addf %parallel_loop3A_243, %parallel_loop3A_264 : vector<16xf32>
        %parallel_loop3A_266 = arith.mulf %parallel_loop3A_255, %parallel_loop3A_255 : vector<16xf32>
        %parallel_loop3A_267 = arith.addf %parallel_loop3A_265, %parallel_loop3A_266 : vector<16xf32>
        %parallel_loop3A_268 = arith.index_cast %parallel_loop3A_124 : i32 to index
        %parallel_loop3A_269 = arith.constant 96 : index
        %parallel_loop3A_270 = tpu.vector_load %arg18[%parallel_loop3A_268, %parallel_loop3A_269] {strides = array<i32>} : memref<120x128xf32, #tpu.memory_space<vmem>>, vector<16xf32>,
        %parallel_loop3A_271 = vector.bitcast %parallel_loop3A_270 : vector<16xf32> to vector<32xbf16>
        %parallel_loop3A_272 = tpu.unpack_subelements %parallel_loop3A_271, 0 {pack_format = #tpu.pack_format<interleaved>} : vector<32xbf16> -> vector<16xf32>
        %parallel_loop3A_273 = tpu.unpack_subelements %parallel_loop3A_271, 1 {pack_format = #tpu.pack_format<interleaved>} : vector<32xbf16> -> vector<16xf32>
        %parallel_loop3A_274 = arith.index_cast %parallel_loop3A_124 : i32 to index
        %parallel_loop3A_275 = arith.constant 96 : index
        %parallel_loop3A_276 = tpu.vector_load %arg19[%parallel_loop3A_274, %parallel_loop3A_275] {strides = array<i32>} : memref<120x128xf32, #tpu.memory_space<vmem>>, vector<16xf32>,
        %parallel_loop3A_277 = vector.bitcast %parallel_loop3A_276 : vector<16xf32> to vector<32xbf16>
        %parallel_loop3A_278 = tpu.unpack_subelements %parallel_loop3A_277, 0 {pack_format = #tpu.pack_format<interleaved>} : vector<32xbf16> -> vector<16xf32>
        %parallel_loop3A_279 = tpu.unpack_subelements %parallel_loop3A_277, 1 {pack_format = #tpu.pack_format<interleaved>} : vector<32xbf16> -> vector<16xf32>
        %parallel_loop3A_280 = arith.mulf %parallel_loop3A_272, %parallel_loop3A_278 : vector<16xf32>
        %parallel_loop3A_281 = arith.addf %parallel_loop3A_259, %parallel_loop3A_280 : vector<16xf32>
        %parallel_loop3A_282 = arith.mulf %parallel_loop3A_273, %parallel_loop3A_279 : vector<16xf32>
        %parallel_loop3A_283 = arith.addf %parallel_loop3A_281, %parallel_loop3A_282 : vector<16xf32>
        %parallel_loop3A_284 = arith.mulf %parallel_loop3A_272, %parallel_loop3A_272 : vector<16xf32>
        %parallel_loop3A_285 = arith.addf %parallel_loop3A_263, %parallel_loop3A_284 : vector<16xf32>
        %parallel_loop3A_286 = arith.mulf %parallel_loop3A_273, %parallel_loop3A_273 : vector<16xf32>
        %parallel_loop3A_287 = arith.addf %parallel_loop3A_285, %parallel_loop3A_286 : vector<16xf32>
        %parallel_loop3A_288 = arith.mulf %parallel_loop3A_278, %parallel_loop3A_278 : vector<16xf32>
        %parallel_loop3A_289 = arith.addf %parallel_loop3A_267, %parallel_loop3A_288 : vector<16xf32>
        %parallel_loop3A_290 = arith.mulf %parallel_loop3A_279, %parallel_loop3A_279 : vector<16xf32>
        %parallel_loop3A_291 = arith.addf %parallel_loop3A_289, %parallel_loop3A_290 : vector<16xf32>
        %parallel_loop3A_292 = arith.index_cast %parallel_loop3A_124 : i32 to index
        %parallel_loop3A_293 = arith.constant 112 : index
        %parallel_loop3A_294 = tpu.vector_load %arg18[%parallel_loop3A_292, %parallel_loop3A_293] {strides = array<i32>} : memref<120x128xf32, #tpu.memory_space<vmem>>, vector<16xf32>,
        %parallel_loop3A_295 = vector.bitcast %parallel_loop3A_294 : vector<16xf32> to vector<32xbf16>
        %parallel_loop3A_296 = tpu.unpack_subelements %parallel_loop3A_295, 0 {pack_format = #tpu.pack_format<interleaved>} : vector<32xbf16> -> vector<16xf32>
        %parallel_loop3A_297 = tpu.unpack_subelements %parallel_loop3A_295, 1 {pack_format = #tpu.pack_format<interleaved>} : vector<32xbf16> -> vector<16xf32>
        %parallel_loop3A_298 = arith.index_cast %parallel_loop3A_124 : i32 to index
        %parallel_loop3A_299 = arith.constant 112 : index
        %parallel_loop3A_300 = tpu.vector_load %arg19[%parallel_loop3A_298, %parallel_loop3A_299] {strides = array<i32>} : memref<120x128xf32, #tpu.memory_space<vmem>>, vector<16xf32>,
        %parallel_loop3A_301 = vector.bitcast %parallel_loop3A_300 : vector<16xf32> to vector<32xbf16>
        %parallel_loop3A_302 = tpu.unpack_subelements %parallel_loop3A_301, 0 {pack_format = #tpu.pack_format<interleaved>} : vector<32xbf16> -> vector<16xf32>
        %parallel_loop3A_303 = tpu.unpack_subelements %parallel_loop3A_301, 1 {pack_format = #tpu.pack_format<interleaved>} : vector<32xbf16> -> vector<16xf32>
        %parallel_loop3A_304 = arith.mulf %parallel_loop3A_296, %parallel_loop3A_302 : vector<16xf32>
        %parallel_loop3A_305 = arith.addf %parallel_loop3A_283, %parallel_loop3A_304 : vector<16xf32>
        %parallel_loop3A_306 = arith.mulf %parallel_loop3A_297, %parallel_loop3A_303 : vector<16xf32>
        %parallel_loop3A_307 = arith.addf %parallel_loop3A_305, %parallel_loop3A_306 : vector<16xf32>
        %parallel_loop3A_308 = arith.mulf %parallel_loop3A_296, %parallel_loop3A_296 : vector<16xf32>
        %parallel_loop3A_309 = arith.addf %parallel_loop3A_287, %parallel_loop3A_308 : vector<16xf32>
        %parallel_loop3A_310 = arith.mulf %parallel_loop3A_297, %parallel_loop3A_297 : vector<16xf32>
        %parallel_loop3A_311 = arith.addf %parallel_loop3A_309, %parallel_loop3A_310 : vector<16xf32>
        %parallel_loop3A_312 = arith.mulf %parallel_loop3A_302, %parallel_loop3A_302 : vector<16xf32>
        %parallel_loop3A_313 = arith.addf %parallel_loop3A_291, %parallel_loop3A_312 : vector<16xf32>
        %parallel_loop3A_314 = arith.mulf %parallel_loop3A_303, %parallel_loop3A_303 : vector<16xf32>
        %parallel_loop3A_315 = arith.addf %parallel_loop3A_313, %parallel_loop3A_314 : vector<16xf32>
        %parallel_loop3A_316 = arith.constant true
        %parallel_loop3A_317 = vector.broadcast %parallel_loop3A_316 : i1 to vector<16xi1>
        %parallel_loop3A_318 = tpu.scan <sum>, %parallel_loop3A_307 masked %parallel_loop3A_317 : vector<16xf32>, vector<16xi1> -> vector<16xf32>
        %parallel_loop3A_319 = vector.extract %parallel_loop3A_318[15] : f32 from vector<16xf32>
        %parallel_loop3A_320 = arith.constant true
        %parallel_loop3A_321 = vector.broadcast %parallel_loop3A_320 : i1 to vector<16xi1>
        %parallel_loop3A_322 = tpu.scan <sum>, %parallel_loop3A_311 masked %parallel_loop3A_321 : vector<16xf32>, vector<16xi1> -> vector<16xf32>
        %parallel_loop3A_323 = vector.extract %parallel_loop3A_322[15] : f32 from vector<16xf32>
        %parallel_loop3A_324 = arith.constant true
        %parallel_loop3A_325 = vector.broadcast %parallel_loop3A_324 : i1 to vector<16xi1>
        %parallel_loop3A_326 = tpu.scan <sum>, %parallel_loop3A_315 masked %parallel_loop3A_325 : vector<16xf32>, vector<16xi1> -> vector<16xf32>
        %parallel_loop3A_327 = vector.extract %parallel_loop3A_326[15] : f32 from vector<16xf32>
        %parallel_loop3A_328 = arith.constant 1.000000e-16 : f32
        %parallel_loop3A_329 = arith.maximumf %parallel_loop3A_323, %parallel_loop3A_328 : f32
        %parallel_loop3A_330 = arith.constant 1.000000e-16 : f32
        %parallel_loop3A_331 = arith.maximumf %parallel_loop3A_327, %parallel_loop3A_330 : f32
        %parallel_loop3A_332 = arith.mulf %parallel_loop3A_329, %parallel_loop3A_331 : f32
        %parallel_loop3A_333 = arith.bitcast %parallel_loop3A_332 : f32 to i32
        %parallel_loop3A_334 = arith.constant 1 : i32
        %parallel_loop3A_335 = arith.shrsi %parallel_loop3A_333, %parallel_loop3A_334 : i32
        %parallel_loop3A_336 = arith.constant 1597463007 : i32
        %parallel_loop3A_337 = arith.subi %parallel_loop3A_336, %parallel_loop3A_335 : i32
        %parallel_loop3A_338 = arith.bitcast %parallel_loop3A_337 : i32 to f32
        %parallel_loop3A_339 = arith.constant 5.000000e-01 : f32
        %parallel_loop3A_340 = arith.mulf %parallel_loop3A_339, %parallel_loop3A_332 : f32
        %parallel_loop3A_341 = arith.mulf %parallel_loop3A_340, %parallel_loop3A_338 : f32
        %parallel_loop3A_342 = arith.mulf %parallel_loop3A_341, %parallel_loop3A_338 : f32
        %parallel_loop3A_343 = arith.constant 1.500000e+00 : f32
        %parallel_loop3A_344 = arith.subf %parallel_loop3A_343, %parallel_loop3A_342 : f32
        %parallel_loop3A_345 = arith.mulf %parallel_loop3A_338, %parallel_loop3A_344 : f32
        %parallel_loop3A_346 = arith.constant 5.000000e-01 : f32
        %parallel_loop3A_347 = arith.mulf %parallel_loop3A_346, %parallel_loop3A_332 : f32
        %parallel_loop3A_348 = arith.mulf %parallel_loop3A_347, %parallel_loop3A_345 : f32
        %parallel_loop3A_349 = arith.mulf %parallel_loop3A_348, %parallel_loop3A_345 : f32
        %parallel_loop3A_350 = arith.constant 1.500000e+00 : f32
        %parallel_loop3A_351 = arith.subf %parallel_loop3A_350, %parallel_loop3A_349 : f32
        %parallel_loop3A_352 = arith.mulf %parallel_loop3A_345, %parallel_loop3A_351 : f32
        %parallel_loop3A_353 = arith.constant 5.000000e-01 : f32
        %parallel_loop3A_354 = arith.mulf %parallel_loop3A_353, %parallel_loop3A_332 : f32
        %parallel_loop3A_355 = arith.mulf %parallel_loop3A_354, %parallel_loop3A_352 : f32
        %parallel_loop3A_356 = arith.mulf %parallel_loop3A_355, %parallel_loop3A_352 : f32
        %parallel_loop3A_357 = arith.constant 1.500000e+00 : f32
        %parallel_loop3A_358 = arith.subf %parallel_loop3A_357, %parallel_loop3A_356 : f32
        %parallel_loop3A_359 = arith.mulf %parallel_loop3A_352, %parallel_loop3A_358 : f32
        %parallel_loop3A_360 = arith.mulf %parallel_loop3A_319, %parallel_loop3A_359 : f32
        %parallel_loop3A_361 = arith.addi %add3A_113, %parallel_loop3A_124 : i32
        %parallel_loop3A_362 = arith.constant 160000 : i32
        %parallel_loop3A_363 = arith.cmpi slt, %parallel_loop3A_361, %parallel_loop3A_362 : i32
        %parallel_loop3A_364 = arith.constant 1.000000e+00 : f32
        %parallel_loop3A_365 = arith.subf %parallel_loop3A_364, %parallel_loop3A_360 : f32
        %parallel_loop3A_366 = arith.constant 0.000000e+00 : f32
        %parallel_loop3A_367 = arith.select %parallel_loop3A_363, %parallel_loop3A_365, %parallel_loop3A_366 : f32
        %parallel_loop3A_368 = arith.addf %parallel_loop3A_125, %parallel_loop3A_367 : f32
        %parallel_loop3A_369 = arith.addf %parallel_loop3A_323, %parallel_loop3A_327 : f32
        %parallel_loop3A_370 = arith.constant 2.000000e+00 : f32
        %parallel_loop3A_371 = arith.mulf %parallel_loop3A_370, %parallel_loop3A_319 : f32
        %parallel_loop3A_372 = arith.subf %parallel_loop3A_369, %parallel_loop3A_371 : f32
        %parallel_loop3A_373 = arith.constant 0.000000e+00 : f32
        %parallel_loop3A_374 = arith.select %parallel_loop3A_363, %parallel_loop3A_372, %parallel_loop3A_373 : f32
        %parallel_loop3A_375 = arith.addf %parallel_loop3A_126, %parallel_loop3A_374 : f32
        scf.yield %parallel_loop3A_368, %parallel_loop3A_375 : f32, f32
      } {sc.loop_unroll_factor = 4 : i64, sc.parallel_access}
      %add3A_118 = arith.constant 2 : i32
      %add3A_119 = arith.addi %add3A_104, %add3A_118 : i32
      %lt3A_120 = arith.cmpi slt, %add3A_119, %select_n3A : i32
      %convert_element_type3A_121 = arith.extui %lt3A_120 : i1 to i32
      %cond3A_122 = arith.constant 0 : i32
      %cond3A_123 = arith.cmpi ne, %convert_element_type3A_121, %cond3A_122 : i32
      scf.if %cond3A_123 {
        %add3A_124 = arith.constant 2 : i32
        %add3A_125 = arith.addi %add3A_104, %add3A_124 : i32
        %mul3A_126 = arith.constant 120 : i32
        %mul3A_127 = arith.muli %add3A_125, %mul3A_126 : i32
        %add3A_128 = arith.addi %add3A_5, %mul3A_127 : i32
        "tpu.region"() ({
          %run_scoped3A = tpu.sem_alloc : memref<!tpu.dma_semaphore, #tpu.memory_space<semaphore_mem>>
          %dma_start3A_135 = tpu.memref_slice %arg3[%add3A_128] : memref<161280xi32, #tpu.memory_space<hbm>> -> memref<120xi32, #tpu.memory_space<hbm>>
          %dma_start3A_136 = tpu.memref_slice %arg3[%add3A_128] : memref<161280xi32, #tpu.memory_space<hbm>> -> memref<120xi32, #tpu.memory_space<hbm>>
          tpu.enqueue_dma source(%dma_start3A_136 : memref<120xi32, #tpu.memory_space<hbm>>) target(%arg11 : memref<120xi32, #tpu.memory_space<vmem>>) target_semaphore(%run_scoped3A : memref<!tpu.dma_semaphore, #tpu.memory_space<semaphore_mem>>)
          %dma_wait3A_137 = tpu.memref_slice %arg3[%add3A_128] : memref<161280xi32, #tpu.memory_space<hbm>> -> memref<120xi32, #tpu.memory_space<hbm>>
          %dma_wait3A_138 = tpu.memref_slice %arg3[%add3A_128] : memref<161280xi32, #tpu.memory_space<hbm>> -> memref<120xi32, #tpu.memory_space<hbm>>
          tpu.wait_dma2 semaphore(%run_scoped3A : memref<!tpu.dma_semaphore, #tpu.memory_space<semaphore_mem>>) src(%dma_wait3A_138 : memref<120xi32, #tpu.memory_space<hbm>>) dst(%arg11 : memref<120xi32, #tpu.memory_space<vmem>>)
          tpu.yield
        }) : () -> ()
        "tpu.region"() ({
          %run_scoped3A = tpu.sem_alloc : memref<!tpu.dma_semaphore, #tpu.memory_space<semaphore_mem>>
          %dma_start3A_135 = tpu.memref_slice %arg4[%add3A_128] : memref<161280xi32, #tpu.memory_space<hbm>> -> memref<120xi32, #tpu.memory_space<hbm>>
          %dma_start3A_136 = tpu.memref_slice %arg4[%add3A_128] : memref<161280xi32, #tpu.memory_space<hbm>> -> memref<120xi32, #tpu.memory_space<hbm>>
          tpu.enqueue_dma source(%dma_start3A_136 : memref<120xi32, #tpu.memory_space<hbm>>) target(%arg12 : memref<120xi32, #tpu.memory_space<vmem>>) target_semaphore(%run_scoped3A : memref<!tpu.dma_semaphore, #tpu.memory_space<semaphore_mem>>)
          %dma_wait3A_137 = tpu.memref_slice %arg4[%add3A_128] : memref<161280xi32, #tpu.memory_space<hbm>> -> memref<120xi32, #tpu.memory_space<hbm>>
          %dma_wait3A_138 = tpu.memref_slice %arg4[%add3A_128] : memref<161280xi32, #tpu.memory_space<hbm>> -> memref<120xi32, #tpu.memory_space<hbm>>
          tpu.wait_dma2 semaphore(%run_scoped3A : memref<!tpu.dma_semaphore, #tpu.memory_space<semaphore_mem>>) src(%dma_wait3A_138 : memref<120xi32, #tpu.memory_space<hbm>>) dst(%arg12 : memref<120xi32, #tpu.memory_space<vmem>>)
          tpu.yield
        }) : () -> ()
        %dma_start3A_129 = arith.constant 0 : i32
        %dma_start3A_130 = arith.constant 0 : i32
        %dma_start3A_131 = tpu.memref_slice %arg2[%dma_start3A_129, %dma_start3A_130] : memref<10000x128xf32, #tpu.memory_space<hbm>> -> memref<10000x128xf32, #tpu.memory_space<hbm>>
        tpu.enqueue_indirect_dma source(%dma_start3A_131 : memref<10000x128xf32, #tpu.memory_space<hbm>>) target(%arg13 : memref<120x128xf32, #tpu.memory_space<vmem>>) offsets(%arg11 : memref<120xi32, #tpu.memory_space<vmem>>) semaphore(%arg15 : memref<!tpu.dma_semaphore, #tpu.memory_space<semaphore_mem>>)
        %dma_start3A_132 = arith.constant 0 : i32
        %dma_start3A_133 = arith.constant 0 : i32
        %dma_start3A_134 = tpu.memref_slice %arg2[%dma_start3A_132, %dma_start3A_133] : memref<10000x128xf32, #tpu.memory_space<hbm>> -> memref<10000x128xf32, #tpu.memory_space<hbm>>
        tpu.enqueue_indirect_dma source(%dma_start3A_134 : memref<10000x128xf32, #tpu.memory_space<hbm>>) target(%arg14 : memref<120x128xf32, #tpu.memory_space<vmem>>) offsets(%arg12 : memref<120xi32, #tpu.memory_space<vmem>>) semaphore(%arg15 : memref<!tpu.dma_semaphore, #tpu.memory_space<semaphore_mem>>)
      } else {
      }
      scf.yield %parallel_loop3A_117#0, %parallel_loop3A_117#1 : f32, f32
    }
    %iota3A = tpu.iota {dimensions = array<i32: 0>} : vector<16xi32>
    %lt3A = arith.constant 1 : i32
    %lt3A_40 = vector.broadcast %lt3A : i32 to vector<16xi32>
    %lt3A_41 = arith.cmpi slt, %iota3A, %lt3A_40 : vector<16xi32>
    %mul3A_42 = arith.constant 6.250000e-06 : f32
    %mul3A_43 = arith.mulf %while3A_39#0, %mul3A_42 : f32
    %jit3A_44 = arith.constant 0.000000e+00 : f32
    %broadcast_in_dim3A = vector.broadcast %mul3A_43 : f32 to vector<16xf32>
    %broadcast_in_dim3A_45 = vector.broadcast %jit3A_44 : f32 to vector<16xf32>
    %select_n3A_46 = arith.select %lt3A_41, %broadcast_in_dim3A, %broadcast_in_dim3A_45 : vector<16xi1>, vector<16xf32>
    %swap3A = arith.constant 0 : index
    %swap3A_47 = tpu.vector_load %arg21[%swap3A] {strides = array<i32>} : memref<32xf32, #tpu.memory_space<vmem>>, vector<16xf32>,
    tpu.vector_store %arg21[%swap3A], %select_n3A_46 {strides = array<i32>} : memref<32xf32, #tpu.memory_space<vmem>>, vector<16xf32>,
    %mul3A_48 = arith.constant 4.88281238E-9 : f32
    %mul3A_49 = arith.mulf %while3A_39#1, %mul3A_48 : f32
    %jit3A_50 = arith.constant 0.000000e+00 : f32
    %broadcast_in_dim3A_51 = vector.broadcast %mul3A_49 : f32 to vector<16xf32>
    %broadcast_in_dim3A_52 = vector.broadcast %jit3A_50 : f32 to vector<16xf32>
    %select_n3A_53 = arith.select %lt3A_41, %broadcast_in_dim3A_51, %broadcast_in_dim3A_52 : vector<16xi1>, vector<16xf32>
    %swap3A_54 = arith.constant 16 : index
    %swap3A_55 = tpu.vector_load %arg21[%swap3A_54] {strides = array<i32>} : memref<32xf32, #tpu.memory_space<vmem>>, vector<16xf32>,
    tpu.vector_store %arg21[%swap3A_54], %select_n3A_53 {strides = array<i32>} : memref<32xf32, #tpu.memory_space<vmem>>, vector<16xf32>,
    "tpu.region"() ({
      %run_scoped3A = tpu.sem_alloc : memref<!tpu.dma_semaphore, #tpu.memory_space<semaphore_mem>>
      %dma_start3A_56 = arith.constant 0 : i32
      %dma_start3A_57 = tpu.memref_slice %arg5[%add3A, %dma_start3A_56] : memref<32x32xf32, #tpu.memory_space<hbm>> -> memref<1x32xf32, #tpu.memory_space<hbm>>
      %dma_start3A_58 = tpu.memref_squeeze %dma_start3A_57 : memref<1x32xf32, #tpu.memory_space<hbm>> -> memref<32xf32, #tpu.memory_space<hbm>>
      %dma_start3A_59 = arith.constant 0 : i32
      %dma_start3A_60 = tpu.memref_slice %arg5[%add3A, %dma_start3A_59] : memref<32x32xf32, #tpu.memory_space<hbm>> -> memref<1x32xf32, #tpu.memory_space<hbm>>
      %dma_start3A_61 = tpu.memref_squeeze %dma_start3A_60 : memref<1x32xf32, #tpu.memory_space<hbm>> -> memref<32xf32, #tpu.memory_space<hbm>>
      tpu.enqueue_dma source(%arg21 : memref<32xf32, #tpu.memory_space<vmem>>) target(%dma_start3A_61 : memref<32xf32, #tpu.memory_space<hbm>>) target_semaphore(%run_scoped3A : memref<!tpu.dma_semaphore, #tpu.memory_space<semaphore_mem>>)
      %dma_wait3A = arith.constant 0 : i32
      %dma_wait3A_62 = tpu.memref_slice %arg5[%add3A, %dma_wait3A] : memref<32x32xf32, #tpu.memory_space<hbm>> -> memref<1x32xf32, #tpu.memory_space<hbm>>
      %dma_wait3A_63 = tpu.memref_squeeze %dma_wait3A_62 : memref<1x32xf32, #tpu.memory_space<hbm>> -> memref<32xf32, #tpu.memory_space<hbm>>
      %dma_wait3A_64 = arith.constant 0 : i32
      %dma_wait3A_65 = tpu.memref_slice %arg5[%add3A, %dma_wait3A_64] : memref<32x32xf32, #tpu.memory_space<hbm>> -> memref<1x32xf32, #tpu.memory_space<hbm>>
      %dma_wait3A_66 = tpu.memref_squeeze %dma_wait3A_65 : memref<1x32xf32, #tpu.memory_space<hbm>> -> memref<32xf32, #tpu.memory_space<hbm>>
      tpu.wait_dma2 semaphore(%run_scoped3A : memref<!tpu.dma_semaphore, #tpu.memory_space<semaphore_mem>>) src(%arg21 : memref<32xf32, #tpu.memory_space<vmem>>) dst(%dma_wait3A_66 : memref<32xf32, #tpu.memory_space<hbm>>)
      tpu.yield
    }) : () -> ()
    return
  }
}

</mosaic_0001>

<sc_bundles>
// kernel: kernel.3.cloned.1.call-start
scs
__scs_entry_jumppad:
0x0: {  	(pc) =	sbr.rel $0x88, $3  }
0x1: {  	(tag) =	ssettag $0x0;
	lr =	simm.s32 $0x1  }
0x2: {  	[smem:$0x3F9F] =	sst lr;
	_ =	strace $0xD0000000  }
0x3: {  	_ = 	snop  }
0x4: {  	_ = 	snop  }
0x5: {  	_ = 	snop  }
0x6: {  	_ = 	snop  }
0x7: {  	_ = 	snop  }
__scs_overlays_trampoline_lowered:
0x8: {  	[smem:$0x3FAE] =	sst s0  }
0x9: {  	[smem:$0x3FAF] =	sst s1  }
0xa: {  	[smem:$0x3FB0] =	sst s2  }
0xb: {  	[smem:$0x3FB1] =	sst s3  }
0xc: {  	[smem:$0x3FB2] =	sst s4  }
0xd: {  	[smem:$0x3FB3] =	sst s5  }
0xe: {  	[smem:$0x3FB4] =	sst s6  }
0xf: {  	[smem:$0x3FB5] =	sst s7  }
0x10: {  	[smem:$0x3FB6] =	sst s8  }
0x11: {  	[smem:$0x3FB7] =	sst s9;
	s0 =	simm.s32 @!p0 $0x0  }
0x12: {  	s1 =	sld [smem:$0x3F9D];
	s0 =	simm.s32 @p0 $0x1  }
0x13: {  	[smem:$0x3FB8] =	sst s0;
	s0 =	simm.s32 @!p1 $0x0  }
0x14: {  	s2 =	sld [smem:$0x3F9C];
	s0 =	simm.s32 @p1 $0x1  }
0x15: {  	[smem:$0x3FB9] =	sst s0;
	s0 =	simm.s32 @!p2 $0x0  }
0x16: {  	s3 =	sld [smem:$0x3FDB];
	s0 =	simm.s32 @p2 $0x1  }
0x17: {  	s4 =	simm.s32 $0x1BF5;
	[smem:$0x3FBB] =	sst s0  }
0x18: {  	s0 =	sld [smem:$0x3F9E];
	_ =	swait.ge [sflag:s4], $0x0  }
0x19: {  	s7 =	sld [smem:$0x3F9F]  }
0x1a: {  	s8 =	sadd.s32 $0xFFFFE003, lr  }
0x1b: {  	s9 =	sadd.s32 $0xFFFFFEF7, lr;
	s5 =	simm.s32 $0xFFFFFFFF;
	p2 =	slt.u32 s8, $0xFFFFF086  }
0x1c: {  	p1 =	slt.u32 s9, $0xF7A;
	s5 =	simm.s32 @!p2 $0x0  }
0x1d: {  	s5 =	simm.s32 @p1 $0x1;
	p0 =	seq.s32 s7, s2  }
0x1e: {  	s7 =	smul.u32 @!p0 $0xF7A, s2;
	p2 =	seq.s32 @!p0 s5, $0x0  }
0x1f: {  	s9 =	smul.u32 $0xF7A, s1;
	s8 =	simm.s32 @!p0 $0x1BF5;
	p2 =	por !p2, p0  }
0x20: {  	[sflag:s8] =	ssyncset.s32 @!p0 $0xFFFFF086;
	s6 =	sadd.s32 @!p0 s3, s7;
	s7 =	simm.s32 @!p0 $0x108  }
0x21: {  	s3 =	sadd.s32 s3, s9;
	s6 =	sadd.s32 @!p0 $0x88, s6;
	s7 =	simm.s32 @p2 $0x1082  }
0x22: {  	[simem:s7], [sflag:s8] =	dma.local @!p0 [hbm:s6], $0xF7A  }
0x23: {  	s9 =	sor.u32 $0xD0000000, s2;
	s6 =	simm.s32 $0x108;
	_ =	swait.ge @!p0 [sflag:s8], $0x0  }
0x24: {  	s3 =	sadd.s32 $0x88, s3;
	s6 =	simm.s32 @!p1 $0x1082;
	[sflag:s4] =	ssyncset.s32 $0xFFFFF086  }
0x25: {  	[simem:s6], [sflag:s4] =	dma.local [hbm:s3], $0xF7A  }
0x26: {  	[smem:$0x3F9F] =	sst s1;
	(tag) =	ssettag s2;
	_ =	strace s9  }
0x27: {  	s1 =	sld [smem:$0x3FAF]  }
0x28: {  	s2 =	sld [smem:$0x3FB0]  }
0x29: {  	s4 =	sld [smem:$0x3FB2]  }
0x2a: {  	p0 =	seq.s32 s5, $0x0;
	s5 =	sld [smem:$0x3FB3]  }
0x2b: {  	s6 =	sld [smem:$0x3FB4]  }
0x2c: {  	s7 =	sld [smem:$0x3FB5]  }
0x2d: {  	s3 =	simm.s32 $0x108;
	s8 =	sld [smem:$0x3FB6]  }
0x2e: {  	s3 =	simm.s32 @!p0 $0x1082;
	s9 =	sld [smem:$0x3FB7]  }
0x2f: {  	lr =	sadd.s32 s0, s3;
	s0 =	sld [smem:$0x3FAE]  }
0x30: {  	s3 =	sld [smem:$0x3FB1]  }
0x31: {  	[smem:$0x3FBA] =	sst s10  }
0x32: {  	s10 =	sld [smem:$0x3FB8];
	_ =	sdelay $0x3  }
0x33: {  	p0 =	seq.s32 s10, $0x1;
	s10 =	sld [smem:$0x3FBA];
	_ =	sdelay $0x3  }
0x34: {  	[smem:$0x3FBA] =	sst s10  }
0x35: {  	s10 =	sld [smem:$0x3FB9];
	_ =	sdelay $0x3  }
0x36: {  	p1 =	seq.s32 s10, $0x1;
	s10 =	sld [smem:$0x3FBA];
	_ =	sdelay $0x3  }
0x37: {  	[smem:$0x3FBA] =	sst s10  }
0x38: {  	s10 =	sld [smem:$0x3FBB]  }
0x39: {  	_ = 	snop;
	(pc) =	sbr.ind lr, $3  }
0x3a: {  	_ = 	snop  }
0x3b: {  	_ = 	snop  }
0x3c: {  	p2 =	seq.s32 s10, $0x1;
	s10 =	sld [smem:$0x3FBA]  }
0x3d: {  	_ =	shalt  }
0x3e: {  	_ =	shalt  }
0x3f: {  	_ =	shalt  }
0x40: {  	_ =	shalt  }
0x41: {  	_ =	shalt  }
0x42: {  	_ =	shalt  }
0x43: {  	_ =	shalt  }
0x44: {  	_ =	shalt  }
0x45: {  	_ =	shalt  }
0x46: {  	_ =	shalt  }
0x47: {  	_ =	shalt  }
0x48: {  	_ =	shalt  }
0x49: {  	_ =	shalt  }
0x4a: {  	_ =	shalt  }
0x4b: {  	_ =	shalt  }
0x4c: {  	_ =	shalt  }
0x4d: {  	_ =	shalt  }
0x4e: {  	_ =	shalt  }
0x4f: {  	_ =	shalt  }
0x50: {  	_ =	shalt  }
0x51: {  	_ =	shalt  }
0x52: {  	_ =	shalt  }
0x53: {  	_ =	shalt  }
0x54: {  	_ =	shalt  }
0x55: {  	_ =	shalt  }
0x56: {  	_ =	shalt  }
0x57: {  	_ =	shalt  }
0x58: {  	_ =	shalt  }
0x59: {  	_ =	shalt  }
0x5a: {  	_ =	shalt  }
0x5b: {  	_ =	shalt  }
0x5c: {  	_ =	shalt  }
0x5d: {  	_ =	shalt  }
0x5e: {  	_ =	shalt  }
0x5f: {  	_ =	shalt  }
0x60: {  	_ =	shalt  }
0x61: {  	_ =	shalt  }
0x62: {  	_ =	shalt  }
0x63: {  	_ =	shalt  }
0x64: {  	_ =	shalt  }
0x65: {  	_ =	shalt  }
0x66: {  	_ =	shalt  }
0x67: {  	_ =	shalt  }
0x68: {  	_ =	shalt  }
0x69: {  	_ =	shalt  }
0x6a: {  	_ =	shalt  }
0x6b: {  	_ =	shalt  }
0x6c: {  	_ =	shalt  }
0x6d: {  	_ =	shalt  }
0x6e: {  	_ =	shalt  }
0x6f: {  	_ =	shalt  }
0x70: {  	_ =	shalt  }
0x71: {  	_ =	shalt  }
0x72: {  	_ =	shalt  }
0x73: {  	_ =	shalt  }
0x74: {  	_ =	shalt  }
0x75: {  	_ =	shalt  }
0x76: {  	_ =	shalt  }
0x77: {  	_ =	shalt  }
0x78: {  	_ =	shalt  }
0x79: {  	_ =	shalt  }
0x7a: {  	_ =	shalt  }
0x7b: {  	_ =	shalt  }
0x7c: {  	_ =	shalt  }
0x7d: {  	_ =	shalt  }
0x7e: {  	_ =	shalt  }
0x7f: {  	_ =	shalt  }
0x80: {  	_ =	shalt  }
0x81: {  	_ =	shalt  }
0x82: {  	_ =	shalt  }
0x83: {  	_ =	shalt  }
0x84: {  	_ =	shalt  }
0x85: {  	_ =	shalt  }
0x86: {  	_ =	shalt  }
0x87: {  	_ =	shalt  }
.Lfunc_end0:
.L_simem_size_0:
called_computation_lowered:
.L_overlay_start_0:
0x88: {  	s2 =	sld [smem:$0x3FD9]  }
0x89: {  	s3 =	sld [smem:$0x3FFE];
	_ =	sdelay $0x1  }
0x8a: {  	s1 =	srdreg.scid  }
0x8b: {  	s0 =	sand.u32 $0x1, s1  }
0x8c: {  	s16 =	sshll.u32 s0, $0xA;
	s2 =	sadd.s32 s3, s2  }
0x8d: {  	s2 =	sadd.s32 s2, s16  }
0x8e: {  	[smem:$0x3FC6] =	sst s2  }
0x8f: {  	_ = 	snop  }
0x90: {  	(tm) =	ssettm $0x1  }
0x91: {  	s17 =	sld [smem:$0x3FFB];
	_ =	sdelay $0x3  }
0x92: {  	_ =	strace s17  }
0x93: {  	s2 =	sld [smem:$0x3FFC];
	_ =	sdelay $0x3  }
0x94: {  	_ =	strace s2  }
0x95: {  	s2 =	sld [smem:$0x3FFD];
	_ =	sdelay $0x3  }
0x96: {  	_ =	strace s2  }
0x97: {  	_ =	strace $0x8FFFFFFF  }
0x98: {  	s18 =	sld [smem:$0x3FDB];
	_ =	sdelay $0x1  }
0x99: {  	s19 =	simm.s32 $_scs_section_size  }
0x9a: {  	s4 =	simm.s32 $_size__tile_overlayer_lowered;
	s5 =	simm.s32 $_tile_overlayer_lowered  }
0x9b: {  	s22 =	simm.s32 $0x1BFF;
	s21 =	sshll.u32 s5, $0x1;
	s2 =	sadd.s32 s19, s18  }
0x9c: {  	s6 =	simm.s32 $0x0;
	s20 =	sshll.u32 s4, $0x1;
	s4 =	sadd.s32 s21, s2  }
0x9d: {  	[timem:s6], [sflag:s22] =	dma.local [hbm:s4], s20  }
0x9e: {  	_ =	swait.ge [sflag:s22], s20  }
0x9f: {  	s3 =	ssub.s32 $0x0, s20;
	[sflag:s22] =	ssyncset.done $0x0  }
0xa0: {  	[sflag:s22] =	ssyncadd.s32 s3;
	_ =	sdelay $0x1  }
0xa1: {  	s23 =	simm.s32 $0x1B8B  }
0xa2: {  	_ =	swait.ge [sflag:s23], $0x1  }
0xa3: {  	[sflag:s23] =	ssyncset.done $0x0  }
0xa4: {  	s25 =	simm.s32 $0x1B8E;
	s24 =	sld [smem:$0x3FFE];
	[sflag:s23] =	ssyncadd.s32 $0xFFFFFFFF  }
0xa5: {  	s26 =	simm.s32 $execute0_lowered;
	[smem:$0x3FD2] =	sst s25  }
0xa6: {  	s4 =	sshll.u32 s26, $0x1;
	_ =	strace $0x80000046;
	[dreg:$0x1] =	wrdreg $0xFFFFFFFF  }
0xa7: {  	s28 =	simm.s32 $_size_execute0_lowered;
	s2 =	sadd.s32 s2, s4;
	[dreg:$0x0] =	wrdreg $0x0  }
0xa8: {  	s4 =	sshll.u32 s28, $0x1;
	[dreg:$0x2] =	wrdreg s2  }
0xa9: {  	[dreg:$0x3] =	wrdreg s4  }
0xaa: {  	[dreg:$0x4] =	wrdreg $0xC0  }
0xab: {  	_ =	task [dreg:s6], $0x5FFFF  }
0xac: {  	[dreg:$0x1] =	wrdreg $0xFFFFFFFF  }
0xad: {  	[dreg:$0x0] =	wrdreg $0x60  }
0xae: {  	[dreg:$0x2] =	wrdreg s24  }
0xaf: {  	[dreg:$0x3] =	wrdreg $0x9  }
0xb0: {  	_ =	task.clear_ibuf [dreg:s6], $0x4FFFF;
	_ =	strace $0x90000046  }
0xb1: {  	s29 =	simm.s32 $0x9;
	_ =	strace $0x80000048  }
0xb2: {  	_ =	swait.ge [sflag:s29], $0x1  }
0xb3: {  	[sflag:s29] =	ssyncadd.s32 $0xFFFFFFFF  }
0xb4: {  	_ =	strace $0x90000048  }
0xb5: {  	_ =	sfence  }
0xb6: {  	s30 =	sld [smem:$0x0];
	_ =	sdelay $0x2  }
0xb7: {  	s31 =	sshll.u32 s1, $0xD;
	s1 =	sshrl.u32 s1, $0x2  }
0xb8: {  	s3 =	sand.u32 $0x4000, s31;
	s1 =	sadd.s32 s1, s30  }
0xb9: {  	s0 =	sor.u32 s3, s0;
	s1 =	sshll.u32 s1, $0x11  }
0xba: {  	s0 =	sor.u32 s1, s0  }
0xbb: {  	s0 =	sadd.s32 $0x8F2B, s0  }
0xbc: {  	[sflag:s0] =	ssyncadd.remote.s32 $0x1  }
0xbd: {  	_ =	sfence.sel $0xFFFF  }
0xbe: {  	[dreg:$0x0] =	wrdreg $0xFFFFFFFF;
	(pc) =	sbr.abs _section_cstart, $3  }
0xbf: {  	[dreg:$0x1] =	wrdreg $0xFFFFFFFF  }
0xc0: {  	_ =	task.clear_ibuf [dreg:s6], $0x2FFFF;
	_ =	strace $0x9FFFFFFF  }
0xc1: {  	(tm) =	ssettm $0x7FFFFFFF  }
tec
execute0_lowered:
.L_overlay_start_1:
0x0: {  	(tag) =	ssettag $0x1  }
0x1: {  	s1 =	rddreg [dreg:$0x0]  }
0x2: {  	s7 =	simm.s32 $0x0;
	s0 =	srdreg.scid;
	s8 =	stileid.u32  }
0x3: {  	[smem:$0x7FF] =	sst s7;
	s9 =	sadd.s32 $0x27200, s1;
	s10 =	sadd.s32 $0x2C200, s1  }
0x4: {  	s0 =	sand.u32 $0x1, s0;
	s4 =	smul.u32 $0x2760, s8;
	_ =	strace $0x80000047  }
0x5: {  	s2 =	sshll.u32 s0, $0x4;
	s3 =	ssub.s32 $0x2, s0;
	s6 =	smul.u32 $0x1518, s0  }
0x6: {  	p0 =	seq.s32 s0, $0x0;
	s0 =	simm.s32 $0x2D;
	[dreg:$0x2] =	wrdreg s9  }
0x7: {  	[dreg:$0x3] =	wrdreg s10;
	s0 =	simm.s32 @!p0 $0x27  }
0x8: {  	s22 =	sadd.s32 s6, s4;
	[dreg:$0x4] =	wrdreg s0;
	s0 =	simm.s32 $0xF  }
0x9: {  	s5 =	sshrl.u32 s3, $0x1;
	s0 =	simm.s32 @!p0 $0xD;
	[dreg:$0x5] =	wrdreg s22  }
0xa: {  	s3 =	ssub.s32 s3, s5;
	s4 =	sadd.s32 $0x78, s22;
	[dreg:$0x6] =	wrdreg s0  }
0xb: {  	s30 =	smax.u32 s3, $0x1;
	[dreg:$0x7] =	wrdreg s4  }
0xc: {  	s23 =	sshrl.u32 s22, $0x3;
	s31 =	sadd.s32 $0xF0, s22;
	[dreg:$0xd] =	wrdreg s30  }
0xd: {  	s25 =	sshll.u32 s8, $0x5;
	s24 =	sadd.s32 s9, s23;
	[dreg:$0xe] =	wrdreg s31  }
0xe: {  	s4 =	sshrl.u32 s4, $0x3;
	s0 =	sadd.s32 s10, s23;
	[dreg:$0x8] =	wrdreg s24  }
0xf: {  	s2 =	sadd.s32 s2, s1;
	[dreg:$0x9] =	wrdreg s0;
	s26 =	sadd.s32 s9, s4  }
0x10: {  	s28 =	sadd.s32 s25, s2;
	s29 =	sadd.s32 s10, s4;
	[dreg:$0xa] =	wrdreg s26  }
0x11: {  	s0 =	sadd.s32 $0x31200, s28;
	[dreg:$0xb] =	wrdreg s29  }
0x12: {  	vm0 =	vcmask $0x300;
	s1 =	simm.s32 $0x0;
	s2 =	simm.s32 $0x4;
	[dreg:$0xc] =	wrdreg s0  }
.LBB2_1:
0x13: {  	[dreg:$0xf] =	wrdreg s1  }
0x14: {  	s0 =	rddreg [dreg:$0x8]  }
0x15: {  	[tilespmem:s7], [sflag:$0x4] =	stream.linear.gather [hbm4b:s0+s7], $0x78, $0x38;
	[tilespmem:$0x16B80] =	vst v63  }
0x16: {  	_ =	swait.ge [sflag:s2], $0x78  }
0x17: {  	[sflag:s2] =	ssyncset.done $0x0  }
0x18: {  	s21 =	simm.s32 $0x80;
	s20 =	rddreg [dreg:$0x9];
	[sflag:s2] =	ssyncadd.s32 $0xFFFFFF88  }
0x19: {  	[tilespmem:s21], [sflag:$0x4] =	stream.linear.gather [hbm4b:s20+s7], $0x78, $0x38;
	[tilespmem:$0x16B80] =	vst v63  }
0x1a: {  	_ =	swait.ge [sflag:s2], $0x78  }
0x1b: {  	[sflag:s2] =	ssyncset.done $0x0  }
0x1c: {  	[sflag:s2] =	ssyncadd.s32 $0xFFFFFF88  }
0x1d: {  	s3 =	simm.s32 $0x78;
	s4 =	simm.s32 $0x100;
	s22 =	rddreg [dreg:$0x0]  }
0x1e: {  	[tilespmem:s4], [sflag:$0x1] =	stream.indirect.gather [hbm4b:s22+s3], $0x80, s7, s3, $0xb8;
	[tilespmem:$0x16B80] =	vst v63  }
0x1f: {  	s23 =	simm.s32 $0x3D00  }
0x20: {  	[tilespmem:s23], [sflag:$0x1] =	stream.indirect.gather [hbm4b:s22+s3], $0x80, s21, s3, $0xb8;
	[tilespmem:$0x16B80] =	vst v63  }
0x21: {  	s25 =	simm.s32 $0x7900;
	s24 =	rddreg [dreg:$0xa]  }
0x22: {  	[tilespmem:s25], [sflag:$0x4] =	stream.linear.gather [hbm4b:s24+s7], $0x78, $0x38;
	[tilespmem:$0x16B80] =	vst v63  }
0x23: {  	_ =	swait.ge [sflag:s2], $0x78  }
0x24: {  	s5 =	simm.s32 $0x7980;
	[sflag:s2] =	ssyncset.done $0x0  }
0x25: {  	s31 =	simm.s32 $0x0;
	s26 =	rddreg [dreg:$0xb];
	[sflag:s2] =	ssyncadd.s32 $0xFFFFFF88  }
0x26: {  	[tilespmem:s5], [sflag:$0x4] =	stream.linear.gather [hbm4b:s26+s7], $0x78, $0x38;
	[tilespmem:$0x16B80] =	vst v63  }
0x27: {  	_ =	swait.ge [sflag:s2], $0x78;
	[dreg:$0x12] =	wrdreg s31  }
0x28: {  	s28 =	simm.s32 $0x7A00;
	[sflag:s2] =	ssyncset.done $0x0;
	s16 =	rddreg [dreg:$0xe]  }
0x29: {  	s29 =	simm.s32 $0xB600;
	s0 =	rddreg [dreg:$0x7];
	[sflag:s2] =	ssyncadd.s32 $0xFFFFFF88  }
0x2a: {  	[tilespmem:s28], [sflag:$0x2] =	stream.indirect.gather [hbm4b:s22+s3], $0x80, s25, s3, $0xb8;
	[tilespmem:$0x16B80] =	vst v63  }
0x2b: {  	s30 =	simm.f32 $0.0e+00;
	s7 =	rddreg [dreg:$0x5];
	s25 =	simm.f32 $0.0e+00  }
0x2c: {  	[tilespmem:s29], [sflag:$0x2] =	stream.indirect.gather [hbm4b:s22+s3], $0x80, s5, s3, $0xb8;
	[tilespmem:$0x16B80] =	vst v63  }
.LBB2_2:
0x2d: {  	[dreg:$0x10] =	wrdreg s0;
	s22 =	simm.s32 $0x1  }
0x2e: {  	_ =	swait.ge [sflag:s22], $0x3C00  }
0x2f: {  	[sflag:s22] =	ssyncset.done $0x0  }
0x30: {  	[sflag:s22] =	ssyncadd.s32 $0xFFFFC400  }
0x31: {  	_ =	swait.ge [sflag:s22], $0x3C00  }
0x32: {  	[sflag:s22] =	ssyncset.done $0x0  }
0x33: {  	s23 =	simm.s32 $0x200;
	[sflag:s22] =	ssyncadd.s32 $0xFFFFC400  }
0x34: {  	s18 =	simm.s32 $0x3E00;
	v2 =	vld [tilespmem:s23+$0xA0]  }
0x35: {  	v3 =	vld [tilespmem:s18+$0xA0]  }
0x36: {  	v4 =	vld [tilespmem:s23+$0x20]  }
0x37: {  	v5 =	vld [tilespmem:s18+$0x20]  }
0x38: {  	v6 =	vld [tilespmem:s23+$0xFFFFFFA0]  }
0x39: {  	v7 =	vld [tilespmem:s18+$0xFFFFFFA0]  }
0x3a: {  	v8 =	vld [tilespmem:s23+$0x90]  }
0x3b: {  	v9 =	vld [tilespmem:s18+$0x90]  }
0x3c: {  	v1 =	vld [tilespmem:s23+$0xFFFFFF20]  }
0x3d: {  	v0 =	vld [tilespmem:s18+$0xFFFFFF20]  }
0x3e: {  	v10 =	vld [tilespmem:s23+$0x10]  }
0x3f: {  	v11 =	vld [tilespmem:s18+$0x10];
	v34 =	vunpack.i.u.bf16.f32 v4  }
0x40: {  	v12 =	vld [tilespmem:s23+$0xFFFFFF90];
	v14 =	vunpack.i.u.bf16.f32 v2;
	[tilespmem:$0x1FBD0] =	vst v34  }
0x41: {  	v15 =	vunpack.i.u.bf16.f32 v3;
	[tilespmem:$0x1FBF0] =	vst v14  }
0x42: {  	v38 =	vunpack.i.u.bf16.f32 v5;
	[tilespmem:$0x1FC00] =	vst v15  }
0x43: {  	v16 =	vunpack.i.l.bf16.f32 v2;
	v13 =	vld [tilespmem:s18+$0xFFFFFF90];
	[tilespmem:$0x1FBE0] =	vst v38  }
0x44: {  	v17 =	vunpack.i.l.bf16.f32 v3;
	[tilespmem:$0x1FC10] =	vst v16  }
0x45: {  	v18 =	vunpack.i.u.bf16.f32 v6;
	[tilespmem:$0x1FC20] =	vst v17  }
0x46: {  	v19 =	vunpack.i.u.bf16.f32 v7;
	v61 =	vld [tilespmem:s23+$0x80];
	[tilespmem:$0x1FE90] =	vst v18  }
0x47: {  	v24 =	vunpack.i.l.bf16.f32 v4;
	[tilespmem:$0x1FEA0] =	vst v19  }
0x48: {  	v25 =	vunpack.i.l.bf16.f32 v5;
	[tilespmem:$0x1FDB0] =	vst v24  }
0x49: {  	v28 =	vunpack.i.u.bf16.f32 v8;
	v62 =	vld [tilespmem:s18+$0x80];
	[tilespmem:$0x1FDC0] =	vst v25  }
0x4a: {  	v29 =	vunpack.i.u.bf16.f32 v9;
	[tilespmem:$0x1FD70] =	vst v28  }
0x4b: {  	v20 =	vunpack.i.l.bf16.f32 v6;
	[tilespmem:$0x1FD80] =	vst v29  }
0x4c: {  	v21 =	vunpack.i.l.bf16.f32 v7;
	v63 =	vld [tilespmem:s23+$0xFFFFFF10];
	[tilespmem:$0x1FE50] =	vst v20  }
0x4d: {  	v30 =	vunpack.i.u.bf16.f32 v10;
	[tilespmem:$0x1FE60] =	vst v21  }
0x4e: {  	v33 =	vunpack.i.u.bf16.f32 v11;
	[tilespmem:$0x1FD90] =	vst v30  }
0x4f: {  	v37 =	vunpack.i.l.bf16.f32 v8;
	v52 =	vld [tilespmem:s18+$0xFFFFFF10];
	[tilespmem:$0x1FDA0] =	vst v33  }
0x50: {  	v39 =	vunpack.i.l.bf16.f32 v9;
	[tilespmem:$0x1FD30] =	vst v37  }
0x51: {  	v22 =	vunpack.i.l.bf16.f32 v1;
	[tilespmem:$0x1FD40] =	vst v39  }
0x52: {  	v23 =	vunpack.i.l.bf16.f32 v0;
	v53 =	vld [tilespmem:s23+$0x0];
	[tilespmem:$0x1FE70] =	vst v22  }
0x53: {  	v26 =	vunpack.i.u.bf16.f32 v12;
	[tilespmem:$0x1FE80] =	vst v23  }
0x54: {  	[tilespmem:$0x1FE10] =	vst v26;
	v27 =	vunpack.i.u.bf16.f32 v13  }
0x55: {  	v42 =	vunpack.i.l.bf16.f32 v10;
	v54 =	vld [tilespmem:s18+$0x0];
	[tilespmem:$0x1FE20] =	vst v27  }
0x56: {  	v43 =	vunpack.i.l.bf16.f32 v11;
	[tilespmem:$0x1FD50] =	vst v42  }
0x57: {  	[tilespmem:$0x1FD60] =	vst v43;
	v56 =	vunpack.i.u.bf16.f32 v61  }
0x58: {  	v57 =	vunpack.i.l.bf16.f32 v61;
	v55 =	vld [tilespmem:s23+$0xFFFFFF80];
	[tilespmem:$0x1FC90] =	vst v56  }
0x59: {  	[tilespmem:$0x1FC30] =	vst v57;
	v44 =	vunpack.i.u.bf16.f32 v62  }
0x5a: {  	v45 =	vunpack.i.l.bf16.f32 v62;
	[tilespmem:$0x1FCA0] =	vst v44  }
0x5b: {  	[tilespmem:$0x1FC40] =	vst v45;
	v31 =	vunpack.i.u.bf16.f32 v63  }
0x5c: {  	[tilespmem:$0x1FE30] =	vst v31;
	v32 =	vunpack.i.u.bf16.f32 v52  }
0x5d: {  	v35 =	vunpack.i.l.bf16.f32 v12;
	v5 =	vmul.f32 v14, v14;
	v6 =	vmul.f32 v15, v15;
	[tilespmem:$0x1FE40] =	vst v32  }
0x5e: {  	v7 =	vmul.f32 v16, v16;
	v8 =	vmul.f32 v17, v17;
	v36 =	vunpack.i.l.bf16.f32 v13;
	v58 =	vld [tilespmem:s18+$0xFFFFFF80];
	[tilespmem:$0x1FDD0] =	vst v35  }
0x5f: {  	v2 =	vmul.f32 v37, v37;
	v34 =	vmul.f32 v34, v34;
	v59 =	vunpack.i.u.bf16.f32 v53;
	[tilespmem:$0x1FDE0] =	vst v36  }
0x60: {  	v9 =	vmul.f32 v57, v57;
	v40 =	vunpack.i.l.bf16.f32 v63;
	v60 =	vunpack.i.l.bf16.f32 v53;
	[tilespmem:$0x1FC70] =	vst v59  }
0x61: {  	v63 =	vmul.f32 v56, v56;
	v41 =	vunpack.i.l.bf16.f32 v52;
	[tilespmem:$0x1FC50] =	vst v60;
	v48 =	vunpack.i.u.bf16.f32 v54  }
0x62: {  	v52 =	vmul.f32 v45, v45;
	v46 =	vunpack.i.l.bf16.f32 v54;
	v54 =	vmul.f32 v44, v44;
	[tilespmem:$0x1FC80] =	vst v48  }
0x63: {  	v9 =	vadd.f32 v9, v63;
	v12 =	vmul.f32 v60, v60;
	v13 =	vmul.f32 v59, v59;
	[tilespmem:$0x1FC60] =	vst v46  }
0x64: {  	v47 =	vunpack.i.u.bf16.f32 v55;
	v49 =	vunpack.i.l.bf16.f32 v55;
	v56 =	vmul.f32 v46, v46;
	v61 =	vld [tilespmem:s23+$0xFFFFFF00];
	[tilespmem:$0x1FDF0] =	vst v40  }
0x65: {  	v2 =	vadd.f32 v2, v9;
	[tilespmem:$0x1FE00] =	vst v41;
	v59 =	vmul.f32 v49, v49;
	v60 =	vmul.f32 v47, v47  }
0x66: {  	[tilespmem:$0x1FD10] =	vst v47;
	v3 =	vadd.f32 v52, v54;
	v52 =	vmul.f32 v35, v35;
	v54 =	vmul.f32 v40, v40  }
0x67: {  	v62 =	vld [tilespmem:s18+$0xFFFFFF00];
	[tilespmem:$0x1FCB0] =	vst v49;
	v49 =	vmul.f32 v39, v39;
	v15 =	vadd.f32 v59, v60;
	v59 =	vmul.f32 v33, v33  }
0x68: {  	v12 =	vadd.f32 v12, v13;
	v60 =	vmul.f32 v26, v26;
	v26 =	vmul.f32 v25, v25  }
0x69: {  	v50 =	vunpack.i.l.bf16.f32 v58;
	v51 =	vunpack.i.u.bf16.f32 v58;
	v58 =	vmul.f32 v48, v48  }
0x6a: {  	v3 =	vadd.f32 v49, v3;
	v49 =	vmul.f32 v18, v18;
	v9 =	vadd.f32 v52, v15  }
0x6b: {  	v37 =	vunpack.i.u.bf16.f32 v61;
	v53 =	vunpack.i.l.bf16.f32 v61;
	v61 =	vmul.f32 v50, v50  }
0x6c: {  	[tilespmem:$0x1FCC0] =	vst v50;
	v4 =	vadd.f32 v56, v58;
	v50 =	vmul.f32 v42, v42;
	v56 =	vmul.f32 v28, v28  }
0x6d: {  	v58 =	vmul.f32 v30, v30;
	v28 =	vmul.f32 v21, v21;
	v55 =	vunpack.i.l.bf16.f32 v62  }
0x6e: {  	[tilespmem:$0x1FD20] =	vst v51;
	v57 =	vunpack.i.u.bf16.f32 v62;
	v62 =	vmul.f32 v51, v51;
	v63 =	vmul.f32 v53, v53  }
0x6f: {  	v40 =	vunpack.i.u.bf16.f32 v0;
	[tilespmem:$0x1FCF0] =	vst v37;
	v45 =	vmul.f32 v37, v37;
	v51 =	vmul.f32 v43, v43  }
0x70: {  	[tilespmem:$0x1FCD0] =	vst v53;
	v53 =	vmul.f32 v36, v36;
	v9 =	vadd.f32 v9, v60;
	v36 =	vmul.f32 v38, v38  }
0x71: {  	v37 =	vunpack.i.u.bf16.f32 v1;
	[tilespmem:$0x1FCE0] =	vst v55;
	v47 =	vmul.f32 v55, v55;
	v48 =	vmul.f32 v57, v57  }
0x72: {  	[tilespmem:$0x1FD00] =	vst v57;
	v12 =	vadd.f32 v50, v12;
	v55 =	vmul.f32 v41, v41;
	v57 =	vmul.f32 v29, v29  }
0x73: {  	v2 =	vadd.f32 v2, v56;
	v29 =	vmul.f32 v22, v22;
	v10 =	vadd.f32 v61, v62  }
0x74: {  	v52 =	vmul.f32 v37, v37;
	v11 =	vadd.f32 v63, v45;
	v4 =	vadd.f32 v51, v4  }
0x75: {  	v61 =	vmul.f32 v27, v27;
	v14 =	vadd.f32 v47, v48;
	v3 =	vadd.f32 v3, v57  }
0x76: {  	v27 =	vmul.f32 v20, v20;
	v12 =	vadd.f32 v12, v58;
	v2 =	vadd.f32 v7, v2  }
0x77: {  	v63 =	vmul.f32 v31, v31;
	v31 =	vld [tilespmem:s23+$0xB0];
	v10 =	vadd.f32 v53, v10;
	v11 =	vadd.f32 v54, v11  }
0x78: {  	v62 =	vmul.f32 v24, v24;
	v33 =	vld [tilespmem:s18+$0xB0];
	v4 =	vadd.f32 v4, v59;
	v9 =	vadd.f32 v27, v9  }
0x79: {  	v24 =	vmul.f32 v32, v32;
	v35 =	vld [tilespmem:s23+$0x30];
	v14 =	vadd.f32 v55, v14;
	v3 =	vadd.f32 v8, v3  }
0x7a: {  	v32 =	vmul.f32 v23, v23;
	[tilespmem:$0x1FEB0] =	vst v37;
	v30 =	vadd.f32 v62, v12;
	v41 =	vadd.f32 v2, v5  }
0x7b: {  	v51 =	vmul.f32 v19, v19;
	v39 =	vld [tilespmem:s18+$0x30];
	v10 =	vadd.f32 v10, v61;
	v11 =	vadd.f32 v11, v63  }
0x7c: {  	[tilespmem:$0x1FEC0] =	vst v40;
	v53 =	vmul.f32 v40, v40;
	v4 =	vadd.f32 v26, v4;
	v5 =	vadd.f32 v9, v49  }
0x7d: {  	v43 =	vld [tilespmem:s23+$0xFFFFFFB0];
	v14 =	vadd.f32 v14, v24;
	v42 =	vadd.f32 v3, v6;
	v54 =	vunpack.i.l.bf16.f32 v31  }
0x7e: {  	v50 =	vadd.f32 v30, v34;
	v55 =	vunpack.i.l.bf16.f32 v35;
	v62 =	vunpack.i.l.bf16.f32 v33;
	[tilespmem:$0x1FBC0] =	vst v54  }
0x7f: {  	v48 =	vunpack.i.u.bf16.f32 v35;
	v10 =	vadd.f32 v28, v10;
	v7 =	vadd.f32 v29, v11;
	[tilespmem:$0x1FBB0] =	vst v55  }
0x80: {  	v4 =	vadd.f32 v4, v36;
	v61 =	vunpack.i.l.bf16.f32 v39;
	v58 =	vmul.f32 v62, v62;
	v56 =	vld [tilespmem:s18+$0xFFFFFFB0]  }
0x81: {  	v17 =	vmul.f32 v55, v55;
	v47 =	vunpack.i.u.bf16.f32 v39;
	v38 =	vadd.f32 v32, v14;
	v57 =	vld [tilespmem:s23+$0xFFFFFF30]  }
0x82: {  	v59 =	vld [tilespmem:s18+$0xFFFFFF30];
	v60 =	vunpack.i.l.bf16.f32 v43;
	v63 =	vmul.f32 v61, v61;
	v49 =	vunpack.i.u.bf16.f32 v43  }
0x83: {  	v32 =	vmul.f32 v48, v48;
	v35 =	vmul.f32 v47, v47;
	v8 =	vadd.f32 v10, v51  }
0x84: {  	v7 =	vadd.f32 v7, v52;
	v10 =	vmul.f32 v54, v54;
	v19 =	vmul.f32 v60, v60  }
0x85: {  	[tilespmem:$0x1FEF0] =	vst v60;
	v2 =	vadd.f32 v58, v42;
	v6 =	vadd.f32 v17, v50;
	v21 =	vunpack.i.l.bf16.f32 v56  }
0x86: {  	v51 =	vunpack.i.u.bf16.f32 v33;
	v13 =	vmul.f32 v49, v49;
	v22 =	vunpack.i.l.bf16.f32 v57;
	[tilespmem:$0x1FF00] =	vst v21  }
0x87: {  	v1 =	vadd.f32 v38, v53;
	v4 =	vadd.f32 v63, v4;
	v23 =	vunpack.i.l.bf16.f32 v59;
	[tilespmem:$0x1FF20] =	vst v22  }
0x88: {  	v53 =	vunpack.i.u.bf16.f32 v31;
	v26 =	vmul.f32 v51, v51;
	v0 =	vadd.f32 v10, v41;
	[tilespmem:$0x1FF30] =	vst v23  }
0x89: {  	v5 =	vadd.f32 v19, v5;
	v24 =	vmul.f32 v53, v53;
	v50 =	vunpack.i.u.bf16.f32 v56;
	v27 =	vld [tilespmem:s23+$0xC0];
	[tilespmem:$0x1FF40] =	vst v49  }
0x8a: {  	v6 =	vadd.f32 v6, v32;
	v2 =	vadd.f32 v2, v26;
	v33 =	vunpack.i.u.bf16.f32 v57;
	[tilespmem:$0x1FF50] =	vst v50  }
0x8b: {  	v4 =	vadd.f32 v4, v35;
	v0 =	vadd.f32 v0, v24;
	v10 =	vmul.f32 v21, v21;
	v52 =	vld [tilespmem:s18+$0xC0];
	[tilespmem:$0x1FF90] =	vst v33  }
0x8c: {  	v41 =	vunpack.i.u.bf16.f32 v59;
	v12 =	vmul.f32 v22, v22;
	v25 =	vmul.f32 v23, v23;
	v34 =	vld [tilespmem:s23+$0x40]  }
0x8d: {  	v37 =	vmul.f32 v50, v50;
	v15 =	vmul.f32 v33, v33;
	v8 =	vadd.f32 v10, v8;
	v36 =	vld [tilespmem:s18+$0x40]  }
0x8e: {  	v18 =	vmul.f32 v41, v41;
	v7 =	vadd.f32 v12, v7;
	v1 =	vadd.f32 v25, v1;
	v40 =	vld [tilespmem:s23+$0xFFFFFFC0];
	[tilespmem:$0x1FFA0] =	vst v41  }
0x8f: {  	v38 =	vadd.f32 v5, v13;
	v8 =	vadd.f32 v8, v37;
	v42 =	vld [tilespmem:s18+$0xFFFFFFC0]  }
0x90: {  	v39 =	vadd.f32 v7, v15;
	v43 =	vld [tilespmem:s23+$0xFFFFFF40];
	v1 =	vadd.f32 v1, v18;
	v31 =	vunpack.i.l.bf16.f32 v27  }
0x91: {  	v58 =	vunpack.i.u.bf16.f32 v27;
	v30 =	vunpack.i.l.bf16.f32 v52;
	v44 =	vunpack.i.l.bf16.f32 v34  }
0x92: {  	v45 =	vmul.f32 v31, v31;
	v60 =	vmul.f32 v58, v58;
	v54 =	vunpack.i.l.bf16.f32 v36;
	[tilespmem:$0x1FED0] =	vst v44  }
0x93: {  	v56 =	vmul.f32 v30, v30;
	v63 =	vunpack.i.l.bf16.f32 v40;
	v30 =	vmul.f32 v30, v31;
	v46 =	vld [tilespmem:s18+$0xFFFFFF40];
	[tilespmem:$0x1FEE0] =	vst v54  }
0x94: {  	v55 =	vmul.f32 v44, v44;
	v0 =	vadd.f32 v45, v0;
	v57 =	vmul.f32 v54, v54;
	[tilespmem:$0x1FF10] =	vst v58  }
0x95: {  	v24 =	vunpack.i.l.bf16.f32 v42;
	v25 =	vunpack.i.l.bf16.f32 v43;
	v26 =	vmul.f32 v63, v63;
	v59 =	vld [tilespmem:s23+$0xD0]  }
0x96: {  	v2 =	vadd.f32 v56, v2;
	v20 =	vmul.f32 v24, v24;
	v28 =	vmul.f32 v25, v25  }
0x97: {  	v56 =	vunpack.i.u.bf16.f32 v52;
	v6 =	vadd.f32 v55, v6;
	v4 =	vadd.f32 v57, v4;
	[tilespmem:$0x1FF70] =	vst v63  }
0x98: {  	v54 =	vunpack.i.u.bf16.f32 v36;
	[tilespmem:$0x1FF80] =	vst v24;
	v12 =	vadd.f32 v26, v38;
	v0 =	vadd.f32 v0, v60  }
0x99: {  	[tilespmem:$0x1FFB0] =	vst v25;
	v57 =	vunpack.i.u.bf16.f32 v34;
	v35 =	vmul.f32 v56, v56;
	v27 =	vunpack.i.l.bf16.f32 v46  }
0x9a: {  	v38 =	vmul.f32 v54, v54;
	v60 =	vunpack.i.u.bf16.f32 v40;
	[tilespmem:$0x1FFC0] =	vst v27;
	v32 =	vunpack.i.u.bf16.f32 v59  }
0x9b: {  	v13 =	vadd.f32 v28, v39;
	v8 =	vadd.f32 v20, v8;
	v36 =	vmul.f32 v57, v57;
	[tilespmem:$0x1FF60] =	vst v32  }
0x9c: {  	v41 =	vmul.f32 v60, v60;
	v2 =	vadd.f32 v2, v35;
	v4 =	vadd.f32 v4, v38;
	v33 =	vld [tilespmem:s18+$0xD0]  }
0x9d: {  	v58 =	vunpack.i.l.bf16.f32 v59;
	v59 =	vunpack.i.u.bf16.f32 v42;
	v42 =	vunpack.i.u.bf16.f32 v43;
	v34 =	vld [tilespmem:s23+$0xE0]  }
0x9e: {  	v6 =	vadd.f32 v6, v36;
	v29 =	vmul.f32 v27, v27;
	v10 =	vmul.f32 v58, v58;
	v39 =	vld [tilespmem:s23+$0x50];
	[tilespmem:$0x1FFD0] =	vst v42  }
0x9f: {  	v12 =	vadd.f32 v12, v41;
	v22 =	vmul.f32 v59, v59;
	v23 =	vmul.f32 v42, v42;
	v43 =	vld [tilespmem:s18+$0xE0]  }
0xa0: {  	v37 =	vmul.f32 v32, v32;
	v1 =	vadd.f32 v29, v1;
	v0 =	vadd.f32 v10, v0;
	v3 =	vld [tilespmem:s23+$0xF0]  }
0xa1: {  	v63 =	vunpack.i.u.bf16.f32 v46;
	v8 =	vadd.f32 v8, v22;
	v26 =	vadd.f32 v13, v23;
	v32 =	vld [tilespmem:s18+$0x50]  }
0xa2: {  	v46 =	vld [tilespmem:s23+$0x60];
	v10 =	vadd.f32 v0, v37;
	v0 =	vmul.f32 v63, v63;
	v52 =	vunpack.i.l.bf16.f32 v33  }
0xa3: {  	v16 =	vld [tilespmem:s18+$0xF0];
	v24 =	vunpack.i.l.bf16.f32 v34;
	v9 =	vunpack.i.u.bf16.f32 v34;
	v50 =	vunpack.i.u.bf16.f32 v33  }
0xa4: {  	v29 =	vld [tilespmem:s23+$0xFFFFFFD0];
	v49 =	vunpack.i.l.bf16.f32 v39;
	v27 =	vadd.f32 v1, v0;
	v40 =	vmul.f32 v52, v52  }
0xa5: {  	v41 =	vunpack.i.u.bf16.f32 v39;
	v21 =	vmul.f32 v24, v24;
	v25 =	vmul.f32 v50, v50  }
0xa6: {  	v28 =	vunpack.i.l.bf16.f32 v43;
	v44 =	vmul.f32 v9, v9;
	v45 =	vmul.f32 v49, v49  }
0xa7: {  	v20 =	vunpack.i.u.bf16.f32 v43;
	v11 =	vunpack.i.l.bf16.f32 v3;
	v39 =	vunpack.i.l.bf16.f32 v32  }
0xa8: {  	v43 =	vunpack.i.l.bf16.f32 v46;
	v5 =	vunpack.i.u.bf16.f32 v3;
	v15 =	vunpack.i.l.bf16.f32 v16  }
0xa9: {  	v42 =	vunpack.i.l.bf16.f32 v29;
	v55 =	vmul.f32 v28, v28;
	v14 =	vmul.f32 v11, v11  }
0xaa: {  	v17 =	vunpack.i.u.bf16.f32 v16;
	v33 =	vmul.f32 v20, v20;
	v34 =	vmul.f32 v39, v39  }
0xab: {  	v35 =	vmul.f32 v43, v43;
	v36 =	vmul.f32 v5, v5;
	v2 =	vadd.f32 v40, v2  }
0xac: {  	v37 =	vmul.f32 v15, v15;
	v16 =	vmul.f32 v17, v17;
	v10 =	vadd.f32 v21, v10;
	v40 =	vld [tilespmem:s18+$0xFFFFFFD0]  }
0xad: {  	v6 =	vadd.f32 v45, v6;
	v2 =	vadd.f32 v2, v25;
	v25 =	vmul.f32 v41, v41  }
0xae: {  	v13 =	vld [tilespmem:s18+$0x60];
	v28 =	vmul.f32 v28, v24;
	v4 =	vadd.f32 v34, v4;
	v10 =	vadd.f32 v10, v44  }
0xaf: {  	v45 =	vld [tilespmem:s18+$0x70];
	v44 =	vunpack.i.u.bf16.f32 v46;
	v2 =	vadd.f32 v55, v2;
	v6 =	vadd.f32 v6, v25  }
0xb0: {  	v46 =	vmul.f32 v44, v44;
	v10 =	vadd.f32 v14, v10;
	v55 =	vmul.f32 v42, v42  }
0xb1: {  	v34 =	vunpack.i.l.bf16.f32 v40;
	v2 =	vadd.f32 v2, v33;
	v6 =	vadd.f32 v35, v6  }
0xb2: {  	v35 =	vunpack.i.u.bf16.f32 v32;
	v22 =	vadd.f32 v10, v36;
	v12 =	vadd.f32 v55, v12  }
0xb3: {  	v18 =	vld [tilespmem:s23+$0x70];
	v33 =	vunpack.i.l.bf16.f32 v13;
	v3 =	vmul.f32 v34, v34;
	v36 =	vunpack.i.u.bf16.f32 v40  }
0xb4: {  	v25 =	vld [tilespmem:s23+$0xFFFFFFE0];
	v32 =	vunpack.i.l.bf16.f32 v45;
	v38 =	vmul.f32 v35, v35;
	v0 =	vmul.f32 v33, v33  }
0xb5: {  	v21 =	vmul.f32 v32, v32;
	v23 =	vmul.f32 v36, v36;
	v2 =	vadd.f32 v37, v2  }
0xb6: {  	v6 =	vadd.f32 v6, v46;
	v46 =	vunpack.i.u.bf16.f32 v29;
	v8 =	vadd.f32 v3, v8  }
0xb7: {  	v29 =	vunpack.i.u.bf16.f32 v13;
	v37 =	vmul.f32 v17, v5;
	v5 =	vunpack.i.u.bf16.f32 v45  }
0xb8: {  	v45 =	vmul.f32 v20, v9;
	v4 =	vadd.f32 v4, v38;
	v38 =	vunpack.i.l.bf16.f32 v18  }
0xb9: {  	v10 =	vld [tilespmem:s23+$0xFFFFFF50];
	v55 =	vmul.f32 v46, v46;
	v40 =	vunpack.i.l.bf16.f32 v25;
	v13 =	vmul.f32 v29, v29  }
0xba: {  	v3 =	vld [tilespmem:s18+$0xFFFFFFE0];
	v1 =	vmul.f32 v38, v38;
	v14 =	vadd.f32 v2, v16;
	v19 =	vmul.f32 v40, v40  }
0xbb: {  	v4 =	vadd.f32 v0, v4;
	v12 =	vadd.f32 v12, v55;
	v55 =	vunpack.i.u.bf16.f32 v18  }
0xbc: {  	v6 =	vadd.f32 v1, v6;
	v18 =	vmul.f32 v55, v55;
	v55 =	vmul.f32 v5, v55  }
0xbd: {  	[tilespmem:$0x1FFE0] =	vst v37;
	v37 =	vunpack.i.u.bf16.f32 v25;
	v1 =	vadd.f32 v8, v23;
	v4 =	vadd.f32 v4, v13  }
0xbe: {  	v23 =	vmul.f32 v37, v37;
	v7 =	vadd.f32 v19, v12;
	v12 =	vadd.f32 v6, v18;
	v6 =	vld [tilespmem:s23+$0xFFFFFFF0];
	[tilespmem:$0x1FFF0] =	vst v55  }
0xbf: {  	v5 =	vmul.f32 v5, v5;
	v19 =	vunpack.i.l.bf16.f32 v10;
	v25 =	vunpack.i.l.bf16.f32 v3;
	v8 =	vld [tilespmem:s18+$0xFFFFFF50]  }
0xc0: {  	v2 =	vadd.f32 v21, v4;
	v4 =	vmul.f32 v19, v19;
	v21 =	vunpack.i.u.bf16.f32 v10;
	v10 =	vld [tilespmem:s23+$0xFFFFFF60]  }
0xc1: {  	(xrf2) =	vadd.scan.msk.f32 $0xffff, v22;
	v13 =	vmul.f32 v25, v25;
	v55 =	vmul.f32 v15, v11  }
0xc2: {  	(xrf2) =	vadd.scan.msk.f32 $0xffff, v14;
	v16 =	vmul.f32 v21, v21;
	v17 =	vadd.f32 v4, v26;
	v20 =	vadd.f32 v2, v5  }
0xc3: {  	v7 =	vadd.f32 v7, v23;
	v23 =	vunpack.i.u.bf16.f32 v3;
	(xrf2) =	vadd.scan.msk.f32 $0xffff, v12;
	v4 =	vadd.f32 v13, v1  }
0xc4: {  	v5 =	vld [tilespmem:s18+$0xFFFFFF60];
	v2 =	vadd.f32 v17, v16;
	v26 =	vunpack.i.l.bf16.f32 v6;
	(xrf2) =	vadd.scan.msk.f32 $0xffff, v20;
	v20 =	vmul.f32 v51, v53  }
0xc5: {  	v15 =	vld [tilespmem:s18+$0xFFFFFFF0];
	v13 =	vunpack.i.l.bf16.f32 v8;
	v18 =	vunpack.i.l.bf16.f32 v10;
	v9 =	vmul.f32 v26, v26  }
0xc6: {  	v16 =	vunpack.i.u.bf16.f32 v8;
	v0 =	vmul.f32 v13, v13;
	v1 =	vmul.f32 v18, v18  }
0xc7: {  	v8 =	vmul.f32 v23, v23;
	v10 =	vunpack.i.u.bf16.f32 v10;
	v11 =	vadd.f32 v9, v7  }
0xc8: {  	v17 =	vmul.f32 v16, v16;
	v0 =	vadd.f32 v0, v27;
	v7 =	vadd.f32 v1, v2;
	v2 =	vld [tilespmem:s23+$0xFFFFFF70]  }
0xc9: {  	v8 =	vadd.f32 v4, v8;
	v27 =	vunpack.i.u.bf16.f32 v6;
	v6 =	vunpack.i.l.bf16.f32 v5  }
0xca: {  	v3 =	vadd.f32 v0, v17;
	v17 =	vunpack.i.l.bf16.f32 v15;
	v0 =	vmul.f32 v6, v6  }
0xcb: {  	v24 =	vld [tilespmem:s18+$0xFFFFFF70];
	v9 =	vunpack.i.u.bf16.f32 v5;
	v5 =	vmul.f32 v27, v27;
	v1 =	vmul.f32 v17, v17  }
0xcc: {  	v4 =	vadd.f32 v0, v3;
	v3 =	vmul.f32 v10, v10;
	v0 =	vmul.f32 v9, v9  }
0xcd: {  	v11 =	vadd.f32 v11, v5;
	v8 =	vadd.f32 v1, v8;
	v5 =	vunpack.i.l.bf16.f32 v2  }
0xce: {  	v3 =	vadd.f32 v7, v3;
	v31 =	vadd.f32 v4, v0;
	v0 =	vmul.f32 v5, v5  }
0xcf: {  	v51 =	vld [tilespmem:$0x1FC10];
	v1 =	vunpack.i.u.bf16.f32 v15;
	v15 =	vmul.f32 v47, v48;
	v7 =	vunpack.i.u.bf16.f32 v2  }
0xd0: {  	v53 =	vld [tilespmem:$0x1FC20];
	v4 =	vunpack.i.l.bf16.f32 v24;
	v12 =	vmul.f32 v7, v7;
	v3 =	vadd.f32 v0, v3  }
0xd1: {  	v47 =	vld [tilespmem:$0x1FBF0];
	v2 =	vmul.f32 v1, v1;
	v22 =	vmul.f32 v4, v4  }
0xd2: {  	v0 =	vunpack.i.u.bf16.f32 v24;
	v3 =	vadd.f32 v3, v12;
	v12 =	vld [tilespmem:$0x1FBB0]  }
0xd3: {  	v2 =	vadd.f32 v8, v2;
	v24 =	vadd.f32 v22, v31;
	v31 =	vmul.f32 v0, v0;
	v22 =	vld [tilespmem:$0x1FBC0]  }
0xd4: {  	(xrf2) =	vadd.scan.msk.f32 $0xffff, v11;
	v48 =	vld [tilespmem:$0x1FC00]  }
0xd5: {  	(xrf2) =	vadd.scan.msk.f32 $0xffff, v2;
	v2 =	vadd.f32 v24, v31;
	v24 =	vld [tilespmem:$0x1FBD0]  }
0xd6: {  	v31 =	vld [tilespmem:$0x1FBE0]  }
0xd7: {  	v11 =	vmul.f32 v61, v12;
	v61 =	vld [tilespmem:$0x1FC30]  }
0xd8: {  	v12 =	vmul.f32 v62, v22;
	v62 =	vld [tilespmem:$0x1FC40];
	_ =	sdelay $0x1  }
0xd9: {  	v14 =	vmul.f32 v48, v47;
	v47 =	vld [tilespmem:$0x1FC60]  }
0xda: {  	(xrf2) =	vadd.scan.msk.f32 $0xffff, v3;
	v3 =	vmul.f32 v53, v51;
	v53 =	vld [tilespmem:$0x1FC90]  }
0xdb: {  	v8 =	vmul.f32 v31, v24;
	v31 =	vld [tilespmem:$0x1FC50]  }
0xdc: {  	v22 =	vmul.f32 v62, v61;
	v61 =	vld [tilespmem:$0x1FCA0];
	_ =	sdelay $0x3  }
0xdd: {  	v62 =	vld [tilespmem:$0x1FCB0]  }
0xde: {  	(xrf2) =	vadd.scan.msk.f32 $0xffff, v2;
	v2 =	vmul.f32 v47, v31;
	v31 =	vmul.f32 v61, v53;
	v53 =	vld [tilespmem:$0x1FCC0];
	_ =	sdelay $0x1  }
0xdf: {  	v48 =	vld [tilespmem:$0x1FC70]  }
0xe0: {  	v51 =	vld [tilespmem:$0x1FC80]  }
0xe1: {  	v61 =	vld [tilespmem:$0x1FCD0]  }
0xe2: {  	v47 =	vmul.f32 v53, v62;
	v62 =	vld [tilespmem:$0x1FCE0];
	_ =	sdelay $0x4  }
0xe3: {  	v24 =	vmul.f32 v51, v48;
	v48 =	vmul.f32 v62, v61;
	v61 =	vld [tilespmem:$0x1FCF0]  }
0xe4: {  	v62 =	vld [tilespmem:$0x1FD00];
	_ =	sdelay $0x3  }
0xe5: {  	v53 =	vld [tilespmem:$0x1FD10]  }
0xe6: {  	v51 =	vmul.f32 v62, v61;
	v61 =	vld [tilespmem:$0x1FD20];
	_ =	sdelay $0x3  }
0xe7: {  	v22 =	vadd.f32 v22, v31;
	v31 =	vld [tilespmem:$0x1FD30]  }
0xe8: {  	v53 =	vmul.f32 v61, v53;
	v61 =	vld [tilespmem:$0x1FD40];
	_ =	sdelay $0x3  }
0xe9: {  	v48 =	vadd.f32 v48, v51;
	v51 =	vld [tilespmem:$0x1FD50]  }
0xea: {  	v31 =	vmul.f32 v61, v31;
	v61 =	vld [tilespmem:$0x1FD60];
	_ =	sdelay $0x3  }
0xeb: {  	v47 =	vadd.f32 v47, v53;
	v53 =	vld [tilespmem:$0x1FD70]  }
0xec: {  	v51 =	vmul.f32 v61, v51;
	v61 =	vld [tilespmem:$0x1FD80];
	_ =	sdelay $0x3  }
0xed: {  	v22 =	vadd.f32 v31, v22;
	v31 =	vld [tilespmem:$0x1FD90]  }
0xee: {  	v53 =	vmul.f32 v61, v53;
	v61 =	vld [tilespmem:$0x1FDA0];
	_ =	sdelay $0x1  }
0xef: {  	v2 =	vadd.f32 v2, v24;
	_ =	sdelay $0x1  }
0xf0: {  	v2 =	vadd.f32 v51, v2;
	v51 =	vld [tilespmem:$0x1FDB0]  }
0xf1: {  	v31 =	vmul.f32 v61, v31;
	v61 =	vld [tilespmem:$0x1FDC0];
	_ =	sdelay $0x3  }
0xf2: {  	v22 =	vadd.f32 v22, v53;
	v53 =	vld [tilespmem:$0x1FDD0]  }
0xf3: {  	v51 =	vmul.f32 v61, v51;
	v61 =	vld [tilespmem:$0x1FDE0];
	_ =	sdelay $0x3  }
0xf4: {  	v2 =	vadd.f32 v2, v31;
	v31 =	vld [tilespmem:$0x1FDF0]  }
0xf5: {  	v53 =	vmul.f32 v61, v53;
	v61 =	vld [tilespmem:$0x1FE00];
	_ =	sdelay $0x3  }
0xf6: {  	v62 =	vld [tilespmem:$0x1FE20]  }
0xf7: {  	v31 =	vmul.f32 v61, v31;
	v61 =	vld [tilespmem:$0x1FE10];
	_ =	sdelay $0x1  }
0xf8: {  	v24, _, _ =	vpop (xrf2)  }
0xf9: {  	(v2sf) =	vpush v24, $0xF;
	v24, _, _ =	vpop (xrf2)  }
0xfa: {  	(v2sf) =	vpush v24, $0xF;
	v24, _, _ =	vpop (xrf2)  }
0xfb: {  	(v2sf) =	vpush v24, $0xF;
	v24, _, _ =	vpop (xrf2);
	v3 =	vadd.f32 v3, v22;
	v22 =	vmul.f32 v62, v61;
	v61 =	vld [tilespmem:$0x1FE30]  }
0xfc: {  	(v2sf) =	vpush v24, $0xF;
	v24, _, _ =	vpop (xrf2);
	v62 =	vld [tilespmem:$0x1FE40]  }
0xfd: {  	(v2sf) =	vpush v24, $0xF;
	v24, _, _ =	vpop (xrf2)  }
0xfe: {  	(v2sf) =	vpush v24, $0xF;
	v24, _, _ =	vpop (xrf2)  }
0xff: {  	(v2sf) =	vpush v24, $0xF;
	v24, _, _ =	vpop (xrf2);
	v2 =	vadd.f32 v51, v2;
	v51 =	vld [tilespmem:$0x1FE70]  }
0x100: {  	(v2sf) =	vpush v24, $0xF;
	v24 =	vadd.f32 v53, v47;
	v53 =	vld [tilespmem:$0x1FE80]  }
0x101: {  	v47 =	vmul.f32 v62, v61;
	v61 =	vld [tilespmem:$0x1FE50]  }
0x102: {  	v62 =	vld [tilespmem:$0x1FE60];
	_ =	sdelay $0x2  }
0x103: {  	v31 =	vadd.f32 v31, v48;
	v48 =	vld [tilespmem:$0x1FEB0]  }
0x104: {  	v2 =	vadd.f32 v2, v8;
	v8 =	vmul.f32 v53, v51;
	v51 =	vld [tilespmem:$0x1FEC0]  }
0x105: {  	v3 =	vadd.f32 v3, v14;
	v14 =	vmul.f32 v62, v61;
	v62 =	vld [tilespmem:$0x1FE90]  }
0x106: {  	v61 =	vadd.f32 v31, v47;
	v47 =	vld [tilespmem:$0x1FEA0]  }
0x107: {  	v53 =	vld [tilespmem:$0x1FED0]  }
0x108: {  	v8 =	vadd.f32 v8, v61;
	v61 =	vld [tilespmem:$0x1FEE0]  }
0x109: {  	v22 =	vadd.f32 v24, v22;
	v24 =	vld [tilespmem:$0x1FF00]  }
0x10a: {  	v31 =	vld [tilespmem:$0x1FF10]  }
0x10b: {  	v3 =	vadd.f32 v12, v3;
	v14 =	vadd.f32 v14, v22;
	v12 =	vmul.f32 v47, v62;
	v62 =	vld [tilespmem:$0x1FEF0]  }
0x10c: {  	v47 =	vmul.f32 v54, v57;
	v54 =	vld [tilespmem:$0x1FF50]  }
0x10d: {  	v12 =	vadd.f32 v14, v12;
	v14 =	vmul.f32 v61, v53;
	v53 =	vld [tilespmem:$0x1FF40]  }
0x10e: {  	v52 =	vmul.f32 v52, v58;
	v58 =	vld [tilespmem:$0x1FF70];
	v2 =	vadd.f32 v11, v2  }
0x10f: {  	v11 =	vmul.f32 v51, v48;
	v48 =	vld [tilespmem:$0x1FF20]  }
0x110: {  	s0 =	spop (v2sf);
	v3 =	vadd.f32 v3, v20;
	v2 =	vadd.f32 v2, v15;
	v51 =	vld [tilespmem:$0x1FF30];
	v15 =	vmul.f32 v24, v62  }
0x111: {  	s2 =	spop (v2sf);
	v20 =	vmul.f32 v56, v31;
	v56 =	vld [tilespmem:$0x1FF60]  }
0x112: {  	s5 =	smax.f32 s0, $1.000000020e-16;
	s3 =	spop (v2sf);
	v3 =	vadd.f32 v30, v3;
	v61 =	vld [tilespmem:$0x1FF80];
	v22 =	vmul.f32 v54, v53;
	v12 =	vadd.f32 v15, v12  }
0x113: {  	s13 =	smax.f32 s2, $1.000000020e-16;
	s4 =	spop (v2sf);
	v8 =	vadd.f32 v8, v11;
	v24 =	vld [tilespmem:$0x1FFA0]  }
0x114: {  	s6 =	smax.f32 s3, $1.000000020e-16;
	s5 =	smul.f32 s13, s5;
	v3 =	vadd.f32 v3, v20;
	v12 =	vadd.f32 v12, v22;
	v22 =	vld [tilespmem:$0x1FF90]  }
0x115: {  	s8 =	spop (v2sf);
	s15 =	smax.f32 s4, $1.000000020e-16;
	v57 =	vmul.f32 v39, v49;
	v39 =	vld [tilespmem:$0x1FFC0];
	v2 =	vadd.f32 v14, v2;
	v14 =	vmul.f32 v51, v48  }
0x116: {  	s10 =	spop (v2sf);
	s15 =	smul.f32 s15, s6;
	v3 =	vadd.f32 v52, v3;
	v11 =	vmul.f32 v50, v56;
	v62 =	vmul.f32 v35, v41;
	v35 =	vld [tilespmem:$0x1FFB0]  }
0x117: {  	s14 =	smax.f32 s8, $1.000000020e-16;
	s28 =	smul.f32 $5.000000000e-01, s5;
	v8 =	vadd.f32 v14, v8;
	v14 =	vmul.f32 v61, v58  }
0x118: {  	s22 =	sshra.s32 s5, $0x1;
	s11 =	spop (v2sf);
	s17 =	smax.f32 s10, $1.000000020e-16;
	v31 =	vmul.f32 v33, v43;
	v43 =	vld [tilespmem:$0x1FFD0];
	v2 =	vadd.f32 v2, v47;
	v3 =	vadd.f32 v3, v11  }
0x119: {  	s22 =	ssub.s32 $0x5F3759DF, s22;
	s12 =	spop (v2sf);
	s17 =	smul.f32 s17, s14;
	v30 =	vmul.f32 v59, v60;
	v12 =	vadd.f32 v14, v12;
	v11 =	vmul.f32 v24, v22  }
0x11a: {  	v42 =	vmul.f32 v34, v42;
	s24 =	smax.f32 s11, $1.000000020e-16;
	s29 =	smul.f32 $5.000000000e-01, s15;
	v2 =	vadd.f32 v57, v2;
	v3 =	vadd.f32 v28, v3  }
0x11b: {  	s23 =	smul.f32 s22, s28;
	s26 =	smax.f32 s12, $1.000000020e-16;
	v33 =	vadd.f32 v12, v30;
	v12 =	vmul.f32 v39, v35;
	v8 =	vadd.f32 v8, v11  }
0x11c: {  	v46 =	vmul.f32 v36, v46;
	s15 =	sshra.s32 s15, $0x1;
	s19 =	smul.f32 s26, s24;
	v49 =	vmul.f32 v25, v40;
	v47 =	vld [tilespmem:$0x1FFE0];
	v2 =	vadd.f32 v2, v62  }
0x11d: {  	s15 =	ssub.s32 $0x5F3759DF, s15;
	s14 =	smul.f32 $5.000000000e-01, s17;
	v3 =	vadd.f32 v3, v45;
	v8 =	vadd.f32 v12, v8;
	v12 =	vmul.f32 v63, v43  }
0x11e: {  	s24 =	smul.f32 s15, s29;
	v41 =	vmul.f32 v29, v44;
	v2 =	vadd.f32 v31, v2;
	v11 =	vadd.f32 v42, v33  }
0x11f: {  	s17 =	sshra.s32 s17, $0x1;
	s23 =	smul.f32 s22, s23;
	v45 =	vmul.f32 v13, v19;
	v3 =	vadd.f32 v55, v3;
	v8 =	vadd.f32 v8, v12  }
0x120: {  	s17 =	ssub.s32 $0x5F3759DF, s17;
	s5 =	smul.f32 $5.000000000e-01, s19;
	v48 =	vmul.f32 v16, v21;
	v50 =	vld [tilespmem:$0x1FFF0];
	v2 =	vadd.f32 v2, v41;
	v11 =	vadd.f32 v11, v46  }
0x121: {  	s19 =	sshra.s32 s19, $0x1;
	s26 =	smul.f32 s17, s14;
	v44 =	vmul.f32 v32, v38;
	v3 =	vadd.f32 v3, v47;
	v8 =	vadd.f32 v45, v8  }
0x122: {  	s24 =	smul.f32 s15, s24;
	s19 =	ssub.s32 $0x5F3759DF, s19;
	v53 =	vmul.f32 v23, v37;
	v52 =	vadd.f32 v49, v11  }
0x123: {  	v6 =	vmul.f32 v6, v18;
	s23 =	ssub.f32 $1.500000000e+00, s23;
	s31 =	smul.f32 s19, s5;
	v2 =	vadd.f32 v44, v2;
	(xrf2) =	vadd.scan.msk.f32 $0xffff, v3;
	v51 =	vadd.f32 v8, v48  }
0x124: {  	s26 =	smul.f32 s17, s26;
	v57 =	vmul.f32 v17, v26;
	v56 =	vadd.f32 v52, v53  }
0x125: {  	s24 =	ssub.f32 $1.500000000e+00, s24;
	s22 =	smul.f32 s22, s23;
	v55 =	vmul.f32 v9, v10;
	v2 =	vadd.f32 v2, v50;
	v54 =	vadd.f32 v6, v51  }
0x126: {  	v1 =	vmul.f32 v1, v27;
	s31 =	smul.f32 s19, s31;
	v59 =	vadd.f32 v57, v56  }
0x127: {  	s26 =	ssub.f32 $1.500000000e+00, s26;
	s15 =	smul.f32 s15, s24;
	v58 =	vmul.f32 v4, v5;
	(xrf2) =	vadd.scan.msk.f32 $0xffff, v2;
	v2 =	vadd.f32 v54, v55  }
0x128: {  	s1 =	smul.f32 s22, s28;
	v1 =	vadd.f32 v59, v1  }
0x129: {  	v0 =	vmul.f32 v0, v7;
	s17 =	smul.f32 s17, s26;
	v2 =	vadd.f32 v58, v2  }
0x12a: {  	s31 =	ssub.f32 $1.500000000e+00, s31;
	s24 =	smul.f32 s15, s29;
	(xrf2) =	vadd.scan.msk.f32 $0xffff, v1  }
0x12b: {  	s23 =	smul.f32 s1, s22;
	v0 =	vadd.f32 v2, v0  }
0x12c: {  	s19 =	smul.f32 s19, s31  }
0x12d: {  	s26 =	smul.f32 s17, s14;
	v60, _, _ =	vpop (xrf2);
	(xrf2) =	vadd.scan.msk.f32 $0xffff, v0  }
0x12e: {  	s24 =	smul.f32 s24, s15  }
0x12f: {  	s9 =	smov.u32 s16;
	s23 =	ssub.f32 $1.500000000e+00, s23;
	s16 =	smul.f32 s19, s5  }
0x130: {  	s26 =	smul.f32 s26, s17  }
0x131: {  	s24 =	ssub.f32 $1.500000000e+00, s24;
	s22 =	smul.f32 s23, s22;
	(v2sf) =	vpush v60, $0xF;
	v61, _, _ =	vpop (xrf2)  }
0x132: {  	s31 =	smul.f32 s16, s19;
	(v2sf) =	vpush v61, $0xF  }
0x133: {  	s20 =	ssub.f32 $1.500000000e+00, s26;
	s15 =	smul.f32 s24, s15  }
0x134: {  	s6 =	smul.f32 s22, s28;
	v62, _, _ =	vpop (xrf2)  }
0x135: {  	s17 =	smul.f32 s20, s17;
	(v2sf) =	vpush v62, $0xF  }
0x136: {  	s21 =	ssub.f32 $1.500000000e+00, s31;
	s13 =	smul.f32 s15, s29  }
0x137: {  	s6 =	smul.f32 s6, s22;
	v63, _, _ =	vpop (xrf2)  }
0x138: {  	s0 =	sadd.f32 s2, s0;
	s2 =	smul.f32 s21, s19;
	(v2sf) =	vpush v63, $0xF  }
0x139: {  	s26 =	smul.f32 s17, s14  }
0x13a: {  	s8 =	sadd.f32 s10, s8;
	s28 =	smul.f32 s13, s15  }
0x13b: {  	s6 =	ssub.f32 $1.500000000e+00, s6;
	s10 =	smul.f32 s26, s17  }
0x13c: {  	s11 =	sadd.f32 s12, s11;
	s5 =	smul.f32 s2, s5  }
0x13d: {  	s12 =	ssub.f32 $1.500000000e+00, s28;
	s6 =	smul.f32 s6, s22  }
0x13e: {  	s3 =	sadd.f32 s4, s3;
	s5 =	smul.f32 s5, s2  }
0x13f: {  	s15 =	smul.f32 s12, s15;
	s1 =	ssub.f32 $1.500000000e+00, s10  }
0x140: {  	s21 =	ssub.f32 $1.500000000e+00, s5;
	s4 =	spop (v2sf)  }
0x141: {  	s29 =	sadd.f32 s4, s4;
	s19 =	spop (v2sf)  }
0x142: {  	s22 =	smul.f32 s1, s17;
	s31 =	sadd.f32 s19, s19  }
0x143: {  	s23 =	ssub.f32 s0, s29;
	s28 =	smul.f32 s15, s19  }
0x144: {  	s10 =	ssub.f32 s3, s31;
	s16 =	spop (v2sf)  }
0x145: {  	s2 =	smul.f32 s21, s2;
	s24 =	sadd.f32 s16, s16  }
0x146: {  	s13 =	ssub.f32 $1.000000000e+00, s28;
	s31 =	smul.f32 s22, s16  }
0x147: {  	s12 =	ssub.f32 s8, s24;
	s20 =	spop (v2sf)  }
0x148: {  	s15 =	ssub.f32 $1.000000000e+00, s31;
	s0 =	smul.f32 s2, s20  }
0x149: {  	s26 =	sadd.f32 s20, s20  }
0x14a: {  	s4 =	smul.f32 s6, s4;
	s29 =	sadd.s32 $0x0, s7;
	s0 =	ssub.f32 $1.000000000e+00, s0  }
0x14b: {  	p0 =	slt.u32 s29, $0x27100;
	s22 =	simm.s32 $0x400;
	s14 =	ssub.f32 s11, s26  }
0x14c: {  	s24 =	simm.s32 $0x0;
	s11 =	ssub.f32 $1.000000000e+00, s4;
	s0 =	simm.s32 @!p0 $0x0  }
.LBB2_3:
0x14d: {  	v4 =	vld [tilespmem:s22+$0xFFFFFFF0]  }
0x14e: {  	s18 =	sadd.s32 $0x200, s18;
	v23 =	vld [tilespmem:s22+$0xFFFFFF50]  }
0x14f: {  	v24 =	vld [tilespmem:s18+$0xFFFFFFD0]  }
0x150: {  	v8 =	vld [tilespmem:s22+$0xFFFFFF70]  }
0x151: {  	v26 =	vld [tilespmem:s18+$0xFFFFFF50];
	_ =	sdelay $0x1  }
0x152: {  	[tilespmem:$0x1F3D0] =	vst v23  }
0x153: {  	v12 =	vld [tilespmem:s22+$0xFFFFFFE0];
	v41 =	vunpack.i.u.bf16.f32 v4;
	[tilespmem:$0x1F3C0] =	vst v24  }
0x154: {  	v10 =	vld [tilespmem:s22+$0x60];
	[tilespmem:$0x1FB90] =	vst v41  }
0x155: {  	v14 =	vld [tilespmem:s22+$0xD0];
	v43 =	vunpack.i.u.bf16.f32 v8;
	[tilespmem:$0x1F3E0] =	vst v26  }
0x156: {  	v16 =	vld [tilespmem:s22+$0xFFFFFF60];
	v45 =	vunpack.i.l.bf16.f32 v4;
	[tilespmem:$0x1F980] =	vst v43  }
0x157: {  	v47 =	vunpack.i.l.bf16.f32 v8;
	[tilespmem:$0x1FB60] =	vst v45  }
0x158: {  	v18 =	vld [tilespmem:s22+$0x50];
	v50 =	vunpack.i.u.bf16.f32 v12;
	[tilespmem:$0x1F940] =	vst v47  }
0x159: {  	v39 =	vunpack.i.l.bf16.f32 v10;
	[tilespmem:$0x1FB20] =	vst v50  }
0x15a: {  	v5 =	vld [tilespmem:s18+$0xFFFFFFF0];
	v52 =	vunpack.i.u.bf16.f32 v14;
	[tilespmem:$0x1F740] =	vst v39  }
0x15b: {  	v9 =	vld [tilespmem:s18+$0xFFFFFF70];
	v53 =	vunpack.i.u.bf16.f32 v16;
	[tilespmem:$0x1FAB0] =	vst v52  }
0x15c: {  	v58 =	vunpack.i.l.bf16.f32 v12;
	[tilespmem:$0x1F900] =	vst v53  }
0x15d: {  	v60 =	vunpack.i.u.bf16.f32 v18;
	[tilespmem:$0x1F800] =	vst v58  }
0x15e: {  	v13 =	vld [tilespmem:s18+$0xFFFFFFE0];
	v63 =	vunpack.i.l.bf16.f32 v14;
	[tilespmem:$0x1F700] =	vst v60  }
0x15f: {  	v17 =	vld [tilespmem:s18+$0xFFFFFF60];
	v42 =	vunpack.i.u.bf16.f32 v5;
	[tilespmem:$0x1FA90] =	vst v63  }
0x160: {  	v15 =	vld [tilespmem:s18+$0xD0];
	v44 =	vunpack.i.u.bf16.f32 v9;
	[tilespmem:$0x1FBA0] =	vst v42  }
0x161: {  	v46 =	vunpack.i.l.bf16.f32 v5;
	[tilespmem:$0x1F9D0] =	vst v44  }
0x162: {  	v19 =	vld [tilespmem:s18+$0x50];
	v49 =	vunpack.i.l.bf16.f32 v9;
	[tilespmem:$0x1FB70] =	vst v46  }
0x163: {  	v51 =	vunpack.i.u.bf16.f32 v13;
	[tilespmem:$0x1F9A0] =	vst v49  }
0x164: {  	v54 =	vunpack.i.u.bf16.f32 v17;
	[tilespmem:$0x1FB30] =	vst v51  }
0x165: {  	v56 =	vunpack.i.u.bf16.f32 v15;
	[tilespmem:$0x1F960] =	vst v54  }
0x166: {  	v20 =	vld [tilespmem:s22+$0xFFFFFFD0];
	v59 =	vunpack.i.l.bf16.f32 v13;
	[tilespmem:$0x1FAC0] =	vst v56  }
0x167: {  	v62 =	vunpack.i.u.bf16.f32 v19;
	[tilespmem:$0x1F860] =	vst v59  }
0x168: {  	v12 =	vunpack.i.l.bf16.f32 v15;
	[tilespmem:$0x1F760] =	vst v62  }
0x169: {  	v13 =	vunpack.i.l.bf16.f32 v16;
	[tilespmem:$0x1FAA0] =	vst v12  }
0x16a: {  	v0 =	vld [tilespmem:s22+$0xF0];
	v14 =	vunpack.i.l.bf16.f32 v17;
	[tilespmem:$0x1F8C0] =	vst v13  }
0x16b: {  	v21 =	vld [tilespmem:s22+$0xC0];
	v15 =	vunpack.i.u.bf16.f32 v20;
	[tilespmem:$0x1F920] =	vst v14  }
0x16c: {  	v22 =	vld [tilespmem:s18+$0xC0];
	v16 =	vunpack.i.u.bf16.f32 v24;
	[tilespmem:$0x1F7C0] =	vst v15  }
0x16d: {  	v2 =	vld [tilespmem:s22+$0x70];
	v17 =	vunpack.i.l.bf16.f32 v18;
	[tilespmem:$0x1F820] =	vst v16  }
0x16e: {  	v32 =	vld [tilespmem:s22+$0x10];
	v18 =	vunpack.i.l.bf16.f32 v19;
	[tilespmem:$0x1F6C0] =	vst v17  }
0x16f: {  	v11 =	vld [tilespmem:s18+$0x60];
	v19 =	vunpack.i.u.bf16.f32 v23;
	[tilespmem:$0x1F720] =	vst v18  }
0x170: {  	v3 =	vld [tilespmem:s18+$0x70];
	v24 =	vunpack.i.u.bf16.f32 v21;
	[tilespmem:$0x1F880] =	vst v19  }
0x171: {  	v1 =	vld [tilespmem:s18+$0xF0];
	v25 =	vunpack.i.u.bf16.f32 v22;
	[tilespmem:$0x1FA70] =	vst v24  }
0x172: {  	v6 =	vld [tilespmem:s22+$0xE0];
	v23 =	vunpack.i.u.bf16.f32 v26;
	[tilespmem:$0x1FA80] =	vst v25  }
0x173: {  	v26 =	vunpack.i.l.bf16.f32 v20;
	[tilespmem:$0x1F8E0] =	vst v23  }
0x174: {  	v35 =	vunpack.i.u.bf16.f32 v2;
	v61 =	vunpack.i.l.bf16.f32 v0;
	v51 =	vunpack.i.l.bf16.f32 v11;
	[tilespmem:$0x1F780] =	vst v26  }
0x175: {  	v7 =	vld [tilespmem:s18+$0xE0];
	v57 =	vunpack.i.u.bf16.f32 v3;
	v56 =	vunpack.i.l.bf16.f32 v21;
	v21 =	vunpack.i.u.bf16.f32 v32;
	[tilespmem:$0x1F7A0] =	vst v51  }
0x176: {  	v8 =	vld [tilespmem:s22+$0xFFFFFFA0];
	v36 =	vunpack.i.l.bf16.f32 v1;
	v32 =	vunpack.i.l.bf16.f32 v32;
	v20 =	vmul.f32 v57, v35;
	[tilespmem:$0x1F4C0] =	vst v21  }
0x177: {  	v38 =	vunpack.i.u.bf16.f32 v6;
	v28 =	vunpack.i.l.bf16.f32 v6;
	v6 =	vld [tilespmem:s22+$0x20];
	v41 =	vmul.f32 v36, v61;
	[tilespmem:$0x1F460] =	vst v32  }
0x178: {  	v46 =	vunpack.i.l.bf16.f32 v22;
	v39 =	vmul.f32 v51, v39;
	[tilespmem:$0x1FB80] =	vst v20  }
0x179: {  	v51 =	vmul.f32 v46, v56;
	[tilespmem:$0x1FB00] =	vst v41  }
0x17a: {  	v33 =	vunpack.i.u.bf16.f32 v7;
	v27 =	vunpack.i.l.bf16.f32 v7;
	v7 =	vld [tilespmem:s18+$0x20];
	[tilespmem:$0x1FAF0] =	vst v39  }
0x17b: {  	v12 =	vld [tilespmem:s22+$0xFFFFFF20];
	v14 =	vunpack.i.u.bf16.f32 v8;
	[tilespmem:$0x1FA60] =	vst v51  }
0x17c: {  	v30 =	vunpack.i.u.bf16.f32 v10;
	v29 =	vunpack.i.u.bf16.f32 v11;
	v16 =	vld [tilespmem:s18+$0xFFFFFF20];
	v19 =	vunpack.i.l.bf16.f32 v6;
	[tilespmem:$0x1F5A0] =	vst v14  }
0x17d: {  	v9 =	vld [tilespmem:s18+$0xFFFFFFA0];
	v20 =	vmul.f32 v29, v30;
	v15 =	vunpack.i.l.bf16.f32 v8;
	[tilespmem:$0x1F400] =	vst v19  }
0x17e: {  	[tilespmem:$0x1F560] =	vst v15  }
0x17f: {  	v10 =	vld [tilespmem:s22+$0x90];
	[tilespmem:$0x1FB10] =	vst v20  }
0x180: {  	v34 =	vunpack.i.l.bf16.f32 v3;
	v3 =	vld [tilespmem:s18+$0x30];
	[tilespmem:$0x1F410] =	vst v12  }
0x181: {  	v22 =	vld [tilespmem:s18+$0xFFFFFF90];
	v44 =	vunpack.i.u.bf16.f32 v7;
	[tilespmem:$0x1F420] =	vst v16  }
0x182: {  	v31 =	vunpack.i.l.bf16.f32 v2;
	v2 =	vld [tilespmem:s22+$0x30];
	v13 =	vunpack.i.u.bf16.f32 v9;
	[tilespmem:$0x1F3F0] =	vst v44  }
0x183: {  	v48 =	vunpack.i.u.bf16.f32 v0;
	v60 =	vunpack.i.l.bf16.f32 v7;
	v7 =	vunpack.i.l.bf16.f32 v9;
	[tilespmem:$0x1F5B0] =	vst v13  }
0x184: {  	v4 =	vld [tilespmem:s22+$0xA0];
	v55 =	vunpack.i.u.bf16.f32 v1;
	v17 =	vunpack.i.u.bf16.f32 v10;
	[tilespmem:$0x1F570] =	vst v7;
	v9 =	vunpack.i.l.bf16.f32 v12  }
0x185: {  	v5 =	vld [tilespmem:s18+$0xA0];
	v50 =	vunpack.i.l.bf16.f32 v10;
	v42 =	vunpack.i.u.bf16.f32 v3;
	v8 =	vunpack.i.l.bf16.f32 v16;
	[tilespmem:$0x1F580] =	vst v9  }
0x186: {  	v63 =	vunpack.i.l.bf16.f32 v3;
	v3 =	vmul.f32 v34, v31;
	v10 =	vunpack.i.u.bf16.f32 v22;
	[tilespmem:$0x1F590] =	vst v8  }
0x187: {  	v0 =	vld [tilespmem:s22+$0xB0];
	v62 =	vunpack.i.l.bf16.f32 v2;
	v16 =	vmul.f32 v55, v48;
	[tilespmem:$0x1F530] =	vst v10  }
0x188: {  	v40 =	vunpack.i.u.bf16.f32 v6;
	v51 =	vmul.f32 v63, v62;
	[tilespmem:$0x1FB50] =	vst v3  }
0x189: {  	v44 =	vmul.f32 v44, v40;
	[tilespmem:$0x1FB40] =	vst v16  }
0x18a: {  	v11 =	vld [tilespmem:s18+$0x90];
	v43 =	vunpack.i.l.bf16.f32 v4;
	v45 =	vunpack.i.l.bf16.f32 v5;
	v13 =	vmul.f32 v13, v14;
	[tilespmem:$0x1FA10] =	vst v51  }
0x18b: {  	v49 =	vunpack.i.u.bf16.f32 v2;
	v2 =	vld [tilespmem:s22+$0xFFFFFF90];
	v14 =	vmul.f32 v45, v43;
	[tilespmem:$0x1FA00] =	vst v44  }
0x18c: {  	v58 =	vunpack.i.u.bf16.f32 v0;
	v53 =	vunpack.i.l.bf16.f32 v0;
	v0 =	vld [tilespmem:s22+$0xFFFFFF10];
	v7 =	vmul.f32 v7, v15;
	[tilespmem:$0x1F9F0] =	vst v13  }
0x18d: {  	v48 =	vmul.f32 v48, v48;
	[tilespmem:$0x1F950] =	vst v14  }
0x18e: {  	v3 =	vmul.f32 v42, v49;
	[tilespmem:$0x1F9B0] =	vst v7  }
0x18f: {  	v1 =	vld [tilespmem:s18+$0xB0];
	v59 =	vunpack.i.u.bf16.f32 v4;
	v54 =	vunpack.i.u.bf16.f32 v5;
	[tilespmem:$0x1F790] =	vst v48  }
0x190: {  	v47 =	vunpack.i.u.bf16.f32 v11;
	v52 =	vunpack.i.l.bf16.f32 v11;
	v11 =	vunpack.i.u.bf16.f32 v2;
	[tilespmem:$0x1FA30] =	vst v3  }
0x191: {  	v51 =	vmul.f32 v54, v59;
	v6 =	vunpack.i.u.bf16.f32 v0;
	[tilespmem:$0x1F4E0] =	vst v11  }
0x192: {  	v14 =	vmul.f32 v8, v9;
	[tilespmem:$0x1F540] =	vst v6  }
0x193: {  	v7 =	vmul.f32 v35, v35;
	[tilespmem:$0x1F9E0] =	vst v51  }
0x194: {  	v26 =	vunpack.i.u.bf16.f32 v1;
	v37 =	vunpack.i.l.bf16.f32 v1;
	v1 =	vld [tilespmem:s18+$0x10];
	v8 =	vmul.f32 v57, v57;
	[tilespmem:$0x1F9C0] =	vst v14  }
0x195: {  	v9 =	vmul.f32 v61, v61;
	[tilespmem:$0x1F850] =	vst v7  }
0x196: {  	v57 =	vmul.f32 v31, v31;
	[tilespmem:$0x1F8B0] =	vst v8  }
0x197: {  	v61 =	vmul.f32 v34, v34;
	[tilespmem:$0x1F750] =	vst v9  }
0x198: {  	[tilespmem:$0x1F810] =	vst v57  }
0x199: {  	v18 =	vunpack.i.u.bf16.f32 v1;
	[tilespmem:$0x1F870] =	vst v61  }
0x19a: {  	v23 =	vunpack.i.l.bf16.f32 v1;
	v51 =	vunpack.i.l.bf16.f32 v22;
	v22 =	vmul.f32 v60, v19;
	[tilespmem:$0x1F4D0] =	vst v18  }
0x19b: {  	v61 =	vmul.f32 v29, v29;
	[tilespmem:$0x1F470] =	vst v23  }
0x19c: {  	v16 =	vmov v33;
	v29 =	vmul.f32 v27, v27;
	[tilespmem:$0x1F990] =	vst v22  }
0x19d: {  	v12 =	vmul.f32 v16, v38;
	[tilespmem:$0x1F830] =	vst v61  }
0x19e: {  	v4 =	vld [tilespmem:s22+$0x80];
	v33 =	vmov v38;
	v38 =	vmul.f32 v27, v28;
	[tilespmem:$0x1F730] =	vst v29  }
0x19f: {  	v5 =	vld [tilespmem:s18+$0x80];
	v13 =	vmul.f32 v18, v21;
	[tilespmem:$0x1FAE0] =	vst v12  }
0x1a0: {  	v18 =	vmul.f32 v52, v50;
	[tilespmem:$0x1FAD0] =	vst v38  }
0x1a1: {  	v21 =	vmul.f32 v10, v11;
	[tilespmem:$0x1F4F0] =	vst v13  }
0x1a2: {  	v35 =	vld [tilespmem:$0x1FB90];
	v22 =	vmul.f32 v23, v32;
	[tilespmem:$0x1F490] =	vst v18  }
0x1a3: {  	v41 =	vunpack.i.u.bf16.f32 v4;
	v20 =	vunpack.i.l.bf16.f32 v4;
	v1 =	vld [tilespmem:s18+$0xFFFFFF10];
	v12 =	vmul.f32 v26, v58;
	[tilespmem:$0x1F520] =	vst v21  }
0x1a4: {  	v4 =	vld [tilespmem:s22+$0x0];
	v39 =	vunpack.i.u.bf16.f32 v5;
	v38 =	vunpack.i.l.bf16.f32 v5;
	v5 =	vmul.f32 v47, v17;
	[tilespmem:$0x1F480] =	vst v22  }
0x1a5: {  	v44 =	vunpack.i.l.bf16.f32 v2;
	v2 =	vld [tilespmem:s22+$0xFFFFFF80];
	v19 =	vmov v47;
	v47 =	vmul.f32 v39, v41;
	[tilespmem:$0x1FA50] =	vst v12  }
0x1a6: {  	v18 =	vmul.f32 v36, v36;
	[tilespmem:$0x1F500] =	vst v5  }
0x1a7: {  	[tilespmem:$0x1F440] =	vst v47  }
0x1a8: {  	v23 =	vmul.f32 v38, v20;
	v3 =	vunpack.i.u.bf16.f32 v1;
	[tilespmem:$0x1F7B0] =	vst v18  }
0x1a9: {  	v15 =	vunpack.i.u.bf16.f32 v4;
	v13 =	vunpack.i.l.bf16.f32 v4;
	v4 =	vmul.f32 v55, v55;
	[tilespmem:$0x1F550] =	vst v3  }
0x1aa: {  	v11 =	vunpack.i.u.bf16.f32 v2;
	v10 =	vunpack.i.l.bf16.f32 v2;
	v2 =	vmul.f32 v35, v35;
	[tilespmem:$0x1F430] =	vst v23  }
0x1ab: {  	v35 =	vmul.f32 v30, v30;
	[tilespmem:$0x1F7F0] =	vst v4  }
0x1ac: {  	v32 =	vld [tilespmem:s18+$0xFFFFFF80];
	v12 =	vmul.f32 v37, v53;
	[tilespmem:$0x1F910] =	vst v2  }
0x1ad: {  	v36 =	vld [tilespmem:$0x1FBA0];
	v18 =	vmul.f32 v16, v16;
	[tilespmem:$0x1F7D0] =	vst v35  }
0x1ae: {  	v22 =	vunpack.i.l.bf16.f32 v1;
	v1 =	vld [tilespmem:s18+$0xFFFFFF00];
	v16 =	vmul.f32 v28, v28;
	[tilespmem:$0x1FA20] =	vst v12  }
0x1af: {  	v47 =	vld [tilespmem:s22+$0x40];
	v5 =	vmul.f32 v3, v6;
	[tilespmem:$0x1F770] =	vst v18  }
0x1b0: {  	v23 =	vunpack.i.l.bf16.f32 v0;
	v0 =	vld [tilespmem:s22+$0xFFFFFF00];
	v6 =	vmul.f32 v51, v44;
	[tilespmem:$0x1F6D0] =	vst v16  }
0x1b1: {  	v2 =	vld [tilespmem:s18+$0x40];
	v8 =	vunpack.i.l.bf16.f32 v32;
	v21 =	vmul.f32 v22, v23;
	[tilespmem:$0x1F510] =	vst v5  }
0x1b2: {  	v3 =	vld [tilespmem:s22+$0xFFFFFFC0];
	v7 =	vunpack.i.u.bf16.f32 v32;
	[tilespmem:$0x1F4B0] =	vst v6;
	v32 =	vmul.f32 v8, v10  }
0x1b3: {  	v31 =	vld [tilespmem:$0x1FB60];
	v6 =	vmul.f32 v33, v33;
	[tilespmem:$0x1F4A0] =	vst v21  }
0x1b4: {  	v35 =	vld [tilespmem:$0x1FA90];
	[tilespmem:$0x1F450] =	vst v32;
	v32 =	vmul.f32 v7, v11  }
0x1b5: {  	v12 =	vld [tilespmem:s18+$0x0];
	v5 =	vunpack.i.l.bf16.f32 v1;
	[tilespmem:$0x1F710] =	vst v6;
	v34 =	vunpack.i.u.bf16.f32 v47;
	v9 =	vunpack.i.u.bf16.f32 v0  }
0x1b6: {  	v21 =	vld [tilespmem:$0x1F3C0];
	v4 =	vunpack.i.l.bf16.f32 v0;
	v0 =	vmul.f32 v36, v36;
	[tilespmem:$0x1F630] =	vst v34;
	v36 =	vunpack.i.u.bf16.f32 v2  }
0x1b7: {  	v33 =	vld [tilespmem:$0x1FB70];
	v6 =	vunpack.i.u.bf16.f32 v1;
	v11 =	vmul.f32 v11, v11;
	v34 =	vunpack.i.u.bf16.f32 v3;
	[tilespmem:$0x1F640] =	vst v36  }
0x1b8: {  	v61 =	vld [tilespmem:s22+$0xFFFFFF40];
	v2 =	vunpack.i.l.bf16.f32 v2;
	v57 =	vmul.f32 v5, v4;
	v18 =	vmul.f32 v6, v9;
	[tilespmem:$0x1F660] =	vst v34  }
0x1b9: {  	v29 =	vld [tilespmem:$0x1FAA0];
	v36 =	vmul.f32 v35, v35;
	v34 =	vmul.f32 v25, v25;
	[tilespmem:$0x1F5E0] =	vst v2  }
0x1ba: {  	v16 =	vld [tilespmem:$0x1FAC0];
	v14 =	vunpack.i.u.bf16.f32 v12;
	v2 =	vmul.f32 v19, v19;
	v4 =	vmul.f32 v4, v4;
	[tilespmem:$0x1F970] =	vst v0  }
0x1bb: {  	v9 =	vmul.f32 v9, v9;
	v5 =	vmul.f32 v5, v5;
	v0 =	vunpack.i.l.bf16.f32 v21;
	v21 =	vld [tilespmem:$0x1F3D0];
	[tilespmem:$0x1F650] =	vst v36  }
0x1bc: {  	v28 =	vld [tilespmem:$0x1FB20];
	v12 =	vunpack.i.l.bf16.f32 v12;
	v6 =	vmul.f32 v6, v6;
	v1 =	vmul.f32 v33, v33;
	[tilespmem:$0x1F670] =	vst v34  }
0x1bd: {  	v30 =	vld [tilespmem:$0x1F3E0];
	v55 =	vmul.f32 v12, v13;
	[tilespmem:$0x1F7E0] =	vst v0;
	v0 =	vmul.f32 v31, v31  }
0x1be: {  	v48 =	vmul.f32 v14, v15;
	v12 =	vmul.f32 v12, v12;
	v18 =	vadd.f32 v57, v18;
	v57 =	vld [tilespmem:$0x1F470];
	[tilespmem:$0x1F930] =	vst v1  }
0x1bf: {  	v14 =	vmul.f32 v14, v14;
	v36 =	vmul.f32 v46, v46;
	v46 =	vunpack.i.u.bf16.f32 v61;
	[tilespmem:$0x1F8D0] =	vst v0;
	v0 =	vld [tilespmem:s18+$0xFFFFFFC0]  }
0x1c0: {  	v34 =	vmul.f32 v49, v49;
	v31 =	vld [tilespmem:$0x1FB30];
	[tilespmem:$0x1F6A0] =	vst v46;
	v1 =	vunpack.i.l.bf16.f32 v21;
	v21 =	vmul.f32 v16, v16  }
0x1c1: {  	v25 =	vld [tilespmem:s18+$0xFFFFFFB0];
	v49 =	vmul.f32 v42, v42;
	v42 =	vunpack.i.l.bf16.f32 v3;
	[tilespmem:$0x1F840] =	vst v1;
	v1 =	vmul.f32 v28, v28  }
0x1c2: {  	v33 =	vld [tilespmem:$0x1FAB0];
	v5 =	vadd.f32 v5, v6;
	v46 =	vmul.f32 v62, v62;
	v28 =	vmul.f32 v24, v24;
	[tilespmem:$0x1F6F0] =	vst v21  }
0x1c3: {  	v3 =	vld [tilespmem:s22+$0xFFFFFF30];
	v48 =	vadd.f32 v55, v48;
	v6 =	vmul.f32 v57, v57;
	v24 =	vmul.f32 v59, v59;
	[tilespmem:$0x1F890] =	vst v1  }
0x1c4: {  	v16 =	vld [tilespmem:s22+$0xFFFFFFB0];
	v21 =	vmul.f32 v60, v60;
	v1 =	vunpack.i.l.bf16.f32 v30;
	v27 =	vunpack.i.u.bf16.f32 v0;
	[tilespmem:$0x1F620] =	vst v28  }
0x1c5: {  	v55 =	vld [tilespmem:$0x1F430];
	v30 =	vmul.f32 v29, v29;
	[tilespmem:$0x1F8A0] =	vst v1;
	v1 =	vmul.f32 v31, v31;
	v31 =	vunpack.i.l.bf16.f32 v47  }
0x1c6: {  	v57 =	vld [tilespmem:$0x1F4E0];
	v28 =	vmul.f32 v52, v52;
	[tilespmem:$0x1F680] =	vst v27;
	v35 =	vmul.f32 v31, v31  }
0x1c7: {  	v60 =	vld [tilespmem:$0x1F440];
	v47 =	vmul.f32 v58, v58;
	[tilespmem:$0x1F8F0] =	vst v1;
	v1 =	vmul.f32 v33, v33  }
0x1c8: {  	v12 =	vadd.f32 v12, v14;
	v27 =	vmul.f32 v50, v50;
	[tilespmem:$0x1F610] =	vst v35;
	v35 =	vmul.f32 v40, v40;
	v40 =	vld [tilespmem:$0x1F3F0]  }
0x1c9: {  	v29 =	vunpack.i.u.bf16.f32 v16;
	v59 =	vunpack.i.l.bf16.f32 v16;
	v16 =	vmul.f32 v38, v38;
	[tilespmem:$0x1F690] =	vst v1;
	v1 =	vld [tilespmem:s18+$0xFFFFFF40]  }
0x1ca: {  	v12 =	vadd.f32 v6, v12;
	v6 =	vld [tilespmem:$0x1F4F0];
	v33 =	vmul.f32 v56, v56;
	v56 =	vmul.f32 v26, v26  }
0x1cb: {  	v4 =	vadd.f32 v4, v9;
	v52 =	vld [tilespmem:$0x1F410];
	[tilespmem:$0x1F5C0] =	vst v47;
	v47 =	vmul.f32 v37, v37;
	v37 =	vmul.f32 v17, v17  }
0x1cc: {  	[tilespmem:$0x1FA40] =	vst v31;
	v31 =	vunpack.i.l.bf16.f32 v0;
	v0 =	vld [tilespmem:s18+$0xFFFFFF30];
	v17 =	vmul.f32 v20, v20;
	v20 =	vmul.f32 v41, v41  }
0x1cd: {  	[tilespmem:$0x1F6B0] =	vst v30;
	v26 =	vunpack.i.l.bf16.f32 v3;
	v30 =	vmul.f32 v40, v40;
	v40 =	vmul.f32 v45, v45;
	v45 =	vld [tilespmem:$0x1F400]  }
0x1ce: {  	v38 =	vld [tilespmem:$0x1F4A0];
	v50 =	vadd.f32 v55, v60;
	v58 =	vunpack.i.u.bf16.f32 v1;
	v62 =	vunpack.i.l.bf16.f32 v1  }
0x1cf: {  	v1 =	vmul.f32 v39, v39;
	[tilespmem:$0x1F6E0] =	vst v58;
	v58 =	vunpack.i.l.bf16.f32 v61;
	v61 =	vmul.f32 v54, v54;
	v54 =	vld [tilespmem:$0x1F420]  }
0x1d0: {  	v60 =	vmul.f32 v44, v44;
	v44 =	vmul.f32 v23, v23;
	v17 =	vadd.f32 v17, v20;
	v20 =	vld [tilespmem:$0x1F490]  }
0x1d1: {  	v41 =	vmul.f32 v51, v51;
	[tilespmem:$0x1F5D0] =	vst v56;
	v56 =	vmul.f32 v53, v53;
	v1 =	vadd.f32 v16, v1;
	v16 =	vld [tilespmem:$0x1F480]  }
0x1d2: {  	[tilespmem:$0x1F5F0] =	vst v33;
	v51 =	vadd.f32 v44, v4;
	v44 =	vld [tilespmem:$0x1F560];
	v53 =	vunpack.i.u.bf16.f32 v0;
	v33 =	vmul.f32 v45, v45  }
0x1d3: {  	v45 =	vunpack.i.u.bf16.f32 v3;
	v3 =	vmul.f32 v13, v13;
	v13 =	vunpack.i.u.bf16.f32 v52;
	v52 =	vld [tilespmem:$0x1F450]  }
0x1d4: {  	v19 =	vunpack.i.l.bf16.f32 v0;
	v0 =	vmul.f32 v10, v10;
	v10 =	vunpack.i.u.bf16.f32 v54;
	v54 =	vld [tilespmem:$0x1F460]  }
0x1d5: {  	v39 =	vld [tilespmem:$0x1F4B0]  }
0x1d6: {  	v8 =	vmul.f32 v8, v8;
	v0 =	vadd.f32 v0, v11;
	v11 =	vadd.f32 v16, v48;
	v48 =	vld [tilespmem:$0x1F4C0]  }
0x1d7: {  	v7 =	vmul.f32 v7, v7;
	v15 =	vmul.f32 v15, v15;
	v17 =	vadd.f32 v27, v17;
	v27 =	vld [tilespmem:$0x1F520]  }
0x1d8: {  	v1 =	vadd.f32 v28, v1;
	v28 =	vld [tilespmem:$0x1F530];
	v32 =	vadd.f32 v52, v32  }
0x1d9: {  	v7 =	vadd.f32 v8, v7;
	v3 =	vadd.f32 v3, v15;
	v8 =	vmul.f32 v54, v54;
	v54 =	vld [tilespmem:$0x1F4D0]  }
0x1da: {  	v16 =	vadd.f32 v39, v32;
	v39 =	vld [tilespmem:$0x1F550]  }
0x1db: {  	v14 =	vadd.f32 v20, v50;
	v32 =	vld [tilespmem:$0x1F540];
	v50 =	vmul.f32 v48, v48;
	v8 =	vadd.f32 v8, v3  }
0x1dc: {  	v3 =	vadd.f32 v11, v6;
	v11 =	vld [tilespmem:$0x1F500]  }
0x1dd: {  	v8 =	vadd.f32 v8, v50;
	v50 =	vld [tilespmem:$0x1F570]  }
0x1de: {  	v22 =	vmul.f32 v22, v22;
	v55 =	vmul.f32 v54, v54;
	v54 =	vld [tilespmem:$0x1F5A0]  }
0x1df: {  	v7 =	vadd.f32 v41, v7;
	v1 =	vadd.f32 v1, v2;
	v2 =	vmul.f32 v39, v39;
	v39 =	vld [tilespmem:$0x1F5D0]  }
0x1e0: {  	v52 =	vadd.f32 v22, v5;
	v8 =	vadd.f32 v33, v8;
	v33 =	vld [tilespmem:$0x1F6C0]  }
0x1e1: {  	v1 =	vadd.f32 v40, v1;
	v6 =	vadd.f32 v14, v11;
	v14 =	vld [tilespmem:$0x1F510]  }
0x1e2: {  	v0 =	vadd.f32 v60, v0;
	v2 =	vadd.f32 v52, v2;
	v52 =	vld [tilespmem:$0x1F590]  }
0x1e3: {  	v1 =	vadd.f32 v1, v61;
	v11 =	vmul.f32 v28, v28;
	v41 =	vadd.f32 v12, v55;
	v55 =	vld [tilespmem:$0x1F5B0]  }
0x1e4: {  	v43 =	vmul.f32 v43, v43;
	v15 =	vadd.f32 v38, v18;
	v28 =	vld [tilespmem:$0x1F820];
	v8 =	vadd.f32 v8, v35  }
0x1e5: {  	[tilespmem:$0x1F600] =	vst v36;
	v1 =	vadd.f32 v47, v1;
	v7 =	vadd.f32 v7, v11;
	v11 =	vmul.f32 v44, v44;
	v44 =	vld [tilespmem:$0x1F5F0]  }
0x1e6: {  	v60 =	vmul.f32 v57, v57;
	v9 =	vadd.f32 v21, v41;
	v8 =	vadd.f32 v46, v8;
	v46 =	vld [tilespmem:$0x1F600]  }
0x1e7: {  	v36 =	vunpack.i.u.bf16.f32 v25;
	v38 =	vadd.f32 v17, v37;
	v1 =	vadd.f32 v1, v39;
	v39 =	vld [tilespmem:$0x1F730]  }
0x1e8: {  	v23 =	vmul.f32 v29, v29;
	v0 =	vadd.f32 v0, v60;
	v9 =	vadd.f32 v9, v30;
	v30 =	vld [tilespmem:$0x1F700]  }
0x1e9: {  	v37 =	vmul.f32 v45, v45;
	v4 =	vadd.f32 v15, v14;
	v15 =	vadd.f32 v43, v38;
	v38 =	vld [tilespmem:$0x1F5C0]  }
0x1ea: {  	v0 =	vadd.f32 v11, v0;
	v11 =	vmul.f32 v54, v54;
	v17 =	vmul.f32 v52, v52;
	v52 =	vld [tilespmem:$0x1F620]  }
0x1eb: {  	v60 =	vmul.f32 v10, v10;
	v14 =	vmul.f32 v32, v32;
	v8 =	vadd.f32 v8, v34;
	v34 =	vld [tilespmem:$0x1F6F0]  }
0x1ec: {  	v61 =	vmul.f32 v59, v59;
	v5 =	vadd.f32 v16, v27;
	v32 =	vld [tilespmem:$0x1F780];
	v0 =	vadd.f32 v0, v11  }
0x1ed: {  	v43 =	vmul.f32 v31, v31;
	v48 =	vadd.f32 v51, v14;
	v51 =	vld [tilespmem:$0x1F580];
	v2 =	vadd.f32 v17, v2  }
0x1ee: {  	v14 =	vmul.f32 v50, v50;
	v15 =	vadd.f32 v15, v24;
	v50 =	vmovc v31;
	v31 =	vld [tilespmem:$0x1F760];
	v0 =	vadd.f32 v61, v0  }
0x1ef: {  	v22 =	vmul.f32 v19, v19;
	v1 =	vadd.f32 v46, v1;
	v46 =	vld [tilespmem:$0x1F660];
	v2 =	vadd.f32 v2, v60  }
0x1f0: {  	v54 =	vmovc v42;
	v42 =	vmul.f32 v42, v42;
	v61 =	vld [tilespmem:$0x1F670];
	v7 =	vadd.f32 v14, v7;
	v15 =	vadd.f32 v56, v15  }
0x1f1: {  	v14 =	vmul.f32 v55, v55;
	v0 =	vadd.f32 v0, v23;
	v2 =	vadd.f32 v22, v2;
	v22 =	vld [tilespmem:$0x1F6B0]  }
0x1f2: {  	v25 =	vunpack.i.l.bf16.f32 v25;
	v15 =	vadd.f32 v15, v38;
	v16 =	vmul.f32 v51, v51;
	v51 =	vmovc v29;
	v29 =	vmovc v45;
	v45 =	vld [tilespmem:$0x1F5E0]  }
0x1f3: {  	v20 =	vmul.f32 v25, v25;
	v7 =	vadd.f32 v7, v14;
	v0 =	vadd.f32 v42, v0;
	v42 =	vld [tilespmem:$0x1F630]  }
0x1f4: {  	v40 =	vmul.f32 v53, v53;
	v15 =	vadd.f32 v44, v15;
	v44 =	vld [tilespmem:$0x1F640]  }
0x1f5: {  	v63 =	vmul.f32 v63, v63;
	v7 =	vadd.f32 v20, v7;
	v20 =	vld [tilespmem:$0x1F690]  }
0x1f6: {  	v2 =	vadd.f32 v2, v40;
	v40 =	vld [tilespmem:$0x1F740]  }
0x1f7: {  	v9 =	vadd.f32 v63, v9;
	v24 =	vmul.f32 v36, v36;
	v12 =	vadd.f32 v16, v48;
	v48 =	vld [tilespmem:$0x1F610]  }
0x1f8: {  	v57 =	vmul.f32 v13, v13;
	v16 =	vld [tilespmem:$0x1F8F0]  }
0x1f9: {  	v9 =	vadd.f32 v9, v49;
	v60 =	vmul.f32 v46, v46;
	v7 =	vadd.f32 v7, v24;
	v24 =	vld [tilespmem:$0x1F6D0]  }
0x1fa: {  	v1 =	vadd.f32 v1, v61;
	v14 =	vadd.f32 v15, v52;
	v52 =	vld [tilespmem:$0x1F770];
	v41 =	vmul.f32 v45, v45  }
0x1fb: {  	v21 =	vmul.f32 v26, v26;
	v0 =	vadd.f32 v0, v60;
	v60 =	vld [tilespmem:$0x1F7B0];
	v12 =	vadd.f32 v12, v57  }
0x1fc: {  	v9 =	vadd.f32 v41, v9;
	v41 =	vld [tilespmem:$0x1F6A0]  }
0x1fd: {  	v57 =	vld [tilespmem:$0x1F650];
	v1 =	vadd.f32 v22, v1;
	v12 =	vadd.f32 v21, v12  }
0x1fe: {  	v7 =	vadd.f32 v43, v7;
	v43 =	vld [tilespmem:$0x1F6E0]  }
0x1ff: {  	v47 =	vmul.f32 v58, v58;
	v1 =	vadd.f32 v1, v34;
	v34 =	vld [tilespmem:$0x1F720];
	v12 =	vadd.f32 v12, v37  }
0x200: {  	v49 =	vmul.f32 v62, v62;
	v15 =	vmul.f32 v40, v40;
	v40 =	vld [tilespmem:$0x1F850]  }
0x201: {  	v8 =	vadd.f32 v48, v8;
	v48 =	vld [tilespmem:$0x1F750];
	v12 =	vadd.f32 v47, v12;
	v21 =	vmul.f32 v41, v41  }
0x202: {  	v56 =	vmul.f32 v44, v44;
	v37 =	vld [tilespmem:$0x1F710];
	v1 =	vadd.f32 v39, v1  }
0x203: {  	v2 =	vadd.f32 v49, v2;
	v12 =	vadd.f32 v12, v21;
	v21 =	vld [tilespmem:$0x1F7F0]  }
0x204: {  	v9 =	vadd.f32 v9, v56;
	v56 =	vld [tilespmem:$0x1F790];
	v27 =	vmul.f32 v43, v43;
	v1 =	vadd.f32 v1, v52  }
0x205: {  	v55 =	vmul.f32 v42, v42;
	v14 =	vadd.f32 v57, v14;
	v47 =	vld [tilespmem:$0x1F680]  }
0x206: {  	v2 =	vadd.f32 v2, v27;
	v1 =	vadd.f32 v60, v1;
	v27 =	vld [tilespmem:$0x1F7C0]  }
0x207: {  	v23 =	vmul.f32 v33, v33;
	v8 =	vadd.f32 v8, v55;
	v57 =	vld [tilespmem:$0x1F7A0];
	v11 =	vadd.f32 v14, v20  }
0x208: {  	v55 =	vmul.f32 v32, v32;
	v1 =	vadd.f32 v1, v21;
	v21 =	vld [tilespmem:$0x1F800]  }
0x209: {  	v8 =	vadd.f32 v23, v8;
	v23 =	vld [tilespmem:$0x1F810];
	v11 =	vadd.f32 v24, v11  }
0x20a: {  	v0 =	vadd.f32 v55, v0;
	v55 =	vld [tilespmem:$0x1F890]  }
0x20b: {  	v63 =	vmul.f32 v47, v47;
	v11 =	vadd.f32 v11, v37;
	v37 =	vld [tilespmem:$0x1F7E0];
	v61 =	vmul.f32 v27, v27  }
0x20c: {  	v35 =	vmov v36;
	v36 =	vmul.f32 v30, v30;
	v38 =	vmul.f32 v34, v34;
	v20 =	vld [tilespmem:$0x1F920]  }
0x20d: {  	v7 =	vadd.f32 v7, v63;
	v63 =	vld [tilespmem:$0x1F7D0];
	v0 =	vadd.f32 v0, v61;
	v22 =	vmul.f32 v21, v21  }
0x20e: {  	v8 =	vadd.f32 v8, v36;
	v9 =	vadd.f32 v38, v9;
	v38 =	vld [tilespmem:$0x1F830]  }
0x20f: {  	v49 =	vmul.f32 v31, v31;
	v0 =	vadd.f32 v22, v0;
	v22 =	vld [tilespmem:$0x1F860]  }
0x210: {  	v36 =	vld [tilespmem:$0x1F840];
	v8 =	vadd.f32 v15, v8;
	v18 =	vmul.f32 v37, v37  }
0x211: {  	v14 =	vmul.f32 v57, v57;
	v57 =	vld [tilespmem:$0x1F8B0];
	v9 =	vadd.f32 v9, v49;
	v11 =	vadd.f32 v48, v11  }
0x212: {  	v24 =	vmul.f32 v28, v28;
	v49 =	vld [tilespmem:$0x1F870];
	v8 =	vadd.f32 v8, v63;
	v7 =	vadd.f32 v18, v7  }
0x213: {  	v9 =	vadd.f32 v14, v9;
	v11 =	vadd.f32 v11, v56;
	v61 =	vld [tilespmem:$0x1F8D0]  }
0x214: {  	v8 =	vadd.f32 v23, v8;
	v7 =	vadd.f32 v7, v24;
	v23 =	vld [tilespmem:$0x1F880];
	v48 =	vmul.f32 v22, v22  }
0x215: {  	v9 =	vadd.f32 v9, v38;
	v38 =	vld [tilespmem:$0x1F910]  }
0x216: {  	(xrf2) =	vadd.scan.msk.f32 $0xffff, v11;
	v18 =	vld [tilespmem:$0x1F8C0];
	v7 =	vadd.f32 v48, v7  }
0x217: {  	v39 =	vmul.f32 v36, v36;
	(xrf2) =	vadd.scan.msk.f32 $0xffff, v1;
	v48 =	vld [tilespmem:$0x1F930]  }
0x218: {  	v9 =	vadd.f32 v49, v9;
	v7 =	vadd.f32 v7, v16;
	v16 =	vld [tilespmem:$0x1F900]  }
0x219: {  	v1 =	vadd.f32 v39, v12;
	v39 =	vld [tilespmem:$0x1F8A0];
	v52 =	vmul.f32 v23, v23  }
0x21a: {  	v9 =	vadd.f32 v9, v57;
	v57 =	vld [tilespmem:$0x1F970];
	v0 =	vadd.f32 v0, v55  }
0x21b: {  	v24 =	vld [tilespmem:$0x1F8E0];
	v60 =	vmul.f32 v18, v18;
	v1 =	vadd.f32 v1, v52  }
0x21c: {  	v15 =	vld [tilespmem:$0x1F9A0];
	v8 =	vadd.f32 v8, v40;
	v0 =	vadd.f32 v61, v0  }
0x21d: {  	v14 =	vld [tilespmem:$0x1F940];
	v1 =	vadd.f32 v60, v1;
	v7 =	vadd.f32 v48, v7;
	v17 =	vmul.f32 v16, v16  }
0x21e: {  	v56 =	vmul.f32 v39, v39;
	(xrf2) =	vadd.scan.msk.f32 $0xffff, v8;
	v52 =	vld [tilespmem:$0x1F950];
	v0 =	vadd.f32 v0, v38  }
0x21f: {  	v59 =	vmul.f32 v25, v59;
	(xrf2) =	vadd.scan.msk.f32 $0xffff, v9;
	v7 =	vadd.f32 v7, v57;
	v1 =	vadd.f32 v1, v17;
	v17 =	vld [tilespmem:$0x1F960]  }
0x220: {  	v25 =	vmul.f32 v35, v51;
	v35 =	vld [tilespmem:$0x1FA20];
	v2 =	vadd.f32 v56, v2;
	v63 =	vmul.f32 v24, v24;
	v11, _, _ =	vpop (xrf2);
	(xrf2) =	vadd.scan.msk.f32 $0xffff, v0  }
0x221: {  	v12 =	vld [tilespmem:$0x1F980];
	v8, _, _ =	vpop (xrf2);
	(xrf2) =	vadd.scan.msk.f32 $0xffff, v7  }
0x222: {  	v49 =	vmul.f32 v14, v14;
	v40 =	vmul.f32 v20, v20;
	v2 =	vadd.f32 v2, v63;
	v48 =	vld [tilespmem:$0x1F9B0]  }
0x223: {  	v63 =	vmul.f32 v15, v15;
	v6 =	vadd.f32 v52, v6;
	v52 =	vmul.f32 v10, v13;
	v13 =	vld [tilespmem:$0x1F9D0]  }
0x224: {  	(v2sf) =	vpush v11, $0xF;
	v55 =	vadd.f32 v40, v2;
	v57 =	vld [tilespmem:$0x1F9F0];
	v56 =	vmul.f32 v17, v17  }
0x225: {  	v61 =	vld [tilespmem:$0x1F990];
	v38 =	vmul.f32 v53, v29;
	v53 =	vmul.f32 v50, v54;
	(v2sf) =	vpush v8, $0xF  }
0x226: {  	v54 =	vld [tilespmem:$0x1FA60];
	v60 =	vmul.f32 v12, v12;
	v1 =	vadd.f32 v49, v1;
	v0 =	vadd.f32 v55, v56  }
0x227: {  	v11 =	vld [tilespmem:$0x1FAC0];
	v5 =	vadd.f32 v48, v5  }
0x228: {  	v50 =	vld [tilespmem:$0x1FB50];
	v9, _, _ =	vpop (xrf2);
	v1 =	vadd.f32 v1, v60;
	v55 =	vmul.f32 v13, v13;
	v0 =	vadd.f32 v63, v0  }
0x229: {  	v2, _, _ =	vpop (xrf2);
	(v2sf) =	vpush v9, $0xF;
	v49 =	vld [tilespmem:$0x1F9C0];
	v5 =	vadd.f32 v5, v57  }
0x22a: {  	(v2sf) =	vpush v2, $0xF;
	v51, _, _ =	vpop (xrf2);
	v60 =	vld [tilespmem:$0x1FA00];
	(xrf2) =	vadd.scan.msk.f32 $0xffff, v1;
	v0 =	vadd.f32 v0, v55  }
0x22b: {  	(v2sf) =	vpush v51, $0xF;
	v5 =	vadd.f32 v59, v5;
	v56 =	vld [tilespmem:$0x1F9E0];
	v59, _, _ =	vpop (xrf2)  }
0x22c: {  	v40 =	vld [tilespmem:$0x1FA30];
	(v2sf) =	vpush v59, $0xF;
	(xrf2) =	vadd.scan.msk.f32 $0xffff, v0  }
0x22d: {  	v63 =	vmul.f32 v19, v26;
	v26 =	vld [tilespmem:$0x1FA10]  }
0x22e: {  	s0 =	sadd.f32 s0, s30;
	v3 =	vadd.f32 v61, v3;
	v48 =	vld [tilespmem:$0x1FA40]  }
0x22f: {  	s15 =	simm.s32 @!p0 $0x0;
	v4 =	vadd.f32 v49, v4;
	v49 =	vld [tilespmem:$0x1FA50]  }
0x230: {  	s14 =	simm.s32 @!p0 $0x0;
	s0 =	sadd.f32 s15, s0;
	v3 =	vadd.f32 v3, v60;
	v55 =	vld [tilespmem:$0x1FA70];
	v6 =	vadd.f32 v6, v56  }
0x231: {  	s13 =	simm.s32 @!p0 $0x0;
	s2 =	sadd.f32 s14, s25;
	v61 =	vadd.f32 v4, v52;
	v56 =	vld [tilespmem:$0x1FA80]  }
0x232: {  	s12 =	simm.s32 @!p0 $0x0;
	s0 =	sadd.f32 s13, s0;
	v60 =	vld [tilespmem:$0x1FA90];
	v3 =	vadd.f32 v26, v3;
	v6 =	vadd.f32 v35, v6  }
0x233: {  	s11 =	simm.s32 @!p0 $0x0;
	s2 =	sadd.f32 s12, s2;
	v29 =	vmul.f32 v31, v30;
	v1 =	vadd.f32 v63, v61;
	v61 =	vld [tilespmem:$0x1FAA0]  }
0x234: {  	s10 =	simm.s32 @!p0 $0x0;
	s30 =	sadd.f32 s11, s0;
	v9 =	vld [tilespmem:$0x1FAB0];
	s0 =	spop (v2sf);
	v0 =	vadd.f32 v3, v40;
	v3 =	vmul.f32 v45, v48;
	v6 =	vadd.f32 v6, v49;
	v19, _, _ =	vpop (xrf2)  }
0x235: {  	s2 =	sadd.f32 s10, s2;
	v51 =	vld [tilespmem:$0x1FB60];
	s4 =	spop (v2sf);
	v52 =	vadd.f32 v5, v25;
	v63 =	vmul.f32 v47, v46;
	(v2sf) =	vpush v19, $0xF  }
0x236: {  	s5 =	smax.f32 s0, $1.000000020e-16;
	s28 =	smax.f32 s4, $1.000000020e-16;
	v46 =	vld [tilespmem:$0x1FB20];
	v0 =	vadd.f32 v3, v0;
	v3 =	vadd.f32 v54, v6;
	v6 =	vmul.f32 v56, v55;
	v31, _, _ =	vpop (xrf2)  }
0x237: {  	s23 =	simm.s32 @!p0 $0x0;
	v30 =	vmul.f32 v62, v58;
	v57 =	vmul.f32 v44, v42;
	s19 =	smul.f32 s28, s5;
	v47 =	vld [tilespmem:$0x1FB30];
	(v2sf) =	vpush v31, $0xF  }
0x238: {  	s25 =	sadd.f32 s23, s2;
	v4 =	vadd.f32 v53, v52;
	v52 =	vld [tilespmem:$0x1FB70];
	s2 =	spop (v2sf);
	v3 =	vadd.f32 v3, v6;
	v6 =	vmul.f32 v61, v60  }
0x239: {  	s14 =	smul.f32 $5.000000000e-01, s19;
	s19 =	sshra.s32 s19, $0x1;
	v1 =	vadd.f32 v1, v38;
	s11 =	spop (v2sf);
	v26 =	vmul.f32 v34, v33;
	v34 =	vld [tilespmem:$0x1FAD0];
	v0 =	vadd.f32 v0, v57  }
0x23a: {  	v5 =	vmul.f32 v11, v9;
	s19 =	ssub.s32 $0x5F3759DF, s19;
	v35 =	vmul.f32 v43, v41;
	v41 =	vld [tilespmem:$0x1FAF0];
	s3 =	spop (v2sf);
	v3 =	vadd.f32 v6, v3  }
0x23b: {  	s26 =	smul.f32 s19, s14;
	v38 =	vld [tilespmem:$0x1FAE0];
	v1 =	vadd.f32 v30, v1;
	v0 =	vadd.f32 v26, v0;
	s10 =	spop (v2sf)  }
0x23c: {  	v25 =	vadd.f32 v4, v63;
	v33 =	vmul.f32 v37, v32;
	v45 =	vld [tilespmem:$0x1FB10];
	s29 =	smax.f32 s3, $1.000000020e-16;
	v3 =	vadd.f32 v3, v5;
	s17 =	smax.f32 s10, $1.000000020e-16  }
0x23d: {  	v43 =	vld [tilespmem:$0x1FB00];
	v40 =	vmul.f32 v39, v36;
	v1 =	vadd.f32 v1, v35;
	v0 =	vadd.f32 v0, v29;
	s17 =	smul.f32 s17, s29  }
0x23e: {  	s6 =	smax.f32 s2, $1.000000020e-16;
	v37 =	vmul.f32 v28, v27;
	s26 =	smul.f32 s19, s26;
	v2 =	vadd.f32 v33, v25;
	v48 =	vld [tilespmem:$0x1FB40];
	v3 =	vadd.f32 v34, v3  }
0x23f: {  	v44 =	vmul.f32 v24, v23;
	s31 =	smax.f32 s11, $1.000000020e-16;
	v54 =	vld [tilespmem:$0x1FB80];
	v1 =	vadd.f32 v40, v1;
	v0 =	vadd.f32 v41, v0;
	s5 =	smul.f32 $5.000000000e-01, s17;
	s17 =	sshra.s32 s17, $0x1  }
0x240: {  	v42 =	vmul.f32 v22, v21;
	s15 =	smul.f32 s31, s6;
	s26 =	ssub.f32 $1.500000000e+00, s26;
	v2 =	vadd.f32 v2, v37;
	v55 =	vld [tilespmem:$0x1FB90];
	v3 =	vadd.f32 v3, v38;
	s17 =	ssub.s32 $0x5F3759DF, s17  }
0x241: {  	v49 =	vmul.f32 v20, v18;
	v56 =	vld [tilespmem:$0x1FBA0];
	v1 =	vadd.f32 v1, v44;
	v0 =	vadd.f32 v0, v45;
	s28 =	smul.f32 s17, s5  }
0x242: {  	s26 =	smul.f32 s19, s26;
	v2 =	vadd.f32 v42, v2;
	v5 =	vmul.f32 v47, v46;
	v3 =	vadd.f32 v43, v3  }
0x243: {  	v53 =	vmul.f32 v17, v16;
	v1 =	vadd.f32 v49, v1;
	v0 =	vadd.f32 v50, v0;
	s28 =	smul.f32 s17, s28  }
0x244: {  	s21 =	smul.f32 s26, s14;
	v2 =	vadd.f32 v2, v5;
	v5 =	vmul.f32 v52, v51;
	v3 =	vadd.f32 v3, v48  }
0x245: {  	v57 =	vmul.f32 v15, v14;
	v0 =	vadd.f32 v0, v54;
	s8 =	spop (v2sf);
	s28 =	ssub.f32 $1.500000000e+00, s28  }
0x246: {  	v4 =	vmul.f32 v56, v55;
	v1 =	vadd.f32 v1, v53;
	v2 =	vadd.f32 v5, v2;
	s1 =	smax.f32 s8, $1.000000020e-16;
	(xrf2) =	vadd.scan.msk.f32 $0xffff, v3;
	s12 =	spop (v2sf)  }
0x247: {  	(xrf2) =	vadd.scan.msk.f32 $0xffff, v0;
	s28 =	smul.f32 s17, s28;
	s13 =	smax.f32 s12, $1.000000020e-16  }
0x248: {  	v59 =	vmul.f32 v13, v12;
	v1 =	vadd.f32 v57, v1;
	v58 =	vadd.f32 v2, v4;
	s16 =	smul.f32 s13, s1  }
0x249: {  	s13 =	smul.f32 $5.000000000e-01, s15  }
0x24a: {  	v1 =	vadd.f32 v1, v59;
	(xrf2) =	vadd.scan.msk.f32 $0xffff, v58;
	s15 =	sshra.s32 s15, $0x1;
	s1 =	smul.f32 s28, s5  }
0x24b: {  	s15 =	ssub.s32 $0x5F3759DF, s15;
	s6 =	smul.f32 $5.000000000e-01, s16  }
0x24c: {  	(xrf2) =	vadd.scan.msk.f32 $0xffff, v1;
	s23 =	sshra.s32 s16, $0x1;
	s31 =	smul.f32 s15, s13  }
0x24d: {  	s1 =	smul.f32 s1, s28;
	s23 =	ssub.s32 $0x5F3759DF, s23  }
0x24e: {  	s29 =	smul.f32 s23, s6  }
0x24f: {  	s31 =	smul.f32 s15, s31  }
0x250: {  	s21 =	smul.f32 s21, s26;
	v60, _, _ =	vpop (xrf2);
	s1 =	ssub.f32 $1.500000000e+00, s1  }
0x251: {  	v61, _, _ =	vpop (xrf2);
	(v2sf) =	vpush v60, $0xF;
	s29 =	smul.f32 s23, s29;
	s31 =	ssub.f32 $1.500000000e+00, s31  }
0x252: {  	(v2sf) =	vpush v61, $0xF;
	s1 =	smul.f32 s1, s28  }
0x253: {  	s20 =	ssub.f32 $1.500000000e+00, s29;
	s29 =	smul.f32 s15, s31  }
0x254: {  	v62, _, _ =	vpop (xrf2);
	s5 =	smul.f32 s1, s5  }
0x255: {  	(v2sf) =	vpush v62, $0xF;
	s23 =	smul.f32 s23, s20  }
0x256: {  	v63, _, _ =	vpop (xrf2);
	s31 =	smul.f32 s29, s13  }
0x257: {  	(v2sf) =	vpush v63, $0xF;
	s5 =	smul.f32 s5, s1  }
0x258: {  	s21 =	ssub.f32 $1.500000000e+00, s21;
	s20 =	smul.f32 s23, s6  }
0x259: {  	s0 =	sadd.f32 s4, s0;
	s31 =	smul.f32 s31, s29  }
0x25a: {  	s21 =	smul.f32 s21, s26;
	s5 =	ssub.f32 $1.500000000e+00, s5  }
0x25b: {  	s20 =	smul.f32 s20, s23;
	s31 =	ssub.f32 $1.500000000e+00, s31  }
0x25c: {  	s2 =	sadd.f32 s11, s2;
	s1 =	smul.f32 s5, s1  }
0x25d: {  	s20 =	ssub.f32 $1.500000000e+00, s20;
	s26 =	smul.f32 s31, s29  }
0x25e: {  	s3 =	sadd.f32 s10, s3;
	s31 =	smul.f32 s21, s14  }
0x25f: {  	s8 =	sadd.f32 s12, s8;
	s4 =	smul.f32 s20, s23  }
0x260: {  	s13 =	smul.f32 s26, s13;
	s19 =	spop (v2sf)  }
0x261: {  	s12 =	smul.f32 s31, s21;
	s17 =	spop (v2sf)  }
0x262: {  	s20 =	sadd.f32 s19, s19;
	s6 =	smul.f32 s4, s6  }
0x263: {  	s23 =	smul.f32 s13, s26;
	s10 =	ssub.f32 $1.500000000e+00, s12  }
0x264: {  	s15 =	spop (v2sf);
	s14 =	sadd.f32 s17, s17  }
0x265: {  	s28 =	sadd.f32 s15, s15;
	s6 =	smul.f32 s6, s4  }
0x266: {  	s16 =	spop (v2sf);
	s12 =	ssub.f32 $1.500000000e+00, s23  }
0x267: {  	s29 =	smul.f32 s10, s21;
	s6 =	ssub.f32 $1.500000000e+00, s6  }
0x268: {  	s23 =	ssub.f32 s0, s20;
	s31 =	smul.f32 s12, s26  }
0x269: {  	s11 =	sadd.f32 s16, s16;
	s26 =	smul.f32 s6, s4  }
0x26a: {  	s24 =	sadd.s32 $0x4, s24;
	s1 =	smul.f32 s1, s15;
	s10 =	ssub.f32 s2, s14  }
0x26b: {  	p1 =	slt.u32 s24, $0x74;
	s12 =	ssub.f32 s3, s28;
	s0 =	smul.f32 s26, s16  }
.Ltmp0:
0x26c: {  	s15 =	ssub.f32 $1.000000000e+00, s1;
	(pc) =	sbr.rel @p1 .LBB2_3-.Ltmp0, $4  }
0x26d: {  	s28 =	smul.f32 s29, s19;
	s14 =	ssub.f32 s8, s11  }
0x26e: {  	s29 =	smul.f32 s31, s17;
	s31 =	sadd.s32 s7, s24;
	s0 =	ssub.f32 $1.000000000e+00, s0  }
0x26f: {  	s11 =	ssub.f32 $1.000000000e+00, s28;
	p0 =	slt.u32 s31, $0x27100  }
0x270: {  	s22 =	sadd.s32 $0x200, s22;
	s13 =	ssub.f32 $1.000000000e+00, s29;
	s0 =	simm.s32 @!p0 $0x0  }
0x271: {  	s1 =	rddreg [dreg:$0x12]  }
0x272: {  	s1 =	smul.u32 $0x3, s1  }
0x273: {  	s2 =	rddreg [dreg:$0x4]  }
0x274: {  	[dreg:$0x13] =	wrdreg s1;
	s1 =	sadd.s32 $0x2, s1  }
0x275: {  	p1 =	sge.u32 s1, s2  }
0x276: {  	s1 =	smul.u32 @!p1 $0x78, s1  }
0x277: {  	s2 =	rddreg [dreg:$0x5]  }
0x278: {  	s1 =	sadd.s32 @!p1 s2, s1  }
0x279: {  	s2 =	rddreg [dreg:$0x2];
	s1 =	sshrl.u32 @!p1 s1, $0x3  }
0x27a: {  	s3 =	simm.s32 @!p1 $0x0;
	s4 =	simm.s32 @!p1 $0xF200;
	s2 =	sadd.s32 @!p1 s2, s1  }
0x27b: {  	[tilespmem:s4], [sflag:$0x4] =	stream.linear.gather @!p1 [hbm4b:s2+s3], $0x78, $0x38;
	[tilespmem:$0x16B80] =	vst v63  }
0x27c: {  	[dreg:$0x11] =	wrdreg s7;
	s2 =	simm.s32 @!p1 $0x4  }
0x27d: {  	_ =	swait.ge @!p1 [sflag:s2], $0x78  }
0x27e: {  	[sflag:s2] =	ssyncset.done @!p1 $0x0;
	s5 =	rddreg [dreg:$0x3]  }
0x27f: {  	[sflag:s2] =	ssyncadd.s32 @!p1 $0xFFFFFF88;
	s1 =	sadd.s32 @!p1 s5, s1;
	s5 =	simm.s32 @!p1 $0xF280  }
0x280: {  	[tilespmem:s5], [sflag:$0x4] =	stream.linear.gather @!p1 [hbm4b:s1+s3], $0x78, $0x38;
	[tilespmem:$0x16B80] =	vst v63  }
0x281: {  	_ =	swait.ge @!p1 [sflag:s2], $0x78  }
0x282: {  	[sflag:s2] =	ssyncset.done @!p1 $0x0  }
0x283: {  	[sflag:s2] =	ssyncadd.s32 @!p1 $0xFFFFFF88  }
0x284: {  	s1 =	simm.s32 @!p1 $0x78;
	s2 =	simm.s32 @!p1 $0xF300;
	s3 =	rddreg [dreg:$0x0]  }
0x285: {  	[tilespmem:s2], [sflag:$0x3] =	stream.indirect.gather @!p1 [hbm4b:s3+s1], $0x80, s4, s1, $0xb8;
	[tilespmem:$0x16B80] =	vst v63  }
0x286: {  	s21 =	simm.s32 $0x2;
	s2 =	simm.s32 @!p1 $0x12F00  }
0x287: {  	[tilespmem:s2], [sflag:$0x3] =	stream.indirect.gather @!p1 [hbm4b:s3+s1], $0x80, s5, s1, $0xb8;
	[tilespmem:$0x16B80] =	vst v63  }
0x288: {  	_ =	swait.ge [sflag:s21], $0x3C00  }
0x289: {  	[sflag:s21] =	ssyncset.done $0x0  }
0x28a: {  	[sflag:s21] =	ssyncadd.s32 $0xFFFFC400  }
0x28b: {  	_ =	swait.ge [sflag:s21], $0x3C00  }
0x28c: {  	[sflag:s21] =	ssyncset.done $0x0  }
0x28d: {  	s22 =	simm.s32 $0x7B00;
	[sflag:s21] =	ssyncadd.s32 $0xFFFFC400  }
0x28e: {  	s18 =	simm.s32 $0xB700;
	v2 =	vld [tilespmem:s22+$0xA0]  }
0x28f: {  	v3 =	vld [tilespmem:s18+$0xA0]  }
0x290: {  	v4 =	vld [tilespmem:s22+$0x20]  }
0x291: {  	v5 =	vld [tilespmem:s18+$0x20]  }
0x292: {  	v6 =	vld [tilespmem:s22+$0xFFFFFFA0]  }
0x293: {  	v7 =	vld [tilespmem:s18+$0xFFFFFFA0]  }
0x294: {  	v8 =	vld [tilespmem:s22+$0x90]  }
0x295: {  	v9 =	vld [tilespmem:s18+$0x90]  }
0x296: {  	v1 =	vld [tilespmem:s22+$0xFFFFFF20]  }
0x297: {  	v0 =	vld [tilespmem:s18+$0xFFFFFF20]  }
0x298: {  	v10 =	vld [tilespmem:s22+$0x10]  }
0x299: {  	v11 =	vld [tilespmem:s18+$0x10];
	v34 =	vunpack.i.u.bf16.f32 v4  }
0x29a: {  	v12 =	vld [tilespmem:s22+$0xFFFFFF90];
	v14 =	vunpack.i.u.bf16.f32 v2;
	[tilespmem:$0x1EF90] =	vst v34  }
0x29b: {  	v15 =	vunpack.i.u.bf16.f32 v3;
	[tilespmem:$0x1EFB0] =	vst v14  }
0x29c: {  	v38 =	vunpack.i.u.bf16.f32 v5;
	[tilespmem:$0x1EFC0] =	vst v15  }
0x29d: {  	v16 =	vunpack.i.l.bf16.f32 v2;
	v13 =	vld [tilespmem:s18+$0xFFFFFF90];
	[tilespmem:$0x1EFA0] =	vst v38  }
0x29e: {  	v17 =	vunpack.i.l.bf16.f32 v3;
	[tilespmem:$0x1EFD0] =	vst v16  }
0x29f: {  	v18 =	vunpack.i.u.bf16.f32 v6;
	[tilespmem:$0x1EFE0] =	vst v17  }
0x2a0: {  	v19 =	vunpack.i.u.bf16.f32 v7;
	v51 =	vld [tilespmem:s22+$0x80];
	[tilespmem:$0x1F250] =	vst v18  }
0x2a1: {  	v24 =	vunpack.i.l.bf16.f32 v4;
	[tilespmem:$0x1F260] =	vst v19  }
0x2a2: {  	v25 =	vunpack.i.l.bf16.f32 v5;
	[tilespmem:$0x1F170] =	vst v24  }
0x2a3: {  	v28 =	vunpack.i.u.bf16.f32 v8;
	v52 =	vld [tilespmem:s18+$0x80];
	[tilespmem:$0x1F180] =	vst v25  }
0x2a4: {  	v29 =	vunpack.i.u.bf16.f32 v9;
	[tilespmem:$0x1F130] =	vst v28  }
0x2a5: {  	v20 =	vunpack.i.l.bf16.f32 v6;
	[tilespmem:$0x1F140] =	vst v29  }
0x2a6: {  	v21 =	vunpack.i.l.bf16.f32 v7;
	v53 =	vld [tilespmem:s22+$0xFFFFFF10];
	[tilespmem:$0x1F210] =	vst v20  }
0x2a7: {  	v30 =	vunpack.i.u.bf16.f32 v10;
	[tilespmem:$0x1F220] =	vst v21  }
0x2a8: {  	v33 =	vunpack.i.u.bf16.f32 v11;
	[tilespmem:$0x1F150] =	vst v30  }
0x2a9: {  	v37 =	vunpack.i.l.bf16.f32 v8;
	v56 =	vld [tilespmem:s18+$0xFFFFFF10];
	[tilespmem:$0x1F160] =	vst v33  }
0x2aa: {  	v39 =	vunpack.i.l.bf16.f32 v9;
	[tilespmem:$0x1F0F0] =	vst v37  }
0x2ab: {  	v22 =	vunpack.i.l.bf16.f32 v1;
	[tilespmem:$0x1F100] =	vst v39  }
0x2ac: {  	v23 =	vunpack.i.l.bf16.f32 v0;
	v57 =	vld [tilespmem:s22+$0x0];
	[tilespmem:$0x1F230] =	vst v22  }
0x2ad: {  	v26 =	vunpack.i.u.bf16.f32 v12;
	[tilespmem:$0x1F240] =	vst v23  }
0x2ae: {  	[tilespmem:$0x1F1D0] =	vst v26;
	v27 =	vunpack.i.u.bf16.f32 v13  }
0x2af: {  	v42 =	vunpack.i.l.bf16.f32 v10;
	v58 =	vld [tilespmem:s18+$0x0];
	[tilespmem:$0x1F1E0] =	vst v27  }
0x2b0: {  	v43 =	vunpack.i.l.bf16.f32 v11;
	[tilespmem:$0x1F110] =	vst v42  }
0x2b1: {  	[tilespmem:$0x1F120] =	vst v43;
	v60 =	vunpack.i.u.bf16.f32 v51  }
0x2b2: {  	v61 =	vunpack.i.l.bf16.f32 v51;
	v59 =	vld [tilespmem:s22+$0xFFFFFF80];
	[tilespmem:$0x1F050] =	vst v60  }
0x2b3: {  	[tilespmem:$0x1EFF0] =	vst v61;
	v44 =	vunpack.i.u.bf16.f32 v52  }
0x2b4: {  	v45 =	vunpack.i.l.bf16.f32 v52;
	[tilespmem:$0x1F060] =	vst v44  }
0x2b5: {  	[tilespmem:$0x1F000] =	vst v45;
	v31 =	vunpack.i.u.bf16.f32 v53  }
0x2b6: {  	[tilespmem:$0x1F1F0] =	vst v31;
	v32 =	vunpack.i.u.bf16.f32 v56  }
0x2b7: {  	v35 =	vunpack.i.l.bf16.f32 v12;
	v5 =	vmul.f32 v14, v14;
	v6 =	vmul.f32 v15, v15;
	[tilespmem:$0x1F200] =	vst v32  }
0x2b8: {  	v7 =	vmul.f32 v16, v16;
	v8 =	vmul.f32 v17, v17;
	v36 =	vunpack.i.l.bf16.f32 v13;
	v62 =	vld [tilespmem:s18+$0xFFFFFF80];
	[tilespmem:$0x1F190] =	vst v35  }
0x2b9: {  	v2 =	vmul.f32 v37, v37;
	v9 =	vmul.f32 v61, v61;
	v63 =	vunpack.i.u.bf16.f32 v57;
	[tilespmem:$0x1F1A0] =	vst v36  }
0x2ba: {  	v40 =	vunpack.i.l.bf16.f32 v53;
	v54 =	vunpack.i.l.bf16.f32 v57;
	v57 =	vmul.f32 v60, v60;
	[tilespmem:$0x1F030] =	vst v63  }
0x2bb: {  	v60 =	vmul.f32 v44, v44;
	v44 =	vmul.f32 v33, v33;
	[tilespmem:$0x1F010] =	vst v54;
	v48 =	vunpack.i.u.bf16.f32 v58  }
0x2bc: {  	v46 =	vunpack.i.l.bf16.f32 v58;
	v58 =	vmul.f32 v45, v45;
	v12 =	vmul.f32 v54, v54;
	[tilespmem:$0x1F040] =	vst v48  }
0x2bd: {  	v41 =	vunpack.i.l.bf16.f32 v56;
	v13 =	vmul.f32 v63, v63;
	v35 =	vmul.f32 v35, v35;
	[tilespmem:$0x1F020] =	vst v46  }
0x2be: {  	v45 =	vmul.f32 v26, v26;
	v47 =	vunpack.i.u.bf16.f32 v59;
	v49 =	vunpack.i.l.bf16.f32 v59;
	v55 =	vld [tilespmem:s22+$0xFFFFFF00];
	[tilespmem:$0x1F1B0] =	vst v40  }
0x2bf: {  	v52 =	vmul.f32 v48, v48;
	v9 =	vadd.f32 v9, v57;
	v48 =	vmul.f32 v31, v31;
	[tilespmem:$0x1F1C0] =	vst v41  }
0x2c0: {  	v31 =	vunpack.i.u.bf16.f32 v0;
	[tilespmem:$0x1F0D0] =	vst v47;
	v53 =	vmul.f32 v49, v49;
	v54 =	vmul.f32 v47, v47  }
0x2c1: {  	v47 =	vmul.f32 v24, v24;
	v56 =	vld [tilespmem:s18+$0xFFFFFF00];
	[tilespmem:$0x1F070] =	vst v49;
	v2 =	vadd.f32 v2, v9;
	v49 =	vmul.f32 v32, v32  }
0x2c2: {  	v15 =	vadd.f32 v53, v54;
	v53 =	vmul.f32 v22, v22;
	v50 =	vunpack.i.l.bf16.f32 v62  }
0x2c3: {  	v51 =	vunpack.i.u.bf16.f32 v62;
	v62 =	vmul.f32 v46, v46;
	v46 =	vmul.f32 v27, v27  }
0x2c4: {  	v27 =	vmul.f32 v38, v38;
	v9 =	vadd.f32 v35, v15;
	v35 =	vmul.f32 v18, v18  }
0x2c5: {  	v37 =	vunpack.i.u.bf16.f32 v55;
	v59 =	vunpack.i.l.bf16.f32 v55;
	v55 =	vmul.f32 v50, v50  }
0x2c6: {  	v4 =	vadd.f32 v62, v52;
	v62 =	vmul.f32 v42, v42;
	v42 =	vmul.f32 v29, v29  }
0x2c7: {  	[tilespmem:$0x1F0E0] =	vst v51;
	v61 =	vunpack.i.l.bf16.f32 v56;
	v63 =	vunpack.i.u.bf16.f32 v56;
	v56 =	vmul.f32 v51, v51  }
0x2c8: {  	v3 =	vadd.f32 v58, v60;
	[tilespmem:$0x1F0B0] =	vst v37;
	v57 =	vmul.f32 v59, v59;
	v58 =	vmul.f32 v37, v37  }
0x2c9: {  	v12 =	vadd.f32 v12, v13;
	[tilespmem:$0x1F090] =	vst v59;
	v37 =	vmul.f32 v36, v36;
	v51 =	vmul.f32 v20, v20  }
0x2ca: {  	v9 =	vadd.f32 v9, v45;
	[tilespmem:$0x1F0A0] =	vst v61;
	v59 =	vmul.f32 v61, v61;
	v60 =	vmul.f32 v63, v63  }
0x2cb: {  	[tilespmem:$0x1F0C0] =	vst v63;
	v61 =	vmul.f32 v39, v39;
	v63 =	vmul.f32 v43, v43;
	v12 =	vadd.f32 v62, v12  }
0x2cc: {  	v39 =	vmul.f32 v40, v40;
	v40 =	vmul.f32 v41, v41;
	v10 =	vadd.f32 v55, v56  }
0x2cd: {  	v41 =	vmul.f32 v28, v28;
	v11 =	vadd.f32 v57, v58;
	v9 =	vadd.f32 v51, v9  }
0x2ce: {  	v43 =	vmul.f32 v30, v30;
	v14 =	vadd.f32 v59, v60;
	v3 =	vadd.f32 v61, v3  }
0x2cf: {  	[tilespmem:$0x1F080] =	vst v50;
	v50 =	vmul.f32 v25, v25;
	v4 =	vadd.f32 v63, v4;
	v2 =	vadd.f32 v2, v41  }
0x2d0: {  	v52 =	vmul.f32 v21, v21;
	v12 =	vadd.f32 v12, v43;
	v10 =	vadd.f32 v37, v10  }
0x2d1: {  	v25 =	vmul.f32 v34, v34;
	v55 =	vld [tilespmem:s22+$0xB0];
	v11 =	vadd.f32 v39, v11;
	v14 =	vadd.f32 v40, v14  }
0x2d2: {  	v28 =	vunpack.i.u.bf16.f32 v1;
	v24 =	vld [tilespmem:s18+$0xB0];
	v3 =	vadd.f32 v3, v42;
	v4 =	vadd.f32 v4, v44  }
0x2d3: {  	v26 =	vld [tilespmem:s22+$0x30];
	v38 =	vmul.f32 v28, v28;
	v2 =	vadd.f32 v7, v2;
	v54 =	vadd.f32 v47, v12  }
0x2d4: {  	[tilespmem:$0x1F270] =	vst v28;
	v63 =	vmul.f32 v23, v23;
	v10 =	vadd.f32 v10, v46;
	v11 =	vadd.f32 v11, v48  }
0x2d5: {  	v30 =	vld [tilespmem:s18+$0x30];
	v37 =	vmul.f32 v19, v19;
	v14 =	vadd.f32 v14, v49;
	v3 =	vadd.f32 v8, v3  }
0x2d6: {  	v39 =	vmul.f32 v31, v31;
	v4 =	vadd.f32 v50, v4;
	v32 =	vadd.f32 v2, v5  }
0x2d7: {  	[tilespmem:$0x1F280] =	vst v31;
	v36 =	vadd.f32 v54, v25;
	v5 =	vadd.f32 v9, v35;
	v40 =	vunpack.i.l.bf16.f32 v55  }
0x2d8: {  	v34 =	vld [tilespmem:s22+$0xFFFFFFB0];
	v41 =	vunpack.i.l.bf16.f32 v26;
	v62 =	vunpack.i.l.bf16.f32 v24;
	v51 =	vunpack.i.u.bf16.f32 v24;
	[tilespmem:$0x1EF80] =	vst v40  }
0x2d9: {  	v48 =	vunpack.i.u.bf16.f32 v26;
	v10 =	vadd.f32 v52, v10;
	v7 =	vadd.f32 v53, v11;
	[tilespmem:$0x1EF70] =	vst v41  }
0x2da: {  	v61 =	vunpack.i.l.bf16.f32 v30;
	v56 =	vmul.f32 v62, v62;
	v17 =	vmul.f32 v41, v41;
	v42 =	vld [tilespmem:s18+$0xFFFFFFB0]  }
0x2db: {  	v53 =	vunpack.i.u.bf16.f32 v55;
	v23 =	vmul.f32 v51, v51;
	v29 =	vadd.f32 v63, v14;
	v43 =	vld [tilespmem:s22+$0xFFFFFF30]  }
0x2dc: {  	v47 =	vunpack.i.u.bf16.f32 v30;
	v33 =	vadd.f32 v3, v6;
	v4 =	vadd.f32 v4, v27;
	v57 =	vld [tilespmem:s18+$0xFFFFFF30]  }
0x2dd: {  	v58 =	vunpack.i.l.bf16.f32 v34;
	v59 =	vmul.f32 v61, v61;
	v21 =	vmul.f32 v53, v53  }
0x2de: {  	v25 =	vunpack.i.u.bf16.f32 v34;
	v35 =	vmul.f32 v47, v47;
	v8 =	vadd.f32 v10, v37  }
0x2df: {  	v7 =	vadd.f32 v7, v38;
	v10 =	vmul.f32 v40, v40;
	[tilespmem:$0x1F2B0] =	vst v58;
	v60 =	vunpack.i.l.bf16.f32 v42  }
0x2e0: {  	v19 =	vmul.f32 v58, v58;
	v6 =	vadd.f32 v17, v36;
	v63 =	vunpack.i.l.bf16.f32 v43;
	[tilespmem:$0x1F2C0] =	vst v60  }
0x2e1: {  	v13 =	vmul.f32 v25, v25;
	v1 =	vadd.f32 v29, v39;
	v20 =	vunpack.i.l.bf16.f32 v57;
	[tilespmem:$0x1F2E0] =	vst v63  }
0x2e2: {  	v2 =	vadd.f32 v56, v33;
	v0 =	vadd.f32 v10, v32;
	v32 =	vmul.f32 v48, v48;
	[tilespmem:$0x1F2F0] =	vst v20  }
0x2e3: {  	v4 =	vadd.f32 v59, v4;
	v5 =	vadd.f32 v19, v5;
	v26 =	vunpack.i.u.bf16.f32 v42;
	v24 =	vld [tilespmem:s22+$0xC0];
	[tilespmem:$0x1F300] =	vst v25  }
0x2e4: {  	v0 =	vadd.f32 v0, v21;
	v33 =	vunpack.i.u.bf16.f32 v43;
	v6 =	vadd.f32 v6, v32;
	[tilespmem:$0x1F310] =	vst v26  }
0x2e5: {  	v5 =	vadd.f32 v5, v13;
	v10 =	vmul.f32 v60, v60;
	v12 =	vmul.f32 v63, v63;
	v27 =	vld [tilespmem:s18+$0xC0];
	[tilespmem:$0x1F350] =	vst v33  }
0x2e6: {  	v39 =	vunpack.i.u.bf16.f32 v57;
	v22 =	vmul.f32 v20, v20;
	v37 =	vmul.f32 v26, v26;
	v34 =	vld [tilespmem:s22+$0x40]  }
0x2e7: {  	v15 =	vmul.f32 v33, v33;
	v8 =	vadd.f32 v10, v8;
	v7 =	vadd.f32 v12, v7;
	v36 =	vld [tilespmem:s18+$0x40]  }
0x2e8: {  	v18 =	vmul.f32 v39, v39;
	v1 =	vadd.f32 v22, v1;
	v10 =	vadd.f32 v2, v23;
	v38 =	vld [tilespmem:s22+$0xFFFFFFC0];
	[tilespmem:$0x1F360] =	vst v39  }
0x2e9: {  	v12 =	vadd.f32 v4, v35;
	v8 =	vadd.f32 v8, v37;
	v40 =	vld [tilespmem:s18+$0xFFFFFFC0]  }
0x2ea: {  	v7 =	vadd.f32 v7, v15;
	v16 =	vld [tilespmem:s22+$0xFFFFFF40];
	v1 =	vadd.f32 v1, v18;
	v31 =	vunpack.i.l.bf16.f32 v24  }
0x2eb: {  	v49 =	vunpack.i.u.bf16.f32 v24;
	v30 =	vunpack.i.l.bf16.f32 v27;
	v41 =	vunpack.i.l.bf16.f32 v34  }
0x2ec: {  	v42 =	vmul.f32 v31, v31;
	v55 =	vmul.f32 v49, v49;
	v43 =	vunpack.i.l.bf16.f32 v36;
	[tilespmem:$0x1F290] =	vst v41  }
0x2ed: {  	v45 =	vmul.f32 v30, v30;
	v56 =	vunpack.i.l.bf16.f32 v38;
	v44 =	vmul.f32 v41, v41;
	v19 =	vld [tilespmem:s18+$0xFFFFFF40];
	[tilespmem:$0x1F2A0] =	vst v43  }
0x2ee: {  	v0 =	vadd.f32 v42, v0;
	v46 =	vmul.f32 v43, v43;
	v57 =	vunpack.i.l.bf16.f32 v40;
	[tilespmem:$0x1F2D0] =	vst v49  }
0x2ef: {  	v58 =	vunpack.i.l.bf16.f32 v16;
	v59 =	vmul.f32 v56, v56;
	v41 =	vunpack.i.u.bf16.f32 v16;
	v54 =	vld [tilespmem:s22+$0xD0]  }
0x2f0: {  	v10 =	vadd.f32 v45, v10;
	v20 =	vmul.f32 v57, v57;
	v63 =	vmul.f32 v58, v58  }
0x2f1: {  	v45 =	vmul.f32 v41, v41;
	v6 =	vadd.f32 v44, v6;
	v50 =	vadd.f32 v46, v12;
	[tilespmem:$0x1F330] =	vst v56  }
0x2f2: {  	[tilespmem:$0x1F340] =	vst v57;
	v5 =	vadd.f32 v59, v5;
	v0 =	vadd.f32 v0, v55;
	v56 =	vunpack.i.u.bf16.f32 v27  }
0x2f3: {  	[tilespmem:$0x1F370] =	vst v58;
	v57 =	vunpack.i.u.bf16.f32 v34;
	v55 =	vunpack.i.u.bf16.f32 v36;
	v60 =	vunpack.i.l.bf16.f32 v19  }
0x2f4: {  	v59 =	vunpack.i.u.bf16.f32 v40;
	v35 =	vmul.f32 v57, v57;
	[tilespmem:$0x1F380] =	vst v60;
	v22 =	vunpack.i.u.bf16.f32 v54  }
0x2f5: {  	v7 =	vadd.f32 v63, v7;
	v34 =	vmul.f32 v56, v56;
	v37 =	vmul.f32 v55, v55;
	[tilespmem:$0x1F320] =	vst v22  }
0x2f6: {  	v8 =	vadd.f32 v20, v8;
	v44 =	vmul.f32 v59, v59;
	v6 =	vadd.f32 v6, v35;
	v23 =	vld [tilespmem:s18+$0xD0]  }
0x2f7: {  	v10 =	vadd.f32 v10, v34;
	v11 =	vadd.f32 v50, v37;
	v58 =	vunpack.i.l.bf16.f32 v54;
	v33 =	vld [tilespmem:s22+$0xE0]  }
0x2f8: {  	v2 =	vmul.f32 v60, v60;
	v60 =	vunpack.i.u.bf16.f32 v38;
	v32 =	vmul.f32 v58, v58;
	v38 =	vld [tilespmem:s22+$0x50]  }
0x2f9: {  	v8 =	vadd.f32 v8, v44;
	v26 =	vadd.f32 v7, v45;
	v40 =	vmul.f32 v60, v60;
	[tilespmem:$0x1F390] =	vst v41  }
0x2fa: {  	v63 =	vunpack.i.u.bf16.f32 v19;
	v36 =	vmul.f32 v22, v22;
	v0 =	vadd.f32 v32, v0;
	v42 =	vld [tilespmem:s18+$0xE0]  }
0x2fb: {  	v35 =	vmul.f32 v63, v63;
	v17 =	vadd.f32 v2, v1;
	v5 =	vadd.f32 v5, v40;
	v46 =	vld [tilespmem:s22+$0xF0]  }
0x2fc: {  	v12 =	vld [tilespmem:s18+$0xF0];
	v0 =	vadd.f32 v0, v36;
	v52 =	vunpack.i.l.bf16.f32 v23;
	v27 =	vunpack.i.l.bf16.f32 v33  }
0x2fd: {  	v16 =	vunpack.i.u.bf16.f32 v33;
	v50 =	vunpack.i.u.bf16.f32 v23;
	v49 =	vunpack.i.l.bf16.f32 v38  }
0x2fe: {  	v41 =	vunpack.i.u.bf16.f32 v38;
	v39 =	vmul.f32 v52, v52;
	v43 =	vmul.f32 v27, v27  }
0x2ff: {  	v14 =	vld [tilespmem:s18+$0x50];
	v28 =	vmul.f32 v50, v50;
	v25 =	vunpack.i.l.bf16.f32 v42;
	v29 =	vmul.f32 v16, v16  }
0x300: {  	v32 =	vmul.f32 v49, v49;
	v15 =	vunpack.i.u.bf16.f32 v42;
	v20 =	vunpack.i.l.bf16.f32 v46  }
0x301: {  	v33 =	vld [tilespmem:s22+$0x60];
	v37 =	vmul.f32 v41, v41;
	v4 =	vunpack.i.u.bf16.f32 v46;
	v44 =	vunpack.i.l.bf16.f32 v12  }
0x302: {  	v12 =	vunpack.i.u.bf16.f32 v12;
	v34 =	vmul.f32 v25, v25;
	v36 =	vmul.f32 v20, v20  }
0x303: {  	v38 =	vld [tilespmem:s22+$0xFFFFFFD0];
	v54 =	vmul.f32 v15, v15;
	v10 =	vadd.f32 v39, v10;
	v0 =	vadd.f32 v43, v0  }
0x304: {  	v6 =	vadd.f32 v32, v6;
	v39 =	vunpack.i.l.bf16.f32 v14;
	v32 =	vmul.f32 v44, v44  }
0x305: {  	v9 =	vmul.f32 v39, v39;
	v10 =	vadd.f32 v10, v28;
	v0 =	vadd.f32 v0, v29  }
0x306: {  	v29 =	vadd.f32 v17, v35;
	v43 =	vunpack.i.l.bf16.f32 v33;
	v6 =	vadd.f32 v6, v37  }
0x307: {  	v45 =	vunpack.i.u.bf16.f32 v33;
	v35 =	vunpack.i.u.bf16.f32 v14;
	v28 =	vmul.f32 v4, v4  }
0x308: {  	v23 =	vld [tilespmem:s18+$0xFFFFFFD0];
	v42 =	vunpack.i.l.bf16.f32 v38;
	v46 =	vunpack.i.u.bf16.f32 v38;
	v37 =	vmul.f32 v12, v12  }
0x309: {  	v17 =	vld [tilespmem:s22+$0x70];
	v24 =	vmul.f32 v43, v43;
	v11 =	vadd.f32 v9, v11;
	v33 =	vmul.f32 v35, v35  }
0x30a: {  	v13 =	vld [tilespmem:s18+$0x60];
	v10 =	vadd.f32 v34, v10;
	v0 =	vadd.f32 v36, v0;
	v34 =	vmul.f32 v45, v45  }
0x30b: {  	v36 =	vmul.f32 v42, v42;
	v6 =	vadd.f32 v24, v6;
	v11 =	vadd.f32 v11, v33  }
0x30c: {  	v21 =	vmul.f32 v46, v46;
	v10 =	vadd.f32 v10, v54;
	v22 =	vadd.f32 v0, v28  }
0x30d: {  	v5 =	vadd.f32 v36, v5;
	v36 =	vunpack.i.u.bf16.f32 v23;
	v6 =	vadd.f32 v6, v34  }
0x30e: {  	v19 =	vld [tilespmem:s22+$0xFFFFFFE0];
	v38 =	vunpack.i.l.bf16.f32 v17;
	v34 =	vunpack.i.l.bf16.f32 v23;
	v9 =	vmul.f32 v36, v36  }
0x30f: {  	v54 =	vld [tilespmem:s18+$0x70];
	v10 =	vadd.f32 v32, v10;
	v32 =	vunpack.i.l.bf16.f32 v13;
	v7 =	vmul.f32 v38, v38  }
0x310: {  	v24 =	vmul.f32 v34, v34;
	v3 =	vadd.f32 v5, v21;
	v21 =	vunpack.i.u.bf16.f32 v13  }
0x311: {  	v40 =	vmul.f32 v32, v32;
	v13 =	vmul.f32 v21, v21;
	v18 =	vadd.f32 v10, v37  }
0x312: {  	v5 =	vadd.f32 v7, v6;
	v24 =	vadd.f32 v24, v8;
	v8 =	vunpack.i.u.bf16.f32 v17  }
0x313: {  	v10 =	vld [tilespmem:s22+$0xFFFFFF50];
	v17 =	vmul.f32 v12, v4;
	v11 =	vadd.f32 v40, v11;
	v40 =	vunpack.i.l.bf16.f32 v19  }
0x314: {  	v6 =	vld [tilespmem:s18+$0xFFFFFFE0];
	v23 =	vunpack.i.l.bf16.f32 v54;
	v28 =	vmul.f32 v8, v8;
	v33 =	vmul.f32 v40, v40  }
0x315: {  	v37 =	vmul.f32 v23, v23;
	v2 =	vadd.f32 v24, v9;
	v24 =	vunpack.i.u.bf16.f32 v54  }
0x316: {  	v11 =	vadd.f32 v11, v13;
	v7 =	vadd.f32 v33, v3;
	v33 =	vmul.f32 v24, v8  }
0x317: {  	v27 =	vmul.f32 v25, v27;
	[tilespmem:$0x1F3A0] =	vst v17  }
0x318: {  	v14 =	vadd.f32 v5, v28;
	v4 =	vld [tilespmem:s22+$0xFFFFFFF0];
	v3 =	vmul.f32 v24, v24;
	v5 =	vadd.f32 v37, v11;
	[tilespmem:$0x1F3B0] =	vst v33  }
0x319: {  	v37 =	vunpack.i.u.bf16.f32 v19;
	v17 =	vunpack.i.l.bf16.f32 v10;
	v28 =	vunpack.i.l.bf16.f32 v6;
	v1 =	vld [tilespmem:s18+$0xFFFFFF50]  }
0x31a: {  	v19 =	vunpack.i.u.bf16.f32 v10;
	v54 =	vmul.f32 v17, v17;
	v12 =	vmul.f32 v37, v37;
	v10 =	vld [tilespmem:s22+$0xFFFFFF60]  }
0x31b: {  	v13 =	vmul.f32 v28, v28;
	v33 =	vmul.f32 v19, v19  }
0x31c: {  	v8 =	vadd.f32 v54, v26;
	v54 =	vmul.f32 v44, v20;
	v7 =	vadd.f32 v7, v12  }
0x31d: {  	v9 =	vadd.f32 v13, v2;
	v44 =	vmul.f32 v15, v16;
	v16 =	vadd.f32 v5, v3  }
0x31e: {  	v20 =	vunpack.i.u.bf16.f32 v6;
	v5 =	vld [tilespmem:s18+$0xFFFFFF60];
	v3 =	vadd.f32 v8, v33;
	v33 =	vunpack.i.l.bf16.f32 v4  }
0x31f: {  	v26 =	vmul.f32 v33, v33;
	v11 =	vunpack.i.l.bf16.f32 v1;
	v15 =	vunpack.i.l.bf16.f32 v10  }
0x320: {  	v24 =	vunpack.i.u.bf16.f32 v4;
	v8 =	vmul.f32 v11, v11;
	v2 =	vmul.f32 v15, v15  }
0x321: {  	v6 =	vld [tilespmem:s18+$0xFFFFFFF0];
	v12 =	vunpack.i.u.bf16.f32 v1;
	v1 =	vmul.f32 v20, v20;
	v26 =	vadd.f32 v26, v7  }
0x322: {  	(xrf2) =	vadd.scan.msk.f32 $0xffff, v22;
	v13 =	vmul.f32 v12, v12;
	v0 =	vadd.f32 v8, v29;
	v8 =	vadd.f32 v2, v3;
	v3 =	vld [tilespmem:s22+$0xFFFFFF70]  }
0x323: {  	(xrf2) =	vadd.scan.msk.f32 $0xffff, v18;
	v7 =	vunpack.i.l.bf16.f32 v5;
	v25 =	vadd.f32 v9, v1;
	v9 =	vunpack.i.u.bf16.f32 v5  }
0x324: {  	(xrf2) =	vadd.scan.msk.f32 $0xffff, v14;
	v5 =	vmul.f32 v24, v24;
	v2 =	vadd.f32 v0, v13;
	v0 =	vmul.f32 v7, v7  }
0x325: {  	v30 =	vmul.f32 v30, v31;
	(xrf2) =	vadd.scan.msk.f32 $0xffff, v16;
	v16 =	vmul.f32 v51, v53;
	v10 =	vunpack.i.u.bf16.f32 v10  }
0x326: {  	v53 =	vld [tilespmem:$0x1EF70];
	v31 =	vadd.f32 v26, v5;
	v4 =	vadd.f32 v0, v2;
	v2 =	vmul.f32 v10, v10  }
0x327: {  	v29 =	vld [tilespmem:s18+$0xFFFFFF70];
	v13 =	vunpack.i.l.bf16.f32 v6;
	v0 =	vmul.f32 v9, v9;
	v26 =	vunpack.i.l.bf16.f32 v3  }
0x328: {  	v5 =	vadd.f32 v8, v2;
	v2 =	vunpack.i.u.bf16.f32 v6;
	v6 =	vmul.f32 v26, v26  }
0x329: {  	v1 =	vmul.f32 v13, v13;
	v4 =	vadd.f32 v4, v0;
	v0 =	vunpack.i.u.bf16.f32 v3  }
0x32a: {  	v14 =	vmul.f32 v0, v0;
	v6 =	vadd.f32 v6, v5  }
0x32b: {  	v1 =	vadd.f32 v1, v25  }
0x32c: {  	v25 =	vunpack.i.l.bf16.f32 v29;
	v6 =	vadd.f32 v6, v14;
	v14 =	vmul.f32 v61, v53;
	v61 =	vld [tilespmem:$0x1EF80]  }
0x32d: {  	v18 =	vmul.f32 v25, v25;
	v22 =	vmul.f32 v2, v2  }
0x32e: {  	(xrf2) =	vadd.scan.msk.f32 $0xffff, v31;
	v31 =	vld [tilespmem:$0x1EFB0];
	v8 =	vmul.f32 v47, v48;
	v5 =	vunpack.i.u.bf16.f32 v29  }
0x32f: {  	v47 =	vld [tilespmem:$0x1EFC0];
	v1 =	vadd.f32 v1, v22;
	v22 =	vadd.f32 v18, v4;
	v29 =	vmul.f32 v5, v5  }
0x330: {  	v53 =	vld [tilespmem:$0x1EFF0]  }
0x331: {  	v18 =	vmul.f32 v62, v61;
	v62 =	vadd.f32 v22, v29;
	v22 =	vld [tilespmem:$0x1EF90]  }
0x332: {  	v29 =	vld [tilespmem:$0x1EFA0]  }
0x333: {  	v61 =	vld [tilespmem:$0x1F000];
	_ =	sdelay $0x1  }
0x334: {  	(xrf2) =	vadd.scan.msk.f32 $0xffff, v1  }
0x335: {  	v4 =	vmul.f32 v47, v31;
	v47 =	vld [tilespmem:$0x1F020];
	(xrf2) =	vadd.scan.msk.f32 $0xffff, v6  }
0x336: {  	(xrf2) =	vadd.scan.msk.f32 $0xffff, v62;
	v62 =	vld [tilespmem:$0x1F010]  }
0x337: {  	v3 =	vmul.f32 v29, v22;
	v22 =	vmul.f32 v61, v53;
	v53 =	vld [tilespmem:$0x1F050]  }
0x338: {  	v61 =	vld [tilespmem:$0x1F060]  }
0x339: {  	v51 =	vld [tilespmem:$0x1EFE0]  }
0x33a: {  	v48 =	vld [tilespmem:$0x1EFD0];
	_ =	sdelay $0x1  }
0x33b: {  	v1 =	vmul.f32 v47, v62;
	v62 =	vld [tilespmem:$0x1F070]  }
0x33c: {  	v31 =	vmul.f32 v61, v53;
	v53 =	vld [tilespmem:$0x1F080];
	_ =	sdelay $0x1  }
0x33d: {  	v6 =	vmul.f32 v51, v48;
	v48 =	vld [tilespmem:$0x1F030]  }
0x33e: {  	v51 =	vld [tilespmem:$0x1F040]  }
0x33f: {  	v61 =	vld [tilespmem:$0x1F090]  }
0x340: {  	v47 =	vmul.f32 v53, v62;
	v62 =	vld [tilespmem:$0x1F0A0];
	_ =	sdelay $0x4  }
0x341: {  	v29 =	vmul.f32 v51, v48;
	v48 =	vmul.f32 v62, v61;
	v61 =	vld [tilespmem:$0x1F0B0]  }
0x342: {  	v62 =	vld [tilespmem:$0x1F0C0];
	_ =	sdelay $0x3  }
0x343: {  	v53 =	vld [tilespmem:$0x1F0D0]  }
0x344: {  	v51 =	vmul.f32 v62, v61;
	v61 =	vld [tilespmem:$0x1F0E0];
	_ =	sdelay $0x3  }
0x345: {  	v22 =	vadd.f32 v22, v31;
	v31 =	vld [tilespmem:$0x1F0F0]  }
0x346: {  	v53 =	vmul.f32 v61, v53;
	v61 =	vld [tilespmem:$0x1F100];
	_ =	sdelay $0x3  }
0x347: {  	v48 =	vadd.f32 v48, v51;
	v51 =	vld [tilespmem:$0x1F110]  }
0x348: {  	v31 =	vmul.f32 v61, v31;
	v61 =	vld [tilespmem:$0x1F120];
	_ =	sdelay $0x3  }
0x349: {  	v47 =	vadd.f32 v47, v53;
	v53 =	vld [tilespmem:$0x1F130]  }
0x34a: {  	v51 =	vmul.f32 v61, v51;
	v61 =	vld [tilespmem:$0x1F140];
	_ =	sdelay $0x3  }
0x34b: {  	v22 =	vadd.f32 v31, v22;
	v31 =	vld [tilespmem:$0x1F150]  }
0x34c: {  	v53 =	vmul.f32 v61, v53;
	v61 =	vld [tilespmem:$0x1F160];
	_ =	sdelay $0x1  }
0x34d: {  	v1 =	vadd.f32 v1, v29;
	_ =	sdelay $0x1  }
0x34e: {  	v1 =	vadd.f32 v51, v1;
	v51 =	vld [tilespmem:$0x1F170]  }
0x34f: {  	v31 =	vmul.f32 v61, v31;
	v61 =	vld [tilespmem:$0x1F180];
	_ =	sdelay $0x3  }
0x350: {  	v22 =	vadd.f32 v22, v53;
	v53 =	vld [tilespmem:$0x1F190]  }
0x351: {  	v51 =	vmul.f32 v61, v51;
	v61 =	vld [tilespmem:$0x1F1A0];
	_ =	sdelay $0x3  }
0x352: {  	v1 =	vadd.f32 v1, v31;
	v31 =	vld [tilespmem:$0x1F1B0]  }
0x353: {  	v53 =	vmul.f32 v61, v53;
	v61 =	vld [tilespmem:$0x1F1C0];
	_ =	sdelay $0x3  }
0x354: {  	v62 =	vld [tilespmem:$0x1F1E0]  }
0x355: {  	v31 =	vmul.f32 v61, v31;
	v61 =	vld [tilespmem:$0x1F1D0];
	_ =	sdelay $0x1  }
0x356: {  	v29, _, _ =	vpop (xrf2)  }
0x357: {  	(v2sf) =	vpush v29, $0xF;
	v29, _, _ =	vpop (xrf2)  }
0x358: {  	(v2sf) =	vpush v29, $0xF;
	v29, _, _ =	vpop (xrf2)  }
0x359: {  	(v2sf) =	vpush v29, $0xF;
	v29, _, _ =	vpop (xrf2);
	v6 =	vadd.f32 v6, v22;
	v22 =	vmul.f32 v62, v61;
	v61 =	vld [tilespmem:$0x1F1F0]  }
0x35a: {  	(v2sf) =	vpush v29, $0xF;
	v29, _, _ =	vpop (xrf2);
	v62 =	vld [tilespmem:$0x1F200]  }
0x35b: {  	(v2sf) =	vpush v29, $0xF;
	v29, _, _ =	vpop (xrf2)  }
0x35c: {  	(v2sf) =	vpush v29, $0xF;
	v29, _, _ =	vpop (xrf2)  }
0x35d: {  	(v2sf) =	vpush v29, $0xF;
	v29, _, _ =	vpop (xrf2);
	v4 =	vadd.f32 v6, v4  }
0x35e: {  	(v2sf) =	vpush v29, $0xF  }
0x35f: {  	v4 =	vadd.f32 v18, v4;
	v29 =	vadd.f32 v53, v47;
	v47 =	vmul.f32 v62, v61;
	v61 =	vld [tilespmem:$0x1F210]  }
0x360: {  	v62 =	vld [tilespmem:$0x1F220]  }
0x361: {  	v4 =	vadd.f32 v4, v16  }
0x362: {  	v1 =	vadd.f32 v51, v1;
	v51 =	vld [tilespmem:$0x1F270]  }
0x363: {  	v4 =	vadd.f32 v30, v4;
	v30 =	vld [tilespmem:$0x1F360]  }
0x364: {  	v53 =	vld [tilespmem:$0x1F230]  }
0x365: {  	v6 =	vmul.f32 v62, v61;
	v61 =	vld [tilespmem:$0x1F240]  }
0x366: {  	v31 =	vadd.f32 v31, v48;
	v48 =	vld [tilespmem:$0x1F260]  }
0x367: {  	v22 =	vadd.f32 v29, v22;
	v29 =	vld [tilespmem:$0x1F2C0]  }
0x368: {  	v62 =	vadd.f32 v31, v47;
	v47 =	vld [tilespmem:$0x1F250]  }
0x369: {  	v31 =	vld [tilespmem:$0x1F2D0]  }
0x36a: {  	v1 =	vadd.f32 v1, v3;
	v3 =	vmul.f32 v61, v53;
	v53 =	vld [tilespmem:$0x1F280]  }
0x36b: {  	v61 =	vld [tilespmem:$0x1F290]  }
0x36c: {  	v3 =	vadd.f32 v3, v62;
	v62 =	vld [tilespmem:$0x1F2A0]  }
0x36d: {  	v6 =	vadd.f32 v6, v22;
	v22 =	vld [tilespmem:$0x1F2B0];
	v18 =	vmul.f32 v48, v47  }
0x36e: {  	v1 =	vadd.f32 v14, v1;
	v47 =	vmul.f32 v55, v57;
	v57 =	vld [tilespmem:$0x1F320]  }
0x36f: {  	v55 =	vld [tilespmem:$0x1F300];
	v6 =	vadd.f32 v6, v18;
	v18 =	vmul.f32 v56, v31  }
0x370: {  	s3 =	spop (v2sf);
	v1 =	vadd.f32 v1, v8;
	v56 =	vld [tilespmem:$0x1F310];
	v14 =	vmul.f32 v53, v51  }
0x371: {  	s22 =	spop (v2sf);
	s24 =	smax.f32 s3, $1.000000020e-16;
	v48 =	vld [tilespmem:$0x1F2E0];
	v4 =	vadd.f32 v4, v18;
	v53 =	vmul.f32 v52, v58;
	v8 =	vmul.f32 v62, v61  }
0x372: {  	s19 =	spop (v2sf);
	s6 =	smax.f32 s22, $1.000000020e-16;
	v16 =	vmul.f32 v29, v22;
	v29 =	vld [tilespmem:$0x1F350]  }
0x373: {  	s2 =	spop (v2sf);
	s26 =	smax.f32 s19, $1.000000020e-16;
	v51 =	vld [tilespmem:$0x1F2F0];
	v4 =	vadd.f32 v53, v4;
	v1 =	vadd.f32 v8, v1;
	v8 =	vmul.f32 v50, v57  }
0x374: {  	s1 =	smul.f32 s6, s24;
	s31 =	spop (v2sf);
	v61 =	vld [tilespmem:$0x1F330]  }
0x375: {  	s20 =	smax.f32 s2, $1.000000020e-16;
	s17 =	spop (v2sf);
	v6 =	vadd.f32 v16, v6;
	v22 =	vmul.f32 v56, v55;
	v62 =	vld [tilespmem:$0x1F340];
	v4 =	vadd.f32 v4, v8  }
0x376: {  	s16 =	smax.f32 s31, $1.000000020e-16;
	s20 =	smul.f32 s20, s26;
	v58 =	vmul.f32 v39, v49;
	v39 =	vld [tilespmem:$0x1F380]  }
0x377: {  	s5 =	smul.f32 $5.000000000e-01, s1;
	s8 =	spop (v2sf);
	v6 =	vadd.f32 v6, v22;
	v22 =	vmul.f32 v35, v41;
	v35 =	vld [tilespmem:$0x1F370];
	v4 =	vadd.f32 v27, v4  }
0x378: {  	s21 =	smax.f32 s17, $1.000000020e-16;
	s4 =	spop (v2sf);
	v3 =	vadd.f32 v3, v14;
	v14 =	vmul.f32 v51, v48  }
0x379: {  	v32 =	vmul.f32 v32, v43;
	s28 =	smax.f32 s8, $1.000000020e-16;
	s16 =	smul.f32 s21, s16;
	v1 =	vadd.f32 v1, v47;
	v4 =	vadd.f32 v4, v44;
	v44 =	vld [tilespmem:$0x1F390]  }
0x37a: {  	s1 =	sshra.s32 s1, $0x1;
	s6 =	smul.f32 $5.000000000e-01, s20;
	s29 =	smax.f32 s4, $1.000000020e-16;
	v8 =	vmul.f32 v30, v29;
	v3 =	vadd.f32 v14, v3;
	v14 =	vmul.f32 v62, v61  }
0x37b: {  	v43 =	vmul.f32 v34, v42;
	s1 =	ssub.s32 $0x5F3759DF, s1;
	s7 =	smul.f32 s29, s28;
	v31 =	vmul.f32 v59, v60;
	v1 =	vadd.f32 v58, v1  }
0x37c: {  	s20 =	sshra.s32 s20, $0x1;
	s28 =	smul.f32 s1, s5;
	v49 =	vld [tilespmem:$0x1F3A0];
	v6 =	vadd.f32 v14, v6;
	v3 =	vadd.f32 v3, v8;
	v8 =	vmul.f32 v39, v35  }
0x37d: {  	s26 =	sadd.f32 s0, s30;
	s20 =	ssub.s32 $0x5F3759DF, s20;
	s0 =	smul.f32 $5.000000000e-01, s16;
	v41 =	vmul.f32 v21, v45;
	v45 =	vmul.f32 v23, v38;
	v1 =	vadd.f32 v1, v22  }
0x37e: {  	s14 =	simm.s32 @!p0 $0x0;
	s29 =	smul.f32 s20, s6;
	v6 =	vadd.f32 v6, v31;
	v3 =	vadd.f32 v8, v3;
	v8 =	vmul.f32 v63, v44  }
0x37f: {  	s15 =	simm.s32 @!p0 $0x0;
	s25 =	sadd.f32 s14, s25;
	s28 =	smul.f32 s1, s28;
	v48 =	vmul.f32 v36, v46;
	v1 =	vadd.f32 v32, v1;
	v4 =	vadd.f32 v54, v4  }
0x380: {  	s15 =	sadd.f32 s15, s26;
	s16 =	sshra.s32 s16, $0x1;
	s14 =	smul.f32 $5.000000000e-01, s7;
	v52 =	vld [tilespmem:$0x1F3B0];
	v47 =	vmul.f32 v11, v17;
	v6 =	vadd.f32 v43, v6;
	v3 =	vadd.f32 v3, v8  }
0x381: {  	s16 =	ssub.s32 $0x5F3759DF, s16;
	s21 =	sshra.s32 s7, $0x1;
	s26 =	smul.f32 s20, s29;
	v50 =	vmul.f32 v12, v19;
	v1 =	vadd.f32 v1, v41;
	v4 =	vadd.f32 v4, v49  }
0x382: {  	s12 =	simm.s32 @!p0 $0x0;
	s24 =	smul.f32 s16, s0;
	s21 =	ssub.s32 $0x5F3759DF, s21;
	v51 =	vmul.f32 v28, v40;
	v6 =	vadd.f32 v6, v48;
	v3 =	vadd.f32 v47, v3  }
0x383: {  	s12 =	sadd.f32 s12, s25;
	s7 =	smul.f32 s21, s14;
	v53 =	vmul.f32 v7, v15;
	v1 =	vadd.f32 v45, v1  }
0x384: {  	s29 =	smul.f32 s16, s24;
	s28 =	ssub.f32 $1.500000000e+00, s28;
	v54 =	vmul.f32 v20, v37;
	(xrf2) =	vadd.scan.msk.f32 $0xffff, v4;
	v6 =	vadd.f32 v51, v6;
	v3 =	vadd.f32 v3, v50  }
0x385: {  	s26 =	ssub.f32 $1.500000000e+00, s26;
	s25 =	smul.f32 s21, s7;
	v56 =	vmul.f32 v9, v10;
	v1 =	vadd.f32 v1, v52  }
0x386: {  	s1 =	smul.f32 s1, s28;
	s24 =	ssub.f32 $1.500000000e+00, s29;
	v58 =	vmul.f32 v13, v33;
	v57 =	vadd.f32 v6, v54;
	v55 =	vadd.f32 v53, v3  }
0x387: {  	v2 =	vmul.f32 v2, v24;
	s20 =	smul.f32 s20, s26  }
0x388: {  	s16 =	smul.f32 s16, s24;
	v59 =	vmul.f32 v25, v26;
	(xrf2) =	vadd.scan.msk.f32 $0xffff, v1;
	v4 =	vadd.f32 v58, v57;
	v1 =	vadd.f32 v55, v56  }
0x389: {  	s25 =	ssub.f32 $1.500000000e+00, s25;
	s26 =	smul.f32 s1, s5  }
0x38a: {  	s13 =	simm.s32 @!p0 $0x0;
	v0 =	vmul.f32 v5, v0;
	s28 =	smul.f32 s20, s6;
	v2 =	vadd.f32 v4, v2;
	v1 =	vadd.f32 v59, v1  }
0x38b: {  	s13 =	sadd.f32 s13, s15;
	s15 =	smul.f32 s21, s25  }
0x38c: {  	s10 =	simm.s32 @!p0 $0x0;
	s29 =	smul.f32 s16, s0;
	(xrf2) =	vadd.scan.msk.f32 $0xffff, v2;
	v0 =	vadd.f32 v1, v0  }
0x38d: {  	s11 =	simm.s32 @!p0 $0x0;
	s10 =	sadd.f32 s10, s12;
	s21 =	smul.f32 s26, s1  }
0x38e: {  	s23 =	simm.s32 @!p0 $0x0;
	s30 =	sadd.f32 s11, s13;
	s24 =	smul.f32 s28, s20;
	v60, _, _ =	vpop (xrf2);
	(xrf2) =	vadd.scan.msk.f32 $0xffff, v0  }
0x38f: {  	s25 =	sadd.f32 s23, s10;
	s7 =	smul.f32 s15, s14  }
0x390: {  	s28 =	smul.f32 s29, s16;
	s13 =	ssub.f32 $1.500000000e+00, s21  }
0x391: {  	s10 =	ssub.f32 $1.500000000e+00, s24;
	s11 =	smul.f32 s7, s15;
	(v2sf) =	vpush v60, $0xF  }
0x392: {  	s1 =	smul.f32 s13, s1;
	s12 =	ssub.f32 $1.500000000e+00, s28  }
0x393: {  	s10 =	smul.f32 s10, s20;
	v61, _, _ =	vpop (xrf2)  }
0x394: {  	s12 =	smul.f32 s12, s16;
	(v2sf) =	vpush v61, $0xF  }
0x395: {  	s11 =	ssub.f32 $1.500000000e+00, s11;
	s5 =	smul.f32 s1, s5  }
0x396: {  	s6 =	smul.f32 s10, s6;
	v62, _, _ =	vpop (xrf2)  }
0x397: {  	s29 =	smul.f32 s11, s15;
	(v2sf) =	vpush v62, $0xF  }
0x398: {  	s5 =	smul.f32 s5, s1;
	v63, _, _ =	vpop (xrf2)  }
0x399: {  	s3 =	sadd.f32 s22, s3;
	s0 =	smul.f32 s12, s0;
	(v2sf) =	vpush v63, $0xF  }
0x39a: {  	s2 =	sadd.f32 s2, s19;
	s6 =	smul.f32 s6, s10  }
0x39b: {  	s5 =	ssub.f32 $1.500000000e+00, s5;
	s0 =	smul.f32 s0, s12  }
0x39c: {  	s17 =	sadd.f32 s17, s31;
	s11 =	smul.f32 s29, s14  }
0x39d: {  	s6 =	ssub.f32 $1.500000000e+00, s6;
	s1 =	smul.f32 s5, s1  }
0x39e: {  	s4 =	sadd.f32 s4, s8;
	s14 =	smul.f32 s11, s29  }
0x39f: {  	s6 =	smul.f32 s6, s10;
	s0 =	ssub.f32 $1.500000000e+00, s0  }
0x3a0: {  	s24 =	ssub.f32 $1.500000000e+00, s14;
	s7 =	spop (v2sf)  }
0x3a1: {  	s0 =	smul.f32 s0, s12;
	s20 =	sadd.f32 s7, s7  }
0x3a2: {  	s1 =	smul.f32 s1, s7;
	s7 =	rddreg [dreg:$0x10]  }
0x3a3: {  	s10 =	ssub.f32 s3, s20;
	s19 =	spop (v2sf)  }
0x3a4: {  	s3 =	smul.f32 s24, s29;
	s21 =	sadd.f32 s19, s19  }
0x3a5: {  	s12 =	ssub.f32 $1.000000000e+00, s1;
	s29 =	smul.f32 s6, s19  }
0x3a6: {  	s11 =	ssub.f32 s2, s21;
	s22 =	spop (v2sf)  }
0x3a7: {  	s26 =	sadd.f32 s22, s22  }
0x3a8: {  	s14 =	ssub.f32 $1.000000000e+00, s29;
	s23 =	spop (v2sf)  }
0x3a9: {  	s13 =	ssub.f32 s17, s26;
	s2 =	smul.f32 s3, s23  }
0x3aa: {  	s0 =	smul.f32 s0, s22;
	s28 =	sadd.f32 s23, s23  }
0x3ab: {  	s31 =	sadd.s32 $0x0, s7;
	s3 =	ssub.f32 $1.000000000e+00, s2  }
0x3ac: {  	p0 =	slt.u32 s31, $0x27100;
	s22 =	simm.s32 $0x0;
	s0 =	ssub.f32 $1.000000000e+00, s0  }
0x3ad: {  	s23 =	simm.s32 $0x7D00;
	s15 =	ssub.f32 s4, s28;
	s3 =	simm.s32 @!p0 $0x0  }
.LBB2_5:
0x3ae: {  	v4 =	vld [tilespmem:s23+$0xFFFFFFF0]  }
0x3af: {  	s18 =	sadd.s32 $0x200, s18;
	v23 =	vld [tilespmem:s23+$0xFFFFFF50]  }
0x3b0: {  	v24 =	vld [tilespmem:s18+$0xFFFFFFD0]  }
0x3b1: {  	v8 =	vld [tilespmem:s23+$0xFFFFFF70]  }
0x3b2: {  	v26 =	vld [tilespmem:s18+$0xFFFFFF50];
	_ =	sdelay $0x1  }
0x3b3: {  	[tilespmem:$0x1E790] =	vst v23  }
0x3b4: {  	v12 =	vld [tilespmem:s23+$0xFFFFFFE0];
	v41 =	vunpack.i.u.bf16.f32 v4;
	[tilespmem:$0x1E780] =	vst v24  }
0x3b5: {  	v10 =	vld [tilespmem:s23+$0x60];
	[tilespmem:$0x1EF50] =	vst v41  }
0x3b6: {  	v14 =	vld [tilespmem:s23+$0xD0];
	v43 =	vunpack.i.u.bf16.f32 v8;
	[tilespmem:$0x1E7A0] =	vst v26  }
0x3b7: {  	v16 =	vld [tilespmem:s23+$0xFFFFFF60];
	v45 =	vunpack.i.l.bf16.f32 v4;
	[tilespmem:$0x1ED40] =	vst v43  }
0x3b8: {  	v47 =	vunpack.i.l.bf16.f32 v8;
	[tilespmem:$0x1EF20] =	vst v45  }
0x3b9: {  	v18 =	vld [tilespmem:s23+$0x50];
	v50 =	vunpack.i.u.bf16.f32 v12;
	[tilespmem:$0x1ED00] =	vst v47  }
0x3ba: {  	v39 =	vunpack.i.l.bf16.f32 v10;
	[tilespmem:$0x1EEE0] =	vst v50  }
0x3bb: {  	v5 =	vld [tilespmem:s18+$0xFFFFFFF0];
	v52 =	vunpack.i.u.bf16.f32 v14;
	[tilespmem:$0x1EB00] =	vst v39  }
0x3bc: {  	v9 =	vld [tilespmem:s18+$0xFFFFFF70];
	v53 =	vunpack.i.u.bf16.f32 v16;
	[tilespmem:$0x1EE70] =	vst v52  }
0x3bd: {  	v58 =	vunpack.i.l.bf16.f32 v12;
	[tilespmem:$0x1ECC0] =	vst v53  }
0x3be: {  	v60 =	vunpack.i.u.bf16.f32 v18;
	[tilespmem:$0x1EBC0] =	vst v58  }
0x3bf: {  	v13 =	vld [tilespmem:s18+$0xFFFFFFE0];
	v63 =	vunpack.i.l.bf16.f32 v14;
	[tilespmem:$0x1EAC0] =	vst v60  }
0x3c0: {  	v17 =	vld [tilespmem:s18+$0xFFFFFF60];
	v42 =	vunpack.i.u.bf16.f32 v5;
	[tilespmem:$0x1EE50] =	vst v63  }
0x3c1: {  	v15 =	vld [tilespmem:s18+$0xD0];
	v44 =	vunpack.i.u.bf16.f32 v9;
	[tilespmem:$0x1EF60] =	vst v42  }
0x3c2: {  	v46 =	vunpack.i.l.bf16.f32 v5;
	[tilespmem:$0x1ED90] =	vst v44  }
0x3c3: {  	v19 =	vld [tilespmem:s18+$0x50];
	v49 =	vunpack.i.l.bf16.f32 v9;
	[tilespmem:$0x1EF30] =	vst v46  }
0x3c4: {  	v51 =	vunpack.i.u.bf16.f32 v13;
	[tilespmem:$0x1ED60] =	vst v49  }
0x3c5: {  	v54 =	vunpack.i.u.bf16.f32 v17;
	[tilespmem:$0x1EEF0] =	vst v51  }
0x3c6: {  	v56 =	vunpack.i.u.bf16.f32 v15;
	[tilespmem:$0x1ED20] =	vst v54  }
0x3c7: {  	v20 =	vld [tilespmem:s23+$0xFFFFFFD0];
	v59 =	vunpack.i.l.bf16.f32 v13;
	[tilespmem:$0x1EE80] =	vst v56  }
0x3c8: {  	v62 =	vunpack.i.u.bf16.f32 v19;
	[tilespmem:$0x1EC20] =	vst v59  }
0x3c9: {  	v12 =	vunpack.i.l.bf16.f32 v15;
	[tilespmem:$0x1EB20] =	vst v62  }
0x3ca: {  	v13 =	vunpack.i.l.bf16.f32 v16;
	[tilespmem:$0x1EE60] =	vst v12  }
0x3cb: {  	v0 =	vld [tilespmem:s23+$0xF0];
	v14 =	vunpack.i.l.bf16.f32 v17;
	[tilespmem:$0x1EC80] =	vst v13  }
0x3cc: {  	v21 =	vld [tilespmem:s23+$0xC0];
	v15 =	vunpack.i.u.bf16.f32 v20;
	[tilespmem:$0x1ECE0] =	vst v14  }
0x3cd: {  	v22 =	vld [tilespmem:s18+$0xC0];
	v16 =	vunpack.i.u.bf16.f32 v24;
	[tilespmem:$0x1EB80] =	vst v15  }
0x3ce: {  	v2 =	vld [tilespmem:s23+$0x70];
	v17 =	vunpack.i.l.bf16.f32 v18;
	[tilespmem:$0x1EBE0] =	vst v16  }
0x3cf: {  	v32 =	vld [tilespmem:s23+$0x10];
	v18 =	vunpack.i.l.bf16.f32 v19;
	[tilespmem:$0x1EA80] =	vst v17  }
0x3d0: {  	v11 =	vld [tilespmem:s18+$0x60];
	v19 =	vunpack.i.u.bf16.f32 v23;
	[tilespmem:$0x1EAE0] =	vst v18  }
0x3d1: {  	v3 =	vld [tilespmem:s18+$0x70];
	v24 =	vunpack.i.u.bf16.f32 v21;
	[tilespmem:$0x1EC40] =	vst v19  }
0x3d2: {  	v1 =	vld [tilespmem:s18+$0xF0];
	v25 =	vunpack.i.u.bf16.f32 v22;
	[tilespmem:$0x1EE30] =	vst v24  }
0x3d3: {  	v6 =	vld [tilespmem:s23+$0xE0];
	v23 =	vunpack.i.u.bf16.f32 v26;
	[tilespmem:$0x1EE40] =	vst v25  }
0x3d4: {  	v26 =	vunpack.i.l.bf16.f32 v20;
	[tilespmem:$0x1ECA0] =	vst v23  }
0x3d5: {  	v35 =	vunpack.i.u.bf16.f32 v2;
	v61 =	vunpack.i.l.bf16.f32 v0;
	v51 =	vunpack.i.l.bf16.f32 v11;
	[tilespmem:$0x1EB40] =	vst v26  }
0x3d6: {  	v7 =	vld [tilespmem:s18+$0xE0];
	v57 =	vunpack.i.u.bf16.f32 v3;
	v56 =	vunpack.i.l.bf16.f32 v21;
	v21 =	vunpack.i.u.bf16.f32 v32;
	[tilespmem:$0x1EB60] =	vst v51  }
0x3d7: {  	v8 =	vld [tilespmem:s23+$0xFFFFFFA0];
	v36 =	vunpack.i.l.bf16.f32 v1;
	v32 =	vunpack.i.l.bf16.f32 v32;
	v20 =	vmul.f32 v57, v35;
	[tilespmem:$0x1E880] =	vst v21  }
0x3d8: {  	v38 =	vunpack.i.u.bf16.f32 v6;
	v28 =	vunpack.i.l.bf16.f32 v6;
	v6 =	vld [tilespmem:s23+$0x20];
	v41 =	vmul.f32 v36, v61;
	[tilespmem:$0x1E820] =	vst v32  }
0x3d9: {  	v46 =	vunpack.i.l.bf16.f32 v22;
	v39 =	vmul.f32 v51, v39;
	[tilespmem:$0x1EF40] =	vst v20  }
0x3da: {  	v51 =	vmul.f32 v46, v56;
	[tilespmem:$0x1EEC0] =	vst v41  }
0x3db: {  	v33 =	vunpack.i.u.bf16.f32 v7;
	v27 =	vunpack.i.l.bf16.f32 v7;
	v7 =	vld [tilespmem:s18+$0x20];
	[tilespmem:$0x1EEB0] =	vst v39  }
0x3dc: {  	v12 =	vld [tilespmem:s23+$0xFFFFFF20];
	v14 =	vunpack.i.u.bf16.f32 v8;
	[tilespmem:$0x1EE20] =	vst v51  }
0x3dd: {  	v30 =	vunpack.i.u.bf16.f32 v10;
	v29 =	vunpack.i.u.bf16.f32 v11;
	v16 =	vld [tilespmem:s18+$0xFFFFFF20];
	v19 =	vunpack.i.l.bf16.f32 v6;
	[tilespmem:$0x1E960] =	vst v14  }
0x3de: {  	v9 =	vld [tilespmem:s18+$0xFFFFFFA0];
	v20 =	vmul.f32 v29, v30;
	v15 =	vunpack.i.l.bf16.f32 v8;
	[tilespmem:$0x1E7C0] =	vst v19  }
0x3df: {  	[tilespmem:$0x1E920] =	vst v15  }
0x3e0: {  	v10 =	vld [tilespmem:s23+$0x90];
	[tilespmem:$0x1EED0] =	vst v20  }
0x3e1: {  	v34 =	vunpack.i.l.bf16.f32 v3;
	v3 =	vld [tilespmem:s18+$0x30];
	[tilespmem:$0x1E7D0] =	vst v12  }
0x3e2: {  	v22 =	vld [tilespmem:s18+$0xFFFFFF90];
	v44 =	vunpack.i.u.bf16.f32 v7;
	[tilespmem:$0x1E7E0] =	vst v16  }
0x3e3: {  	v31 =	vunpack.i.l.bf16.f32 v2;
	v2 =	vld [tilespmem:s23+$0x30];
	v13 =	vunpack.i.u.bf16.f32 v9;
	[tilespmem:$0x1E7B0] =	vst v44  }
0x3e4: {  	v48 =	vunpack.i.u.bf16.f32 v0;
	v60 =	vunpack.i.l.bf16.f32 v7;
	v7 =	vunpack.i.l.bf16.f32 v9;
	[tilespmem:$0x1E970] =	vst v13  }
0x3e5: {  	v4 =	vld [tilespmem:s23+$0xA0];
	v55 =	vunpack.i.u.bf16.f32 v1;
	v17 =	vunpack.i.u.bf16.f32 v10;
	[tilespmem:$0x1E930] =	vst v7;
	v9 =	vunpack.i.l.bf16.f32 v12  }
0x3e6: {  	v5 =	vld [tilespmem:s18+$0xA0];
	v50 =	vunpack.i.l.bf16.f32 v10;
	v42 =	vunpack.i.u.bf16.f32 v3;
	v8 =	vunpack.i.l.bf16.f32 v16;
	[tilespmem:$0x1E940] =	vst v9  }
0x3e7: {  	v63 =	vunpack.i.l.bf16.f32 v3;
	v3 =	vmul.f32 v34, v31;
	v10 =	vunpack.i.u.bf16.f32 v22;
	[tilespmem:$0x1E950] =	vst v8  }
0x3e8: {  	v0 =	vld [tilespmem:s23+$0xB0];
	v62 =	vunpack.i.l.bf16.f32 v2;
	v16 =	vmul.f32 v55, v48;
	[tilespmem:$0x1E8F0] =	vst v10  }
0x3e9: {  	v40 =	vunpack.i.u.bf16.f32 v6;
	v51 =	vmul.f32 v63, v62;
	[tilespmem:$0x1EF10] =	vst v3  }
0x3ea: {  	v44 =	vmul.f32 v44, v40;
	[tilespmem:$0x1EF00] =	vst v16  }
0x3eb: {  	v11 =	vld [tilespmem:s18+$0x90];
	v43 =	vunpack.i.l.bf16.f32 v4;
	v45 =	vunpack.i.l.bf16.f32 v5;
	v13 =	vmul.f32 v13, v14;
	[tilespmem:$0x1EDD0] =	vst v51  }
0x3ec: {  	v49 =	vunpack.i.u.bf16.f32 v2;
	v2 =	vld [tilespmem:s23+$0xFFFFFF90];
	v14 =	vmul.f32 v45, v43;
	[tilespmem:$0x1EDC0] =	vst v44  }
0x3ed: {  	v58 =	vunpack.i.u.bf16.f32 v0;
	v53 =	vunpack.i.l.bf16.f32 v0;
	v0 =	vld [tilespmem:s23+$0xFFFFFF10];
	v7 =	vmul.f32 v7, v15;
	[tilespmem:$0x1EDB0] =	vst v13  }
0x3ee: {  	v48 =	vmul.f32 v48, v48;
	[tilespmem:$0x1ED10] =	vst v14  }
0x3ef: {  	v3 =	vmul.f32 v42, v49;
	[tilespmem:$0x1ED70] =	vst v7  }
0x3f0: {  	v1 =	vld [tilespmem:s18+$0xB0];
	v59 =	vunpack.i.u.bf16.f32 v4;
	v54 =	vunpack.i.u.bf16.f32 v5;
	[tilespmem:$0x1EB50] =	vst v48  }
0x3f1: {  	v47 =	vunpack.i.u.bf16.f32 v11;
	v52 =	vunpack.i.l.bf16.f32 v11;
	v11 =	vunpack.i.u.bf16.f32 v2;
	[tilespmem:$0x1EDF0] =	vst v3  }
0x3f2: {  	v51 =	vmul.f32 v54, v59;
	v6 =	vunpack.i.u.bf16.f32 v0;
	[tilespmem:$0x1E8A0] =	vst v11  }
0x3f3: {  	v14 =	vmul.f32 v8, v9;
	[tilespmem:$0x1E900] =	vst v6  }
0x3f4: {  	v7 =	vmul.f32 v35, v35;
	[tilespmem:$0x1EDA0] =	vst v51  }
0x3f5: {  	v26 =	vunpack.i.u.bf16.f32 v1;
	v37 =	vunpack.i.l.bf16.f32 v1;
	v1 =	vld [tilespmem:s18+$0x10];
	v8 =	vmul.f32 v57, v57;
	[tilespmem:$0x1ED80] =	vst v14  }
0x3f6: {  	v9 =	vmul.f32 v61, v61;
	[tilespmem:$0x1EC10] =	vst v7  }
0x3f7: {  	v57 =	vmul.f32 v31, v31;
	[tilespmem:$0x1EC70] =	vst v8  }
0x3f8: {  	v61 =	vmul.f32 v34, v34;
	[tilespmem:$0x1EB10] =	vst v9  }
0x3f9: {  	[tilespmem:$0x1EBD0] =	vst v57  }
0x3fa: {  	v18 =	vunpack.i.u.bf16.f32 v1;
	[tilespmem:$0x1EC30] =	vst v61  }
0x3fb: {  	v23 =	vunpack.i.l.bf16.f32 v1;
	v51 =	vunpack.i.l.bf16.f32 v22;
	v22 =	vmul.f32 v60, v19;
	[tilespmem:$0x1E890] =	vst v18  }
0x3fc: {  	v61 =	vmul.f32 v29, v29;
	[tilespmem:$0x1E830] =	vst v23  }
0x3fd: {  	v16 =	vmov v33;
	v29 =	vmul.f32 v27, v27;
	[tilespmem:$0x1ED50] =	vst v22  }
0x3fe: {  	v12 =	vmul.f32 v16, v38;
	[tilespmem:$0x1EBF0] =	vst v61  }
0x3ff: {  	v4 =	vld [tilespmem:s23+$0x80];
	v33 =	vmov v38;
	v38 =	vmul.f32 v27, v28;
	[tilespmem:$0x1EAF0] =	vst v29  }
0x400: {  	v5 =	vld [tilespmem:s18+$0x80];
	v13 =	vmul.f32 v18, v21;
	[tilespmem:$0x1EEA0] =	vst v12  }
0x401: {  	v18 =	vmul.f32 v52, v50;
	[tilespmem:$0x1EE90] =	vst v38  }
0x402: {  	v21 =	vmul.f32 v10, v11;
	[tilespmem:$0x1E8B0] =	vst v13  }
0x403: {  	v35 =	vld [tilespmem:$0x1EF50];
	v22 =	vmul.f32 v23, v32;
	[tilespmem:$0x1E850] =	vst v18  }
0x404: {  	v41 =	vunpack.i.u.bf16.f32 v4;
	v20 =	vunpack.i.l.bf16.f32 v4;
	v1 =	vld [tilespmem:s18+$0xFFFFFF10];
	v12 =	vmul.f32 v26, v58;
	[tilespmem:$0x1E8E0] =	vst v21  }
0x405: {  	v4 =	vld [tilespmem:s23+$0x0];
	v39 =	vunpack.i.u.bf16.f32 v5;
	v38 =	vunpack.i.l.bf16.f32 v5;
	v5 =	vmul.f32 v47, v17;
	[tilespmem:$0x1E840] =	vst v22  }
0x406: {  	v44 =	vunpack.i.l.bf16.f32 v2;
	v2 =	vld [tilespmem:s23+$0xFFFFFF80];
	v19 =	vmov v47;
	v47 =	vmul.f32 v39, v41;
	[tilespmem:$0x1EE10] =	vst v12  }
0x407: {  	v18 =	vmul.f32 v36, v36;
	[tilespmem:$0x1E8C0] =	vst v5  }
0x408: {  	[tilespmem:$0x1E800] =	vst v47  }
0x409: {  	v23 =	vmul.f32 v38, v20;
	v3 =	vunpack.i.u.bf16.f32 v1;
	[tilespmem:$0x1EB70] =	vst v18  }
0x40a: {  	v15 =	vunpack.i.u.bf16.f32 v4;
	v13 =	vunpack.i.l.bf16.f32 v4;
	v4 =	vmul.f32 v55, v55;
	[tilespmem:$0x1E910] =	vst v3  }
0x40b: {  	v11 =	vunpack.i.u.bf16.f32 v2;
	v10 =	vunpack.i.l.bf16.f32 v2;
	v2 =	vmul.f32 v35, v35;
	[tilespmem:$0x1E7F0] =	vst v23  }
0x40c: {  	v35 =	vmul.f32 v30, v30;
	[tilespmem:$0x1EBB0] =	vst v4  }
0x40d: {  	v32 =	vld [tilespmem:s18+$0xFFFFFF80];
	v12 =	vmul.f32 v37, v53;
	[tilespmem:$0x1ECD0] =	vst v2  }
0x40e: {  	v36 =	vld [tilespmem:$0x1EF60];
	v18 =	vmul.f32 v16, v16;
	[tilespmem:$0x1EB90] =	vst v35  }
0x40f: {  	v22 =	vunpack.i.l.bf16.f32 v1;
	v1 =	vld [tilespmem:s18+$0xFFFFFF00];
	v16 =	vmul.f32 v28, v28;
	[tilespmem:$0x1EDE0] =	vst v12  }
0x410: {  	v47 =	vld [tilespmem:s23+$0x40];
	v5 =	vmul.f32 v3, v6;
	[tilespmem:$0x1EB30] =	vst v18  }
0x411: {  	v23 =	vunpack.i.l.bf16.f32 v0;
	v0 =	vld [tilespmem:s23+$0xFFFFFF00];
	v6 =	vmul.f32 v51, v44;
	[tilespmem:$0x1EA90] =	vst v16  }
0x412: {  	v2 =	vld [tilespmem:s18+$0x40];
	v8 =	vunpack.i.l.bf16.f32 v32;
	v21 =	vmul.f32 v22, v23;
	[tilespmem:$0x1E8D0] =	vst v5  }
0x413: {  	v3 =	vld [tilespmem:s23+$0xFFFFFFC0];
	v7 =	vunpack.i.u.bf16.f32 v32;
	[tilespmem:$0x1E870] =	vst v6;
	v32 =	vmul.f32 v8, v10  }
0x414: {  	v31 =	vld [tilespmem:$0x1EF20];
	v6 =	vmul.f32 v33, v33;
	[tilespmem:$0x1E860] =	vst v21  }
0x415: {  	v35 =	vld [tilespmem:$0x1EE50];
	[tilespmem:$0x1E810] =	vst v32;
	v32 =	vmul.f32 v7, v11  }
0x416: {  	v12 =	vld [tilespmem:s18+$0x0];
	v5 =	vunpack.i.l.bf16.f32 v1;
	[tilespmem:$0x1EAD0] =	vst v6;
	v34 =	vunpack.i.u.bf16.f32 v47;
	v9 =	vunpack.i.u.bf16.f32 v0  }
0x417: {  	v21 =	vld [tilespmem:$0x1E780];
	v4 =	vunpack.i.l.bf16.f32 v0;
	v0 =	vmul.f32 v36, v36;
	[tilespmem:$0x1E9F0] =	vst v34;
	v36 =	vunpack.i.u.bf16.f32 v2  }
0x418: {  	v33 =	vld [tilespmem:$0x1EF30];
	v6 =	vunpack.i.u.bf16.f32 v1;
	v11 =	vmul.f32 v11, v11;
	v34 =	vunpack.i.u.bf16.f32 v3;
	[tilespmem:$0x1EA00] =	vst v36  }
0x419: {  	v61 =	vld [tilespmem:s23+$0xFFFFFF40];
	v2 =	vunpack.i.l.bf16.f32 v2;
	v57 =	vmul.f32 v5, v4;
	v18 =	vmul.f32 v6, v9;
	[tilespmem:$0x1EA20] =	vst v34  }
0x41a: {  	v29 =	vld [tilespmem:$0x1EE60];
	v36 =	vmul.f32 v35, v35;
	v34 =	vmul.f32 v25, v25;
	[tilespmem:$0x1E9A0] =	vst v2  }
0x41b: {  	v16 =	vld [tilespmem:$0x1EE80];
	v14 =	vunpack.i.u.bf16.f32 v12;
	v2 =	vmul.f32 v19, v19;
	v4 =	vmul.f32 v4, v4;
	[tilespmem:$0x1ED30] =	vst v0  }
0x41c: {  	v9 =	vmul.f32 v9, v9;
	v5 =	vmul.f32 v5, v5;
	v0 =	vunpack.i.l.bf16.f32 v21;
	v21 =	vld [tilespmem:$0x1E790];
	[tilespmem:$0x1EA10] =	vst v36  }
0x41d: {  	v28 =	vld [tilespmem:$0x1EEE0];
	v12 =	vunpack.i.l.bf16.f32 v12;
	v6 =	vmul.f32 v6, v6;
	v1 =	vmul.f32 v33, v33;
	[tilespmem:$0x1EA30] =	vst v34  }
0x41e: {  	v30 =	vld [tilespmem:$0x1E7A0];
	v55 =	vmul.f32 v12, v13;
	[tilespmem:$0x1EBA0] =	vst v0;
	v0 =	vmul.f32 v31, v31  }
0x41f: {  	v48 =	vmul.f32 v14, v15;
	v12 =	vmul.f32 v12, v12;
	v18 =	vadd.f32 v57, v18;
	v57 =	vld [tilespmem:$0x1E830];
	[tilespmem:$0x1ECF0] =	vst v1  }
0x420: {  	v14 =	vmul.f32 v14, v14;
	v36 =	vmul.f32 v46, v46;
	v46 =	vunpack.i.u.bf16.f32 v61;
	[tilespmem:$0x1EC90] =	vst v0;
	v0 =	vld [tilespmem:s18+$0xFFFFFFC0]  }
0x421: {  	v34 =	vmul.f32 v49, v49;
	v31 =	vld [tilespmem:$0x1EEF0];
	[tilespmem:$0x1EA60] =	vst v46;
	v1 =	vunpack.i.l.bf16.f32 v21;
	v21 =	vmul.f32 v16, v16  }
0x422: {  	v25 =	vld [tilespmem:s18+$0xFFFFFFB0];
	v49 =	vmul.f32 v42, v42;
	v42 =	vunpack.i.l.bf16.f32 v3;
	[tilespmem:$0x1EC00] =	vst v1;
	v1 =	vmul.f32 v28, v28  }
0x423: {  	v33 =	vld [tilespmem:$0x1EE70];
	v5 =	vadd.f32 v5, v6;
	v46 =	vmul.f32 v62, v62;
	v28 =	vmul.f32 v24, v24;
	[tilespmem:$0x1EAB0] =	vst v21  }
0x424: {  	v3 =	vld [tilespmem:s23+$0xFFFFFF30];
	v48 =	vadd.f32 v55, v48;
	v6 =	vmul.f32 v57, v57;
	v24 =	vmul.f32 v59, v59;
	[tilespmem:$0x1EC50] =	vst v1  }
0x425: {  	v16 =	vld [tilespmem:s23+$0xFFFFFFB0];
	v21 =	vmul.f32 v60, v60;
	v1 =	vunpack.i.l.bf16.f32 v30;
	v27 =	vunpack.i.u.bf16.f32 v0;
	[tilespmem:$0x1E9E0] =	vst v28  }
0x426: {  	v55 =	vld [tilespmem:$0x1E7F0];
	v30 =	vmul.f32 v29, v29;
	[tilespmem:$0x1EC60] =	vst v1;
	v1 =	vmul.f32 v31, v31;
	v31 =	vunpack.i.l.bf16.f32 v47  }
0x427: {  	v57 =	vld [tilespmem:$0x1E8A0];
	v28 =	vmul.f32 v52, v52;
	[tilespmem:$0x1EA40] =	vst v27;
	v35 =	vmul.f32 v31, v31  }
0x428: {  	v60 =	vld [tilespmem:$0x1E800];
	v47 =	vmul.f32 v58, v58;
	[tilespmem:$0x1ECB0] =	vst v1;
	v1 =	vmul.f32 v33, v33  }
0x429: {  	v12 =	vadd.f32 v12, v14;
	v27 =	vmul.f32 v50, v50;
	[tilespmem:$0x1E9D0] =	vst v35;
	v35 =	vmul.f32 v40, v40;
	v40 =	vld [tilespmem:$0x1E7B0]  }
0x42a: {  	v29 =	vunpack.i.u.bf16.f32 v16;
	v59 =	vunpack.i.l.bf16.f32 v16;
	v16 =	vmul.f32 v38, v38;
	[tilespmem:$0x1EA50] =	vst v1;
	v1 =	vld [tilespmem:s18+$0xFFFFFF40]  }
0x42b: {  	v12 =	vadd.f32 v6, v12;
	v6 =	vld [tilespmem:$0x1E8B0];
	v33 =	vmul.f32 v56, v56;
	v56 =	vmul.f32 v26, v26  }
0x42c: {  	v4 =	vadd.f32 v4, v9;
	v52 =	vld [tilespmem:$0x1E7D0];
	[tilespmem:$0x1E980] =	vst v47;
	v47 =	vmul.f32 v37, v37;
	v37 =	vmul.f32 v17, v17  }
0x42d: {  	[tilespmem:$0x1EE00] =	vst v31;
	v31 =	vunpack.i.l.bf16.f32 v0;
	v0 =	vld [tilespmem:s18+$0xFFFFFF30];
	v17 =	vmul.f32 v20, v20;
	v20 =	vmul.f32 v41, v41  }
0x42e: {  	[tilespmem:$0x1EA70] =	vst v30;
	v26 =	vunpack.i.l.bf16.f32 v3;
	v30 =	vmul.f32 v40, v40;
	v40 =	vmul.f32 v45, v45;
	v45 =	vld [tilespmem:$0x1E7C0]  }
0x42f: {  	v38 =	vld [tilespmem:$0x1E860];
	v50 =	vadd.f32 v55, v60;
	v58 =	vunpack.i.u.bf16.f32 v1;
	v62 =	vunpack.i.l.bf16.f32 v1  }
0x430: {  	v1 =	vmul.f32 v39, v39;
	[tilespmem:$0x1EAA0] =	vst v58;
	v58 =	vunpack.i.l.bf16.f32 v61;
	v61 =	vmul.f32 v54, v54;
	v54 =	vld [tilespmem:$0x1E7E0]  }
0x431: {  	v60 =	vmul.f32 v44, v44;
	v44 =	vmul.f32 v23, v23;
	v17 =	vadd.f32 v17, v20;
	v20 =	vld [tilespmem:$0x1E850]  }
0x432: {  	v41 =	vmul.f32 v51, v51;
	[tilespmem:$0x1E990] =	vst v56;
	v56 =	vmul.f32 v53, v53;
	v1 =	vadd.f32 v16, v1;
	v16 =	vld [tilespmem:$0x1E840]  }
0x433: {  	[tilespmem:$0x1E9B0] =	vst v33;
	v51 =	vadd.f32 v44, v4;
	v44 =	vld [tilespmem:$0x1E920];
	v53 =	vunpack.i.u.bf16.f32 v0;
	v33 =	vmul.f32 v45, v45  }
0x434: {  	v45 =	vunpack.i.u.bf16.f32 v3;
	v3 =	vmul.f32 v13, v13;
	v13 =	vunpack.i.u.bf16.f32 v52;
	v52 =	vld [tilespmem:$0x1E810]  }
0x435: {  	v19 =	vunpack.i.l.bf16.f32 v0;
	v0 =	vmul.f32 v10, v10;
	v10 =	vunpack.i.u.bf16.f32 v54;
	v54 =	vld [tilespmem:$0x1E820]  }
0x436: {  	v39 =	vld [tilespmem:$0x1E870]  }
0x437: {  	v8 =	vmul.f32 v8, v8;
	v0 =	vadd.f32 v0, v11;
	v11 =	vadd.f32 v16, v48;
	v48 =	vld [tilespmem:$0x1E880]  }
0x438: {  	v7 =	vmul.f32 v7, v7;
	v15 =	vmul.f32 v15, v15;
	v17 =	vadd.f32 v27, v17;
	v27 =	vld [tilespmem:$0x1E8E0]  }
0x439: {  	v1 =	vadd.f32 v28, v1;
	v28 =	vld [tilespmem:$0x1E8F0];
	v32 =	vadd.f32 v52, v32  }
0x43a: {  	v7 =	vadd.f32 v8, v7;
	v3 =	vadd.f32 v3, v15;
	v8 =	vmul.f32 v54, v54;
	v54 =	vld [tilespmem:$0x1E890]  }
0x43b: {  	v16 =	vadd.f32 v39, v32;
	v39 =	vld [tilespmem:$0x1E910]  }
0x43c: {  	v14 =	vadd.f32 v20, v50;
	v32 =	vld [tilespmem:$0x1E900];
	v50 =	vmul.f32 v48, v48;
	v8 =	vadd.f32 v8, v3  }
0x43d: {  	v3 =	vadd.f32 v11, v6;
	v11 =	vld [tilespmem:$0x1E8C0]  }
0x43e: {  	v8 =	vadd.f32 v8, v50;
	v50 =	vld [tilespmem:$0x1E930]  }
0x43f: {  	v22 =	vmul.f32 v22, v22;
	v55 =	vmul.f32 v54, v54;
	v54 =	vld [tilespmem:$0x1E960]  }
0x440: {  	v7 =	vadd.f32 v41, v7;
	v1 =	vadd.f32 v1, v2;
	v2 =	vmul.f32 v39, v39;
	v39 =	vld [tilespmem:$0x1E990]  }
0x441: {  	v52 =	vadd.f32 v22, v5;
	v8 =	vadd.f32 v33, v8;
	v33 =	vld [tilespmem:$0x1EA80]  }
0x442: {  	v1 =	vadd.f32 v40, v1;
	v6 =	vadd.f32 v14, v11;
	v14 =	vld [tilespmem:$0x1E8D0]  }
0x443: {  	v0 =	vadd.f32 v60, v0;
	v2 =	vadd.f32 v52, v2;
	v52 =	vld [tilespmem:$0x1E950]  }
0x444: {  	v1 =	vadd.f32 v1, v61;
	v11 =	vmul.f32 v28, v28;
	v41 =	vadd.f32 v12, v55;
	v55 =	vld [tilespmem:$0x1E970]  }
0x445: {  	v43 =	vmul.f32 v43, v43;
	v15 =	vadd.f32 v38, v18;
	v28 =	vld [tilespmem:$0x1EBE0];
	v8 =	vadd.f32 v8, v35  }
0x446: {  	[tilespmem:$0x1E9C0] =	vst v36;
	v1 =	vadd.f32 v47, v1;
	v7 =	vadd.f32 v7, v11;
	v11 =	vmul.f32 v44, v44;
	v44 =	vld [tilespmem:$0x1E9B0]  }
0x447: {  	v60 =	vmul.f32 v57, v57;
	v9 =	vadd.f32 v21, v41;
	v8 =	vadd.f32 v46, v8;
	v46 =	vld [tilespmem:$0x1E9C0]  }
0x448: {  	v36 =	vunpack.i.u.bf16.f32 v25;
	v38 =	vadd.f32 v17, v37;
	v1 =	vadd.f32 v1, v39;
	v39 =	vld [tilespmem:$0x1EAF0]  }
0x449: {  	v23 =	vmul.f32 v29, v29;
	v0 =	vadd.f32 v0, v60;
	v9 =	vadd.f32 v9, v30;
	v30 =	vld [tilespmem:$0x1EAC0]  }
0x44a: {  	v37 =	vmul.f32 v45, v45;
	v4 =	vadd.f32 v15, v14;
	v15 =	vadd.f32 v43, v38;
	v38 =	vld [tilespmem:$0x1E980]  }
0x44b: {  	v0 =	vadd.f32 v11, v0;
	v11 =	vmul.f32 v54, v54;
	v17 =	vmul.f32 v52, v52;
	v52 =	vld [tilespmem:$0x1E9E0]  }
0x44c: {  	v60 =	vmul.f32 v10, v10;
	v14 =	vmul.f32 v32, v32;
	v8 =	vadd.f32 v8, v34;
	v34 =	vld [tilespmem:$0x1EAB0]  }
0x44d: {  	v61 =	vmul.f32 v59, v59;
	v5 =	vadd.f32 v16, v27;
	v32 =	vld [tilespmem:$0x1EB40];
	v0 =	vadd.f32 v0, v11  }
0x44e: {  	v43 =	vmul.f32 v31, v31;
	v48 =	vadd.f32 v51, v14;
	v51 =	vld [tilespmem:$0x1E940];
	v2 =	vadd.f32 v17, v2  }
0x44f: {  	v14 =	vmul.f32 v50, v50;
	v15 =	vadd.f32 v15, v24;
	v50 =	vmovc v31;
	v31 =	vld [tilespmem:$0x1EB20];
	v0 =	vadd.f32 v61, v0  }
0x450: {  	v22 =	vmul.f32 v19, v19;
	v1 =	vadd.f32 v46, v1;
	v46 =	vld [tilespmem:$0x1EA20];
	v2 =	vadd.f32 v2, v60  }
0x451: {  	v54 =	vmovc v42;
	v42 =	vmul.f32 v42, v42;
	v61 =	vld [tilespmem:$0x1EA30];
	v7 =	vadd.f32 v14, v7;
	v15 =	vadd.f32 v56, v15  }
0x452: {  	v14 =	vmul.f32 v55, v55;
	v0 =	vadd.f32 v0, v23;
	v2 =	vadd.f32 v22, v2;
	v22 =	vld [tilespmem:$0x1EA70]  }
0x453: {  	v25 =	vunpack.i.l.bf16.f32 v25;
	v15 =	vadd.f32 v15, v38;
	v16 =	vmul.f32 v51, v51;
	v51 =	vmovc v29;
	v29 =	vmovc v45;
	v45 =	vld [tilespmem:$0x1E9A0]  }
0x454: {  	v20 =	vmul.f32 v25, v25;
	v7 =	vadd.f32 v7, v14;
	v0 =	vadd.f32 v42, v0;
	v42 =	vld [tilespmem:$0x1E9F0]  }
0x455: {  	v40 =	vmul.f32 v53, v53;
	v15 =	vadd.f32 v44, v15;
	v44 =	vld [tilespmem:$0x1EA00]  }
0x456: {  	v7 =	vadd.f32 v20, v7;
	v20 =	vld [tilespmem:$0x1EA50]  }
0x457: {  	v35 =	vmov v36;
	v2 =	vadd.f32 v2, v40;
	v40 =	vld [tilespmem:$0x1EB00]  }
0x458: {  	v59 =	vmul.f32 v25, v59;
	v25 =	vmul.f32 v35, v51;
	v35 =	vld [tilespmem:$0x1EDE0]  }
0x459: {  	v24 =	vmul.f32 v36, v36;
	v12 =	vadd.f32 v16, v48;
	v48 =	vld [tilespmem:$0x1E9D0]  }
0x45a: {  	v16 =	vld [tilespmem:$0x1ECB0]  }
0x45b: {  	v63 =	vmul.f32 v63, v63;
	v60 =	vmul.f32 v46, v46;
	v7 =	vadd.f32 v7, v24;
	v24 =	vld [tilespmem:$0x1EA90]  }
0x45c: {  	v57 =	vmul.f32 v13, v13;
	v1 =	vadd.f32 v1, v61;
	v14 =	vadd.f32 v15, v52;
	v52 =	vld [tilespmem:$0x1EB30]  }
0x45d: {  	v9 =	vadd.f32 v63, v9;
	v0 =	vadd.f32 v0, v60;
	v60 =	vld [tilespmem:$0x1EB70]  }
0x45e: {  	v12 =	vadd.f32 v12, v57;
	v57 =	vld [tilespmem:$0x1EA10];
	v1 =	vadd.f32 v22, v1  }
0x45f: {  	v21 =	vmul.f32 v26, v26;
	v7 =	vadd.f32 v43, v7;
	v43 =	vld [tilespmem:$0x1EAA0]  }
0x460: {  	v9 =	vadd.f32 v9, v49;
	v41 =	vmul.f32 v45, v45;
	v1 =	vadd.f32 v1, v34;
	v34 =	vld [tilespmem:$0x1EAE0]  }
0x461: {  	v15 =	vmul.f32 v40, v40;
	v40 =	vld [tilespmem:$0x1EC10]  }
0x462: {  	v12 =	vadd.f32 v21, v12;
	v9 =	vadd.f32 v41, v9;
	v41 =	vld [tilespmem:$0x1EA60]  }
0x463: {  	v56 =	vmul.f32 v44, v44;
	v8 =	vadd.f32 v48, v8;
	v48 =	vld [tilespmem:$0x1EB10]  }
0x464: {  	v55 =	vmul.f32 v42, v42;
	v12 =	vadd.f32 v12, v37;
	v37 =	vld [tilespmem:$0x1EAD0]  }
0x465: {  	v47 =	vmul.f32 v58, v58;
	v49 =	vmul.f32 v62, v62;
	v9 =	vadd.f32 v9, v56;
	v56 =	vld [tilespmem:$0x1EB50]  }
0x466: {  	v23 =	vmul.f32 v33, v33;
	v14 =	vadd.f32 v57, v14;
	v8 =	vadd.f32 v8, v55;
	v57 =	vld [tilespmem:$0x1EB60]  }
0x467: {  	v55 =	vmul.f32 v32, v32;
	v12 =	vadd.f32 v47, v12;
	v47 =	vld [tilespmem:$0x1EA40]  }
0x468: {  	v2 =	vadd.f32 v49, v2;
	v8 =	vadd.f32 v23, v8;
	v23 =	vld [tilespmem:$0x1EBD0];
	v21 =	vmul.f32 v41, v41  }
0x469: {  	v1 =	vadd.f32 v39, v1;
	v0 =	vadd.f32 v55, v0;
	v55 =	vld [tilespmem:$0x1EC50]  }
0x46a: {  	v27 =	vmul.f32 v43, v43;
	v11 =	vadd.f32 v14, v20;
	v12 =	vadd.f32 v12, v21;
	v21 =	vld [tilespmem:$0x1EBB0]  }
0x46b: {  	v1 =	vadd.f32 v1, v52;
	v38 =	vmul.f32 v34, v34;
	v20 =	vld [tilespmem:$0x1ECE0]  }
0x46c: {  	v36 =	vmul.f32 v30, v30;
	v2 =	vadd.f32 v2, v27;
	v27 =	vld [tilespmem:$0x1EB80];
	v11 =	vadd.f32 v24, v11  }
0x46d: {  	v1 =	vadd.f32 v60, v1;
	v9 =	vadd.f32 v38, v9;
	v38 =	vld [tilespmem:$0x1EBF0]  }
0x46e: {  	v8 =	vadd.f32 v8, v36;
	v36 =	vld [tilespmem:$0x1EC00];
	v11 =	vadd.f32 v11, v37  }
0x46f: {  	v1 =	vadd.f32 v1, v21;
	v21 =	vld [tilespmem:$0x1EBC0]  }
0x470: {  	v14 =	vmul.f32 v57, v57;
	v57 =	vld [tilespmem:$0x1EC70];
	v63 =	vmul.f32 v47, v47;
	v11 =	vadd.f32 v48, v11  }
0x471: {  	v49 =	vmul.f32 v31, v31;
	v37 =	vld [tilespmem:$0x1EBA0]  }
0x472: {  	v7 =	vadd.f32 v7, v63;
	v61 =	vmul.f32 v27, v27;
	v63 =	vld [tilespmem:$0x1EB90];
	v11 =	vadd.f32 v11, v56  }
0x473: {  	v9 =	vadd.f32 v9, v49;
	v49 =	vld [tilespmem:$0x1EC30]  }
0x474: {  	v8 =	vadd.f32 v15, v8;
	v15 =	vld [tilespmem:$0x1ED60];
	v0 =	vadd.f32 v0, v61;
	(xrf2) =	vadd.scan.msk.f32 $0xffff, v11;
	v22 =	vmul.f32 v21, v21  }
0x475: {  	v9 =	vadd.f32 v14, v9;
	v14 =	vld [tilespmem:$0x1ED00];
	(xrf2) =	vadd.scan.msk.f32 $0xffff, v1  }
0x476: {  	v18 =	vmul.f32 v37, v37;
	v0 =	vadd.f32 v22, v0;
	v22 =	vld [tilespmem:$0x1EC20]  }
0x477: {  	v39 =	vmul.f32 v36, v36;
	v61 =	vld [tilespmem:$0x1EC90];
	v8 =	vadd.f32 v8, v63  }
0x478: {  	v9 =	vadd.f32 v9, v38;
	v38 =	vld [tilespmem:$0x1ECD0];
	v7 =	vadd.f32 v18, v7  }
0x479: {  	v24 =	vmul.f32 v28, v28;
	v1 =	vadd.f32 v39, v12;
	v39 =	vld [tilespmem:$0x1EC60];
	v8 =	vadd.f32 v23, v8  }
0x47a: {  	v18 =	vld [tilespmem:$0x1EC80]  }
0x47b: {  	v7 =	vadd.f32 v7, v24;
	v23 =	vld [tilespmem:$0x1EC40];
	v8 =	vadd.f32 v8, v40;
	v48 =	vmul.f32 v22, v22  }
0x47c: {  	v9 =	vadd.f32 v49, v9;
	v12 =	vld [tilespmem:$0x1ED40]  }
0x47d: {  	v24 =	vld [tilespmem:$0x1ECA0];
	v7 =	vadd.f32 v48, v7  }
0x47e: {  	v9 =	vadd.f32 v9, v57;
	v0 =	vadd.f32 v0, v55;
	v11, _, _ =	vpop (xrf2);
	v48 =	vld [tilespmem:$0x1ECF0]  }
0x47f: {  	(xrf2) =	vadd.scan.msk.f32 $0xffff, v8;
	v8, _, _ =	vpop (xrf2);
	(v2sf) =	vpush v11, $0xF;
	v7 =	vadd.f32 v7, v16;
	v16 =	vld [tilespmem:$0x1ECC0]  }
0x480: {  	v57 =	vld [tilespmem:$0x1ED30];
	v56 =	vmul.f32 v39, v39;
	v52 =	vmul.f32 v23, v23;
	(v2sf) =	vpush v8, $0xF  }
0x481: {  	v60 =	vmul.f32 v18, v18;
	v0 =	vadd.f32 v61, v0;
	v61 =	vld [tilespmem:$0x1ED50]  }
0x482: {  	v2 =	vadd.f32 v56, v2;
	v63 =	vmul.f32 v24, v24;
	(xrf2) =	vadd.scan.msk.f32 $0xffff, v9;
	v1 =	vadd.f32 v1, v52;
	v52 =	vld [tilespmem:$0x1ED10]  }
0x483: {  	v0 =	vadd.f32 v0, v38;
	v38 =	vmul.f32 v53, v29;
	v53 =	vmul.f32 v50, v54;
	v54 =	vld [tilespmem:$0x1EE20]  }
0x484: {  	v11 =	vld [tilespmem:$0x1EE80];
	v1 =	vadd.f32 v60, v1;
	v7 =	vadd.f32 v48, v7;
	v17 =	vmul.f32 v16, v16  }
0x485: {  	v2 =	vadd.f32 v2, v63;
	v50 =	vld [tilespmem:$0x1EF10];
	(xrf2) =	vadd.scan.msk.f32 $0xffff, v0  }
0x486: {  	v40 =	vmul.f32 v20, v20;
	v7 =	vadd.f32 v7, v57;
	v1 =	vadd.f32 v1, v17;
	v17 =	vld [tilespmem:$0x1ED20]  }
0x487: {  	v48 =	vld [tilespmem:$0x1ED70]  }
0x488: {  	s1 =	sadd.f32 s3, s30;
	v49 =	vmul.f32 v14, v14;
	v55 =	vadd.f32 v40, v2;
	v40 =	vld [tilespmem:$0x1EDF0];
	(xrf2) =	vadd.scan.msk.f32 $0xffff, v7  }
0x489: {  	s0 =	simm.s32 @!p0 $0x0;
	v60 =	vmul.f32 v12, v12;
	v57 =	vld [tilespmem:$0x1EDB0]  }
0x48a: {  	s15 =	simm.s32 @!p0 $0x0;
	s0 =	sadd.f32 s0, s1;
	v6 =	vadd.f32 v52, v6;
	v52 =	vmul.f32 v10, v13;
	v13 =	vld [tilespmem:$0x1ED90];
	v9, _, _ =	vpop (xrf2);
	v1 =	vadd.f32 v49, v1  }
0x48b: {  	s2 =	sadd.f32 s15, s25;
	s14 =	simm.s32 @!p0 $0x0;
	(v2sf) =	vpush v9, $0xF;
	v49 =	vld [tilespmem:$0x1ED80];
	v56 =	vmul.f32 v17, v17  }
0x48c: {  	s13 =	simm.s32 @!p0 $0x0;
	s0 =	sadd.f32 s14, s0;
	v2, _, _ =	vpop (xrf2);
	v5 =	vadd.f32 v48, v5;
	v1 =	vadd.f32 v1, v60;
	v60 =	vld [tilespmem:$0x1EDC0]  }
0x48d: {  	s12 =	simm.s32 @!p0 $0x0;
	s17 =	sadd.f32 s13, s2;
	v63 =	vmul.f32 v15, v15;
	(v2sf) =	vpush v2, $0xF;
	v0 =	vadd.f32 v55, v56;
	v56 =	vld [tilespmem:$0x1EDA0]  }
0x48e: {  	s11 =	simm.s32 @!p0 $0x0;
	s30 =	sadd.f32 s12, s0;
	v3 =	vadd.f32 v61, v3;
	v9 =	vld [tilespmem:$0x1EE70];
	v5 =	vadd.f32 v5, v57;
	s0 =	spop (v2sf)  }
0x48f: {  	s1 =	sadd.f32 s11, s17;
	v51, _, _ =	vpop (xrf2);
	s4 =	spop (v2sf);
	v55 =	vmul.f32 v13, v13;
	v0 =	vadd.f32 v63, v0;
	v63 =	vmul.f32 v19, v26;
	v26 =	vld [tilespmem:$0x1EDD0]  }
0x490: {  	s10 =	simm.s32 @!p0 $0x0;
	v48 =	vld [tilespmem:$0x1EE00];
	(v2sf) =	vpush v51, $0xF;
	v5 =	vadd.f32 v59, v5;
	s19 =	smax.f32 s0, $1.000000020e-16;
	s6 =	smax.f32 s4, $1.000000020e-16  }
0x491: {  	s25 =	sadd.f32 s10, s1;
	(xrf2) =	vadd.scan.msk.f32 $0xffff, v1;
	v4 =	vadd.f32 v49, v4;
	v49 =	vld [tilespmem:$0x1EE10];
	s1 =	smul.f32 s6, s19;
	v0 =	vadd.f32 v0, v55  }
0x492: {  	v3 =	vadd.f32 v3, v60;
	v59, _, _ =	vpop (xrf2);
	v55 =	vld [tilespmem:$0x1EE30];
	v6 =	vadd.f32 v6, v56  }
0x493: {  	v61 =	vadd.f32 v4, v52;
	s14 =	smul.f32 $5.000000000e-01, s1;
	s1 =	sshra.s32 s1, $0x1;
	(v2sf) =	vpush v59, $0xF;
	v56 =	vld [tilespmem:$0x1EE40];
	(xrf2) =	vadd.scan.msk.f32 $0xffff, v0  }
0x494: {  	v60 =	vld [tilespmem:$0x1EE50];
	s1 =	ssub.s32 $0x5F3759DF, s1;
	v3 =	vadd.f32 v26, v3;
	v6 =	vadd.f32 v35, v6  }
0x495: {  	v29 =	vmul.f32 v31, v30;
	v1 =	vadd.f32 v63, v61;
	v61 =	vld [tilespmem:$0x1EE60];
	s19 =	smul.f32 s1, s14  }
0x496: {  	v51 =	vld [tilespmem:$0x1EF20];
	v0 =	vadd.f32 v3, v40;
	v3 =	vmul.f32 v45, v48;
	v6 =	vadd.f32 v6, v49  }
0x497: {  	v30 =	vmul.f32 v62, v58;
	v52 =	vadd.f32 v5, v25;
	v63 =	vmul.f32 v47, v46;
	v46 =	vld [tilespmem:$0x1EEE0];
	s19 =	smul.f32 s1, s19  }
0x498: {  	v47 =	vld [tilespmem:$0x1EEF0];
	v0 =	vadd.f32 v3, v0;
	v3 =	vadd.f32 v54, v6;
	v6 =	vmul.f32 v56, v55  }
0x499: {  	v57 =	vmul.f32 v44, v42;
	v5 =	vmul.f32 v11, v9;
	v4 =	vadd.f32 v53, v52;
	v52 =	vld [tilespmem:$0x1EF30];
	s19 =	ssub.f32 $1.500000000e+00, s19  }
0x49a: {  	v1 =	vadd.f32 v1, v38;
	v38 =	vld [tilespmem:$0x1EEA0];
	v3 =	vadd.f32 v3, v6;
	v6 =	vmul.f32 v61, v60  }
0x49b: {  	s2 =	spop (v2sf);
	v25 =	vadd.f32 v4, v63;
	v26 =	vmul.f32 v34, v33;
	v34 =	vld [tilespmem:$0x1EE90];
	v19, _, _ =	vpop (xrf2);
	s1 =	smul.f32 s1, s19;
	v0 =	vadd.f32 v0, v57  }
0x49c: {  	s11 =	spop (v2sf);
	s5 =	smax.f32 s2, $1.000000020e-16;
	v35 =	vmul.f32 v43, v41;
	v41 =	vld [tilespmem:$0x1EEB0];
	(v2sf) =	vpush v19, $0xF;
	v3 =	vadd.f32 v6, v3  }
0x49d: {  	v33 =	vmul.f32 v37, v32;
	v43 =	vld [tilespmem:$0x1EEC0];
	s21 =	smax.f32 s11, $1.000000020e-16;
	v1 =	vadd.f32 v30, v1;
	s31 =	smul.f32 s1, s14;
	v0 =	vadd.f32 v26, v0;
	v31, _, _ =	vpop (xrf2)  }
0x49e: {  	s16 =	smul.f32 s21, s5;
	v45 =	vld [tilespmem:$0x1EED0];
	v3 =	vadd.f32 v3, v5;
	(v2sf) =	vpush v31, $0xF  }
0x49f: {  	v37 =	vmul.f32 v28, v27;
	v2 =	vadd.f32 v33, v25;
	v48 =	vld [tilespmem:$0x1EF00];
	s31 =	smul.f32 s31, s1;
	v0 =	vadd.f32 v0, v29  }
0x4a0: {  	v40 =	vmul.f32 v39, v36;
	v1 =	vadd.f32 v1, v35;
	s13 =	smul.f32 $5.000000000e-01, s16;
	v54 =	vld [tilespmem:$0x1EF40];
	v3 =	vadd.f32 v34, v3  }
0x4a1: {  	v42 =	vmul.f32 v22, v21;
	v2 =	vadd.f32 v2, v37;
	v55 =	vld [tilespmem:$0x1EF50];
	s3 =	spop (v2sf);
	s31 =	ssub.f32 $1.500000000e+00, s31;
	v0 =	vadd.f32 v41, v0  }
0x4a2: {  	v44 =	vmul.f32 v24, v23;
	v56 =	vld [tilespmem:$0x1EF60];
	v1 =	vadd.f32 v40, v1;
	s20 =	smax.f32 s3, $1.000000020e-16;
	s10 =	spop (v2sf);
	v3 =	vadd.f32 v3, v38  }
0x4a3: {  	s16 =	sshra.s32 s16, $0x1;
	v2 =	vadd.f32 v42, v2;
	v5 =	vmul.f32 v47, v46;
	s1 =	smul.f32 s31, s1;
	s24 =	smax.f32 s10, $1.000000020e-16;
	v0 =	vadd.f32 v0, v45  }
0x4a4: {  	v49 =	vmul.f32 v20, v18;
	s16 =	ssub.s32 $0x5F3759DF, s16;
	v1 =	vadd.f32 v1, v44;
	s15 =	smul.f32 s24, s20;
	v3 =	vadd.f32 v43, v3  }
0x4a5: {  	v2 =	vadd.f32 v2, v5;
	v5 =	vmul.f32 v52, v51;
	s20 =	smul.f32 s16, s13;
	v0 =	vadd.f32 v50, v0  }
0x4a6: {  	v53 =	vmul.f32 v17, v16;
	v1 =	vadd.f32 v49, v1;
	s5 =	smul.f32 $5.000000000e-01, s15;
	s15 =	sshra.s32 s15, $0x1;
	v3 =	vadd.f32 v3, v48  }
0x4a7: {  	v4 =	vmul.f32 v56, v55;
	v2 =	vadd.f32 v5, v2;
	s14 =	smul.f32 s1, s14;
	s15 =	ssub.s32 $0x5F3759DF, s15;
	v0 =	vadd.f32 v0, v54  }
0x4a8: {  	v57 =	vmul.f32 v15, v14;
	v1 =	vadd.f32 v1, v53;
	s21 =	smul.f32 s15, s5;
	(xrf2) =	vadd.scan.msk.f32 $0xffff, v3  }
0x4a9: {  	v58 =	vadd.f32 v2, v4;
	s20 =	smul.f32 s16, s20;
	(xrf2) =	vadd.scan.msk.f32 $0xffff, v0  }
0x4aa: {  	v59 =	vmul.f32 v13, v12;
	v1 =	vadd.f32 v57, v1;
	s21 =	smul.f32 s15, s21  }
0x4ab: {  	s8 =	spop (v2sf);
	s20 =	ssub.f32 $1.500000000e+00, s20;
	(xrf2) =	vadd.scan.msk.f32 $0xffff, v58  }
0x4ac: {  	v1 =	vadd.f32 v1, v59;
	s26 =	smax.f32 s8, $1.000000020e-16;
	s21 =	ssub.f32 $1.500000000e+00, s21  }
0x4ad: {  	s16 =	smul.f32 s16, s20;
	s12 =	spop (v2sf)  }
0x4ae: {  	(xrf2) =	vadd.scan.msk.f32 $0xffff, v1;
	s20 =	smul.f32 s15, s21;
	s28 =	smax.f32 s12, $1.000000020e-16  }
0x4af: {  	s17 =	smul.f32 s28, s26  }
0x4b0: {  	s28 =	smul.f32 s20, s5  }
0x4b1: {  	s6 =	smul.f32 $5.000000000e-01, s17;
	s17 =	sshra.s32 s17, $0x1  }
0x4b2: {  	s28 =	smul.f32 s28, s20;
	v60, _, _ =	vpop (xrf2);
	s17 =	ssub.s32 $0x5F3759DF, s17  }
0x4b3: {  	v61, _, _ =	vpop (xrf2);
	(v2sf) =	vpush v60, $0xF;
	s26 =	smul.f32 s17, s6  }
0x4b4: {  	s24 =	smul.f32 s16, s13;
	s28 =	ssub.f32 $1.500000000e+00, s28;
	(v2sf) =	vpush v61, $0xF  }
0x4b5: {  	v62, _, _ =	vpop (xrf2);
	s26 =	smul.f32 s17, s26  }
0x4b6: {  	(v2sf) =	vpush v62, $0xF;
	s20 =	smul.f32 s28, s20  }
0x4b7: {  	s29 =	ssub.f32 $1.500000000e+00, s26;
	s26 =	smul.f32 s24, s16  }
0x4b8: {  	v63, _, _ =	vpop (xrf2);
	s5 =	smul.f32 s20, s5  }
0x4b9: {  	(v2sf) =	vpush v63, $0xF;
	s21 =	smul.f32 s17, s29  }
0x4ba: {  	s26 =	ssub.f32 $1.500000000e+00, s26;
	s5 =	smul.f32 s5, s20  }
0x4bb: {  	s29 =	smul.f32 s21, s6  }
0x4bc: {  	s0 =	sadd.f32 s4, s0;
	s16 =	smul.f32 s26, s16  }
0x4bd: {  	s5 =	ssub.f32 $1.500000000e+00, s5;
	s29 =	smul.f32 s29, s21  }
0x4be: {  	s2 =	sadd.f32 s11, s2;
	s13 =	smul.f32 s16, s13  }
0x4bf: {  	s5 =	smul.f32 s5, s20;
	s29 =	ssub.f32 $1.500000000e+00, s29  }
0x4c0: {  	s3 =	sadd.f32 s10, s3;
	s13 =	smul.f32 s13, s16  }
0x4c1: {  	s8 =	sadd.f32 s12, s8;
	s4 =	smul.f32 s29, s21  }
0x4c2: {  	s29 =	smul.f32 s14, s1;
	s15 =	spop (v2sf)  }
0x4c3: {  	s11 =	ssub.f32 $1.500000000e+00, s13;
	s19 =	spop (v2sf)  }
0x4c4: {  	s21 =	sadd.f32 s15, s15;
	s6 =	smul.f32 s4, s6  }
0x4c5: {  	s10 =	ssub.f32 $1.500000000e+00, s29;
	s17 =	spop (v2sf)  }
0x4c6: {  	s26 =	sadd.f32 s19, s19;
	s6 =	smul.f32 s6, s4  }
0x4c7: {  	s16 =	smul.f32 s11, s16;
	s28 =	sadd.f32 s17, s17  }
0x4c8: {  	s24 =	spop (v2sf);
	s6 =	ssub.f32 $1.500000000e+00, s6  }
0x4c9: {  	s1 =	smul.f32 s10, s1;
	s10 =	ssub.f32 s0, s21  }
0x4ca: {  	s31 =	sadd.f32 s24, s24;
	s21 =	smul.f32 s6, s4  }
0x4cb: {  	s22 =	sadd.s32 $0x4, s22;
	s11 =	ssub.f32 s2, s26;
	s1 =	smul.f32 s1, s15  }
0x4cc: {  	p1 =	slt.u32 s22, $0x74;
	s13 =	ssub.f32 s3, s28;
	s0 =	smul.f32 s21, s24  }
.Ltmp1:
0x4cd: {  	s15 =	ssub.f32 s8, s31;
	(pc) =	sbr.rel @p1 .LBB2_5-.Ltmp1, $4  }
0x4ce: {  	s28 =	smul.f32 s16, s19;
	s12 =	ssub.f32 $1.000000000e+00, s1  }
0x4cf: {  	s29 =	sadd.s32 s7, s22;
	s31 =	smul.f32 s5, s17;
	s3 =	ssub.f32 $1.000000000e+00, s0  }
0x4d0: {  	p0 =	slt.u32 s29, $0x27100;
	s14 =	ssub.f32 $1.000000000e+00, s28  }
0x4d1: {  	s23 =	sadd.s32 $0x200, s23;
	s0 =	ssub.f32 $1.000000000e+00, s31;
	s3 =	simm.s32 @!p0 $0x0  }
0x4d2: {  	s7 =	rddreg [dreg:$0x13]  }
0x4d3: {  	s2 =	rddreg [dreg:$0x4];
	s1 =	sadd.s32 $0x3, s7  }
0x4d4: {  	p1 =	sge.u32 s1, s2  }
0x4d5: {  	s1 =	smul.u32 @!p1 $0x78, s1  }
0x4d6: {  	s2 =	rddreg [dreg:$0x5]  }
0x4d7: {  	s1 =	sadd.s32 @!p1 s2, s1  }
0x4d8: {  	s2 =	rddreg [dreg:$0x2];
	s1 =	sshrl.u32 @!p1 s1, $0x3  }
0x4d9: {  	s4 =	simm.s32 @!p1 $0x0;
	s2 =	sadd.s32 @!p1 s2, s1  }
0x4da: {  	[tilespmem:s4], [sflag:$0x4] =	stream.linear.gather @!p1 [hbm4b:s2+s4], $0x78, $0x38;
	[tilespmem:$0x16B80] =	vst v63  }
0x4db: {  	s2 =	simm.s32 @!p1 $0x4  }
0x4dc: {  	_ =	swait.ge @!p1 [sflag:s2], $0x78  }
0x4dd: {  	[sflag:s2] =	ssyncset.done @!p1 $0x0;
	s5 =	rddreg [dreg:$0x3]  }
0x4de: {  	[sflag:s2] =	ssyncadd.s32 @!p1 $0xFFFFFF88;
	s1 =	sadd.s32 @!p1 s5, s1;
	s5 =	simm.s32 @!p1 $0x80  }
0x4df: {  	[tilespmem:s5], [sflag:$0x4] =	stream.linear.gather @!p1 [hbm4b:s1+s4], $0x78, $0x38;
	[tilespmem:$0x16B80] =	vst v63  }
0x4e0: {  	_ =	swait.ge @!p1 [sflag:s2], $0x78  }
0x4e1: {  	[sflag:s2] =	ssyncset.done @!p1 $0x0  }
0x4e2: {  	[sflag:s2] =	ssyncadd.s32 @!p1 $0xFFFFFF88  }
0x4e3: {  	s1 =	simm.s32 @!p1 $0x78;
	s2 =	simm.s32 @!p1 $0x100;
	s6 =	rddreg [dreg:$0x0]  }
0x4e4: {  	[tilespmem:s2], [sflag:$0x1] =	stream.indirect.gather @!p1 [hbm4b:s6+s1], $0x80, s4, s1, $0xb8;
	[tilespmem:$0x16B80] =	vst v63  }
0x4e5: {  	s26 =	simm.s32 $0x3;
	s2 =	simm.s32 @!p1 $0x3D00  }
0x4e6: {  	[tilespmem:s2], [sflag:$0x1] =	stream.indirect.gather @!p1 [hbm4b:s6+s1], $0x80, s5, s1, $0xb8;
	[tilespmem:$0x16B80] =	vst v63  }
0x4e7: {  	_ =	swait.ge [sflag:s26], $0x3C00  }
0x4e8: {  	[sflag:s26] =	ssyncset.done $0x0  }
0x4e9: {  	[sflag:s26] =	ssyncadd.s32 $0xFFFFC400  }
0x4ea: {  	_ =	swait.ge [sflag:s26], $0x3C00  }
0x4eb: {  	[sflag:s26] =	ssyncset.done $0x0  }
0x4ec: {  	s22 =	simm.s32 $0xF400;
	[sflag:s26] =	ssyncadd.s32 $0xFFFFC400  }
0x4ed: {  	s18 =	simm.s32 $0x13000;
	v2 =	vld [tilespmem:s22+$0xA0]  }
0x4ee: {  	v3 =	vld [tilespmem:s18+$0xA0]  }
0x4ef: {  	v4 =	vld [tilespmem:s22+$0x20]  }
0x4f0: {  	v5 =	vld [tilespmem:s18+$0x20]  }
0x4f1: {  	v6 =	vld [tilespmem:s22+$0xFFFFFFA0]  }
0x4f2: {  	v7 =	vld [tilespmem:s18+$0xFFFFFFA0]  }
0x4f3: {  	v8 =	vld [tilespmem:s22+$0x90]  }
0x4f4: {  	v9 =	vld [tilespmem:s18+$0x90]  }
0x4f5: {  	v1 =	vld [tilespmem:s22+$0xFFFFFF20]  }
0x4f6: {  	v0 =	vld [tilespmem:s18+$0xFFFFFF20]  }
0x4f7: {  	v10 =	vld [tilespmem:s22+$0x10]  }
0x4f8: {  	v11 =	vld [tilespmem:s18+$0x10];
	v34 =	vunpack.i.u.bf16.f32 v4  }
0x4f9: {  	v12 =	vld [tilespmem:s22+$0xFFFFFF90];
	v14 =	vunpack.i.u.bf16.f32 v2;
	[tilespmem:$0x1E350] =	vst v34  }
0x4fa: {  	v15 =	vunpack.i.u.bf16.f32 v3;
	[tilespmem:$0x1E370] =	vst v14  }
0x4fb: {  	v38 =	vunpack.i.u.bf16.f32 v5;
	[tilespmem:$0x1E380] =	vst v15  }
0x4fc: {  	v16 =	vunpack.i.l.bf16.f32 v2;
	v13 =	vld [tilespmem:s18+$0xFFFFFF90];
	[tilespmem:$0x1E360] =	vst v38  }
0x4fd: {  	v17 =	vunpack.i.l.bf16.f32 v3;
	[tilespmem:$0x1E390] =	vst v16  }
0x4fe: {  	v18 =	vunpack.i.u.bf16.f32 v6;
	[tilespmem:$0x1E3A0] =	vst v17  }
0x4ff: {  	v19 =	vunpack.i.u.bf16.f32 v7;
	v51 =	vld [tilespmem:s22+$0x80];
	[tilespmem:$0x1E610] =	vst v18  }
0x500: {  	v24 =	vunpack.i.l.bf16.f32 v4;
	[tilespmem:$0x1E620] =	vst v19  }
0x501: {  	v25 =	vunpack.i.l.bf16.f32 v5;
	[tilespmem:$0x1E530] =	vst v24  }
0x502: {  	v28 =	vunpack.i.u.bf16.f32 v8;
	v52 =	vld [tilespmem:s18+$0x80];
	[tilespmem:$0x1E540] =	vst v25  }
0x503: {  	v29 =	vunpack.i.u.bf16.f32 v9;
	[tilespmem:$0x1E4F0] =	vst v28  }
0x504: {  	v20 =	vunpack.i.l.bf16.f32 v6;
	[tilespmem:$0x1E500] =	vst v29  }
0x505: {  	v21 =	vunpack.i.l.bf16.f32 v7;
	v53 =	vld [tilespmem:s22+$0xFFFFFF10];
	[tilespmem:$0x1E5D0] =	vst v20  }
0x506: {  	v30 =	vunpack.i.u.bf16.f32 v10;
	[tilespmem:$0x1E5E0] =	vst v21  }
0x507: {  	v33 =	vunpack.i.u.bf16.f32 v11;
	[tilespmem:$0x1E510] =	vst v30  }
0x508: {  	v37 =	vunpack.i.l.bf16.f32 v8;
	v56 =	vld [tilespmem:s18+$0xFFFFFF10];
	[tilespmem:$0x1E520] =	vst v33  }
0x509: {  	v39 =	vunpack.i.l.bf16.f32 v9;
	[tilespmem:$0x1E4B0] =	vst v37  }
0x50a: {  	v22 =	vunpack.i.l.bf16.f32 v1;
	[tilespmem:$0x1E4C0] =	vst v39  }
0x50b: {  	v23 =	vunpack.i.l.bf16.f32 v0;
	v57 =	vld [tilespmem:s22+$0x0];
	[tilespmem:$0x1E5F0] =	vst v22  }
0x50c: {  	v26 =	vunpack.i.u.bf16.f32 v12;
	[tilespmem:$0x1E600] =	vst v23  }
0x50d: {  	[tilespmem:$0x1E590] =	vst v26;
	v27 =	vunpack.i.u.bf16.f32 v13  }
0x50e: {  	v42 =	vunpack.i.l.bf16.f32 v10;
	v58 =	vld [tilespmem:s18+$0x0];
	[tilespmem:$0x1E5A0] =	vst v27  }
0x50f: {  	v43 =	vunpack.i.l.bf16.f32 v11;
	[tilespmem:$0x1E4D0] =	vst v42  }
0x510: {  	[tilespmem:$0x1E4E0] =	vst v43;
	v60 =	vunpack.i.u.bf16.f32 v51  }
0x511: {  	v61 =	vunpack.i.l.bf16.f32 v51;
	v59 =	vld [tilespmem:s22+$0xFFFFFF80];
	[tilespmem:$0x1E410] =	vst v60  }
0x512: {  	[tilespmem:$0x1E3B0] =	vst v61;
	v44 =	vunpack.i.u.bf16.f32 v52  }
0x513: {  	v45 =	vunpack.i.l.bf16.f32 v52;
	[tilespmem:$0x1E420] =	vst v44  }
0x514: {  	[tilespmem:$0x1E3C0] =	vst v45;
	v31 =	vunpack.i.u.bf16.f32 v53  }
0x515: {  	v5 =	vmul.f32 v14, v14;
	[tilespmem:$0x1E5B0] =	vst v31;
	v32 =	vunpack.i.u.bf16.f32 v56  }
0x516: {  	v35 =	vunpack.i.l.bf16.f32 v12;
	v6 =	vmul.f32 v15, v15;
	v7 =	vmul.f32 v16, v16;
	[tilespmem:$0x1E5C0] =	vst v32  }
0x517: {  	v8 =	vmul.f32 v17, v17;
	v2 =	vmul.f32 v37, v37;
	v36 =	vunpack.i.l.bf16.f32 v13;
	v62 =	vld [tilespmem:s18+$0xFFFFFF80];
	[tilespmem:$0x1E550] =	vst v35  }
0x518: {  	v9 =	vmul.f32 v61, v61;
	v40 =	vunpack.i.l.bf16.f32 v53;
	v63 =	vunpack.i.u.bf16.f32 v57;
	[tilespmem:$0x1E560] =	vst v36  }
0x519: {  	v54 =	vunpack.i.l.bf16.f32 v57;
	v57 =	vmul.f32 v60, v60;
	v60 =	vmul.f32 v44, v44;
	[tilespmem:$0x1E3F0] =	vst v63  }
0x51a: {  	v44 =	vmul.f32 v33, v33;
	v33 =	vmul.f32 v19, v19;
	[tilespmem:$0x1E3D0] =	vst v54;
	v48 =	vunpack.i.u.bf16.f32 v58  }
0x51b: {  	v46 =	vunpack.i.l.bf16.f32 v58;
	v58 =	vmul.f32 v45, v45;
	v12 =	vmul.f32 v54, v54;
	[tilespmem:$0x1E400] =	vst v48  }
0x51c: {  	v41 =	vunpack.i.l.bf16.f32 v56;
	v13 =	vmul.f32 v63, v63;
	v35 =	vmul.f32 v35, v35;
	[tilespmem:$0x1E3E0] =	vst v46  }
0x51d: {  	v45 =	vmul.f32 v26, v26;
	v47 =	vunpack.i.u.bf16.f32 v59;
	v52 =	vmul.f32 v48, v48;
	v55 =	vld [tilespmem:s22+$0xFFFFFF00];
	[tilespmem:$0x1E570] =	vst v40  }
0x51e: {  	v49 =	vunpack.i.l.bf16.f32 v59;
	v48 =	vmul.f32 v31, v31;
	v31 =	vmul.f32 v18, v18;
	[tilespmem:$0x1E580] =	vst v41  }
0x51f: {  	v9 =	vadd.f32 v9, v57;
	[tilespmem:$0x1E490] =	vst v47;
	v53 =	vmul.f32 v49, v49;
	v54 =	vmul.f32 v47, v47  }
0x520: {  	v3 =	vadd.f32 v58, v60;
	v12 =	vadd.f32 v12, v13;
	v47 =	vmul.f32 v24, v24;
	v56 =	vld [tilespmem:s18+$0xFFFFFF00]  }
0x521: {  	v24 =	vunpack.i.u.bf16.f32 v1;
	[tilespmem:$0x1E430] =	vst v49;
	v2 =	vadd.f32 v2, v9;
	v49 =	vmul.f32 v32, v32  }
0x522: {  	v15 =	vadd.f32 v53, v54;
	v53 =	vmul.f32 v22, v22;
	v50 =	vunpack.i.l.bf16.f32 v62  }
0x523: {  	v51 =	vunpack.i.u.bf16.f32 v62;
	v62 =	vmul.f32 v46, v46;
	v46 =	vmul.f32 v27, v27  }
0x524: {  	v37 =	vunpack.i.u.bf16.f32 v55;
	v59 =	vunpack.i.l.bf16.f32 v55;
	v55 =	vmul.f32 v50, v50  }
0x525: {  	v4 =	vadd.f32 v62, v52;
	v62 =	vmul.f32 v42, v42;
	v61 =	vunpack.i.l.bf16.f32 v56  }
0x526: {  	[tilespmem:$0x1E4A0] =	vst v51;
	v63 =	vunpack.i.u.bf16.f32 v56;
	v56 =	vmul.f32 v51, v51;
	v57 =	vmul.f32 v59, v59  }
0x527: {  	v9 =	vadd.f32 v35, v15;
	[tilespmem:$0x1E450] =	vst v59;
	v58 =	vmul.f32 v37, v37;
	v51 =	vmul.f32 v20, v20  }
0x528: {  	v27 =	vunpack.i.u.bf16.f32 v0;
	[tilespmem:$0x1E460] =	vst v61;
	v59 =	vmul.f32 v61, v61;
	v60 =	vmul.f32 v63, v63  }
0x529: {  	v9 =	vadd.f32 v9, v45;
	[tilespmem:$0x1E480] =	vst v63;
	v61 =	vmul.f32 v39, v39;
	v63 =	vmul.f32 v43, v43  }
0x52a: {  	v12 =	vadd.f32 v62, v12;
	v39 =	vmul.f32 v40, v40;
	v40 =	vmul.f32 v41, v41  }
0x52b: {  	v41 =	vmul.f32 v28, v28;
	v10 =	vadd.f32 v55, v56;
	v11 =	vadd.f32 v57, v58  }
0x52c: {  	v43 =	vmul.f32 v30, v30;
	v9 =	vadd.f32 v51, v9;
	v14 =	vadd.f32 v59, v60  }
0x52d: {  	[tilespmem:$0x1E470] =	vst v37;
	v37 =	vmul.f32 v36, v36;
	v3 =	vadd.f32 v61, v3;
	v4 =	vadd.f32 v63, v4  }
0x52e: {  	v42 =	vmul.f32 v29, v29;
	v2 =	vadd.f32 v2, v41;
	v12 =	vadd.f32 v12, v43  }
0x52f: {  	[tilespmem:$0x1E440] =	vst v50;
	v35 =	vmul.f32 v27, v27;
	v10 =	vadd.f32 v37, v10;
	v11 =	vadd.f32 v39, v11  }
0x530: {  	v50 =	vmul.f32 v25, v25;
	v55 =	vld [tilespmem:s22+$0xB0];
	v14 =	vadd.f32 v40, v14;
	v3 =	vadd.f32 v3, v42  }
0x531: {  	v52 =	vmul.f32 v21, v21;
	v57 =	vld [tilespmem:s18+$0xB0];
	v4 =	vadd.f32 v4, v44;
	v2 =	vadd.f32 v7, v2  }
0x532: {  	v56 =	vmul.f32 v23, v23;
	v59 =	vld [tilespmem:s22+$0x30];
	v54 =	vadd.f32 v47, v12;
	v10 =	vadd.f32 v10, v46  }
0x533: {  	v58 =	vmul.f32 v34, v34;
	v11 =	vadd.f32 v11, v48;
	v14 =	vadd.f32 v14, v49  }
0x534: {  	v34 =	vmul.f32 v24, v24;
	[tilespmem:$0x1E630] =	vst v24;
	v3 =	vadd.f32 v8, v3;
	v4 =	vadd.f32 v50, v4  }
0x535: {  	v63 =	vmul.f32 v38, v38;
	v26 =	vld [tilespmem:s18+$0x30];
	v28 =	vadd.f32 v2, v5;
	v32 =	vadd.f32 v54, v58  }
0x536: {  	[tilespmem:$0x1E640] =	vst v27;
	v5 =	vadd.f32 v9, v31;
	v36 =	vunpack.i.l.bf16.f32 v55;
	v62 =	vunpack.i.l.bf16.f32 v57  }
0x537: {  	v30 =	vld [tilespmem:s22+$0xFFFFFFB0];
	v50 =	vunpack.i.u.bf16.f32 v57;
	v10 =	vadd.f32 v52, v10;
	[tilespmem:$0x1E340] =	vst v36;
	v37 =	vunpack.i.l.bf16.f32 v59  }
0x538: {  	v7 =	vadd.f32 v53, v11;
	v40 =	vmul.f32 v62, v62;
	v52 =	vunpack.i.u.bf16.f32 v55;
	[tilespmem:$0x1E330] =	vst v37  }
0x539: {  	v49 =	vmul.f32 v50, v50;
	v25 =	vadd.f32 v56, v14;
	v29 =	vadd.f32 v3, v6;
	v38 =	vld [tilespmem:s18+$0xFFFFFFB0]  }
0x53a: {  	v4 =	vadd.f32 v4, v63;
	v61 =	vunpack.i.l.bf16.f32 v26;
	v17 =	vmul.f32 v37, v37;
	v39 =	vld [tilespmem:s22+$0xFFFFFF30]  }
0x53b: {  	v47 =	vmul.f32 v52, v52;
	v8 =	vadd.f32 v10, v33;
	v7 =	vadd.f32 v7, v34;
	v41 =	vld [tilespmem:s18+$0xFFFFFF30]  }
0x53c: {  	v10 =	vmul.f32 v36, v36;
	v42 =	vunpack.i.l.bf16.f32 v30;
	v43 =	vmul.f32 v61, v61  }
0x53d: {  	v53 =	vunpack.i.u.bf16.f32 v30;
	v1 =	vadd.f32 v25, v35;
	v19 =	vmul.f32 v42, v42  }
0x53e: {  	[tilespmem:$0x1E670] =	vst v42;
	v2 =	vadd.f32 v40, v29;
	v6 =	vadd.f32 v17, v32;
	v44 =	vunpack.i.l.bf16.f32 v38  }
0x53f: {  	v13 =	vmul.f32 v53, v53;
	v0 =	vadd.f32 v10, v28;
	v45 =	vunpack.i.l.bf16.f32 v39;
	[tilespmem:$0x1E680] =	vst v44  }
0x540: {  	v4 =	vadd.f32 v43, v4;
	v5 =	vadd.f32 v19, v5;
	v46 =	vunpack.i.l.bf16.f32 v41;
	[tilespmem:$0x1E6A0] =	vst v45  }
0x541: {  	v0 =	vadd.f32 v0, v47;
	v54 =	vunpack.i.u.bf16.f32 v38;
	v33 =	vunpack.i.u.bf16.f32 v39;
	[tilespmem:$0x1E6B0] =	vst v46  }
0x542: {  	v5 =	vadd.f32 v5, v13;
	v10 =	vmul.f32 v44, v44;
	v12 =	vmul.f32 v45, v45;
	v51 =	vld [tilespmem:s22+$0xC0];
	[tilespmem:$0x1E6C0] =	vst v53  }
0x543: {  	v38 =	vunpack.i.u.bf16.f32 v41;
	v48 =	vmul.f32 v46, v46;
	v37 =	vmul.f32 v54, v54;
	[tilespmem:$0x1E6D0] =	vst v54  }
0x544: {  	v46 =	vunpack.i.u.bf16.f32 v26;
	v15 =	vmul.f32 v33, v33;
	v18 =	vmul.f32 v38, v38;
	v55 =	vld [tilespmem:s18+$0xC0];
	[tilespmem:$0x1E700] =	vst v33  }
0x545: {  	v35 =	vmul.f32 v46, v46;
	v8 =	vadd.f32 v10, v8;
	v7 =	vadd.f32 v12, v7;
	v34 =	vld [tilespmem:s22+$0x40]  }
0x546: {  	v1 =	vadd.f32 v48, v1;
	v10 =	vadd.f32 v2, v49;
	v48 =	vunpack.i.u.bf16.f32 v59;
	v36 =	vld [tilespmem:s18+$0x40]  }
0x547: {  	v32 =	vmul.f32 v48, v48;
	v12 =	vadd.f32 v4, v35;
	v13 =	vld [tilespmem:s22+$0xFFFFFFC0];
	v8 =	vadd.f32 v8, v37  }
0x548: {  	[tilespmem:$0x1E710] =	vst v38;
	v7 =	vadd.f32 v7, v15;
	v1 =	vadd.f32 v1, v18  }
0x549: {  	v39 =	vld [tilespmem:s18+$0xFFFFFFC0];
	v6 =	vadd.f32 v6, v32;
	v30 =	vunpack.i.l.bf16.f32 v51;
	v47 =	vunpack.i.u.bf16.f32 v51  }
0x54a: {  	v16 =	vld [tilespmem:s22+$0xFFFFFF40];
	v29 =	vunpack.i.l.bf16.f32 v55;
	v41 =	vmul.f32 v30, v30;
	v60 =	vmul.f32 v47, v47  }
0x54b: {  	v53 =	vunpack.i.u.bf16.f32 v55;
	v40 =	vunpack.i.l.bf16.f32 v34;
	v42 =	vunpack.i.l.bf16.f32 v36  }
0x54c: {  	v44 =	vmul.f32 v29, v29;
	v63 =	vunpack.i.l.bf16.f32 v13;
	v56 =	vunpack.i.u.bf16.f32 v34  }
0x54d: {  	v55 =	vunpack.i.u.bf16.f32 v36;
	v35 =	vmul.f32 v53, v53;
	v43 =	vmul.f32 v40, v40  }
0x54e: {  	[tilespmem:$0x1E650] =	vst v40;
	v0 =	vadd.f32 v41, v0;
	v45 =	vmul.f32 v42, v42;
	v24 =	vunpack.i.l.bf16.f32 v39  }
0x54f: {  	v25 =	vunpack.i.l.bf16.f32 v16;
	v26 =	vmul.f32 v63, v63;
	v36 =	vmul.f32 v56, v56;
	v19 =	vld [tilespmem:s18+$0xFFFFFF40];
	[tilespmem:$0x1E660] =	vst v42  }
0x550: {  	v38 =	vmul.f32 v55, v55;
	v10 =	vadd.f32 v44, v10;
	[tilespmem:$0x1E690] =	vst v47;
	v20 =	vmul.f32 v24, v24  }
0x551: {  	v28 =	vmul.f32 v25, v25;
	v6 =	vadd.f32 v43, v6;
	v49 =	vadd.f32 v45, v12;
	v59 =	vld [tilespmem:s22+$0xD0]  }
0x552: {  	v58 =	vunpack.i.u.bf16.f32 v39;
	[tilespmem:$0x1E6E0] =	vst v63;
	v5 =	vadd.f32 v26, v5;
	v0 =	vadd.f32 v0, v60  }
0x553: {  	[tilespmem:$0x1E6F0] =	vst v24;
	v7 =	vadd.f32 v28, v7;
	v8 =	vadd.f32 v20, v8;
	v28 =	vmul.f32 v58, v58  }
0x554: {  	[tilespmem:$0x1E720] =	vst v25;
	v10 =	vadd.f32 v10, v35;
	v6 =	vadd.f32 v6, v36;
	v27 =	vunpack.i.l.bf16.f32 v19  }
0x555: {  	v42 =	vunpack.i.u.bf16.f32 v16;
	v11 =	vadd.f32 v49, v38;
	v8 =	vadd.f32 v8, v28;
	[tilespmem:$0x1E730] =	vst v27  }
0x556: {  	v60 =	vunpack.i.u.bf16.f32 v19;
	v31 =	vmul.f32 v27, v27;
	v57 =	vunpack.i.l.bf16.f32 v59;
	v32 =	vld [tilespmem:s18+$0xD0]  }
0x557: {  	v63 =	vunpack.i.u.bf16.f32 v59;
	v59 =	vunpack.i.u.bf16.f32 v13;
	v33 =	vmul.f32 v57, v57;
	v34 =	vld [tilespmem:s22+$0xE0]  }
0x558: {  	v39 =	vld [tilespmem:s22+$0x50];
	v41 =	vmul.f32 v59, v59;
	[tilespmem:$0x1E740] =	vst v42;
	v17 =	vadd.f32 v31, v1;
	v31 =	vmul.f32 v42, v42  }
0x559: {  	v28 =	vmul.f32 v60, v60;
	v37 =	vmul.f32 v63, v63;
	v43 =	vld [tilespmem:s18+$0xE0];
	v0 =	vadd.f32 v33, v0  }
0x55a: {  	v29 =	vmul.f32 v29, v30;
	v54 =	vld [tilespmem:s22+$0x60];
	v5 =	vadd.f32 v5, v41;
	v26 =	vadd.f32 v7, v31  }
0x55b: {  	v28 =	vadd.f32 v17, v28;
	v0 =	vadd.f32 v0, v37;
	v51 =	vunpack.i.l.bf16.f32 v32  }
0x55c: {  	v13 =	vld [tilespmem:s18+$0x60];
	v25 =	vunpack.i.l.bf16.f32 v34;
	v9 =	vunpack.i.u.bf16.f32 v34;
	v49 =	vunpack.i.u.bf16.f32 v32  }
0x55d: {  	v31 =	vld [tilespmem:s18+$0xF0];
	v47 =	vunpack.i.l.bf16.f32 v39;
	v40 =	vmul.f32 v51, v51;
	v27 =	vmul.f32 v25, v25  }
0x55e: {  	v32 =	vld [tilespmem:s22+$0xF0];
	v33 =	vmul.f32 v49, v49;
	v16 =	vunpack.i.l.bf16.f32 v43;
	v44 =	vmul.f32 v9, v9  }
0x55f: {  	v34 =	vld [tilespmem:s18+$0x50];
	v45 =	vmul.f32 v47, v47;
	v15 =	vunpack.i.u.bf16.f32 v43;
	v43 =	vunpack.i.l.bf16.f32 v54  }
0x560: {  	v24 =	vmul.f32 v16, v16;
	v41 =	vmul.f32 v15, v15;
	v10 =	vadd.f32 v40, v10  }
0x561: {  	v23 =	vld [tilespmem:s18+$0xFFFFFFD0];
	v0 =	vadd.f32 v27, v0;
	v6 =	vadd.f32 v45, v6;
	v40 =	vunpack.i.u.bf16.f32 v39  }
0x562: {  	v12 =	vunpack.i.u.bf16.f32 v31;
	v27 =	vunpack.i.u.bf16.f32 v13;
	v36 =	vmul.f32 v40, v40  }
0x563: {  	v10 =	vadd.f32 v10, v33;
	v0 =	vadd.f32 v0, v44;
	v20 =	vunpack.i.l.bf16.f32 v32  }
0x564: {  	v37 =	vunpack.i.l.bf16.f32 v34;
	v44 =	vmul.f32 v43, v43;
	v4 =	vunpack.i.u.bf16.f32 v32  }
0x565: {  	v34 =	vunpack.i.u.bf16.f32 v34;
	v32 =	vunpack.i.l.bf16.f32 v13;
	v13 =	vmul.f32 v27, v27  }
0x566: {  	v17 =	vld [tilespmem:s22+$0x70];
	v33 =	vunpack.i.l.bf16.f32 v23;
	v35 =	vmul.f32 v20, v20;
	v42 =	vmul.f32 v37, v37  }
0x567: {  	v38 =	vld [tilespmem:s22+$0xFFFFFFD0];
	v6 =	vadd.f32 v6, v36;
	v45 =	vmul.f32 v4, v4;
	v1 =	vmul.f32 v34, v34  }
0x568: {  	v36 =	vmul.f32 v32, v32;
	v10 =	vadd.f32 v24, v10;
	v0 =	vadd.f32 v35, v0  }
0x569: {  	v14 =	vmul.f32 v33, v33;
	v11 =	vadd.f32 v42, v11;
	v6 =	vadd.f32 v44, v6  }
0x56a: {  	v42 =	vunpack.i.u.bf16.f32 v54;
	v44 =	vunpack.i.l.bf16.f32 v31;
	v31 =	vmul.f32 v12, v12  }
0x56b: {  	v24 =	vadd.f32 v14, v8;
	v8 =	vunpack.i.u.bf16.f32 v17;
	v10 =	vadd.f32 v10, v41  }
0x56c: {  	v41 =	vunpack.i.l.bf16.f32 v38;
	v54 =	vmul.f32 v44, v44;
	v2 =	vmul.f32 v42, v42  }
0x56d: {  	v22 =	vadd.f32 v0, v45;
	v7 =	vmul.f32 v41, v41;
	v45 =	vunpack.i.u.bf16.f32 v38  }
0x56e: {  	v38 =	vunpack.i.l.bf16.f32 v17;
	v10 =	vadd.f32 v54, v10;
	v6 =	vadd.f32 v6, v2;
	v54 =	vld [tilespmem:s18+$0x70]  }
0x56f: {  	v18 =	vld [tilespmem:s22+$0xFFFFFFE0];
	v39 =	vmul.f32 v38, v38;
	v5 =	vadd.f32 v7, v5;
	v7 =	vmul.f32 v45, v45  }
0x570: {  	v35 =	vunpack.i.u.bf16.f32 v23;
	v20 =	vmul.f32 v44, v20;
	v11 =	vadd.f32 v11, v1  }
0x571: {  	v17 =	vmul.f32 v8, v8;
	v3 =	vadd.f32 v5, v7;
	v5 =	vadd.f32 v39, v6  }
0x572: {  	v11 =	vadd.f32 v36, v11;
	v36 =	vmul.f32 v35, v35;
	v19 =	vadd.f32 v10, v31;
	v10 =	vld [tilespmem:s22+$0xFFFFFF50]  }
0x573: {  	v14 =	vadd.f32 v5, v17;
	v5 =	vmul.f32 v12, v4;
	v12 =	vunpack.i.u.bf16.f32 v54  }
0x574: {  	v39 =	vunpack.i.l.bf16.f32 v18;
	v6 =	vld [tilespmem:s18+$0xFFFFFFE0];
	v11 =	vadd.f32 v11, v13;
	v13 =	vmul.f32 v12, v8  }
0x575: {  	v44 =	vmul.f32 v15, v9;
	v21 =	vmul.f32 v39, v39;
	[tilespmem:$0x1E760] =	vst v5  }
0x576: {  	v2 =	vadd.f32 v24, v36;
	v36 =	vunpack.i.u.bf16.f32 v18;
	v23 =	vunpack.i.l.bf16.f32 v54;
	v5 =	vld [tilespmem:s22+$0xFFFFFFF0];
	[tilespmem:$0x1E770] =	vst v13  }
0x577: {  	v31 =	vmul.f32 v23, v23;
	v7 =	vadd.f32 v21, v3;
	v18 =	vunpack.i.l.bf16.f32 v10;
	v54 =	vld [tilespmem:s18+$0xFFFFFF50]  }
0x578: {  	v4 =	vmul.f32 v12, v12;
	v21 =	vunpack.i.u.bf16.f32 v10;
	v17 =	vmul.f32 v18, v18  }
0x579: {  	v3 =	vadd.f32 v31, v11;
	v31 =	vunpack.i.l.bf16.f32 v6;
	v11 =	vmul.f32 v36, v36  }
0x57a: {  	v10 =	vld [tilespmem:s22+$0xFFFFFF60];
	v24 =	vmul.f32 v31, v31;
	[tilespmem:$0x1E750] =	vst v20;
	v20 =	vunpack.i.u.bf16.f32 v6;
	v8 =	vadd.f32 v17, v26  }
0x57b: {  	(xrf2) =	vadd.scan.msk.f32 $0xffff, v22;
	v17 =	vmul.f32 v21, v21;
	v7 =	vadd.f32 v7, v11;
	v12 =	vadd.f32 v3, v4  }
0x57c: {  	(xrf2) =	vadd.scan.msk.f32 $0xffff, v19;
	v4 =	vld [tilespmem:s18+$0xFFFFFF60];
	v0 =	vmul.f32 v20, v20;
	v11 =	vadd.f32 v24, v2;
	v13 =	vunpack.i.l.bf16.f32 v54  }
0x57d: {  	(xrf2) =	vadd.scan.msk.f32 $0xffff, v14;
	v2 =	vadd.f32 v8, v17;
	v26 =	vunpack.i.l.bf16.f32 v5;
	v24 =	vmul.f32 v13, v13  }
0x57e: {  	v9 =	vld [tilespmem:s18+$0xFFFFFFF0];
	(xrf2) =	vadd.scan.msk.f32 $0xffff, v12;
	v12 =	vmul.f32 v50, v52;
	v6 =	vmul.f32 v26, v26;
	v54 =	vunpack.i.u.bf16.f32 v54  }
0x57f: {  	v17 =	vunpack.i.l.bf16.f32 v10;
	v3 =	vadd.f32 v24, v28;
	v24 =	vmul.f32 v54, v54  }
0x580: {  	v15 =	vmul.f32 v17, v17;
	v8 =	vadd.f32 v6, v7;
	v7 =	vadd.f32 v11, v0  }
0x581: {  	v6 =	vunpack.i.l.bf16.f32 v4;
	v3 =	vadd.f32 v3, v24;
	v24 =	vunpack.i.u.bf16.f32 v5;
	v5 =	vld [tilespmem:s22+$0xFFFFFF70]  }
0x582: {  	v28 =	vmul.f32 v16, v25;
	v11 =	vadd.f32 v15, v2;
	v0 =	vmul.f32 v6, v6  }
0x583: {  	v15 =	vunpack.i.u.bf16.f32 v10;
	v25 =	vld [tilespmem:s18+$0xFFFFFF70];
	v16 =	vunpack.i.l.bf16.f32 v9;
	v10 =	vunpack.i.u.bf16.f32 v4  }
0x584: {  	v4 =	vmul.f32 v24, v24;
	v2 =	vadd.f32 v0, v3;
	v3 =	vmul.f32 v15, v15  }
0x585: {  	v1 =	vmul.f32 v16, v16;
	v0 =	vmul.f32 v10, v10  }
0x586: {  	v52 =	vld [tilespmem:$0x1E330];
	v8 =	vadd.f32 v8, v4;
	v4 =	vadd.f32 v11, v3;
	v3 =	vunpack.i.l.bf16.f32 v5  }
0x587: {  	v22 =	vunpack.i.u.bf16.f32 v9;
	v1 =	vadd.f32 v1, v7;
	v9 =	vmul.f32 v3, v3  }
0x588: {  	v7 =	vunpack.i.l.bf16.f32 v25;
	v2 =	vadd.f32 v2, v0;
	v0 =	vunpack.i.u.bf16.f32 v5  }
0x589: {  	v9 =	vadd.f32 v9, v4;
	v4 =	vunpack.i.u.bf16.f32 v25;
	v25 =	vmul.f32 v0, v0  }
0x58a: {  	v30 =	vmul.f32 v22, v22;
	v11 =	vmul.f32 v46, v48;
	v46 =	vld [tilespmem:$0x1E380]  }
0x58b: {  	v19 =	vmul.f32 v7, v7;
	v50 =	vadd.f32 v9, v25;
	v9 =	vmul.f32 v61, v52;
	v61 =	vld [tilespmem:$0x1E340]  }
0x58c: {  	v1 =	vadd.f32 v1, v30;
	v48 =	vld [tilespmem:$0x1E390]  }
0x58d: {  	(xrf2) =	vadd.scan.msk.f32 $0xffff, v8;
	v2 =	vadd.f32 v19, v2;
	v19 =	vld [tilespmem:$0x1E350]  }
0x58e: {  	(xrf2) =	vadd.scan.msk.f32 $0xffff, v1;
	v30 =	vmul.f32 v4, v4;
	v25 =	vld [tilespmem:$0x1E360]  }
0x58f: {  	(xrf2) =	vadd.scan.msk.f32 $0xffff, v50;
	v50 =	vld [tilespmem:$0x1E3A0]  }
0x590: {  	v14 =	vmul.f32 v62, v61;
	v62 =	vadd.f32 v2, v30;
	v30 =	vld [tilespmem:$0x1E370]  }
0x591: {  	v52 =	vld [tilespmem:$0x1E3B0]  }
0x592: {  	v61 =	vld [tilespmem:$0x1E3C0]  }
0x593: {  	(xrf2) =	vadd.scan.msk.f32 $0xffff, v62;
	v62 =	vld [tilespmem:$0x1E3D0]  }
0x594: {  	v8 =	vmul.f32 v50, v48;
	v48 =	vld [tilespmem:$0x1E400]  }
0x595: {  	v5 =	vmul.f32 v46, v30;
	v30 =	vld [tilespmem:$0x1E3E0]  }
0x596: {  	v50 =	vld [tilespmem:$0x1E410]  }
0x597: {  	v46 =	vld [tilespmem:$0x1E3F0]  }
0x598: {  	v2 =	vmul.f32 v25, v19;
	v19 =	vmul.f32 v61, v52;
	v52 =	vld [tilespmem:$0x1E420]  }
0x599: {  	v61 =	vld [tilespmem:$0x1E430]  }
0x59a: {  	v1 =	vmul.f32 v30, v62;
	v62 =	vld [tilespmem:$0x1E440];
	_ =	sdelay $0x3  }
0x59b: {  	v30 =	vmul.f32 v52, v50;
	v52 =	vld [tilespmem:$0x1E450]  }
0x59c: {  	v25 =	vmul.f32 v48, v46;
	v46 =	vmul.f32 v62, v61;
	v61 =	vld [tilespmem:$0x1E460];
	_ =	sdelay $0x3  }
0x59d: {  	v62 =	vld [tilespmem:$0x1E470]  }
0x59e: {  	v48 =	vmul.f32 v61, v52;
	v61 =	vld [tilespmem:$0x1E480];
	_ =	sdelay $0x3  }
0x59f: {  	v52 =	vld [tilespmem:$0x1E490]  }
0x5a0: {  	v50 =	vmul.f32 v61, v62;
	v61 =	vld [tilespmem:$0x1E4A0];
	_ =	sdelay $0x3  }
0x5a1: {  	v19 =	vadd.f32 v19, v30;
	v30 =	vld [tilespmem:$0x1E4B0]  }
0x5a2: {  	v52 =	vmul.f32 v61, v52;
	v61 =	vld [tilespmem:$0x1E4C0];
	_ =	sdelay $0x3  }
0x5a3: {  	v48 =	vadd.f32 v48, v50;
	v50 =	vld [tilespmem:$0x1E4D0]  }
0x5a4: {  	v30 =	vmul.f32 v61, v30;
	v61 =	vld [tilespmem:$0x1E4E0];
	_ =	sdelay $0x3  }
0x5a5: {  	v46 =	vadd.f32 v46, v52;
	v52 =	vld [tilespmem:$0x1E4F0]  }
0x5a6: {  	v50 =	vmul.f32 v61, v50;
	v61 =	vld [tilespmem:$0x1E500];
	_ =	sdelay $0x3  }
0x5a7: {  	v19 =	vadd.f32 v30, v19;
	v30 =	vld [tilespmem:$0x1E510]  }
0x5a8: {  	v52 =	vmul.f32 v61, v52;
	v61 =	vld [tilespmem:$0x1E520];
	_ =	sdelay $0x1  }
0x5a9: {  	v1 =	vadd.f32 v1, v25;
	_ =	sdelay $0x1  }
0x5aa: {  	v1 =	vadd.f32 v50, v1;
	v50 =	vld [tilespmem:$0x1E530]  }
0x5ab: {  	v30 =	vmul.f32 v61, v30;
	v61 =	vld [tilespmem:$0x1E540];
	_ =	sdelay $0x3  }
0x5ac: {  	v19 =	vadd.f32 v19, v52;
	v52 =	vld [tilespmem:$0x1E550]  }
0x5ad: {  	v50 =	vmul.f32 v61, v50;
	v61 =	vld [tilespmem:$0x1E560];
	_ =	sdelay $0x3  }
0x5ae: {  	v1 =	vadd.f32 v1, v30;
	v30 =	vld [tilespmem:$0x1E570]  }
0x5af: {  	v52 =	vmul.f32 v61, v52;
	v61 =	vld [tilespmem:$0x1E580]  }
0x5b0: {  	v25, _, _ =	vpop (xrf2)  }
0x5b1: {  	(v2sf) =	vpush v25, $0xF;
	v25, _, _ =	vpop (xrf2)  }
0x5b2: {  	(v2sf) =	vpush v25, $0xF;
	v25, _, _ =	vpop (xrf2)  }
0x5b3: {  	(v2sf) =	vpush v25, $0xF;
	v25, _, _ =	vpop (xrf2);
	v62 =	vld [tilespmem:$0x1E590]  }
0x5b4: {  	(v2sf) =	vpush v25, $0xF;
	v25, _, _ =	vpop (xrf2);
	v30 =	vmul.f32 v61, v30;
	v61 =	vld [tilespmem:$0x1E5A0]  }
0x5b5: {  	(v2sf) =	vpush v25, $0xF;
	v25, _, _ =	vpop (xrf2)  }
0x5b6: {  	(v2sf) =	vpush v25, $0xF;
	v25, _, _ =	vpop (xrf2)  }
0x5b7: {  	(v2sf) =	vpush v25, $0xF;
	v25, _, _ =	vpop (xrf2)  }
0x5b8: {  	(v2sf) =	vpush v25, $0xF;
	v25 =	vadd.f32 v52, v46;
	v52 =	vld [tilespmem:$0x1E5C0]  }
0x5b9: {  	v8 =	vadd.f32 v8, v19;
	v19 =	vmul.f32 v61, v62;
	v62 =	vld [tilespmem:$0x1E5B0];
	_ =	sdelay $0x3  }
0x5ba: {  	v61 =	vld [tilespmem:$0x1E5D0]  }
0x5bb: {  	v46 =	vmul.f32 v52, v62;
	v62 =	vld [tilespmem:$0x1E5E0];
	_ =	sdelay $0x3  }
0x5bc: {  	v52 =	vld [tilespmem:$0x1E5F0]  }
0x5bd: {  	v5 =	vadd.f32 v8, v5;
	v30 =	vadd.f32 v30, v48;
	v8 =	vmul.f32 v62, v61;
	v61 =	vld [tilespmem:$0x1E600]  }
0x5be: {  	v48 =	vld [tilespmem:$0x1E620]  }
0x5bf: {  	v62 =	vadd.f32 v30, v46;
	v46 =	vld [tilespmem:$0x1E610]  }
0x5c0: {  	v1 =	vadd.f32 v50, v1;
	v50 =	vld [tilespmem:$0x1E630]  }
0x5c1: {  	v30 =	vld [tilespmem:$0x1E690]  }
0x5c2: {  	v1 =	vadd.f32 v1, v2;
	v19 =	vadd.f32 v25, v19;
	v2 =	vmul.f32 v61, v52;
	v52 =	vld [tilespmem:$0x1E640]  }
0x5c3: {  	v25 =	vld [tilespmem:$0x1E680]  }
0x5c4: {  	v5 =	vadd.f32 v14, v5;
	v8 =	vadd.f32 v8, v19;
	v19 =	vld [tilespmem:$0x1E670];
	v14 =	vmul.f32 v48, v46  }
0x5c5: {  	v61 =	vld [tilespmem:$0x1E650]  }
0x5c6: {  	v8 =	vadd.f32 v8, v14;
	v14 =	vmul.f32 v53, v30;
	v53 =	vld [tilespmem:$0x1E6D0]  }
0x5c7: {  	v1 =	vadd.f32 v9, v1;
	v9 =	vmul.f32 v52, v50;
	v52 =	vld [tilespmem:$0x1E6C0]  }
0x5c8: {  	v5 =	vadd.f32 v5, v12;
	v2 =	vadd.f32 v2, v62;
	v62 =	vld [tilespmem:$0x1E660]  }
0x5c9: {  	v51 =	vmul.f32 v51, v57;
	v57 =	vld [tilespmem:$0x1E6E0]  }
0x5ca: {  	v5 =	vadd.f32 v29, v5;
	v48 =	vld [tilespmem:$0x1E6A0];
	v12 =	vmul.f32 v25, v19  }
0x5cb: {  	s22 =	spop (v2sf);
	v46 =	vmul.f32 v55, v56;
	v55 =	vmul.f32 v49, v63;
	v50 =	vld [tilespmem:$0x1E6B0]  }
0x5cc: {  	s23 =	spop (v2sf);
	v63 =	vld [tilespmem:$0x1E700];
	v5 =	vadd.f32 v5, v14;
	v8 =	vadd.f32 v12, v8;
	v19 =	vmul.f32 v53, v52  }
0x5cd: {  	s28 =	smax.f32 s22, $1.000000020e-16;
	s19 =	spop (v2sf);
	v1 =	vadd.f32 v1, v11;
	v11 =	vmul.f32 v62, v61;
	v61 =	vld [tilespmem:$0x1E6F0]  }
0x5ce: {  	s24 =	smax.f32 s23, $1.000000020e-16;
	s2 =	spop (v2sf);
	v5 =	vadd.f32 v51, v5;
	v8 =	vadd.f32 v8, v19;
	v19 =	vld [tilespmem:$0x1E710]  }
0x5cf: {  	s29 =	smax.f32 s19, $1.000000020e-16;
	s1 =	smul.f32 s24, s28;
	v29 =	vmul.f32 v32, v43;
	v32 =	vld [tilespmem:$0x1E730];
	v56 =	vmul.f32 v37, v47;
	v2 =	vadd.f32 v2, v9  }
0x5d0: {  	s31 =	spop (v2sf);
	s20 =	smax.f32 s2, $1.000000020e-16;
	v30 =	vld [tilespmem:$0x1E720];
	v5 =	vadd.f32 v5, v55;
	v1 =	vadd.f32 v11, v1;
	v11 =	vmul.f32 v50, v48  }
0x5d1: {  	s8 =	spop (v2sf);
	s20 =	smul.f32 s20, s29;
	v25 =	vmul.f32 v58, v59;
	v62 =	vmul.f32 v34, v40  }
0x5d2: {  	s16 =	smax.f32 s31, $1.000000020e-16;
	s5 =	smul.f32 $5.000000000e-01, s1;
	v40 =	vld [tilespmem:$0x1E740];
	v5 =	vadd.f32 v28, v5;
	v2 =	vadd.f32 v11, v2;
	v11 =	vmul.f32 v61, v57  }
0x5d3: {  	s1 =	sshra.s32 s1, $0x1;
	s17 =	spop (v2sf);
	s21 =	smax.f32 s8, $1.000000020e-16;
	v34 =	vmul.f32 v27, v42;
	v42 =	vld [tilespmem:$0x1E750];
	v1 =	vadd.f32 v1, v46;
	v9 =	vmul.f32 v19, v63  }
0x5d4: {  	s1 =	ssub.s32 $0x5F3759DF, s1;
	s4 =	spop (v2sf);
	s16 =	smul.f32 s21, s16;
	v5 =	vadd.f32 v5, v44;
	v44 =	vmul.f32 v35, v45;
	v8 =	vadd.f32 v11, v8  }
0x5d5: {  	s26 =	smax.f32 s17, $1.000000020e-16;
	s6 =	smul.f32 $5.000000000e-01, s20;
	v45 =	vld [tilespmem:$0x1E760];
	v1 =	vadd.f32 v56, v1;
	v2 =	vadd.f32 v2, v9;
	v9 =	vmul.f32 v32, v30  }
0x5d6: {  	s29 =	smul.f32 s1, s5;
	s28 =	smax.f32 s4, $1.000000020e-16;
	v37 =	vmul.f32 v33, v41;
	v8 =	vadd.f32 v8, v25  }
0x5d7: {  	s20 =	sshra.s32 s20, $0x1;
	s21 =	smul.f32 s28, s26;
	v1 =	vadd.f32 v1, v62;
	v2 =	vadd.f32 v9, v2;
	v9 =	vmul.f32 v60, v40  }
0x5d8: {  	s24 =	sadd.f32 s3, s30;
	s20 =	ssub.s32 $0x5F3759DF, s20;
	s26 =	smul.f32 $5.000000000e-01, s16;
	v43 =	vmul.f32 v13, v18;
	v5 =	vadd.f32 v42, v5;
	v8 =	vadd.f32 v37, v8  }
0x5d9: {  	s0 =	simm.s32 @!p0 $0x0;
	s28 =	smul.f32 s20, s6;
	v41 =	vmul.f32 v23, v38;
	v1 =	vadd.f32 v29, v1;
	v2 =	vadd.f32 v2, v9  }
0x5da: {  	s15 =	simm.s32 @!p0 $0x0;
	s0 =	sadd.f32 s0, s24;
	s24 =	smul.f32 s1, s29;
	v47 =	vmul.f32 v31, v39;
	v48 =	vld [tilespmem:$0x1E770];
	v5 =	vadd.f32 v5, v45;
	v8 =	vadd.f32 v8, v44  }
0x5db: {  	s15 =	sadd.f32 s15, s25;
	s16 =	sshra.s32 s16, $0x1;
	s3 =	smul.f32 $5.000000000e-01, s21;
	v46 =	vmul.f32 v54, v21;
	v1 =	vadd.f32 v1, v34;
	v2 =	vadd.f32 v43, v2  }
0x5dc: {  	s16 =	ssub.s32 $0x5F3759DF, s16;
	s21 =	sshra.s32 s21, $0x1;
	s25 =	smul.f32 s20, s28;
	v51 =	vmul.f32 v20, v36;
	v50 =	vadd.f32 v47, v8  }
0x5dd: {  	s28 =	smul.f32 s16, s26;
	s21 =	ssub.s32 $0x5F3759DF, s21;
	v49 =	vmul.f32 v6, v17;
	(xrf2) =	vadd.scan.msk.f32 $0xffff, v5;
	v1 =	vadd.f32 v41, v1;
	v2 =	vadd.f32 v2, v46  }
0x5de: {  	s24 =	ssub.f32 $1.500000000e+00, s24;
	s29 =	smul.f32 s21, s3;
	v55 =	vmul.f32 v16, v26;
	v54 =	vadd.f32 v50, v51  }
0x5df: {  	s28 =	smul.f32 s16, s28;
	v53 =	vmul.f32 v10, v15;
	v1 =	vadd.f32 v1, v48;
	v52 =	vadd.f32 v49, v2  }
0x5e0: {  	s13 =	simm.s32 @!p0 $0x0;
	s25 =	ssub.f32 $1.500000000e+00, s25;
	s1 =	smul.f32 s1, s24;
	v58 =	vmul.f32 v22, v24;
	v57 =	vadd.f32 v55, v54  }
0x5e1: {  	s13 =	sadd.f32 s13, s15;
	s15 =	smul.f32 s21, s29;
	v56 =	vmul.f32 v7, v3;
	(xrf2) =	vadd.scan.msk.f32 $0xffff, v1;
	v1 =	vadd.f32 v52, v53  }
0x5e2: {  	s28 =	ssub.f32 $1.500000000e+00, s28;
	s20 =	smul.f32 s20, s25;
	v59 =	vadd.f32 v57, v58  }
0x5e3: {  	v0 =	vmul.f32 v4, v0;
	s29 =	smul.f32 s1, s5;
	v1 =	vadd.f32 v56, v1  }
0x5e4: {  	s15 =	ssub.f32 $1.500000000e+00, s15;
	s16 =	smul.f32 s16, s28;
	(xrf2) =	vadd.scan.msk.f32 $0xffff, v59  }
0x5e5: {  	s14 =	simm.s32 @!p0 $0x0;
	s29 =	smul.f32 s29, s1;
	v0 =	vadd.f32 v1, v0  }
0x5e6: {  	s0 =	sadd.f32 s14, s0;
	s14 =	smul.f32 s21, s15  }
0x5e7: {  	s11 =	simm.s32 @!p0 $0x0;
	s21 =	smul.f32 s20, s6;
	v60, _, _ =	vpop (xrf2);
	(xrf2) =	vadd.scan.msk.f32 $0xffff, v0  }
0x5e8: {  	s12 =	simm.s32 @!p0 $0x0;
	s11 =	sadd.f32 s11, s13;
	s24 =	smul.f32 s16, s26  }
0x5e9: {  	s25 =	sadd.f32 s12, s0;
	s28 =	smul.f32 s14, s3  }
0x5ea: {  	s12 =	ssub.f32 $1.500000000e+00, s29;
	s15 =	smul.f32 s21, s20;
	(v2sf) =	vpush v60, $0xF  }
0x5eb: {  	s10 =	simm.s32 @!p0 $0x0;
	s22 =	sadd.f32 s23, s22;
	s21 =	smul.f32 s24, s16  }
0x5ec: {  	s30 =	sadd.f32 s10, s11;
	s1 =	smul.f32 s12, s1  }
0x5ed: {  	s0 =	smul.f32 s28, s14;
	s10 =	ssub.f32 $1.500000000e+00, s15;
	v61, _, _ =	vpop (xrf2)  }
0x5ee: {  	s11 =	ssub.f32 $1.500000000e+00, s21;
	s23 =	smul.f32 s1, s5;
	(v2sf) =	vpush v61, $0xF;
	v62, _, _ =	vpop (xrf2)  }
0x5ef: {  	s10 =	smul.f32 s10, s20;
	s0 =	ssub.f32 $1.500000000e+00, s0;
	(v2sf) =	vpush v62, $0xF  }
0x5f0: {  	s11 =	smul.f32 s11, s16  }
0x5f1: {  	s13 =	smul.f32 s0, s14;
	v63, _, _ =	vpop (xrf2)  }
0x5f2: {  	s24 =	smul.f32 s10, s6;
	(v2sf) =	vpush v63, $0xF  }
0x5f3: {  	s2 =	sadd.f32 s2, s19;
	s0 =	smul.f32 s23, s1  }
0x5f4: {  	s16 =	sadd.f32 s4, s17;
	s26 =	smul.f32 s11, s26  }
0x5f5: {  	s6 =	sadd.f32 s8, s31;
	s28 =	smul.f32 s24, s10  }
0x5f6: {  	s0 =	ssub.f32 $1.500000000e+00, s0;
	s15 =	smul.f32 s26, s11  }
0x5f7: {  	s3 =	smul.f32 s13, s3;
	s4 =	ssub.f32 $1.500000000e+00, s28  }
0x5f8: {  	s1 =	smul.f32 s0, s1;
	s20 =	ssub.f32 $1.500000000e+00, s15  }
0x5f9: {  	s21 =	smul.f32 s3, s13;
	s14 =	spop (v2sf)  }
0x5fa: {  	s19 =	smul.f32 s4, s10;
	s29 =	sadd.f32 s14, s14  }
0x5fb: {  	s10 =	ssub.f32 $1.500000000e+00, s21;
	s1 =	smul.f32 s1, s14  }
0x5fc: {  	s11 =	smul.f32 s20, s11;
	s0 =	ssub.f32 s22, s29  }
0x5fd: {  	s3 =	ssub.f32 $1.000000000e+00, s1;
	s8 =	spop (v2sf)  }
0x5fe: {  	s31 =	sadd.f32 s8, s8;
	s22 =	spop (v2sf)  }
0x5ff: {  	s10 =	smul.f32 s10, s13;
	s24 =	sadd.f32 s22, s22  }
0x600: {  	s29 =	smul.f32 s19, s8;
	s2 =	ssub.f32 s2, s31  }
0x601: {  	s4 =	ssub.f32 s6, s24;
	s23 =	spop (v2sf)  }
0x602: {  	s6 =	ssub.f32 $1.000000000e+00, s29;
	s28 =	smul.f32 s10, s23  }
0x603: {  	s11 =	smul.f32 s11, s22;
	s26 =	sadd.f32 s23, s23  }
0x604: {  	s31 =	sadd.s32 $0x0, s9;
	s8 =	ssub.f32 $1.000000000e+00, s28  }
0x605: {  	p0 =	slt.u32 s31, $0x27100;
	s22 =	simm.s32 $0x0;
	s10 =	ssub.f32 $1.000000000e+00, s11  }
0x606: {  	s23 =	simm.s32 $0xF600;
	s5 =	ssub.f32 s16, s26;
	s8 =	simm.s32 @!p0 $0x0  }
.LBB2_7:
0x607: {  	v4 =	vld [tilespmem:s23+$0xFFFFFFF0]  }
0x608: {  	s18 =	sadd.s32 $0x200, s18;
	v23 =	vld [tilespmem:s23+$0xFFFFFF50]  }
0x609: {  	v24 =	vld [tilespmem:s18+$0xFFFFFFD0]  }
0x60a: {  	v8 =	vld [tilespmem:s23+$0xFFFFFF70]  }
0x60b: {  	v26 =	vld [tilespmem:s18+$0xFFFFFF50];
	_ =	sdelay $0x1  }
0x60c: {  	[tilespmem:$0x1DB50] =	vst v23  }
0x60d: {  	v12 =	vld [tilespmem:s23+$0xFFFFFFE0];
	v41 =	vunpack.i.u.bf16.f32 v4;
	[tilespmem:$0x1DB40] =	vst v24  }
0x60e: {  	v10 =	vld [tilespmem:s23+$0x60];
	[tilespmem:$0x1E310] =	vst v41  }
0x60f: {  	v14 =	vld [tilespmem:s23+$0xD0];
	v43 =	vunpack.i.u.bf16.f32 v8;
	[tilespmem:$0x1DB60] =	vst v26  }
0x610: {  	v16 =	vld [tilespmem:s23+$0xFFFFFF60];
	v45 =	vunpack.i.l.bf16.f32 v4;
	[tilespmem:$0x1E100] =	vst v43  }
0x611: {  	v47 =	vunpack.i.l.bf16.f32 v8;
	[tilespmem:$0x1E2E0] =	vst v45  }
0x612: {  	v18 =	vld [tilespmem:s23+$0x50];
	v50 =	vunpack.i.u.bf16.f32 v12;
	[tilespmem:$0x1E0C0] =	vst v47  }
0x613: {  	v39 =	vunpack.i.l.bf16.f32 v10;
	[tilespmem:$0x1E2A0] =	vst v50  }
0x614: {  	v5 =	vld [tilespmem:s18+$0xFFFFFFF0];
	v52 =	vunpack.i.u.bf16.f32 v14;
	[tilespmem:$0x1DEC0] =	vst v39  }
0x615: {  	v9 =	vld [tilespmem:s18+$0xFFFFFF70];
	v53 =	vunpack.i.u.bf16.f32 v16;
	[tilespmem:$0x1E230] =	vst v52  }
0x616: {  	v58 =	vunpack.i.l.bf16.f32 v12;
	[tilespmem:$0x1E080] =	vst v53  }
0x617: {  	v60 =	vunpack.i.u.bf16.f32 v18;
	[tilespmem:$0x1DF80] =	vst v58  }
0x618: {  	v13 =	vld [tilespmem:s18+$0xFFFFFFE0];
	v63 =	vunpack.i.l.bf16.f32 v14;
	[tilespmem:$0x1DE80] =	vst v60  }
0x619: {  	v17 =	vld [tilespmem:s18+$0xFFFFFF60];
	v42 =	vunpack.i.u.bf16.f32 v5;
	[tilespmem:$0x1E210] =	vst v63  }
0x61a: {  	v15 =	vld [tilespmem:s18+$0xD0];
	v44 =	vunpack.i.u.bf16.f32 v9;
	[tilespmem:$0x1E320] =	vst v42  }
0x61b: {  	v46 =	vunpack.i.l.bf16.f32 v5;
	[tilespmem:$0x1E150] =	vst v44  }
0x61c: {  	v19 =	vld [tilespmem:s18+$0x50];
	v49 =	vunpack.i.l.bf16.f32 v9;
	[tilespmem:$0x1E2F0] =	vst v46  }
0x61d: {  	v51 =	vunpack.i.u.bf16.f32 v13;
	[tilespmem:$0x1E120] =	vst v49  }
0x61e: {  	v54 =	vunpack.i.u.bf16.f32 v17;
	[tilespmem:$0x1E2B0] =	vst v51  }
0x61f: {  	v56 =	vunpack.i.u.bf16.f32 v15;
	[tilespmem:$0x1E0E0] =	vst v54  }
0x620: {  	v20 =	vld [tilespmem:s23+$0xFFFFFFD0];
	v59 =	vunpack.i.l.bf16.f32 v13;
	[tilespmem:$0x1E240] =	vst v56  }
0x621: {  	v62 =	vunpack.i.u.bf16.f32 v19;
	[tilespmem:$0x1DFE0] =	vst v59  }
0x622: {  	v12 =	vunpack.i.l.bf16.f32 v15;
	[tilespmem:$0x1DEE0] =	vst v62  }
0x623: {  	v13 =	vunpack.i.l.bf16.f32 v16;
	[tilespmem:$0x1E220] =	vst v12  }
0x624: {  	v0 =	vld [tilespmem:s23+$0xF0];
	v14 =	vunpack.i.l.bf16.f32 v17;
	[tilespmem:$0x1E040] =	vst v13  }
0x625: {  	v21 =	vld [tilespmem:s23+$0xC0];
	v15 =	vunpack.i.u.bf16.f32 v20;
	[tilespmem:$0x1E0A0] =	vst v14  }
0x626: {  	v22 =	vld [tilespmem:s18+$0xC0];
	v16 =	vunpack.i.u.bf16.f32 v24;
	[tilespmem:$0x1DF40] =	vst v15  }
0x627: {  	v2 =	vld [tilespmem:s23+$0x70];
	v17 =	vunpack.i.l.bf16.f32 v18;
	[tilespmem:$0x1DFA0] =	vst v16  }
0x628: {  	v32 =	vld [tilespmem:s23+$0x10];
	v18 =	vunpack.i.l.bf16.f32 v19;
	[tilespmem:$0x1DE40] =	vst v17  }
0x629: {  	v11 =	vld [tilespmem:s18+$0x60];
	v19 =	vunpack.i.u.bf16.f32 v23;
	[tilespmem:$0x1DEA0] =	vst v18  }
0x62a: {  	v3 =	vld [tilespmem:s18+$0x70];
	v24 =	vunpack.i.u.bf16.f32 v21;
	[tilespmem:$0x1E000] =	vst v19  }
0x62b: {  	v1 =	vld [tilespmem:s18+$0xF0];
	v25 =	vunpack.i.u.bf16.f32 v22;
	[tilespmem:$0x1E1F0] =	vst v24  }
0x62c: {  	v6 =	vld [tilespmem:s23+$0xE0];
	v23 =	vunpack.i.u.bf16.f32 v26;
	[tilespmem:$0x1E200] =	vst v25  }
0x62d: {  	v26 =	vunpack.i.l.bf16.f32 v20;
	[tilespmem:$0x1E060] =	vst v23  }
0x62e: {  	v35 =	vunpack.i.u.bf16.f32 v2;
	v61 =	vunpack.i.l.bf16.f32 v0;
	v51 =	vunpack.i.l.bf16.f32 v11;
	[tilespmem:$0x1DF00] =	vst v26  }
0x62f: {  	v7 =	vld [tilespmem:s18+$0xE0];
	v57 =	vunpack.i.u.bf16.f32 v3;
	v56 =	vunpack.i.l.bf16.f32 v21;
	v21 =	vunpack.i.u.bf16.f32 v32;
	[tilespmem:$0x1DF20] =	vst v51  }
0x630: {  	v8 =	vld [tilespmem:s23+$0xFFFFFFA0];
	v36 =	vunpack.i.l.bf16.f32 v1;
	v32 =	vunpack.i.l.bf16.f32 v32;
	v20 =	vmul.f32 v57, v35;
	[tilespmem:$0x1DC40] =	vst v21  }
0x631: {  	v38 =	vunpack.i.u.bf16.f32 v6;
	v28 =	vunpack.i.l.bf16.f32 v6;
	v6 =	vld [tilespmem:s23+$0x20];
	v41 =	vmul.f32 v36, v61;
	[tilespmem:$0x1DBE0] =	vst v32  }
0x632: {  	v46 =	vunpack.i.l.bf16.f32 v22;
	v39 =	vmul.f32 v51, v39;
	[tilespmem:$0x1E300] =	vst v20  }
0x633: {  	v51 =	vmul.f32 v46, v56;
	[tilespmem:$0x1E280] =	vst v41  }
0x634: {  	v33 =	vunpack.i.u.bf16.f32 v7;
	v27 =	vunpack.i.l.bf16.f32 v7;
	v7 =	vld [tilespmem:s18+$0x20];
	[tilespmem:$0x1E270] =	vst v39  }
0x635: {  	v12 =	vld [tilespmem:s23+$0xFFFFFF20];
	v14 =	vunpack.i.u.bf16.f32 v8;
	[tilespmem:$0x1E1E0] =	vst v51  }
0x636: {  	v30 =	vunpack.i.u.bf16.f32 v10;
	v29 =	vunpack.i.u.bf16.f32 v11;
	v16 =	vld [tilespmem:s18+$0xFFFFFF20];
	v19 =	vunpack.i.l.bf16.f32 v6;
	[tilespmem:$0x1DD20] =	vst v14  }
0x637: {  	v9 =	vld [tilespmem:s18+$0xFFFFFFA0];
	v20 =	vmul.f32 v29, v30;
	v15 =	vunpack.i.l.bf16.f32 v8;
	[tilespmem:$0x1DB80] =	vst v19  }
0x638: {  	[tilespmem:$0x1DCE0] =	vst v15  }
0x639: {  	v10 =	vld [tilespmem:s23+$0x90];
	[tilespmem:$0x1E290] =	vst v20  }
0x63a: {  	v34 =	vunpack.i.l.bf16.f32 v3;
	v3 =	vld [tilespmem:s18+$0x30];
	[tilespmem:$0x1DB90] =	vst v12  }
0x63b: {  	v22 =	vld [tilespmem:s18+$0xFFFFFF90];
	v44 =	vunpack.i.u.bf16.f32 v7;
	[tilespmem:$0x1DBA0] =	vst v16  }
0x63c: {  	v31 =	vunpack.i.l.bf16.f32 v2;
	v2 =	vld [tilespmem:s23+$0x30];
	v13 =	vunpack.i.u.bf16.f32 v9;
	[tilespmem:$0x1DB70] =	vst v44  }
0x63d: {  	v48 =	vunpack.i.u.bf16.f32 v0;
	v60 =	vunpack.i.l.bf16.f32 v7;
	v7 =	vunpack.i.l.bf16.f32 v9;
	[tilespmem:$0x1DD30] =	vst v13  }
0x63e: {  	v4 =	vld [tilespmem:s23+$0xA0];
	v55 =	vunpack.i.u.bf16.f32 v1;
	v17 =	vunpack.i.u.bf16.f32 v10;
	[tilespmem:$0x1DCF0] =	vst v7;
	v9 =	vunpack.i.l.bf16.f32 v12  }
0x63f: {  	v5 =	vld [tilespmem:s18+$0xA0];
	v50 =	vunpack.i.l.bf16.f32 v10;
	v42 =	vunpack.i.u.bf16.f32 v3;
	v8 =	vunpack.i.l.bf16.f32 v16;
	[tilespmem:$0x1DD00] =	vst v9  }
0x640: {  	v63 =	vunpack.i.l.bf16.f32 v3;
	v3 =	vmul.f32 v34, v31;
	v10 =	vunpack.i.u.bf16.f32 v22;
	[tilespmem:$0x1DD10] =	vst v8  }
0x641: {  	v0 =	vld [tilespmem:s23+$0xB0];
	v62 =	vunpack.i.l.bf16.f32 v2;
	v16 =	vmul.f32 v55, v48;
	[tilespmem:$0x1DCB0] =	vst v10  }
0x642: {  	v40 =	vunpack.i.u.bf16.f32 v6;
	v51 =	vmul.f32 v63, v62;
	[tilespmem:$0x1E2D0] =	vst v3  }
0x643: {  	v44 =	vmul.f32 v44, v40;
	[tilespmem:$0x1E2C0] =	vst v16  }
0x644: {  	v11 =	vld [tilespmem:s18+$0x90];
	v43 =	vunpack.i.l.bf16.f32 v4;
	v45 =	vunpack.i.l.bf16.f32 v5;
	v13 =	vmul.f32 v13, v14;
	[tilespmem:$0x1E190] =	vst v51  }
0x645: {  	v49 =	vunpack.i.u.bf16.f32 v2;
	v2 =	vld [tilespmem:s23+$0xFFFFFF90];
	v14 =	vmul.f32 v45, v43;
	[tilespmem:$0x1E180] =	vst v44  }
0x646: {  	v58 =	vunpack.i.u.bf16.f32 v0;
	v53 =	vunpack.i.l.bf16.f32 v0;
	v0 =	vld [tilespmem:s23+$0xFFFFFF10];
	v7 =	vmul.f32 v7, v15;
	[tilespmem:$0x1E170] =	vst v13  }
0x647: {  	v48 =	vmul.f32 v48, v48;
	[tilespmem:$0x1E0D0] =	vst v14  }
0x648: {  	v3 =	vmul.f32 v42, v49;
	[tilespmem:$0x1E130] =	vst v7  }
0x649: {  	v1 =	vld [tilespmem:s18+$0xB0];
	v59 =	vunpack.i.u.bf16.f32 v4;
	v54 =	vunpack.i.u.bf16.f32 v5;
	[tilespmem:$0x1DF10] =	vst v48  }
0x64a: {  	v47 =	vunpack.i.u.bf16.f32 v11;
	v52 =	vunpack.i.l.bf16.f32 v11;
	v11 =	vunpack.i.u.bf16.f32 v2;
	[tilespmem:$0x1E1B0] =	vst v3  }
0x64b: {  	v51 =	vmul.f32 v54, v59;
	v6 =	vunpack.i.u.bf16.f32 v0;
	[tilespmem:$0x1DC60] =	vst v11  }
0x64c: {  	v14 =	vmul.f32 v8, v9;
	[tilespmem:$0x1DCC0] =	vst v6  }
0x64d: {  	v7 =	vmul.f32 v35, v35;
	[tilespmem:$0x1E160] =	vst v51  }
0x64e: {  	v26 =	vunpack.i.u.bf16.f32 v1;
	v37 =	vunpack.i.l.bf16.f32 v1;
	v1 =	vld [tilespmem:s18+$0x10];
	v8 =	vmul.f32 v57, v57;
	[tilespmem:$0x1E140] =	vst v14  }
0x64f: {  	v9 =	vmul.f32 v61, v61;
	[tilespmem:$0x1DFD0] =	vst v7  }
0x650: {  	v57 =	vmul.f32 v31, v31;
	[tilespmem:$0x1E030] =	vst v8  }
0x651: {  	v61 =	vmul.f32 v34, v34;
	[tilespmem:$0x1DED0] =	vst v9  }
0x652: {  	[tilespmem:$0x1DF90] =	vst v57  }
0x653: {  	v18 =	vunpack.i.u.bf16.f32 v1;
	[tilespmem:$0x1DFF0] =	vst v61  }
0x654: {  	v23 =	vunpack.i.l.bf16.f32 v1;
	v51 =	vunpack.i.l.bf16.f32 v22;
	v22 =	vmul.f32 v60, v19;
	[tilespmem:$0x1DC50] =	vst v18  }
0x655: {  	v61 =	vmul.f32 v29, v29;
	[tilespmem:$0x1DBF0] =	vst v23  }
0x656: {  	v16 =	vmov v33;
	v29 =	vmul.f32 v27, v27;
	[tilespmem:$0x1E110] =	vst v22  }
0x657: {  	v12 =	vmul.f32 v16, v38;
	[tilespmem:$0x1DFB0] =	vst v61  }
0x658: {  	v4 =	vld [tilespmem:s23+$0x80];
	v33 =	vmov v38;
	v38 =	vmul.f32 v27, v28;
	[tilespmem:$0x1DEB0] =	vst v29  }
0x659: {  	v5 =	vld [tilespmem:s18+$0x80];
	v13 =	vmul.f32 v18, v21;
	[tilespmem:$0x1E260] =	vst v12  }
0x65a: {  	v18 =	vmul.f32 v52, v50;
	[tilespmem:$0x1E250] =	vst v38  }
0x65b: {  	v21 =	vmul.f32 v10, v11;
	[tilespmem:$0x1DC70] =	vst v13  }
0x65c: {  	v35 =	vld [tilespmem:$0x1E310];
	v22 =	vmul.f32 v23, v32;
	[tilespmem:$0x1DC10] =	vst v18  }
0x65d: {  	v41 =	vunpack.i.u.bf16.f32 v4;
	v20 =	vunpack.i.l.bf16.f32 v4;
	v1 =	vld [tilespmem:s18+$0xFFFFFF10];
	v12 =	vmul.f32 v26, v58;
	[tilespmem:$0x1DCA0] =	vst v21  }
0x65e: {  	v4 =	vld [tilespmem:s23+$0x0];
	v39 =	vunpack.i.u.bf16.f32 v5;
	v38 =	vunpack.i.l.bf16.f32 v5;
	v5 =	vmul.f32 v47, v17;
	[tilespmem:$0x1DC00] =	vst v22  }
0x65f: {  	v44 =	vunpack.i.l.bf16.f32 v2;
	v2 =	vld [tilespmem:s23+$0xFFFFFF80];
	v19 =	vmov v47;
	v47 =	vmul.f32 v39, v41;
	[tilespmem:$0x1E1D0] =	vst v12  }
0x660: {  	v18 =	vmul.f32 v36, v36;
	[tilespmem:$0x1DC80] =	vst v5  }
0x661: {  	[tilespmem:$0x1DBC0] =	vst v47  }
0x662: {  	v23 =	vmul.f32 v38, v20;
	v3 =	vunpack.i.u.bf16.f32 v1;
	[tilespmem:$0x1DF30] =	vst v18  }
0x663: {  	v15 =	vunpack.i.u.bf16.f32 v4;
	v13 =	vunpack.i.l.bf16.f32 v4;
	v4 =	vmul.f32 v55, v55;
	[tilespmem:$0x1DCD0] =	vst v3  }
0x664: {  	v11 =	vunpack.i.u.bf16.f32 v2;
	v10 =	vunpack.i.l.bf16.f32 v2;
	v2 =	vmul.f32 v35, v35;
	[tilespmem:$0x1DBB0] =	vst v23  }
0x665: {  	v35 =	vmul.f32 v30, v30;
	[tilespmem:$0x1DF70] =	vst v4  }
0x666: {  	v32 =	vld [tilespmem:s18+$0xFFFFFF80];
	v12 =	vmul.f32 v37, v53;
	[tilespmem:$0x1E090] =	vst v2  }
0x667: {  	v36 =	vld [tilespmem:$0x1E320];
	v18 =	vmul.f32 v16, v16;
	[tilespmem:$0x1DF50] =	vst v35  }
0x668: {  	v22 =	vunpack.i.l.bf16.f32 v1;
	v1 =	vld [tilespmem:s18+$0xFFFFFF00];
	v16 =	vmul.f32 v28, v28;
	[tilespmem:$0x1E1A0] =	vst v12  }
0x669: {  	v47 =	vld [tilespmem:s23+$0x40];
	v5 =	vmul.f32 v3, v6;
	[tilespmem:$0x1DEF0] =	vst v18  }
0x66a: {  	v23 =	vunpack.i.l.bf16.f32 v0;
	v0 =	vld [tilespmem:s23+$0xFFFFFF00];
	v6 =	vmul.f32 v51, v44;
	[tilespmem:$0x1DE50] =	vst v16  }
0x66b: {  	v2 =	vld [tilespmem:s18+$0x40];
	v8 =	vunpack.i.l.bf16.f32 v32;
	v21 =	vmul.f32 v22, v23;
	[tilespmem:$0x1DC90] =	vst v5  }
0x66c: {  	v3 =	vld [tilespmem:s23+$0xFFFFFFC0];
	v7 =	vunpack.i.u.bf16.f32 v32;
	[tilespmem:$0x1DC30] =	vst v6;
	v32 =	vmul.f32 v8, v10  }
0x66d: {  	v31 =	vld [tilespmem:$0x1E2E0];
	v6 =	vmul.f32 v33, v33;
	[tilespmem:$0x1DC20] =	vst v21  }
0x66e: {  	v35 =	vld [tilespmem:$0x1E210];
	[tilespmem:$0x1DBD0] =	vst v32;
	v32 =	vmul.f32 v7, v11  }
0x66f: {  	v12 =	vld [tilespmem:s18+$0x0];
	v5 =	vunpack.i.l.bf16.f32 v1;
	[tilespmem:$0x1DE90] =	vst v6;
	v34 =	vunpack.i.u.bf16.f32 v47;
	v9 =	vunpack.i.u.bf16.f32 v0  }
0x670: {  	v21 =	vld [tilespmem:$0x1DB40];
	v4 =	vunpack.i.l.bf16.f32 v0;
	v0 =	vmul.f32 v36, v36;
	[tilespmem:$0x1DDB0] =	vst v34;
	v36 =	vunpack.i.u.bf16.f32 v2  }
0x671: {  	v33 =	vld [tilespmem:$0x1E2F0];
	v6 =	vunpack.i.u.bf16.f32 v1;
	v11 =	vmul.f32 v11, v11;
	v34 =	vunpack.i.u.bf16.f32 v3;
	[tilespmem:$0x1DDC0] =	vst v36  }
0x672: {  	v61 =	vld [tilespmem:s23+$0xFFFFFF40];
	v2 =	vunpack.i.l.bf16.f32 v2;
	v57 =	vmul.f32 v5, v4;
	v18 =	vmul.f32 v6, v9;
	[tilespmem:$0x1DDE0] =	vst v34  }
0x673: {  	v29 =	vld [tilespmem:$0x1E220];
	v36 =	vmul.f32 v35, v35;
	v34 =	vmul.f32 v25, v25;
	[tilespmem:$0x1DD60] =	vst v2  }
0x674: {  	v16 =	vld [tilespmem:$0x1E240];
	v14 =	vunpack.i.u.bf16.f32 v12;
	v2 =	vmul.f32 v19, v19;
	v4 =	vmul.f32 v4, v4;
	[tilespmem:$0x1E0F0] =	vst v0  }
0x675: {  	v9 =	vmul.f32 v9, v9;
	v5 =	vmul.f32 v5, v5;
	v0 =	vunpack.i.l.bf16.f32 v21;
	v21 =	vld [tilespmem:$0x1DB50];
	[tilespmem:$0x1DDD0] =	vst v36  }
0x676: {  	v28 =	vld [tilespmem:$0x1E2A0];
	v12 =	vunpack.i.l.bf16.f32 v12;
	v6 =	vmul.f32 v6, v6;
	v1 =	vmul.f32 v33, v33;
	[tilespmem:$0x1DDF0] =	vst v34  }
0x677: {  	v30 =	vld [tilespmem:$0x1DB60];
	v55 =	vmul.f32 v12, v13;
	[tilespmem:$0x1DF60] =	vst v0;
	v0 =	vmul.f32 v31, v31  }
0x678: {  	v48 =	vmul.f32 v14, v15;
	v12 =	vmul.f32 v12, v12;
	v18 =	vadd.f32 v57, v18;
	v57 =	vld [tilespmem:$0x1DBF0];
	[tilespmem:$0x1E0B0] =	vst v1  }
0x679: {  	v14 =	vmul.f32 v14, v14;
	v36 =	vmul.f32 v46, v46;
	v46 =	vunpack.i.u.bf16.f32 v61;
	[tilespmem:$0x1E050] =	vst v0;
	v0 =	vld [tilespmem:s18+$0xFFFFFFC0]  }
0x67a: {  	v34 =	vmul.f32 v49, v49;
	v31 =	vld [tilespmem:$0x1E2B0];
	[tilespmem:$0x1DE20] =	vst v46;
	v1 =	vunpack.i.l.bf16.f32 v21;
	v21 =	vmul.f32 v16, v16  }
0x67b: {  	v25 =	vld [tilespmem:s18+$0xFFFFFFB0];
	v49 =	vmul.f32 v42, v42;
	v42 =	vunpack.i.l.bf16.f32 v3;
	[tilespmem:$0x1DFC0] =	vst v1;
	v1 =	vmul.f32 v28, v28  }
0x67c: {  	v33 =	vld [tilespmem:$0x1E230];
	v5 =	vadd.f32 v5, v6;
	v46 =	vmul.f32 v62, v62;
	v28 =	vmul.f32 v24, v24;
	[tilespmem:$0x1DE70] =	vst v21  }
0x67d: {  	v3 =	vld [tilespmem:s23+$0xFFFFFF30];
	v48 =	vadd.f32 v55, v48;
	v6 =	vmul.f32 v57, v57;
	v24 =	vmul.f32 v59, v59;
	[tilespmem:$0x1E010] =	vst v1  }
0x67e: {  	v16 =	vld [tilespmem:s23+$0xFFFFFFB0];
	v21 =	vmul.f32 v60, v60;
	v1 =	vunpack.i.l.bf16.f32 v30;
	v27 =	vunpack.i.u.bf16.f32 v0;
	[tilespmem:$0x1DDA0] =	vst v28  }
0x67f: {  	v55 =	vld [tilespmem:$0x1DBB0];
	v30 =	vmul.f32 v29, v29;
	[tilespmem:$0x1E020] =	vst v1;
	v1 =	vmul.f32 v31, v31;
	v31 =	vunpack.i.l.bf16.f32 v47  }
0x680: {  	v57 =	vld [tilespmem:$0x1DC60];
	v28 =	vmul.f32 v52, v52;
	[tilespmem:$0x1DE00] =	vst v27;
	v35 =	vmul.f32 v31, v31  }
0x681: {  	v60 =	vld [tilespmem:$0x1DBC0];
	v47 =	vmul.f32 v58, v58;
	[tilespmem:$0x1E070] =	vst v1;
	v1 =	vmul.f32 v33, v33  }
0x682: {  	v12 =	vadd.f32 v12, v14;
	v27 =	vmul.f32 v50, v50;
	[tilespmem:$0x1DD90] =	vst v35;
	v35 =	vmul.f32 v40, v40;
	v40 =	vld [tilespmem:$0x1DB70]  }
0x683: {  	v29 =	vunpack.i.u.bf16.f32 v16;
	v59 =	vunpack.i.l.bf16.f32 v16;
	v16 =	vmul.f32 v38, v38;
	[tilespmem:$0x1DE10] =	vst v1;
	v1 =	vld [tilespmem:s18+$0xFFFFFF40]  }
0x684: {  	v12 =	vadd.f32 v6, v12;
	v6 =	vld [tilespmem:$0x1DC70];
	v33 =	vmul.f32 v56, v56;
	v56 =	vmul.f32 v26, v26  }
0x685: {  	v4 =	vadd.f32 v4, v9;
	v52 =	vld [tilespmem:$0x1DB90];
	[tilespmem:$0x1DD40] =	vst v47;
	v47 =	vmul.f32 v37, v37;
	v37 =	vmul.f32 v17, v17  }
0x686: {  	[tilespmem:$0x1E1C0] =	vst v31;
	v31 =	vunpack.i.l.bf16.f32 v0;
	v0 =	vld [tilespmem:s18+$0xFFFFFF30];
	v17 =	vmul.f32 v20, v20;
	v20 =	vmul.f32 v41, v41  }
0x687: {  	[tilespmem:$0x1DE30] =	vst v30;
	v26 =	vunpack.i.l.bf16.f32 v3;
	v30 =	vmul.f32 v40, v40;
	v40 =	vmul.f32 v45, v45;
	v45 =	vld [tilespmem:$0x1DB80]  }
0x688: {  	v38 =	vld [tilespmem:$0x1DC20];
	v50 =	vadd.f32 v55, v60;
	v58 =	vunpack.i.u.bf16.f32 v1;
	v62 =	vunpack.i.l.bf16.f32 v1  }
0x689: {  	v1 =	vmul.f32 v39, v39;
	[tilespmem:$0x1DE60] =	vst v58;
	v58 =	vunpack.i.l.bf16.f32 v61;
	v61 =	vmul.f32 v54, v54;
	v54 =	vld [tilespmem:$0x1DBA0]  }
0x68a: {  	v60 =	vmul.f32 v44, v44;
	v44 =	vmul.f32 v23, v23;
	v17 =	vadd.f32 v17, v20;
	v20 =	vld [tilespmem:$0x1DC10]  }
0x68b: {  	v41 =	vmul.f32 v51, v51;
	[tilespmem:$0x1DD50] =	vst v56;
	v56 =	vmul.f32 v53, v53;
	v1 =	vadd.f32 v16, v1;
	v16 =	vld [tilespmem:$0x1DC00]  }
0x68c: {  	[tilespmem:$0x1DD70] =	vst v33;
	v51 =	vadd.f32 v44, v4;
	v44 =	vld [tilespmem:$0x1DCE0];
	v53 =	vunpack.i.u.bf16.f32 v0;
	v33 =	vmul.f32 v45, v45  }
0x68d: {  	v45 =	vunpack.i.u.bf16.f32 v3;
	v3 =	vmul.f32 v13, v13;
	v13 =	vunpack.i.u.bf16.f32 v52;
	v52 =	vld [tilespmem:$0x1DBD0]  }
0x68e: {  	v19 =	vunpack.i.l.bf16.f32 v0;
	v0 =	vmul.f32 v10, v10;
	v10 =	vunpack.i.u.bf16.f32 v54;
	v54 =	vld [tilespmem:$0x1DBE0]  }
0x68f: {  	v39 =	vld [tilespmem:$0x1DC30]  }
0x690: {  	v8 =	vmul.f32 v8, v8;
	v0 =	vadd.f32 v0, v11;
	v11 =	vadd.f32 v16, v48;
	v48 =	vld [tilespmem:$0x1DC40]  }
0x691: {  	v7 =	vmul.f32 v7, v7;
	v15 =	vmul.f32 v15, v15;
	v17 =	vadd.f32 v27, v17;
	v27 =	vld [tilespmem:$0x1DCA0]  }
0x692: {  	v1 =	vadd.f32 v28, v1;
	v28 =	vld [tilespmem:$0x1DCB0];
	v32 =	vadd.f32 v52, v32  }
0x693: {  	v7 =	vadd.f32 v8, v7;
	v3 =	vadd.f32 v3, v15;
	v8 =	vmul.f32 v54, v54;
	v54 =	vld [tilespmem:$0x1DC50]  }
0x694: {  	v16 =	vadd.f32 v39, v32;
	v39 =	vld [tilespmem:$0x1DCD0]  }
0x695: {  	v14 =	vadd.f32 v20, v50;
	v32 =	vld [tilespmem:$0x1DCC0];
	v50 =	vmul.f32 v48, v48;
	v8 =	vadd.f32 v8, v3  }
0x696: {  	v3 =	vadd.f32 v11, v6;
	v11 =	vld [tilespmem:$0x1DC80]  }
0x697: {  	v8 =	vadd.f32 v8, v50;
	v50 =	vld [tilespmem:$0x1DCF0]  }
0x698: {  	v22 =	vmul.f32 v22, v22;
	v55 =	vmul.f32 v54, v54;
	v54 =	vld [tilespmem:$0x1DD20]  }
0x699: {  	v7 =	vadd.f32 v41, v7;
	v1 =	vadd.f32 v1, v2;
	v2 =	vmul.f32 v39, v39;
	v39 =	vld [tilespmem:$0x1DD50]  }
0x69a: {  	v52 =	vadd.f32 v22, v5;
	v8 =	vadd.f32 v33, v8;
	v33 =	vld [tilespmem:$0x1DE40]  }
0x69b: {  	v1 =	vadd.f32 v40, v1;
	v6 =	vadd.f32 v14, v11;
	v14 =	vld [tilespmem:$0x1DC90]  }
0x69c: {  	v0 =	vadd.f32 v60, v0;
	v2 =	vadd.f32 v52, v2;
	v52 =	vld [tilespmem:$0x1DD10]  }
0x69d: {  	v1 =	vadd.f32 v1, v61;
	v11 =	vmul.f32 v28, v28;
	v41 =	vadd.f32 v12, v55;
	v55 =	vld [tilespmem:$0x1DD30]  }
0x69e: {  	v43 =	vmul.f32 v43, v43;
	v15 =	vadd.f32 v38, v18;
	v28 =	vld [tilespmem:$0x1DFA0];
	v8 =	vadd.f32 v8, v35  }
0x69f: {  	[tilespmem:$0x1DD80] =	vst v36;
	v1 =	vadd.f32 v47, v1;
	v7 =	vadd.f32 v7, v11;
	v11 =	vmul.f32 v44, v44;
	v44 =	vld [tilespmem:$0x1DD70]  }
0x6a0: {  	v60 =	vmul.f32 v57, v57;
	v9 =	vadd.f32 v21, v41;
	v8 =	vadd.f32 v46, v8;
	v46 =	vld [tilespmem:$0x1DD80]  }
0x6a1: {  	v36 =	vunpack.i.u.bf16.f32 v25;
	v38 =	vadd.f32 v17, v37;
	v1 =	vadd.f32 v1, v39;
	v39 =	vld [tilespmem:$0x1DEB0]  }
0x6a2: {  	v23 =	vmul.f32 v29, v29;
	v0 =	vadd.f32 v0, v60;
	v9 =	vadd.f32 v9, v30;
	v30 =	vld [tilespmem:$0x1DE80]  }
0x6a3: {  	v37 =	vmul.f32 v45, v45;
	v4 =	vadd.f32 v15, v14;
	v15 =	vadd.f32 v43, v38;
	v38 =	vld [tilespmem:$0x1DD40]  }
0x6a4: {  	v0 =	vadd.f32 v11, v0;
	v11 =	vmul.f32 v54, v54;
	v17 =	vmul.f32 v52, v52;
	v52 =	vld [tilespmem:$0x1DDA0]  }
0x6a5: {  	v60 =	vmul.f32 v10, v10;
	v14 =	vmul.f32 v32, v32;
	v8 =	vadd.f32 v8, v34;
	v34 =	vld [tilespmem:$0x1DE70]  }
0x6a6: {  	v61 =	vmul.f32 v59, v59;
	v5 =	vadd.f32 v16, v27;
	v32 =	vld [tilespmem:$0x1DF00];
	v0 =	vadd.f32 v0, v11  }
0x6a7: {  	v43 =	vmul.f32 v31, v31;
	v48 =	vadd.f32 v51, v14;
	v51 =	vld [tilespmem:$0x1DD00];
	v2 =	vadd.f32 v17, v2  }
0x6a8: {  	v14 =	vmul.f32 v50, v50;
	v15 =	vadd.f32 v15, v24;
	v50 =	vmovc v31;
	v31 =	vld [tilespmem:$0x1DEE0];
	v0 =	vadd.f32 v61, v0  }
0x6a9: {  	v22 =	vmul.f32 v19, v19;
	v1 =	vadd.f32 v46, v1;
	v46 =	vld [tilespmem:$0x1DDE0];
	v2 =	vadd.f32 v2, v60  }
0x6aa: {  	v54 =	vmovc v42;
	v42 =	vmul.f32 v42, v42;
	v61 =	vld [tilespmem:$0x1DDF0];
	v7 =	vadd.f32 v14, v7;
	v15 =	vadd.f32 v56, v15  }
0x6ab: {  	v14 =	vmul.f32 v55, v55;
	v0 =	vadd.f32 v0, v23;
	v2 =	vadd.f32 v22, v2;
	v22 =	vld [tilespmem:$0x1DE30]  }
0x6ac: {  	v25 =	vunpack.i.l.bf16.f32 v25;
	v15 =	vadd.f32 v15, v38;
	v16 =	vmul.f32 v51, v51;
	v51 =	vmovc v29;
	v29 =	vmovc v45;
	v45 =	vld [tilespmem:$0x1DD60]  }
0x6ad: {  	v20 =	vmul.f32 v25, v25;
	v7 =	vadd.f32 v7, v14;
	v0 =	vadd.f32 v42, v0;
	v42 =	vld [tilespmem:$0x1DDB0]  }
0x6ae: {  	v40 =	vmul.f32 v53, v53;
	v15 =	vadd.f32 v44, v15;
	v44 =	vld [tilespmem:$0x1DDC0]  }
0x6af: {  	v7 =	vadd.f32 v20, v7;
	v20 =	vld [tilespmem:$0x1DE10]  }
0x6b0: {  	v24 =	vmul.f32 v36, v36;
	v2 =	vadd.f32 v2, v40;
	v40 =	vld [tilespmem:$0x1DEC0]  }
0x6b1: {  	v12 =	vadd.f32 v16, v48;
	v48 =	vld [tilespmem:$0x1DD90]  }
0x6b2: {  	v63 =	vmul.f32 v63, v63;
	v60 =	vmul.f32 v46, v46;
	v7 =	vadd.f32 v7, v24;
	v24 =	vld [tilespmem:$0x1DE50]  }
0x6b3: {  	v57 =	vmul.f32 v13, v13;
	v1 =	vadd.f32 v1, v61;
	v14 =	vadd.f32 v15, v52;
	v52 =	vld [tilespmem:$0x1DEF0]  }
0x6b4: {  	v9 =	vadd.f32 v63, v9;
	v0 =	vadd.f32 v0, v60;
	v60 =	vld [tilespmem:$0x1DF30]  }
0x6b5: {  	v21 =	vmul.f32 v26, v26;
	v12 =	vadd.f32 v12, v57;
	v57 =	vld [tilespmem:$0x1DDD0];
	v1 =	vadd.f32 v22, v1  }
0x6b6: {  	v9 =	vadd.f32 v9, v49;
	v41 =	vmul.f32 v45, v45;
	v7 =	vadd.f32 v43, v7;
	v43 =	vld [tilespmem:$0x1DE60]  }
0x6b7: {  	v1 =	vadd.f32 v1, v34;
	v34 =	vld [tilespmem:$0x1DEA0]  }
0x6b8: {  	v12 =	vadd.f32 v21, v12;
	v9 =	vadd.f32 v41, v9;
	v41 =	vld [tilespmem:$0x1DE20]  }
0x6b9: {  	v56 =	vmul.f32 v44, v44;
	v8 =	vadd.f32 v48, v8;
	v48 =	vld [tilespmem:$0x1DED0]  }
0x6ba: {  	v55 =	vmul.f32 v42, v42;
	v12 =	vadd.f32 v12, v37;
	v37 =	vld [tilespmem:$0x1DE90]  }
0x6bb: {  	v47 =	vmul.f32 v58, v58;
	v49 =	vmul.f32 v62, v62;
	v9 =	vadd.f32 v9, v56;
	v56 =	vld [tilespmem:$0x1DF10]  }
0x6bc: {  	v23 =	vmul.f32 v33, v33;
	v14 =	vadd.f32 v57, v14;
	v8 =	vadd.f32 v8, v55;
	v57 =	vld [tilespmem:$0x1DF20]  }
0x6bd: {  	v2 =	vadd.f32 v49, v2;
	v12 =	vadd.f32 v47, v12;
	v47 =	vld [tilespmem:$0x1DE00];
	v27 =	vmul.f32 v43, v43  }
0x6be: {  	v8 =	vadd.f32 v23, v8;
	v38 =	vmul.f32 v34, v34;
	v23 =	vld [tilespmem:$0x1DF90]  }
0x6bf: {  	v11 =	vadd.f32 v14, v20;
	v21 =	vmul.f32 v41, v41;
	v2 =	vadd.f32 v2, v27;
	v27 =	vld [tilespmem:$0x1DF40]  }
0x6c0: {  	v35 =	vmovc v36;
	v36 =	vmul.f32 v30, v30;
	v1 =	vadd.f32 v39, v1;
	v9 =	vadd.f32 v38, v9;
	v38 =	vld [tilespmem:$0x1DFB0]  }
0x6c1: {  	v11 =	vadd.f32 v24, v11;
	v12 =	vadd.f32 v12, v21;
	v21 =	vld [tilespmem:$0x1DF70]  }
0x6c2: {  	v1 =	vadd.f32 v1, v52;
	v8 =	vadd.f32 v8, v36;
	v36 =	vld [tilespmem:$0x1DFC0];
	v63 =	vmul.f32 v47, v47  }
0x6c3: {  	v49 =	vmul.f32 v31, v31;
	v11 =	vadd.f32 v11, v37;
	v37 =	vld [tilespmem:$0x1DF60]  }
0x6c4: {  	v59 =	vmul.f32 v25, v59;
	v1 =	vadd.f32 v60, v1;
	v7 =	vadd.f32 v7, v63;
	v63 =	vld [tilespmem:$0x1DF50]  }
0x6c5: {  	v15 =	vmul.f32 v40, v40;
	v14 =	vmul.f32 v57, v57;
	v9 =	vadd.f32 v9, v49;
	v49 =	vld [tilespmem:$0x1DFF0]  }
0x6c6: {  	v55 =	vmul.f32 v32, v32;
	v11 =	vadd.f32 v48, v11;
	v1 =	vadd.f32 v1, v21;
	v21 =	vld [tilespmem:$0x1DF80]  }
0x6c7: {  	v25 =	vmul.f32 v35, v51;
	v35 =	vld [tilespmem:$0x1E1A0];
	v8 =	vadd.f32 v15, v8;
	v9 =	vadd.f32 v14, v9  }
0x6c8: {  	v40 =	vld [tilespmem:$0x1DFD0];
	v0 =	vadd.f32 v55, v0;
	v61 =	vmul.f32 v27, v27;
	v11 =	vadd.f32 v11, v56  }
0x6c9: {  	v57 =	vld [tilespmem:$0x1E030];
	v9 =	vadd.f32 v9, v38;
	v8 =	vadd.f32 v8, v63  }
0x6ca: {  	v16 =	vld [tilespmem:$0x1E070];
	v39 =	vmul.f32 v36, v36;
	v0 =	vadd.f32 v0, v61;
	v18 =	vmul.f32 v37, v37  }
0x6cb: {  	v55 =	vld [tilespmem:$0x1E010];
	(xrf2) =	vadd.scan.msk.f32 $0xffff, v11;
	v9 =	vadd.f32 v49, v9;
	v22 =	vmul.f32 v21, v21;
	v8 =	vadd.f32 v23, v8  }
0x6cc: {  	v7 =	vadd.f32 v18, v7;
	(xrf2) =	vadd.scan.msk.f32 $0xffff, v1;
	v1 =	vadd.f32 v39, v12;
	v39 =	vld [tilespmem:$0x1E020]  }
0x6cd: {  	v24 =	vmul.f32 v28, v28;
	v0 =	vadd.f32 v22, v0;
	v8 =	vadd.f32 v8, v40;
	v22 =	vld [tilespmem:$0x1DFE0]  }
0x6ce: {  	v61 =	vld [tilespmem:$0x1E050];
	v9 =	vadd.f32 v9, v57  }
0x6cf: {  	v7 =	vadd.f32 v7, v24;
	v24 =	vld [tilespmem:$0x1E060];
	(xrf2) =	vadd.scan.msk.f32 $0xffff, v8  }
0x6d0: {  	v23 =	vld [tilespmem:$0x1E000];
	(xrf2) =	vadd.scan.msk.f32 $0xffff, v9  }
0x6d1: {  	v20 =	vld [tilespmem:$0x1E0A0]  }
0x6d2: {  	v15 =	vld [tilespmem:$0x1E120];
	v56 =	vmul.f32 v39, v39;
	v48 =	vmul.f32 v22, v22  }
0x6d3: {  	v38 =	vld [tilespmem:$0x1E090];
	v0 =	vadd.f32 v0, v55  }
0x6d4: {  	v18 =	vld [tilespmem:$0x1E040];
	v2 =	vadd.f32 v56, v2;
	v63 =	vmul.f32 v24, v24;
	v7 =	vadd.f32 v48, v7  }
0x6d5: {  	v52 =	vmul.f32 v23, v23;
	v0 =	vadd.f32 v61, v0;
	v48 =	vld [tilespmem:$0x1E0B0]  }
0x6d6: {  	v2 =	vadd.f32 v2, v63;
	v7 =	vadd.f32 v7, v16;
	v16 =	vld [tilespmem:$0x1E080]  }
0x6d7: {  	v57 =	vld [tilespmem:$0x1E0F0];
	v40 =	vmul.f32 v20, v20;
	v1 =	vadd.f32 v1, v52;
	v11, _, _ =	vpop (xrf2)  }
0x6d8: {  	v14 =	vld [tilespmem:$0x1E0C0];
	v0 =	vadd.f32 v0, v38;
	v8, _, _ =	vpop (xrf2);
	(v2sf) =	vpush v11, $0xF  }
0x6d9: {  	v12 =	vld [tilespmem:$0x1E100];
	v60 =	vmul.f32 v18, v18;
	v55 =	vadd.f32 v40, v2;
	(v2sf) =	vpush v8, $0xF;
	v9, _, _ =	vpop (xrf2)  }
0x6da: {  	v61 =	vld [tilespmem:$0x1E110];
	v7 =	vadd.f32 v48, v7;
	v2, _, _ =	vpop (xrf2);
	(v2sf) =	vpush v9, $0xF  }
0x6db: {  	v52 =	vld [tilespmem:$0x1E0D0];
	v1 =	vadd.f32 v60, v1;
	v17 =	vmul.f32 v16, v16;
	(v2sf) =	vpush v2, $0xF  }
0x6dc: {  	v38 =	vmul.f32 v53, v29;
	v53 =	vmul.f32 v50, v54;
	v54 =	vld [tilespmem:$0x1E1E0];
	(xrf2) =	vadd.scan.msk.f32 $0xffff, v0;
	v7 =	vadd.f32 v7, v57  }
0x6dd: {  	v1 =	vadd.f32 v1, v17;
	v17 =	vld [tilespmem:$0x1E0E0]  }
0x6de: {  	v11 =	vld [tilespmem:$0x1E240];
	(xrf2) =	vadd.scan.msk.f32 $0xffff, v7  }
0x6df: {  	v48 =	vld [tilespmem:$0x1E130]  }
0x6e0: {  	s1 =	sadd.f32 s8, s25;
	s5 =	simm.s32 @!p0 $0x0;
	v6 =	vadd.f32 v52, v6;
	v52 =	vmul.f32 v10, v13;
	v13 =	vld [tilespmem:$0x1E150]  }
0x6e1: {  	s5 =	sadd.f32 s5, s30;
	s10 =	simm.s32 @!p0 $0x0;
	v49 =	vmul.f32 v14, v14;
	v57 =	vld [tilespmem:$0x1E170]  }
0x6e2: {  	s4 =	simm.s32 @!p0 $0x0;
	s1 =	sadd.f32 s10, s1;
	v50 =	vld [tilespmem:$0x1E2D0];
	v56 =	vmul.f32 v17, v17  }
0x6e3: {  	s6 =	simm.s32 @!p0 $0x0;
	s4 =	sadd.f32 s4, s5;
	v60 =	vmul.f32 v12, v12;
	v40 =	vld [tilespmem:$0x1E1B0];
	v1 =	vadd.f32 v49, v1  }
0x6e4: {  	s2 =	simm.s32 @!p0 $0x0;
	s1 =	sadd.f32 s6, s1;
	v63 =	vmul.f32 v15, v15;
	v5 =	vadd.f32 v48, v5;
	v49 =	vld [tilespmem:$0x1E140];
	v0 =	vadd.f32 v55, v56  }
0x6e5: {  	s3 =	simm.s32 @!p0 $0x0;
	s2 =	sadd.f32 s2, s4;
	v1 =	vadd.f32 v1, v60;
	v60 =	vld [tilespmem:$0x1E180]  }
0x6e6: {  	s0 =	simm.s32 @!p0 $0x0;
	s25 =	sadd.f32 s3, s1;
	v51, _, _ =	vpop (xrf2);
	v5 =	vadd.f32 v5, v57;
	v55 =	vmul.f32 v13, v13;
	v56 =	vld [tilespmem:$0x1E160];
	v0 =	vadd.f32 v63, v0  }
0x6e7: {  	s30 =	sadd.f32 s0, s2;
	v9 =	vld [tilespmem:$0x1E230];
	(v2sf) =	vpush v51, $0xF;
	s0 =	spop (v2sf)  }
0x6e8: {  	v5 =	vadd.f32 v59, v5;
	(xrf2) =	vadd.scan.msk.f32 $0xffff, v1;
	s4 =	spop (v2sf);
	s19 =	smax.f32 s0, $1.000000020e-16;
	v63 =	vmul.f32 v19, v26;
	v26 =	vld [tilespmem:$0x1E190];
	v59, _, _ =	vpop (xrf2);
	v0 =	vadd.f32 v0, v55  }
0x6e9: {  	v3 =	vadd.f32 v61, v3;
	v48 =	vld [tilespmem:$0x1E1C0];
	s21 =	smax.f32 s4, $1.000000020e-16;
	(v2sf) =	vpush v59, $0xF;
	s2 =	spop (v2sf)  }
0x6ea: {  	v4 =	vadd.f32 v49, v4;
	v49 =	vld [tilespmem:$0x1E1D0];
	s1 =	smul.f32 s21, s19;
	(xrf2) =	vadd.scan.msk.f32 $0xffff, v0;
	s11 =	spop (v2sf)  }
0x6eb: {  	v3 =	vadd.f32 v3, v60;
	v55 =	vld [tilespmem:$0x1E1F0];
	v6 =	vadd.f32 v6, v56;
	s20 =	smax.f32 s2, $1.000000020e-16;
	s14 =	smax.f32 s11, $1.000000020e-16  }
0x6ec: {  	v61 =	vadd.f32 v4, v52;
	v56 =	vld [tilespmem:$0x1E200];
	s16 =	smul.f32 s14, s20  }
0x6ed: {  	v29 =	vmul.f32 v31, v30;
	v60 =	vld [tilespmem:$0x1E210];
	v3 =	vadd.f32 v26, v3;
	v6 =	vadd.f32 v35, v6;
	s14 =	smul.f32 $5.000000000e-01, s1;
	s1 =	sshra.s32 s1, $0x1  }
0x6ee: {  	v30 =	vmul.f32 v62, v58;
	v52 =	vadd.f32 v5, v25;
	v1 =	vadd.f32 v63, v61;
	v61 =	vld [tilespmem:$0x1E220];
	s1 =	ssub.s32 $0x5F3759DF, s1  }
0x6ef: {  	v51 =	vld [tilespmem:$0x1E2E0];
	v0 =	vadd.f32 v3, v40;
	v3 =	vmul.f32 v45, v48;
	v6 =	vadd.f32 v6, v49;
	s19 =	smul.f32 s1, s14  }
0x6f0: {  	v57 =	vmul.f32 v44, v42;
	v4 =	vadd.f32 v53, v52;
	v63 =	vmul.f32 v47, v46;
	v46 =	vld [tilespmem:$0x1E2A0]  }
0x6f1: {  	v47 =	vld [tilespmem:$0x1E2B0];
	v0 =	vadd.f32 v3, v0;
	v3 =	vadd.f32 v54, v6;
	v6 =	vmul.f32 v56, v55;
	s19 =	smul.f32 s1, s19  }
0x6f2: {  	v5 =	vmul.f32 v11, v9;
	v52 =	vld [tilespmem:$0x1E2F0];
	v1 =	vadd.f32 v1, v38;
	v25 =	vadd.f32 v4, v63;
	v19, _, _ =	vpop (xrf2)  }
0x6f3: {  	v38 =	vld [tilespmem:$0x1E260];
	(v2sf) =	vpush v19, $0xF;
	v3 =	vadd.f32 v3, v6;
	v6 =	vmul.f32 v61, v60;
	s19 =	ssub.f32 $1.500000000e+00, s19  }
0x6f4: {  	v26 =	vmul.f32 v34, v33;
	v33 =	vmul.f32 v37, v32;
	v34 =	vld [tilespmem:$0x1E250];
	v0 =	vadd.f32 v0, v57;
	v31, _, _ =	vpop (xrf2)  }
0x6f5: {  	v35 =	vmul.f32 v43, v41;
	v41 =	vld [tilespmem:$0x1E270];
	v3 =	vadd.f32 v6, v3;
	s1 =	smul.f32 s1, s19;
	(v2sf) =	vpush v31, $0xF  }
0x6f6: {  	v43 =	vld [tilespmem:$0x1E280];
	v1 =	vadd.f32 v30, v1;
	v0 =	vadd.f32 v26, v0  }
0x6f7: {  	v37 =	vmul.f32 v28, v27;
	v2 =	vadd.f32 v33, v25;
	v45 =	vld [tilespmem:$0x1E290];
	s3 =	spop (v2sf);
	v3 =	vadd.f32 v3, v5;
	s29 =	smul.f32 s1, s14  }
0x6f8: {  	v40 =	vmul.f32 v39, v36;
	v48 =	vld [tilespmem:$0x1E2C0];
	v1 =	vadd.f32 v1, v35;
	s13 =	smax.f32 s3, $1.000000020e-16;
	v0 =	vadd.f32 v0, v29;
	s10 =	spop (v2sf)  }
0x6f9: {  	v42 =	vmul.f32 v22, v21;
	v2 =	vadd.f32 v2, v37;
	v55 =	vld [tilespmem:$0x1E310];
	v3 =	vadd.f32 v34, v3;
	s15 =	smax.f32 s10, $1.000000020e-16;
	s29 =	smul.f32 s29, s1  }
0x6fa: {  	v44 =	vmul.f32 v24, v23;
	v56 =	vld [tilespmem:$0x1E320];
	v1 =	vadd.f32 v40, v1;
	v0 =	vadd.f32 v41, v0;
	s15 =	smul.f32 s15, s13  }
0x6fb: {  	v54 =	vld [tilespmem:$0x1E300];
	v2 =	vadd.f32 v42, v2;
	v5 =	vmul.f32 v47, v46;
	v3 =	vadd.f32 v3, v38;
	s13 =	smul.f32 $5.000000000e-01, s16;
	s16 =	sshra.s32 s16, $0x1  }
0x6fc: {  	v49 =	vmul.f32 v20, v18;
	v1 =	vadd.f32 v1, v44;
	v0 =	vadd.f32 v0, v45;
	s16 =	ssub.s32 $0x5F3759DF, s16;
	s29 =	ssub.f32 $1.500000000e+00, s29;
	s5 =	smul.f32 $5.000000000e-01, s15  }
0x6fd: {  	v2 =	vadd.f32 v2, v5;
	v5 =	vmul.f32 v52, v51;
	v3 =	vadd.f32 v43, v3;
	s15 =	sshra.s32 s15, $0x1;
	s20 =	smul.f32 s16, s13  }
0x6fe: {  	v53 =	vmul.f32 v17, v16;
	v1 =	vadd.f32 v49, v1;
	v0 =	vadd.f32 v50, v0;
	s15 =	ssub.s32 $0x5F3759DF, s15;
	s1 =	smul.f32 s29, s1  }
0x6ff: {  	v4 =	vmul.f32 v56, v55;
	v2 =	vadd.f32 v5, v2;
	v3 =	vadd.f32 v3, v48;
	s21 =	smul.f32 s15, s5  }
0x700: {  	v0 =	vadd.f32 v0, v54;
	s20 =	smul.f32 s16, s20  }
0x701: {  	v57 =	vmul.f32 v15, v14;
	v1 =	vadd.f32 v1, v53;
	v58 =	vadd.f32 v2, v4;
	(xrf2) =	vadd.scan.msk.f32 $0xffff, v3;
	s21 =	smul.f32 s15, s21  }
0x702: {  	s8 =	spop (v2sf);
	s20 =	ssub.f32 $1.500000000e+00, s20;
	(xrf2) =	vadd.scan.msk.f32 $0xffff, v0  }
0x703: {  	v59 =	vmul.f32 v13, v12;
	v1 =	vadd.f32 v57, v1;
	s24 =	smax.f32 s8, $1.000000020e-16;
	(xrf2) =	vadd.scan.msk.f32 $0xffff, v58;
	s21 =	ssub.f32 $1.500000000e+00, s21  }
0x704: {  	s16 =	smul.f32 s16, s20;
	s12 =	spop (v2sf)  }
0x705: {  	v1 =	vadd.f32 v1, v59;
	s20 =	smul.f32 s15, s21;
	s26 =	smax.f32 s12, $1.000000020e-16  }
0x706: {  	s17 =	smul.f32 s26, s24  }
0x707: {  	(xrf2) =	vadd.scan.msk.f32 $0xffff, v1;
	s26 =	smul.f32 s20, s5  }
0x708: {  	s6 =	smul.f32 $5.000000000e-01, s17;
	s17 =	sshra.s32 s17, $0x1  }
0x709: {  	s26 =	smul.f32 s26, s20;
	s17 =	ssub.s32 $0x5F3759DF, s17  }
0x70a: {  	s24 =	smul.f32 s17, s6  }
0x70b: {  	s31 =	smul.f32 s16, s13;
	v60, _, _ =	vpop (xrf2);
	s26 =	ssub.f32 $1.500000000e+00, s26  }
0x70c: {  	v61, _, _ =	vpop (xrf2);
	(v2sf) =	vpush v60, $0xF;
	s24 =	smul.f32 s17, s24  }
0x70d: {  	v62, _, _ =	vpop (xrf2);
	(v2sf) =	vpush v61, $0xF;
	s20 =	smul.f32 s26, s20  }
0x70e: {  	(v2sf) =	vpush v62, $0xF;
	s26 =	smul.f32 s1, s14  }
0x70f: {  	s28 =	ssub.f32 $1.500000000e+00, s24;
	s24 =	smul.f32 s31, s16  }
0x710: {  	s5 =	smul.f32 s20, s5  }
0x711: {  	s2 =	sadd.f32 s11, s2;
	v63, _, _ =	vpop (xrf2);
	s11 =	smul.f32 s26, s1  }
0x712: {  	(v2sf) =	vpush v63, $0xF;
	s21 =	smul.f32 s17, s28  }
0x713: {  	s24 =	ssub.f32 $1.500000000e+00, s24;
	s5 =	smul.f32 s5, s20  }
0x714: {  	s28 =	smul.f32 s21, s6  }
0x715: {  	s0 =	sadd.f32 s4, s0;
	s16 =	smul.f32 s24, s16  }
0x716: {  	s11 =	ssub.f32 $1.500000000e+00, s11;
	s28 =	smul.f32 s28, s21  }
0x717: {  	s3 =	sadd.f32 s10, s3;
	s13 =	smul.f32 s16, s13  }
0x718: {  	s1 =	smul.f32 s11, s1;
	s28 =	ssub.f32 $1.500000000e+00, s28  }
0x719: {  	s8 =	sadd.f32 s12, s8;
	s13 =	smul.f32 s13, s16  }
0x71a: {  	s5 =	ssub.f32 $1.500000000e+00, s5;
	s4 =	smul.f32 s28, s21  }
0x71b: {  	s13 =	ssub.f32 $1.500000000e+00, s13;
	s19 =	spop (v2sf)  }
0x71c: {  	s17 =	spop (v2sf);
	s6 =	smul.f32 s4, s6  }
0x71d: {  	s21 =	sadd.f32 s19, s19;
	s15 =	spop (v2sf)  }
0x71e: {  	s14 =	sadd.f32 s17, s17;
	s6 =	smul.f32 s6, s4  }
0x71f: {  	s24 =	smul.f32 s5, s20;
	s28 =	sadd.f32 s15, s15  }
0x720: {  	s16 =	smul.f32 s13, s16;
	s6 =	ssub.f32 $1.500000000e+00, s6  }
0x721: {  	s31 =	spop (v2sf);
	s0 =	ssub.f32 s0, s21  }
0x722: {  	s29 =	sadd.f32 s31, s31;
	s26 =	smul.f32 s6, s4  }
0x723: {  	s22 =	sadd.s32 $0x4, s22;
	s1 =	smul.f32 s1, s19;
	s2 =	ssub.f32 s2, s14  }
0x724: {  	p1 =	slt.u32 s22, $0x74;
	s5 =	ssub.f32 s8, s29;
	s6 =	smul.f32 s26, s31  }
.Ltmp2:
0x725: {  	s4 =	ssub.f32 s3, s28;
	(pc) =	sbr.rel @p1 .LBB2_7-.Ltmp2, $4  }
0x726: {  	s28 =	smul.f32 s16, s17;
	s3 =	ssub.f32 $1.000000000e+00, s1  }
0x727: {  	s29 =	sadd.s32 s9, s22;
	s31 =	smul.f32 s24, s15;
	s8 =	ssub.f32 $1.000000000e+00, s6  }
0x728: {  	p0 =	slt.u32 s29, $0x27100;
	s6 =	ssub.f32 $1.000000000e+00, s28  }
0x729: {  	s23 =	sadd.s32 $0x200, s23;
	s10 =	ssub.f32 $1.000000000e+00, s31;
	s8 =	simm.s32 @!p0 $0x0  }
0x72a: {  	s1 =	sadd.s32 $0x4, s7;
	s11 =	rddreg [dreg:$0x4]  }
0x72b: {  	p1 =	sge.u32 s1, s11  }
0x72c: {  	s1 =	smul.u32 @!p1 $0x78, s1  }
0x72d: {  	s11 =	rddreg [dreg:$0x5]  }
0x72e: {  	s1 =	sadd.s32 @!p1 s11, s1  }
0x72f: {  	s11 =	rddreg [dreg:$0x2];
	s1 =	sshrl.u32 @!p1 s1, $0x3  }
0x730: {  	s12 =	simm.s32 @!p1 $0x0;
	s13 =	simm.s32 @!p1 $0x7900;
	s11 =	sadd.s32 @!p1 s11, s1  }
0x731: {  	[tilespmem:s13], [sflag:$0x4] =	stream.linear.gather @!p1 [hbm4b:s11+s12], $0x78, $0x38;
	[tilespmem:$0x16B80] =	vst v63  }
0x732: {  	s11 =	simm.s32 @!p1 $0x4  }
0x733: {  	_ =	swait.ge @!p1 [sflag:s11], $0x78  }
0x734: {  	[sflag:s11] =	ssyncset.done @!p1 $0x0;
	s14 =	rddreg [dreg:$0x3]  }
0x735: {  	[sflag:s11] =	ssyncadd.s32 @!p1 $0xFFFFFF88;
	s1 =	sadd.s32 @!p1 s14, s1;
	s14 =	simm.s32 @!p1 $0x7980  }
0x736: {  	[tilespmem:s14], [sflag:$0x4] =	stream.linear.gather @!p1 [hbm4b:s1+s12], $0x78, $0x38;
	[tilespmem:$0x16B80] =	vst v63  }
0x737: {  	_ =	swait.ge @!p1 [sflag:s11], $0x78  }
0x738: {  	s25 =	sadd.f32 s8, s25;
	s5 =	simm.s32 @!p0 $0x0;
	[sflag:s11] =	ssyncset.done @!p1 $0x0  }
0x739: {  	s4 =	simm.s32 @!p0 $0x0;
	s5 =	sadd.f32 s5, s30;
	[sflag:s11] =	ssyncadd.s32 @!p1 $0xFFFFFF88  }
0x73a: {  	s1 =	simm.s32 @!p1 $0x78;
	s11 =	simm.s32 @!p1 $0x7A00;
	s12 =	rddreg [dreg:$0x0]  }
0x73b: {  	[tilespmem:s11], [sflag:$0x2] =	stream.indirect.gather @!p1 [hbm4b:s12+s1], $0x80, s13, s1, $0xb8;
	[tilespmem:$0x16B80] =	vst v63  }
0x73c: {  	s10 =	simm.s32 @!p0 $0x0;
	s4 =	sadd.f32 s4, s5;
	s11 =	simm.s32 @!p1 $0xB600  }
0x73d: {  	[tilespmem:s11], [sflag:$0x2] =	stream.indirect.gather @!p1 [hbm4b:s12+s1], $0x80, s14, s1, $0xb8;
	[tilespmem:$0x16B80] =	vst v63  }
0x73e: {  	s1 =	sadd.f32 s10, s25  }
0x73f: {  	s6 =	simm.s32 @!p0 $0x0;
	s26 =	rddreg [dreg:$0x12]  }
0x740: {  	s1 =	sadd.f32 s6, s1  }
0x741: {  	s3 =	simm.s32 @!p0 $0x0;
	s28 =	rddreg [dreg:$0x6]  }
0x742: {  	s30 =	sadd.f32 s3, s1;
	s1 =	sadd.s32 $0x1, s26  }
0x743: {  	s2 =	simm.s32 @!p0 $0x0;
	s0 =	simm.s32 @!p0 $0x0;
	p0 =	sne.s32 s1, s28  }
.Ltmp3:
0x744: {  	s2 =	sadd.f32 s2, s4;
	(pc) =	sbr.rel @p0 .LBB2_2-.Ltmp3, $4  }
0x745: {  	s29 =	rddreg [dreg:$0x11]  }
0x746: {  	s31 =	rddreg [dreg:$0x10]  }
0x747: {  	s16 =	sadd.s32 $0x168, s9;
	s25 =	sadd.f32 s0, s2  }
0x748: {  	s7 =	sadd.s32 $0x168, s29;
	s0 =	sadd.s32 $0x168, s31;
	[dreg:$0x12] =	wrdreg s1  }
0x749: {  	s0 =	smul.f32 $6.249999840e-06, s30  }
0x74a: {  	s1 =	smul.f32 $4.882812380e-09, s25  }
0x74b: {  	v0 =	vmov s0  }
0x74c: {  	v1 =	vmov s1;
	v0 =	vnsel vm0, $0x0, v0  }
0x74d: {  	s7 =	simm.s32 $0x0;
	v63 =	vnsel vm0, $0x0, v1;
	[tilespmem:$0x16B00] =	vst v0  }
0x74e: {  	s28 =	rddreg [dreg:$0xc];
	s29 =	simm.s32 $0x16B00;
	s2 =	simm.s32 $0x4;
	[tilespmem:$0x16B10] =	vst v63  }
0x74f: {  	[hbm4b:s28+s7] =	stream.linear.scatter [tilespmem:s29], [sflag:$0x4], $0x80, $0x38;
	[tilespmem:$0x16B80] =	vst v63  }
0x750: {  	_ =	swait.ge [sflag:s2], $0x80  }
0x751: {  	s30 =	rddreg [dreg:$0xf]  }
0x752: {  	s31 =	rddreg [dreg:$0xd];
	s1 =	sadd.s32 $0x1, s30  }
0x753: {  	p0 =	sne.s32 s1, s31  }
.Ltmp4:
0x754: {  	_ = 	snop;
	(pc) =	sbr.rel @p0 .LBB2_1-.Ltmp4, $3  }
0x755: {  	_ =	sdelay $0x1  }
0x756: {  	[sflag:s2] =	ssyncset.done $0x0  }
0x757: {  	[sflag:s2] =	ssyncadd.s32 $0xFFFFFF80  }
0x758: {  	_ =	sfence.sel $0x180000  }
0x759: {  	[bflag:$0x0] =	sbarrier.arrive $0xFFFF  }
0x75a: {  	_ =	strace $0x90000047  }
0x75b: {  	s0 =	stileid.u32;
	[bflag:$0x2] =	sbarrier.arrive $0xFFFF  }
0x75c: {  	p0 =	sne.s32 s0, $0x0;
	s0 =	rddreg [dreg:$0x1]  }
0x75d: {  	s0 =	sadd.s32 @!p0 $0x100000, s0  }
0x75e: {  	[sflag:s0] =	ssyncadd.tile.s32 @!p0 $0x1;
	_ =	shalt  }
.Lfunc_end2:
_tile_overlayer_lowered:
.L_overlay_start_2:
0x75f: {  	(tag) =	ssettag $0x2  }
0x760: {  	s0 =	rddreg [dreg:$0x0];
	s2 =	stileid.u32  }
0x761: {  	s1 =	rddreg [dreg:$0x1];
	p0 =	sne.s32 s2, $0x0  }
0x762: {  	s3 =	rddreg [dreg:$0x2];
	[bflag:$0x3] =	sbarrier.arrive $0xFFFF;
	s2 =	simm.s32 @!p0 $0x1C04  }
0x763: {  	[timem:s3], [sflag:s2] =	dma.local @!p0 [hbm:s0], s1  }
0x764: {  	s0 =	simm.s32 @!p0 $0x4  }
0x765: {  	_ =	swait.ge @!p0 [sflag:s0], s1  }
0x766: {  	s1 =	ssub.s32 @!p0 $0x0, s1;
	[sflag:s0] =	ssyncset.done @!p0 $0x0  }
0x767: {  	[sflag:s0] =	ssyncadd.s32 @!p0 s1  }
0x768: {  	[bflag:$0x3] =	sbarrier.arrive $0xFFFF  }
0x769: {  	_ =	shalt  }

</sc_bundles>
